<compile_context>
chip_gen: v7x
topology: tpu7x:2x2x1
jax: 0.10.2.dev20260603
libtpu: 0.0.44.dev20260713+nightly
codegen_flags: <defaults>
</compile_context>

<pallas_src>
import functools

import jax
import jax.numpy as jnp
from jax import lax
from jax.experimental import pallas as pl
from jax.experimental.pallas import tpu as pltpu
from jax.experimental.pallas import tpu_sc as plsc

N = 10000
D = 128
B = 32
DSYS = 100
SYS_OUT = 512

NCORES = 2
NSUB = 16
CHUNK = 32
SUP = 8
NSUP = 1250
DW = 128
RPT = 624
BR = 2000
NB = N // BR

_mesh = plsc.VectorSubcoreMesh(
    core_axis_name="c", subcore_axis_name="s",
    num_cores=NCORES, num_subcores=NSUB,
)


def _conv_partition(c, s):
    nsup = jnp.where(s < 15, 39, 40)
    sbase = c * 625 + jnp.where(s < 15, s * 39, 585)
    return nsup, sbase


def _deg_partition(wid):
    nsup = jnp.where(wid < 30, 39, 40)
    sbase = jnp.where(wid < 30, wid * 39, 1170 + (wid - 30) * 40)
    return nsup, sbase


def _zero_rows(zeros_hbm, acc, s):
    pltpu.sync_copy(zeros_hbm, acc.at[pl.ds(pl.multiple_of(s * RPT, 8), RPT)])

    @pl.when(s == 15)
    def _():
        pltpu.sync_copy(zeros_hbm.at[pl.ds(0, 16)], acc.at[pl.ds(9984, 16)])


def _copy_out(acc, out_hbm, c, s):
    pltpu.sync_copy(
        acc.at[pl.ds(pl.multiple_of(s * RPT, 8), RPT)],
        out_hbm.at[c, pl.ds(pl.multiple_of(s * RPT, 8), RPT)],
    )

    @pl.when(s == 15)
    def _():
        pltpu.sync_copy(acc.at[pl.ds(9984, 16)], out_hbm.at[c, pl.ds(9984, 16)])


@functools.partial(
    pl.kernel,
    out_type=jax.ShapeDtypeStruct((NCORES, N, DW), jnp.float32),
    mesh=_mesh,
    scratch_types=[
        pltpu.VMEM((SUP, CHUNK), jnp.int32),
        pltpu.VMEM((CHUNK, DW), jnp.float32),
        pltpu.VMEM_SHARED((N, DW), jnp.float32),
    ],
)
def _sc_deg(edges_hbm, ones_hbm, zeros_hbm, out_hbm, seg_v, ones_v, acc):
    c = lax.axis_index("c")
    s = lax.axis_index("s")
    wid = c * NSUB + s
    nsup, sbase = _deg_partition(wid)
    pltpu.sync_copy(ones_hbm, ones_v)
    _zero_rows(zeros_hbm, acc, s)
    plsc.subcore_barrier()

    def sup_step(g, carry):
        pltpu.sync_copy(edges_hbm.at[1, sbase + g], seg_v)

        def step(k, carry2):
            pltpu.sync_copy(ones_v, acc.at[seg_v.at[k]], add=True)
            return carry2

        lax.fori_loop(0, SUP, step, 0)
        return carry

    lax.fori_loop(0, nsup, sup_step, 0)
    plsc.subcore_barrier()
    _copy_out(acc, out_hbm, c, s)


@functools.partial(
    pl.kernel,
    out_type=jax.ShapeDtypeStruct((NCORES, N, D), jnp.float32),
    mesh=_mesh,
    scratch_types=[
        pltpu.VMEM((2, SUP, CHUNK), jnp.int32),
        pltpu.VMEM((2, SUP, CHUNK), jnp.int32),
        [pltpu.VMEM((CHUNK, D), jnp.float32)] * 4,
        [pltpu.SemaphoreType.DMA] * 4,
        pltpu.VMEM_SHARED((N, D), jnp.float32),
    ],
)
def _sc_conv(h_hbm, edges_hbm, zeros_hbm, out_hbm,
             srcseg, dstseg, rows, sems, acc):
    c = lax.axis_index("c")
    s = lax.axis_index("s")
    nsup, sbase = _conv_partition(c, s)
    _zero_rows(zeros_hbm, acc, s)
    plsc.subcore_barrier()
    pltpu.sync_copy(edges_hbm.at[0, sbase], srcseg.at[0])
    pltpu.sync_copy(edges_hbm.at[1, sbase], dstseg.at[0])
    for k in range(4):
        pltpu.async_copy(h_hbm.at[srcseg.at[0, k]], rows[k], sems[k])

    def sup_step(g, carry):
        p = lax.rem(g, 2)
        q = 1 - p
        nxt = sbase + g + 1
        have_next = g + 1 < nsup
        for k in range(4):
            pltpu.make_async_copy(
                h_hbm.at[srcseg.at[p, k]], rows[k], sems[k]).wait()
            pltpu.sync_copy(rows[k], acc.at[dstseg.at[p, k]], add=True)
            pltpu.async_copy(h_hbm.at[srcseg.at[p, 4 + k]], rows[k], sems[k])

        @pl.when(have_next)
        def _():
            pltpu.sync_copy(edges_hbm.at[0, nxt], srcseg.at[q])
            pltpu.sync_copy(edges_hbm.at[1, nxt], dstseg.at[q])

        for k in range(4):
            pltpu.make_async_copy(
                h_hbm.at[srcseg.at[p, 4 + k]], rows[k], sems[k]).wait()
            pltpu.sync_copy(rows[k], acc.at[dstseg.at[p, 4 + k]], add=True)

            @pl.when(have_next)
            def _():
                pltpu.async_copy(h_hbm.at[srcseg.at[q, k]], rows[k], sems[k])

        return carry

    lax.fori_loop(0, nsup, sup_step, 0)
    plsc.subcore_barrier()
    _copy_out(acc, out_hbm, c, s)


def _tc_prep(deg_parts, x):

    def body(deg_ref, x_ref, dis_ref, h1_ref):
        deg = deg_ref[0, :, 0:1] + deg_ref[1, :, 0:1]
        dis = lax.rsqrt(jnp.clip(deg, 1.0, None))
        dis = jnp.broadcast_to(dis, (BR, D))
        dis_ref[...] = dis
        h1_ref[...] = x_ref[...] * dis

    return pl.pallas_call(
        body,
        grid=(NB,),
        in_specs=[
            pl.BlockSpec((NCORES, BR, DW), lambda r: (0, r, 0)),
            pl.BlockSpec((BR, D), lambda r: (r, 0)),
        ],
        out_specs=[pl.BlockSpec((BR, D), lambda r: (r, 0))] * 2,
        out_shape=[jax.ShapeDtypeStruct((N, D), jnp.float32)] * 2,
    )(deg_parts, x)


def _tc_layer(parts, dis_m, W, b):

    def body(p_ref, dis_ref, w_ref, b_ref, o_ref):
        dis = dis_ref[...]
        z = (p_ref[0] + p_ref[1]) * dis
        h = jnp.dot(z, w_ref[...], preferred_element_type=jnp.float32) + b_ref[...]
        o_ref[...] = jnp.maximum(h, 0.0) * dis

    return pl.pallas_call(
        body,
        grid=(NB,),
        in_specs=[
            pl.BlockSpec((NCORES, BR, D), lambda r: (0, r, 0)),
            pl.BlockSpec((BR, D), lambda r: (r, 0)),
            pl.BlockSpec((D, D), lambda r: (0, 0)),
            pl.BlockSpec((1, D), lambda r: (0, 0)),
        ],
        out_specs=pl.BlockSpec((BR, D), lambda r: (r, 0)),
        out_shape=jax.ShapeDtypeStruct((N, D), jnp.float32),
    )(parts, dis_m, W, b)


def _tc_final(parts, dis_m, batch_col, Wg2, bg2, si, Ws, bs,
              W1s, W1g, b1, W2, b2):

    def body(p_ref, dis_ref, bt_ref, wg_ref, bg_ref, si_ref, ws_ref, bs_ref,
             w1s_ref, w1g_ref, b1_ref, w2_ref, b2_ref, out_ref,
             sums_acc, cnt_acc):
        r = pl.program_id(0)

        @pl.when(r == 0)
        def _():
            sums_acc[...] = jnp.zeros((B, D), jnp.float32)
            cnt_acc[...] = jnp.zeros((B, D), jnp.float32)

        z = (p_ref[0] + p_ref[1]) * dis_ref[...]
        post = jnp.dot(z, wg_ref[...], preferred_element_type=jnp.float32)
        post = post + bg_ref[...]
        gids = lax.broadcasted_iota(jnp.int32, (BR, B), 1)
        oh = (bt_ref[...] == gids).astype(jnp.float32)
        dn = (((0,), (0,)), ((), ()))
        sums_acc[...] += lax.dot_general(
            oh, post, dn, preferred_element_type=jnp.float32)
        cnt_acc[...] += lax.dot_general(
            oh, jnp.ones((BR, D), jnp.float32), dn,
            preferred_element_type=jnp.float32)

        @pl.when(r == NB - 1)
        def _():
            ivdet = sums_acc[...] / jnp.clip(cnt_acc[...], 1.0, None)
            sys = jnp.dot(si_ref[...], ws_ref[...],
                          preferred_element_type=jnp.float32) + bs_ref[...]
            sys = jnp.maximum(sys, 0.0)
            hh = (jnp.dot(sys, w1s_ref[...], preferred_element_type=jnp.float32)
                  + jnp.dot(ivdet, w1g_ref[...],
                            preferred_element_type=jnp.float32)
                  + b1_ref[...])
            hh = jnp.maximum(hh, 0.0)
            out_ref[...] = jnp.dot(
                hh, w2_ref[...], preferred_element_type=jnp.float32) + b2_ref[...]

    full = lambda shape: pl.BlockSpec(shape, lambda r: tuple(0 for _ in shape))
    return pl.pallas_call(
        body,
        grid=(NB,),
        in_specs=[
            pl.BlockSpec((NCORES, BR, D), lambda r: (0, r, 0)),
            pl.BlockSpec((BR, D), lambda r: (r, 0)),
            pl.BlockSpec((BR, 1), lambda r: (r, 0)),
            full((D, D)),
            full((1, D)),
            full((B, DSYS)),
            full((DSYS, SYS_OUT)),
            full((1, SYS_OUT)),
            full((SYS_OUT, 128)),
            full((D, 128)),
            full((1, 128)),
            full((128, 2)),
            full((1, 2)),
        ],
        out_specs=pl.BlockSpec((B, 2), lambda r: (0, 0)),
        out_shape=jax.ShapeDtypeStruct((B, 2), jnp.float32),
        scratch_shapes=[
            pltpu.VMEM((B, D), jnp.float32),
            pltpu.VMEM((B, D), jnp.float32),
        ],
    )(parts, dis_m, batch_col, Wg2, bg2, si, Ws, bs, W1s, W1g, b1, W2, b2)


def kernel(sysevr_input, x, edge_index, batch, Ws, bs,
           Wg0, bg0, Wg1, bg1, Wg2, bg2, W1, b1, W2, b2):
    edges_sup = edge_index.astype(jnp.int32).reshape(2, NSUP, SUP, CHUNK)
    zeros_rows = jnp.zeros((RPT, D), jnp.float32)
    zeros_deg = jnp.zeros((RPT, DW), jnp.float32)
    ones_deg = jnp.ones((CHUNK, DW), jnp.float32)
    batch_col = batch.astype(jnp.int32).reshape(N, 1)

    deg_parts = _sc_deg(edges_sup, ones_deg, zeros_deg)
    dis_m, h = _tc_prep(deg_parts, x)
    parts = _sc_conv(h, edges_sup, zeros_rows)
    h = _tc_layer(parts, dis_m, Wg0, bg0.reshape(1, D))
    parts = _sc_conv(h, edges_sup, zeros_rows)
    h = _tc_layer(parts, dis_m, Wg1, bg1.reshape(1, D))
    parts = _sc_conv(h, edges_sup, zeros_rows)
    out = _tc_final(parts, dis_m, batch_col, Wg2, bg2.reshape(1, D),
                    sysevr_input, Ws, bs.reshape(1, SYS_OUT),
                    W1[:SYS_OUT], W1[SYS_OUT:], b1.reshape(1, 128),
                    W2, b2.reshape(1, 2))
    return out

# --- scband reference (transcript-rebuilt; emitter-appended) ---
"""Pipeline reference for scband-multimodal-vulnerability-detector-37237366456471 (READ-ONLY COPY).

The authoritative reference and input builder live on the scoring server;
editing this copy changes nothing except your own understanding.
"""

import jax, jax.numpy as jnp
import numpy as np

N = 10000
E = 320000
D = 128
B = 32
DSYS = 100
SYS_OUT = 512


def setup_inputs(seed: int = 0) -> dict:
    key = jax.random.key(seed)
    ks = jax.random.split(key, 20)
    inp = {}
    inp["sysevr_input"] = jax.random.normal(ks[0], (B, DSYS), dtype=jnp.float32)
    inp["x"] = jax.random.normal(ks[1], (N, D), dtype=jnp.float32)
    inp["edge_index"] = jax.random.randint(ks[2], (2, E), 0, N)
    inp["batch"] = jnp.sort(jax.random.randint(ks[3], (N,), 0, B))
    # sysevr model stand-in: one dense layer mapping to 512-dim prediction
    inp["Ws"] = jax.random.normal(ks[4], (DSYS, SYS_OUT), dtype=jnp.float32) * 0.05
    inp["bs"] = jnp.zeros((SYS_OUT,), dtype=jnp.float32)
    # ivdetect GCN convs (layer_num = 3)
    inp["Wg0"] = jax.random.normal(ks[5], (D, D), dtype=jnp.float32) * 0.05
    inp["bg0"] = jnp.zeros((D,), dtype=jnp.float32)
    inp["Wg1"] = jax.random.normal(ks[6], (D, D), dtype=jnp.float32) * 0.05
    inp["bg1"] = jnp.zeros((D,), dtype=jnp.float32)
    inp["Wg2"] = jax.random.normal(ks[7], (D, D), dtype=jnp.float32) * 0.05
    inp["bg2"] = jnp.zeros((D,), dtype=jnp.float32)
    # final classifier
    inp["W1"] = jax.random.normal(ks[8], (SYS_OUT + D, 128), dtype=jnp.float32) * 0.05
    inp["b1"] = jnp.zeros((128,), dtype=jnp.float32)
    inp["W2"] = jax.random.normal(ks[9], (128, 2), dtype=jnp.float32) * 0.05
    inp["b2"] = jnp.zeros((2,), dtype=jnp.float32)
    return inp


def _gcn_conv(h, W, b, src, dst, deg_inv_sqrt, n_nodes):
    norm = deg_inv_sqrt[src] * deg_inv_sqrt[dst]
    msg = h[src] * norm[:, None]
    agg = jax.ops.segment_sum(msg, dst, num_segments=n_nodes)
    return agg @ W + b


def reference(sysevr_input, x, edge_index, batch, Ws, bs, Wg0, bg0, Wg1, bg1, Wg2, bg2, W1, b1, W2, b2):
    src = edge_index[0]
    dst = edge_index[1]
    n_nodes = x.shape[0]
    # sysevr branch (predict stand-in)
    sysevr_output = jax.nn.relu(sysevr_input @ Ws + bs)
    # degree normalization for GCN
    deg = jax.ops.segment_sum(jnp.ones_like(src, dtype=x.dtype), dst, num_segments=n_nodes)
    deg_inv_sqrt = jax.lax.rsqrt(jnp.clip(deg, 1.0, None))
    # ivdetect GNN branch: layer_num - 1 convs with relu, final conv without
    post = x
    post = jax.nn.relu(_gcn_conv(post, Wg0, bg0, src, dst, deg_inv_sqrt, n_nodes))
    post = jax.nn.relu(_gcn_conv(post, Wg1, bg1, src, dst, deg_inv_sqrt, n_nodes))
    post = _gcn_conv(post, Wg2, bg2, src, dst, deg_inv_sqrt, n_nodes)
    # readout: global mean pool per graph
    sums = jax.ops.segment_sum(post, batch, num_segments=B)
    counts = jax.ops.segment_sum(jnp.ones((n_nodes,), dtype=post.dtype), batch, num_segments=B)
    ivdetect_output = sums / jnp.clip(counts, 1.0, None)[:, None]
    # fuse
    combined = jnp.concatenate([sysevr_output, ivdetect_output], axis=1)
    h = jax.nn.relu(combined @ W1 + b1)
    out = h @ W2 + b2
    return out

if __name__ == "__main__":
    import jax
    _d = setup_inputs()
    print(jax.jit(kernel)(*tuple(_d.values())))

</pallas_src>

<mosaic_0001>
#map = affine_map<(d0, d1) -> (0, 0)>
#map1 = affine_map<(d0, d1) -> (0, 0, 0, 0)>
#map2 = affine_map<(d0, d1) -> (0, 0, 0)>
module attributes {stable_mosaic.version = 14 : i64} {
  func.func @_sc_conv(%arg0: i32, %arg1: i32, %arg2: memref<10000x128xf32, #tpu.memory_space<hbm>>, %arg3: memref<2x1250x8x32xi32, #tpu.memory_space<hbm>>, %arg4: memref<624x128xf32, #tpu.memory_space<hbm>>, %arg5: memref<2x10000x128xf32, #tpu.memory_space<hbm>>, %arg6: memref<2x8x32xi32, #tpu.memory_space<vmem>>, %arg7: memref<2x8x32xi32, #tpu.memory_space<vmem>>, %arg8: memref<32x128xf32, #tpu.memory_space<vmem>>, %arg9: memref<32x128xf32, #tpu.memory_space<vmem>>, %arg10: memref<32x128xf32, #tpu.memory_space<vmem>>, %arg11: memref<32x128xf32, #tpu.memory_space<vmem>>, %arg12: memref<!tpu.dma_semaphore, #tpu.memory_space<semaphore_mem>>, %arg13: memref<!tpu.dma_semaphore, #tpu.memory_space<semaphore_mem>>, %arg14: memref<!tpu.dma_semaphore, #tpu.memory_space<semaphore_mem>>, %arg15: memref<!tpu.dma_semaphore, #tpu.memory_space<semaphore_mem>>, %arg16: memref<10000x128xf32, #tpu.memory_space<vmem_shared>>) attributes {dimension_semantics = [#tpu.dimension_semantics<core_parallel>, #tpu.dimension_semantics<subcore_parallel>], iteration_bounds = array<i64: 2, 16>, scalar_prefetch = 0 : i64, scratch_operands = 11 : i64, tpu.core_type = #tpu.core_type<sc_vector_subcore>, window_params = [{transform_indices = #map}, {transform_indices = #map1}, {transform_indices = #map}, {transform_indices = #map2}]} {
    %lt3A = arith.constant 15 : i32
    %lt3A_0 = arith.cmpi slt, %arg1, %lt3A : i32
    %jit3A = arith.constant 39 : i32
    %jit3A_1 = arith.constant 40 : i32
    %select_n3A = arith.select %lt3A_0, %jit3A, %jit3A_1 : i32
    %mul3A = arith.constant 625 : i32
    %mul3A_2 = arith.muli %arg0, %mul3A : i32
    %lt3A_3 = arith.constant 15 : i32
    %lt3A_4 = arith.cmpi slt, %arg1, %lt3A_3 : i32
    %mul3A_5 = arith.constant 39 : i32
    %mul3A_6 = arith.muli %arg1, %mul3A_5 : i32
    %jit3A_7 = arith.constant 585 : i32
    %select_n3A_8 = arith.select %lt3A_4, %mul3A_6, %jit3A_7 : i32
    %add3A = arith.addi %mul3A_2, %select_n3A_8 : i32
    %mul3A_9 = arith.constant 624 : i32
    %mul3A_10 = arith.muli %arg1, %mul3A_9 : i32
    %multiple_of3A = tpu.assume_multiple %mul3A_10, 8 : i32
    "tpu.region"() ({
      %run_scoped3A_68 = tpu.sem_alloc : memref<!tpu.dma_semaphore, #tpu.memory_space<semaphore_mem>>
      %dma_start3A_69 = arith.constant 0 : i32
      %dma_start3A_70 = tpu.memref_slice %arg16[%multiple_of3A, %dma_start3A_69] : memref<10000x128xf32, #tpu.memory_space<vmem_shared>> -> memref<624x128xf32, #tpu.memory_space<vmem_shared>>
      tpu.enqueue_dma source(%arg4 : memref<624x128xf32, #tpu.memory_space<hbm>>) target(%dma_start3A_70 : memref<624x128xf32, #tpu.memory_space<vmem_shared>>) target_semaphore(%run_scoped3A_68 : memref<!tpu.dma_semaphore, #tpu.memory_space<semaphore_mem>>)
      %dma_wait3A = arith.constant 0 : i32
      %dma_wait3A_71 = tpu.memref_slice %arg16[%multiple_of3A, %dma_wait3A] : memref<10000x128xf32, #tpu.memory_space<vmem_shared>> -> memref<624x128xf32, #tpu.memory_space<vmem_shared>>
      tpu.wait_dma2 semaphore(%run_scoped3A_68 : memref<!tpu.dma_semaphore, #tpu.memory_space<semaphore_mem>>) src(%arg4 : memref<624x128xf32, #tpu.memory_space<hbm>>) dst(%dma_wait3A_71 : memref<624x128xf32, #tpu.memory_space<vmem_shared>>)
      tpu.yield
    }) : () -> ()
    %eq3A = arith.constant 15 : i32
    %eq3A_11 = arith.cmpi eq, %arg1, %eq3A : i32
    %convert_element_type3A = arith.extui %eq3A_11 : i1 to i32
    %cond3A = arith.constant 0 : i32
    %cond3A_12 = arith.cmpi ne, %convert_element_type3A, %cond3A : i32
    scf.if %cond3A_12 {
      "tpu.region"() ({
        %run_scoped3A_68 = tpu.sem_alloc : memref<!tpu.dma_semaphore, #tpu.memory_space<semaphore_mem>>
        %dma_start3A_69 = arith.constant 9984 : i32
        %dma_start3A_70 = arith.constant 0 : i32
        %dma_start3A_71 = tpu.memref_slice %arg16[%dma_start3A_69, %dma_start3A_70] : memref<10000x128xf32, #tpu.memory_space<vmem_shared>> -> memref<16x128xf32, #tpu.memory_space<vmem_shared>>
        %dma_start3A_72 = arith.constant 0 : i32
        %dma_start3A_73 = arith.constant 0 : i32
        %dma_start3A_74 = tpu.memref_slice %arg4[%dma_start3A_72, %dma_start3A_73] : memref<624x128xf32, #tpu.memory_space<hbm>> -> memref<16x128xf32, #tpu.memory_space<hbm>>
        tpu.enqueue_dma source(%dma_start3A_74 : memref<16x128xf32, #tpu.memory_space<hbm>>) target(%dma_start3A_71 : memref<16x128xf32, #tpu.memory_space<vmem_shared>>) target_semaphore(%run_scoped3A_68 : memref<!tpu.dma_semaphore, #tpu.memory_space<semaphore_mem>>)
        %dma_wait3A = arith.constant 9984 : i32
        %dma_wait3A_75 = arith.constant 0 : i32
        %dma_wait3A_76 = tpu.memref_slice %arg16[%dma_wait3A, %dma_wait3A_75] : memref<10000x128xf32, #tpu.memory_space<vmem_shared>> -> memref<16x128xf32, #tpu.memory_space<vmem_shared>>
        %dma_wait3A_77 = arith.constant 0 : i32
        %dma_wait3A_78 = arith.constant 0 : i32
        %dma_wait3A_79 = tpu.memref_slice %arg4[%dma_wait3A_77, %dma_wait3A_78] : memref<624x128xf32, #tpu.memory_space<hbm>> -> memref<16x128xf32, #tpu.memory_space<hbm>>
        tpu.wait_dma2 semaphore(%run_scoped3A_68 : memref<!tpu.dma_semaphore, #tpu.memory_space<semaphore_mem>>) src(%dma_wait3A_79 : memref<16x128xf32, #tpu.memory_space<hbm>>) dst(%dma_wait3A_76 : memref<16x128xf32, #tpu.memory_space<vmem_shared>>)
        tpu.yield
      }) : () -> ()
    } else {
    }
    %barrier3A = arith.constant 0 : index
    tpu.barrier barrier_id(%barrier3A)
    %run_scoped3A = arith.constant 0 : i32
    %run_scoped3A_13 = arith.constant 0 : i32
    "tpu.region"() ({
      %run_scoped3A_68 = tpu.sem_alloc : memref<!tpu.dma_semaphore, #tpu.memory_space<semaphore_mem>>
      %dma_start3A_69 = arith.constant 0 : i32
      %dma_start3A_70 = arith.constant 0 : i32
      %dma_start3A_71 = tpu.memref_slice %arg6[%run_scoped3A_13, %dma_start3A_69, %dma_start3A_70] : memref<2x8x32xi32, #tpu.memory_space<vmem>> -> memref<1x8x32xi32, #tpu.memory_space<vmem>>
      %dma_start3A_72 = tpu.memref_squeeze %dma_start3A_71 : memref<1x8x32xi32, #tpu.memory_space<vmem>> -> memref<8x32xi32, #tpu.memory_space<vmem>>
      %dma_start3A_73 = arith.constant 0 : i32
      %dma_start3A_74 = arith.constant 0 : i32
      %dma_start3A_75 = tpu.memref_slice %arg3[%run_scoped3A, %add3A, %dma_start3A_73, %dma_start3A_74] : memref<2x1250x8x32xi32, #tpu.memory_space<hbm>> -> memref<1x1x8x32xi32, #tpu.memory_space<hbm>>
      %dma_start3A_76 = tpu.memref_squeeze %dma_start3A_75 : memref<1x1x8x32xi32, #tpu.memory_space<hbm>> -> memref<8x32xi32, #tpu.memory_space<hbm>>
      %dma_start3A_77 = arith.constant 0 : i32
      %dma_start3A_78 = arith.constant 0 : i32
      %dma_start3A_79 = tpu.memref_slice %arg6[%run_scoped3A_13, %dma_start3A_77, %dma_start3A_78] : memref<2x8x32xi32, #tpu.memory_space<vmem>> -> memref<1x8x32xi32, #tpu.memory_space<vmem>>
      %dma_start3A_80 = tpu.memref_squeeze %dma_start3A_79 : memref<1x8x32xi32, #tpu.memory_space<vmem>> -> memref<8x32xi32, #tpu.memory_space<vmem>>
      %dma_start3A_81 = arith.constant 0 : i32
      %dma_start3A_82 = arith.constant 0 : i32
      %dma_start3A_83 = tpu.memref_slice %arg3[%run_scoped3A, %add3A, %dma_start3A_81, %dma_start3A_82] : memref<2x1250x8x32xi32, #tpu.memory_space<hbm>> -> memref<1x1x8x32xi32, #tpu.memory_space<hbm>>
      %dma_start3A_84 = tpu.memref_squeeze %dma_start3A_83 : memref<1x1x8x32xi32, #tpu.memory_space<hbm>> -> memref<8x32xi32, #tpu.memory_space<hbm>>
      tpu.enqueue_dma source(%dma_start3A_84 : memref<8x32xi32, #tpu.memory_space<hbm>>) target(%dma_start3A_80 : memref<8x32xi32, #tpu.memory_space<vmem>>) target_semaphore(%run_scoped3A_68 : memref<!tpu.dma_semaphore, #tpu.memory_space<semaphore_mem>>)
      %dma_wait3A = arith.constant 0 : i32
      %dma_wait3A_85 = arith.constant 0 : i32
      %dma_wait3A_86 = tpu.memref_slice %arg6[%run_scoped3A_13, %dma_wait3A, %dma_wait3A_85] : memref<2x8x32xi32, #tpu.memory_space<vmem>> -> memref<1x8x32xi32, #tpu.memory_space<vmem>>
      %dma_wait3A_87 = tpu.memref_squeeze %dma_wait3A_86 : memref<1x8x32xi32, #tpu.memory_space<vmem>> -> memref<8x32xi32, #tpu.memory_space<vmem>>
      %dma_wait3A_88 = arith.constant 0 : i32
      %dma_wait3A_89 = arith.constant 0 : i32
      %dma_wait3A_90 = tpu.memref_slice %arg3[%run_scoped3A, %add3A, %dma_wait3A_88, %dma_wait3A_89] : memref<2x1250x8x32xi32, #tpu.memory_space<hbm>> -> memref<1x1x8x32xi32, #tpu.memory_space<hbm>>
      %dma_wait3A_91 = tpu.memref_squeeze %dma_wait3A_90 : memref<1x1x8x32xi32, #tpu.memory_space<hbm>> -> memref<8x32xi32, #tpu.memory_space<hbm>>
      %dma_wait3A_92 = arith.constant 0 : i32
      %dma_wait3A_93 = arith.constant 0 : i32
      %dma_wait3A_94 = tpu.memref_slice %arg6[%run_scoped3A_13, %dma_wait3A_92, %dma_wait3A_93] : memref<2x8x32xi32, #tpu.memory_space<vmem>> -> memref<1x8x32xi32, #tpu.memory_space<vmem>>
      %dma_wait3A_95 = tpu.memref_squeeze %dma_wait3A_94 : memref<1x8x32xi32, #tpu.memory_space<vmem>> -> memref<8x32xi32, #tpu.memory_space<vmem>>
      %dma_wait3A_96 = arith.constant 0 : i32
      %dma_wait3A_97 = arith.constant 0 : i32
      %dma_wait3A_98 = tpu.memref_slice %arg3[%run_scoped3A, %add3A, %dma_wait3A_96, %dma_wait3A_97] : memref<2x1250x8x32xi32, #tpu.memory_space<hbm>> -> memref<1x1x8x32xi32, #tpu.memory_space<hbm>>
      %dma_wait3A_99 = tpu.memref_squeeze %dma_wait3A_98 : memref<1x1x8x32xi32, #tpu.memory_space<hbm>> -> memref<8x32xi32, #tpu.memory_space<hbm>>
      tpu.wait_dma2 semaphore(%run_scoped3A_68 : memref<!tpu.dma_semaphore, #tpu.memory_space<semaphore_mem>>) src(%dma_wait3A_99 : memref<8x32xi32, #tpu.memory_space<hbm>>) dst(%dma_wait3A_95 : memref<8x32xi32, #tpu.memory_space<vmem>>)
      tpu.yield
    }) : () -> ()
    %run_scoped3A_14 = arith.constant 1 : i32
    %run_scoped3A_15 = arith.constant 0 : i32
    "tpu.region"() ({
      %run_scoped3A_68 = tpu.sem_alloc : memref<!tpu.dma_semaphore, #tpu.memory_space<semaphore_mem>>
      %dma_start3A_69 = arith.constant 0 : i32
      %dma_start3A_70 = arith.constant 0 : i32
      %dma_start3A_71 = tpu.memref_slice %arg7[%run_scoped3A_15, %dma_start3A_69, %dma_start3A_70] : memref<2x8x32xi32, #tpu.memory_space<vmem>> -> memref<1x8x32xi32, #tpu.memory_space<vmem>>
      %dma_start3A_72 = tpu.memref_squeeze %dma_start3A_71 : memref<1x8x32xi32, #tpu.memory_space<vmem>> -> memref<8x32xi32, #tpu.memory_space<vmem>>
      %dma_start3A_73 = arith.constant 0 : i32
      %dma_start3A_74 = arith.constant 0 : i32
      %dma_start3A_75 = tpu.memref_slice %arg3[%run_scoped3A_14, %add3A, %dma_start3A_73, %dma_start3A_74] : memref<2x1250x8x32xi32, #tpu.memory_space<hbm>> -> memref<1x1x8x32xi32, #tpu.memory_space<hbm>>
      %dma_start3A_76 = tpu.memref_squeeze %dma_start3A_75 : memref<1x1x8x32xi32, #tpu.memory_space<hbm>> -> memref<8x32xi32, #tpu.memory_space<hbm>>
      %dma_start3A_77 = arith.constant 0 : i32
      %dma_start3A_78 = arith.constant 0 : i32
      %dma_start3A_79 = tpu.memref_slice %arg7[%run_scoped3A_15, %dma_start3A_77, %dma_start3A_78] : memref<2x8x32xi32, #tpu.memory_space<vmem>> -> memref<1x8x32xi32, #tpu.memory_space<vmem>>
      %dma_start3A_80 = tpu.memref_squeeze %dma_start3A_79 : memref<1x8x32xi32, #tpu.memory_space<vmem>> -> memref<8x32xi32, #tpu.memory_space<vmem>>
      %dma_start3A_81 = arith.constant 0 : i32
      %dma_start3A_82 = arith.constant 0 : i32
      %dma_start3A_83 = tpu.memref_slice %arg3[%run_scoped3A_14, %add3A, %dma_start3A_81, %dma_start3A_82] : memref<2x1250x8x32xi32, #tpu.memory_space<hbm>> -> memref<1x1x8x32xi32, #tpu.memory_space<hbm>>
      %dma_start3A_84 = tpu.memref_squeeze %dma_start3A_83 : memref<1x1x8x32xi32, #tpu.memory_space<hbm>> -> memref<8x32xi32, #tpu.memory_space<hbm>>
      tpu.enqueue_dma source(%dma_start3A_84 : memref<8x32xi32, #tpu.memory_space<hbm>>) target(%dma_start3A_80 : memref<8x32xi32, #tpu.memory_space<vmem>>) target_semaphore(%run_scoped3A_68 : memref<!tpu.dma_semaphore, #tpu.memory_space<semaphore_mem>>)
      %dma_wait3A = arith.constant 0 : i32
      %dma_wait3A_85 = arith.constant 0 : i32
      %dma_wait3A_86 = tpu.memref_slice %arg7[%run_scoped3A_15, %dma_wait3A, %dma_wait3A_85] : memref<2x8x32xi32, #tpu.memory_space<vmem>> -> memref<1x8x32xi32, #tpu.memory_space<vmem>>
      %dma_wait3A_87 = tpu.memref_squeeze %dma_wait3A_86 : memref<1x8x32xi32, #tpu.memory_space<vmem>> -> memref<8x32xi32, #tpu.memory_space<vmem>>
      %dma_wait3A_88 = arith.constant 0 : i32
      %dma_wait3A_89 = arith.constant 0 : i32
      %dma_wait3A_90 = tpu.memref_slice %arg3[%run_scoped3A_14, %add3A, %dma_wait3A_88, %dma_wait3A_89] : memref<2x1250x8x32xi32, #tpu.memory_space<hbm>> -> memref<1x1x8x32xi32, #tpu.memory_space<hbm>>
      %dma_wait3A_91 = tpu.memref_squeeze %dma_wait3A_90 : memref<1x1x8x32xi32, #tpu.memory_space<hbm>> -> memref<8x32xi32, #tpu.memory_space<hbm>>
      %dma_wait3A_92 = arith.constant 0 : i32
      %dma_wait3A_93 = arith.constant 0 : i32
      %dma_wait3A_94 = tpu.memref_slice %arg7[%run_scoped3A_15, %dma_wait3A_92, %dma_wait3A_93] : memref<2x8x32xi32, #tpu.memory_space<vmem>> -> memref<1x8x32xi32, #tpu.memory_space<vmem>>
      %dma_wait3A_95 = tpu.memref_squeeze %dma_wait3A_94 : memref<1x8x32xi32, #tpu.memory_space<vmem>> -> memref<8x32xi32, #tpu.memory_space<vmem>>
      %dma_wait3A_96 = arith.constant 0 : i32
      %dma_wait3A_97 = arith.constant 0 : i32
      %dma_wait3A_98 = tpu.memref_slice %arg3[%run_scoped3A_14, %add3A, %dma_wait3A_96, %dma_wait3A_97] : memref<2x1250x8x32xi32, #tpu.memory_space<hbm>> -> memref<1x1x8x32xi32, #tpu.memory_space<hbm>>
      %dma_wait3A_99 = tpu.memref_squeeze %dma_wait3A_98 : memref<1x1x8x32xi32, #tpu.memory_space<hbm>> -> memref<8x32xi32, #tpu.memory_space<hbm>>
      tpu.wait_dma2 semaphore(%run_scoped3A_68 : memref<!tpu.dma_semaphore, #tpu.memory_space<semaphore_mem>>) src(%dma_wait3A_99 : memref<8x32xi32, #tpu.memory_space<hbm>>) dst(%dma_wait3A_95 : memref<8x32xi32, #tpu.memory_space<vmem>>)
      tpu.yield
    }) : () -> ()
    %dma_start3A = arith.constant 0 : i32
    %dma_start3A_16 = arith.constant 0 : i32
    %dma_start3A_17 = arith.constant 0 : i32
    %dma_start3A_18 = tpu.memref_slice %arg6[%dma_start3A, %dma_start3A_16, %dma_start3A_17] : memref<2x8x32xi32, #tpu.memory_space<vmem>> -> memref<1x1x32xi32, #tpu.memory_space<vmem>>
    %dma_start3A_19 = tpu.memref_squeeze %dma_start3A_18 : memref<1x1x32xi32, #tpu.memory_space<vmem>> -> memref<32xi32, #tpu.memory_space<vmem>>
    %dma_start3A_20 = arith.constant 0 : i32
    %dma_start3A_21 = arith.constant 0 : i32
    %dma_start3A_22 = tpu.memref_slice %arg2[%dma_start3A_20, %dma_start3A_21] : memref<10000x128xf32, #tpu.memory_space<hbm>> -> memref<10000x128xf32, #tpu.memory_space<hbm>>
    tpu.enqueue_indirect_dma source(%dma_start3A_22 : memref<10000x128xf32, #tpu.memory_space<hbm>>) target(%arg8 : memref<32x128xf32, #tpu.memory_space<vmem>>) offsets(%dma_start3A_19 : memref<32xi32, #tpu.memory_space<vmem>>) semaphore(%arg12 : memref<!tpu.dma_semaphore, #tpu.memory_space<semaphore_mem>>)
    %dma_start3A_23 = arith.constant 0 : i32
    %dma_start3A_24 = arith.constant 1 : i32
    %dma_start3A_25 = arith.constant 0 : i32
    %dma_start3A_26 = tpu.memref_slice %arg6[%dma_start3A_23, %dma_start3A_24, %dma_start3A_25] : memref<2x8x32xi32, #tpu.memory_space<vmem>> -> memref<1x1x32xi32, #tpu.memory_space<vmem>>
    %dma_start3A_27 = tpu.memref_squeeze %dma_start3A_26 : memref<1x1x32xi32, #tpu.memory_space<vmem>> -> memref<32xi32, #tpu.memory_space<vmem>>
    %dma_start3A_28 = arith.constant 0 : i32
    %dma_start3A_29 = arith.constant 0 : i32
    %dma_start3A_30 = tpu.memref_slice %arg2[%dma_start3A_28, %dma_start3A_29] : memref<10000x128xf32, #tpu.memory_space<hbm>> -> memref<10000x128xf32, #tpu.memory_space<hbm>>
    tpu.enqueue_indirect_dma source(%dma_start3A_30 : memref<10000x128xf32, #tpu.memory_space<hbm>>) target(%arg9 : memref<32x128xf32, #tpu.memory_space<vmem>>) offsets(%dma_start3A_27 : memref<32xi32, #tpu.memory_space<vmem>>) semaphore(%arg13 : memref<!tpu.dma_semaphore, #tpu.memory_space<semaphore_mem>>)
    %dma_start3A_31 = arith.constant 0 : i32
    %dma_start3A_32 = arith.constant 2 : i32
    %dma_start3A_33 = arith.constant 0 : i32
    %dma_start3A_34 = tpu.memref_slice %arg6[%dma_start3A_31, %dma_start3A_32, %dma_start3A_33] : memref<2x8x32xi32, #tpu.memory_space<vmem>> -> memref<1x1x32xi32, #tpu.memory_space<vmem>>
    %dma_start3A_35 = tpu.memref_squeeze %dma_start3A_34 : memref<1x1x32xi32, #tpu.memory_space<vmem>> -> memref<32xi32, #tpu.memory_space<vmem>>
    %dma_start3A_36 = arith.constant 0 : i32
    %dma_start3A_37 = arith.constant 0 : i32
    %dma_start3A_38 = tpu.memref_slice %arg2[%dma_start3A_36, %dma_start3A_37] : memref<10000x128xf32, #tpu.memory_space<hbm>> -> memref<10000x128xf32, #tpu.memory_space<hbm>>
    tpu.enqueue_indirect_dma source(%dma_start3A_38 : memref<10000x128xf32, #tpu.memory_space<hbm>>) target(%arg10 : memref<32x128xf32, #tpu.memory_space<vmem>>) offsets(%dma_start3A_35 : memref<32xi32, #tpu.memory_space<vmem>>) semaphore(%arg14 : memref<!tpu.dma_semaphore, #tpu.memory_space<semaphore_mem>>)
    %dma_start3A_39 = arith.constant 0 : i32
    %dma_start3A_40 = arith.constant 3 : i32
    %dma_start3A_41 = arith.constant 0 : i32
    %dma_start3A_42 = tpu.memref_slice %arg6[%dma_start3A_39, %dma_start3A_40, %dma_start3A_41] : memref<2x8x32xi32, #tpu.memory_space<vmem>> -> memref<1x1x32xi32, #tpu.memory_space<vmem>>
    %dma_start3A_43 = tpu.memref_squeeze %dma_start3A_42 : memref<1x1x32xi32, #tpu.memory_space<vmem>> -> memref<32xi32, #tpu.memory_space<vmem>>
    %dma_start3A_44 = arith.constant 0 : i32
    %dma_start3A_45 = arith.constant 0 : i32
    %dma_start3A_46 = tpu.memref_slice %arg2[%dma_start3A_44, %dma_start3A_45] : memref<10000x128xf32, #tpu.memory_space<hbm>> -> memref<10000x128xf32, #tpu.memory_space<hbm>>
    tpu.enqueue_indirect_dma source(%dma_start3A_46 : memref<10000x128xf32, #tpu.memory_space<hbm>>) target(%arg11 : memref<32x128xf32, #tpu.memory_space<vmem>>) offsets(%dma_start3A_43 : memref<32xi32, #tpu.memory_space<vmem>>) semaphore(%arg15 : memref<!tpu.dma_semaphore, #tpu.memory_space<semaphore_mem>>)
    %while3A = arith.constant 0 : i32
    %while3A_47 = arith.constant 0 : i32
    %while3A_48 = arith.subi %select_n3A, %while3A_47 : i32
    %while3A_49 = arith.addi %while3A_47, %while3A_48 : i32
    %while3A_50 = arith.constant 1 : i32
    %while3A_51 = arith.divsi %while3A_48, %while3A_50 : i32
    %while3A_52 = arith.muli %while3A_51, %while3A_50 : i32
    %while3A_53 = arith.addi %while3A_47, %while3A_52 : i32
    %while3A_54 = arith.constant 1 : i32
    scf.for %while3A_68 = %while3A_47 to %while3A_53 step %while3A_54  : i32 {
      %rem3A = arith.constant 2 : i32
      %rem3A_69 = arith.remsi %while3A_68, %rem3A : i32
      %sub3A = arith.constant 1 : i32
      %sub3A_70 = arith.subi %sub3A, %rem3A_69 : i32
      %add3A_71 = arith.addi %add3A, %while3A_68 : i32
      %add3A_72 = arith.constant 1 : i32
      %add3A_73 = arith.addi %add3A_71, %add3A_72 : i32
      %add3A_74 = arith.constant 1 : i32
      %add3A_75 = arith.addi %while3A_68, %add3A_74 : i32
      %lt3A_76 = arith.cmpi slt, %add3A_75, %select_n3A : i32
      %dma_wait3A = arith.constant 0 : i32
      %dma_wait3A_77 = arith.constant 0 : i32
      %dma_wait3A_78 = tpu.memref_slice %arg6[%rem3A_69, %dma_wait3A, %dma_wait3A_77] : memref<2x8x32xi32, #tpu.memory_space<vmem>> -> memref<1x1x32xi32, #tpu.memory_space<vmem>>
      %dma_wait3A_79 = tpu.memref_squeeze %dma_wait3A_78 : memref<1x1x32xi32, #tpu.memory_space<vmem>> -> memref<32xi32, #tpu.memory_space<vmem>>
      %dma_wait3A_80 = arith.constant 0 : i32
      %dma_wait3A_81 = arith.constant 0 : i32
      %dma_wait3A_82 = tpu.memref_slice %arg2[%dma_wait3A_80, %dma_wait3A_81] : memref<10000x128xf32, #tpu.memory_space<hbm>> -> memref<10000x128xf32, #tpu.memory_space<hbm>>
      tpu.wait_indirect_dma semaphore(%arg12 : memref<!tpu.dma_semaphore, #tpu.memory_space<semaphore_mem>>) src(%dma_wait3A_82 : memref<10000x128xf32, #tpu.memory_space<hbm>>) dst(%arg8 : memref<32x128xf32, #tpu.memory_space<vmem>>)
      %run_scoped3A_83 = arith.constant 0 : i32
      "tpu.region"() ({
        %run_scoped3A_183 = tpu.sem_alloc : memref<!tpu.dma_semaphore, #tpu.memory_space<semaphore_mem>>
        %dma_start3A_184 = arith.constant 0 : i32
        %dma_start3A_185 = tpu.memref_slice %arg7[%rem3A_69, %run_scoped3A_83, %dma_start3A_184] : memref<2x8x32xi32, #tpu.memory_space<vmem>> -> memref<1x1x32xi32, #tpu.memory_space<vmem>>
        %dma_start3A_186 = tpu.memref_squeeze %dma_start3A_185 : memref<1x1x32xi32, #tpu.memory_space<vmem>> -> memref<32xi32, #tpu.memory_space<vmem>>
        %dma_start3A_187 = arith.constant 0 : i32
        %dma_start3A_188 = arith.constant 0 : i32
        %dma_start3A_189 = tpu.memref_slice %arg16[%dma_start3A_187, %dma_start3A_188] : memref<10000x128xf32, #tpu.memory_space<vmem_shared>> -> memref<10000x128xf32, #tpu.memory_space<vmem_shared>>
        tpu.enqueue_indirect_dma source(%arg8 : memref<32x128xf32, #tpu.memory_space<vmem>>) target(%dma_start3A_189 : memref<10000x128xf32, #tpu.memory_space<vmem_shared>>) offsets(%dma_start3A_186 : memref<32xi32, #tpu.memory_space<vmem>>) semaphore(%run_scoped3A_183 : memref<!tpu.dma_semaphore, #tpu.memory_space<semaphore_mem>>) {add = true}
        %dma_wait3A_190 = arith.constant 0 : i32
        %dma_wait3A_191 = tpu.memref_slice %arg7[%rem3A_69, %run_scoped3A_83, %dma_wait3A_190] : memref<2x8x32xi32, #tpu.memory_space<vmem>> -> memref<1x1x32xi32, #tpu.memory_space<vmem>>
        %dma_wait3A_192 = tpu.memref_squeeze %dma_wait3A_191 : memref<1x1x32xi32, #tpu.memory_space<vmem>> -> memref<32xi32, #tpu.memory_space<vmem>>
        %dma_wait3A_193 = arith.constant 0 : i32
        %dma_wait3A_194 = arith.constant 0 : i32
        %dma_wait3A_195 = tpu.memref_slice %arg16[%dma_wait3A_193, %dma_wait3A_194] : memref<10000x128xf32, #tpu.memory_space<vmem_shared>> -> memref<10000x128xf32, #tpu.memory_space<vmem_shared>>
        tpu.wait_indirect_dma semaphore(%run_scoped3A_183 : memref<!tpu.dma_semaphore, #tpu.memory_space<semaphore_mem>>) src(%arg8 : memref<32x128xf32, #tpu.memory_space<vmem>>) dst(%dma_wait3A_195 : memref<10000x128xf32, #tpu.memory_space<vmem_shared>>)
        tpu.yield
      }) : () -> ()
      %dma_start3A_84 = arith.constant 4 : i32
      %dma_start3A_85 = arith.constant 0 : i32
      %dma_start3A_86 = tpu.memref_slice %arg6[%rem3A_69, %dma_start3A_84, %dma_start3A_85] : memref<2x8x32xi32, #tpu.memory_space<vmem>> -> memref<1x1x32xi32, #tpu.memory_space<vmem>>
      %dma_start3A_87 = tpu.memref_squeeze %dma_start3A_86 : memref<1x1x32xi32, #tpu.memory_space<vmem>> -> memref<32xi32, #tpu.memory_space<vmem>>
      %dma_start3A_88 = arith.constant 0 : i32
      %dma_start3A_89 = arith.constant 0 : i32
      %dma_start3A_90 = tpu.memref_slice %arg2[%dma_start3A_88, %dma_start3A_89] : memref<10000x128xf32, #tpu.memory_space<hbm>> -> memref<10000x128xf32, #tpu.memory_space<hbm>>
      tpu.enqueue_indirect_dma source(%dma_start3A_90 : memref<10000x128xf32, #tpu.memory_space<hbm>>) target(%arg8 : memref<32x128xf32, #tpu.memory_space<vmem>>) offsets(%dma_start3A_87 : memref<32xi32, #tpu.memory_space<vmem>>) semaphore(%arg12 : memref<!tpu.dma_semaphore, #tpu.memory_space<semaphore_mem>>)
      %dma_wait3A_91 = arith.constant 1 : i32
      %dma_wait3A_92 = arith.constant 0 : i32
      %dma_wait3A_93 = tpu.memref_slice %arg6[%rem3A_69, %dma_wait3A_91, %dma_wait3A_92] : memref<2x8x32xi32, #tpu.memory_space<vmem>> -> memref<1x1x32xi32, #tpu.memory_space<vmem>>
      %dma_wait3A_94 = tpu.memref_squeeze %dma_wait3A_93 : memref<1x1x32xi32, #tpu.memory_space<vmem>> -> memref<32xi32, #tpu.memory_space<vmem>>
      %dma_wait3A_95 = arith.constant 0 : i32
      %dma_wait3A_96 = arith.constant 0 : i32
      %dma_wait3A_97 = tpu.memref_slice %arg2[%dma_wait3A_95, %dma_wait3A_96] : memref<10000x128xf32, #tpu.memory_space<hbm>> -> memref<10000x128xf32, #tpu.memory_space<hbm>>
      tpu.wait_indirect_dma semaphore(%arg13 : memref<!tpu.dma_semaphore, #tpu.memory_space<semaphore_mem>>) src(%dma_wait3A_97 : memref<10000x128xf32, #tpu.memory_space<hbm>>) dst(%arg9 : memref<32x128xf32, #tpu.memory_space<vmem>>)
      %run_scoped3A_98 = arith.constant 1 : i32
      "tpu.region"() ({
        %run_scoped3A_183 = tpu.sem_alloc : memref<!tpu.dma_semaphore, #tpu.memory_space<semaphore_mem>>
        %dma_start3A_184 = arith.constant 0 : i32
        %dma_start3A_185 = tpu.memref_slice %arg7[%rem3A_69, %run_scoped3A_98, %dma_start3A_184] : memref<2x8x32xi32, #tpu.memory_space<vmem>> -> memref<1x1x32xi32, #tpu.memory_space<vmem>>
        %dma_start3A_186 = tpu.memref_squeeze %dma_start3A_185 : memref<1x1x32xi32, #tpu.memory_space<vmem>> -> memref<32xi32, #tpu.memory_space<vmem>>
        %dma_start3A_187 = arith.constant 0 : i32
        %dma_start3A_188 = arith.constant 0 : i32
        %dma_start3A_189 = tpu.memref_slice %arg16[%dma_start3A_187, %dma_start3A_188] : memref<10000x128xf32, #tpu.memory_space<vmem_shared>> -> memref<10000x128xf32, #tpu.memory_space<vmem_shared>>
        tpu.enqueue_indirect_dma source(%arg9 : memref<32x128xf32, #tpu.memory_space<vmem>>) target(%dma_start3A_189 : memref<10000x128xf32, #tpu.memory_space<vmem_shared>>) offsets(%dma_start3A_186 : memref<32xi32, #tpu.memory_space<vmem>>) semaphore(%run_scoped3A_183 : memref<!tpu.dma_semaphore, #tpu.memory_space<semaphore_mem>>) {add = true}
        %dma_wait3A_190 = arith.constant 0 : i32
        %dma_wait3A_191 = tpu.memref_slice %arg7[%rem3A_69, %run_scoped3A_98, %dma_wait3A_190] : memref<2x8x32xi32, #tpu.memory_space<vmem>> -> memref<1x1x32xi32, #tpu.memory_space<vmem>>
        %dma_wait3A_192 = tpu.memref_squeeze %dma_wait3A_191 : memref<1x1x32xi32, #tpu.memory_space<vmem>> -> memref<32xi32, #tpu.memory_space<vmem>>
        %dma_wait3A_193 = arith.constant 0 : i32
        %dma_wait3A_194 = arith.constant 0 : i32
        %dma_wait3A_195 = tpu.memref_slice %arg16[%dma_wait3A_193, %dma_wait3A_194] : memref<10000x128xf32, #tpu.memory_space<vmem_shared>> -> memref<10000x128xf32, #tpu.memory_space<vmem_shared>>
        tpu.wait_indirect_dma semaphore(%run_scoped3A_183 : memref<!tpu.dma_semaphore, #tpu.memory_space<semaphore_mem>>) src(%arg9 : memref<32x128xf32, #tpu.memory_space<vmem>>) dst(%dma_wait3A_195 : memref<10000x128xf32, #tpu.memory_space<vmem_shared>>)
        tpu.yield
      }) : () -> ()
      %dma_start3A_99 = arith.constant 5 : i32
      %dma_start3A_100 = arith.constant 0 : i32
      %dma_start3A_101 = tpu.memref_slice %arg6[%rem3A_69, %dma_start3A_99, %dma_start3A_100] : memref<2x8x32xi32, #tpu.memory_space<vmem>> -> memref<1x1x32xi32, #tpu.memory_space<vmem>>
      %dma_start3A_102 = tpu.memref_squeeze %dma_start3A_101 : memref<1x1x32xi32, #tpu.memory_space<vmem>> -> memref<32xi32, #tpu.memory_space<vmem>>
      %dma_start3A_103 = arith.constant 0 : i32
      %dma_start3A_104 = arith.constant 0 : i32
      %dma_start3A_105 = tpu.memref_slice %arg2[%dma_start3A_103, %dma_start3A_104] : memref<10000x128xf32, #tpu.memory_space<hbm>> -> memref<10000x128xf32, #tpu.memory_space<hbm>>
      tpu.enqueue_indirect_dma source(%dma_start3A_105 : memref<10000x128xf32, #tpu.memory_space<hbm>>) target(%arg9 : memref<32x128xf32, #tpu.memory_space<vmem>>) offsets(%dma_start3A_102 : memref<32xi32, #tpu.memory_space<vmem>>) semaphore(%arg13 : memref<!tpu.dma_semaphore, #tpu.memory_space<semaphore_mem>>)
      %dma_wait3A_106 = arith.constant 2 : i32
      %dma_wait3A_107 = arith.constant 0 : i32
      %dma_wait3A_108 = tpu.memref_slice %arg6[%rem3A_69, %dma_wait3A_106, %dma_wait3A_107] : memref<2x8x32xi32, #tpu.memory_space<vmem>> -> memref<1x1x32xi32, #tpu.memory_space<vmem>>
      %dma_wait3A_109 = tpu.memref_squeeze %dma_wait3A_108 : memref<1x1x32xi32, #tpu.memory_space<vmem>> -> memref<32xi32, #tpu.memory_space<vmem>>
      %dma_wait3A_110 = arith.constant 0 : i32
      %dma_wait3A_111 = arith.constant 0 : i32
      %dma_wait3A_112 = tpu.memref_slice %arg2[%dma_wait3A_110, %dma_wait3A_111] : memref<10000x128xf32, #tpu.memory_space<hbm>> -> memref<10000x128xf32, #tpu.memory_space<hbm>>
      tpu.wait_indirect_dma semaphore(%arg14 : memref<!tpu.dma_semaphore, #tpu.memory_space<semaphore_mem>>) src(%dma_wait3A_112 : memref<10000x128xf32, #tpu.memory_space<hbm>>) dst(%arg10 : memref<32x128xf32, #tpu.memory_space<vmem>>)
      %run_scoped3A_113 = arith.constant 2 : i32
      "tpu.region"() ({
        %run_scoped3A_183 = tpu.sem_alloc : memref<!tpu.dma_semaphore, #tpu.memory_space<semaphore_mem>>
        %dma_start3A_184 = arith.constant 0 : i32
        %dma_start3A_185 = tpu.memref_slice %arg7[%rem3A_69, %run_scoped3A_113, %dma_start3A_184] : memref<2x8x32xi32, #tpu.memory_space<vmem>> -> memref<1x1x32xi32, #tpu.memory_space<vmem>>
        %dma_start3A_186 = tpu.memref_squeeze %dma_start3A_185 : memref<1x1x32xi32, #tpu.memory_space<vmem>> -> memref<32xi32, #tpu.memory_space<vmem>>
        %dma_start3A_187 = arith.constant 0 : i32
        %dma_start3A_188 = arith.constant 0 : i32
        %dma_start3A_189 = tpu.memref_slice %arg16[%dma_start3A_187, %dma_start3A_188] : memref<10000x128xf32, #tpu.memory_space<vmem_shared>> -> memref<10000x128xf32, #tpu.memory_space<vmem_shared>>
        tpu.enqueue_indirect_dma source(%arg10 : memref<32x128xf32, #tpu.memory_space<vmem>>) target(%dma_start3A_189 : memref<10000x128xf32, #tpu.memory_space<vmem_shared>>) offsets(%dma_start3A_186 : memref<32xi32, #tpu.memory_space<vmem>>) semaphore(%run_scoped3A_183 : memref<!tpu.dma_semaphore, #tpu.memory_space<semaphore_mem>>) {add = true}
        %dma_wait3A_190 = arith.constant 0 : i32
        %dma_wait3A_191 = tpu.memref_slice %arg7[%rem3A_69, %run_scoped3A_113, %dma_wait3A_190] : memref<2x8x32xi32, #tpu.memory_space<vmem>> -> memref<1x1x32xi32, #tpu.memory_space<vmem>>
        %dma_wait3A_192 = tpu.memref_squeeze %dma_wait3A_191 : memref<1x1x32xi32, #tpu.memory_space<vmem>> -> memref<32xi32, #tpu.memory_space<vmem>>
        %dma_wait3A_193 = arith.constant 0 : i32
        %dma_wait3A_194 = arith.constant 0 : i32
        %dma_wait3A_195 = tpu.memref_slice %arg16[%dma_wait3A_193, %dma_wait3A_194] : memref<10000x128xf32, #tpu.memory_space<vmem_shared>> -> memref<10000x128xf32, #tpu.memory_space<vmem_shared>>
        tpu.wait_indirect_dma semaphore(%run_scoped3A_183 : memref<!tpu.dma_semaphore, #tpu.memory_space<semaphore_mem>>) src(%arg10 : memref<32x128xf32, #tpu.memory_space<vmem>>) dst(%dma_wait3A_195 : memref<10000x128xf32, #tpu.memory_space<vmem_shared>>)
        tpu.yield
      }) : () -> ()
      %dma_start3A_114 = arith.constant 6 : i32
      %dma_start3A_115 = arith.constant 0 : i32
      %dma_start3A_116 = tpu.memref_slice %arg6[%rem3A_69, %dma_start3A_114, %dma_start3A_115] : memref<2x8x32xi32, #tpu.memory_space<vmem>> -> memref<1x1x32xi32, #tpu.memory_space<vmem>>
      %dma_start3A_117 = tpu.memref_squeeze %dma_start3A_116 : memref<1x1x32xi32, #tpu.memory_space<vmem>> -> memref<32xi32, #tpu.memory_space<vmem>>
      %dma_start3A_118 = arith.constant 0 : i32
      %dma_start3A_119 = arith.constant 0 : i32
      %dma_start3A_120 = tpu.memref_slice %arg2[%dma_start3A_118, %dma_start3A_119] : memref<10000x128xf32, #tpu.memory_space<hbm>> -> memref<10000x128xf32, #tpu.memory_space<hbm>>
      tpu.enqueue_indirect_dma source(%dma_start3A_120 : memref<10000x128xf32, #tpu.memory_space<hbm>>) target(%arg10 : memref<32x128xf32, #tpu.memory_space<vmem>>) offsets(%dma_start3A_117 : memref<32xi32, #tpu.memory_space<vmem>>) semaphore(%arg14 : memref<!tpu.dma_semaphore, #tpu.memory_space<semaphore_mem>>)
      %dma_wait3A_121 = arith.constant 3 : i32
      %dma_wait3A_122 = arith.constant 0 : i32
      %dma_wait3A_123 = tpu.memref_slice %arg6[%rem3A_69, %dma_wait3A_121, %dma_wait3A_122] : memref<2x8x32xi32, #tpu.memory_space<vmem>> -> memref<1x1x32xi32, #tpu.memory_space<vmem>>
      %dma_wait3A_124 = tpu.memref_squeeze %dma_wait3A_123 : memref<1x1x32xi32, #tpu.memory_space<vmem>> -> memref<32xi32, #tpu.memory_space<vmem>>
      %dma_wait3A_125 = arith.constant 0 : i32
      %dma_wait3A_126 = arith.constant 0 : i32
      %dma_wait3A_127 = tpu.memref_slice %arg2[%dma_wait3A_125, %dma_wait3A_126] : memref<10000x128xf32, #tpu.memory_space<hbm>> -> memref<10000x128xf32, #tpu.memory_space<hbm>>
      tpu.wait_indirect_dma semaphore(%arg15 : memref<!tpu.dma_semaphore, #tpu.memory_space<semaphore_mem>>) src(%dma_wait3A_127 : memref<10000x128xf32, #tpu.memory_space<hbm>>) dst(%arg11 : memref<32x128xf32, #tpu.memory_space<vmem>>)
      %run_scoped3A_128 = arith.constant 3 : i32
      "tpu.region"() ({
        %run_scoped3A_183 = tpu.sem_alloc : memref<!tpu.dma_semaphore, #tpu.memory_space<semaphore_mem>>
        %dma_start3A_184 = arith.constant 0 : i32
        %dma_start3A_185 = tpu.memref_slice %arg7[%rem3A_69, %run_scoped3A_128, %dma_start3A_184] : memref<2x8x32xi32, #tpu.memory_space<vmem>> -> memref<1x1x32xi32, #tpu.memory_space<vmem>>
        %dma_start3A_186 = tpu.memref_squeeze %dma_start3A_185 : memref<1x1x32xi32, #tpu.memory_space<vmem>> -> memref<32xi32, #tpu.memory_space<vmem>>
        %dma_start3A_187 = arith.constant 0 : i32
        %dma_start3A_188 = arith.constant 0 : i32
        %dma_start3A_189 = tpu.memref_slice %arg16[%dma_start3A_187, %dma_start3A_188] : memref<10000x128xf32, #tpu.memory_space<vmem_shared>> -> memref<10000x128xf32, #tpu.memory_space<vmem_shared>>
        tpu.enqueue_indirect_dma source(%arg11 : memref<32x128xf32, #tpu.memory_space<vmem>>) target(%dma_start3A_189 : memref<10000x128xf32, #tpu.memory_space<vmem_shared>>) offsets(%dma_start3A_186 : memref<32xi32, #tpu.memory_space<vmem>>) semaphore(%run_scoped3A_183 : memref<!tpu.dma_semaphore, #tpu.memory_space<semaphore_mem>>) {add = true}
        %dma_wait3A_190 = arith.constant 0 : i32
        %dma_wait3A_191 = tpu.memref_slice %arg7[%rem3A_69, %run_scoped3A_128, %dma_wait3A_190] : memref<2x8x32xi32, #tpu.memory_space<vmem>> -> memref<1x1x32xi32, #tpu.memory_space<vmem>>
        %dma_wait3A_192 = tpu.memref_squeeze %dma_wait3A_191 : memref<1x1x32xi32, #tpu.memory_space<vmem>> -> memref<32xi32, #tpu.memory_space<vmem>>
        %dma_wait3A_193 = arith.constant 0 : i32
        %dma_wait3A_194 = arith.constant 0 : i32
        %dma_wait3A_195 = tpu.memref_slice %arg16[%dma_wait3A_193, %dma_wait3A_194] : memref<10000x128xf32, #tpu.memory_space<vmem_shared>> -> memref<10000x128xf32, #tpu.memory_space<vmem_shared>>
        tpu.wait_indirect_dma semaphore(%run_scoped3A_183 : memref<!tpu.dma_semaphore, #tpu.memory_space<semaphore_mem>>) src(%arg11 : memref<32x128xf32, #tpu.memory_space<vmem>>) dst(%dma_wait3A_195 : memref<10000x128xf32, #tpu.memory_space<vmem_shared>>)
        tpu.yield
      }) : () -> ()
      %dma_start3A_129 = arith.constant 7 : i32
      %dma_start3A_130 = arith.constant 0 : i32
      %dma_start3A_131 = tpu.memref_slice %arg6[%rem3A_69, %dma_start3A_129, %dma_start3A_130] : memref<2x8x32xi32, #tpu.memory_space<vmem>> -> memref<1x1x32xi32, #tpu.memory_space<vmem>>
      %dma_start3A_132 = tpu.memref_squeeze %dma_start3A_131 : memref<1x1x32xi32, #tpu.memory_space<vmem>> -> memref<32xi32, #tpu.memory_space<vmem>>
      %dma_start3A_133 = arith.constant 0 : i32
      %dma_start3A_134 = arith.constant 0 : i32
      %dma_start3A_135 = tpu.memref_slice %arg2[%dma_start3A_133, %dma_start3A_134] : memref<10000x128xf32, #tpu.memory_space<hbm>> -> memref<10000x128xf32, #tpu.memory_space<hbm>>
      tpu.enqueue_indirect_dma source(%dma_start3A_135 : memref<10000x128xf32, #tpu.memory_space<hbm>>) target(%arg11 : memref<32x128xf32, #tpu.memory_space<vmem>>) offsets(%dma_start3A_132 : memref<32xi32, #tpu.memory_space<vmem>>) semaphore(%arg15 : memref<!tpu.dma_semaphore, #tpu.memory_space<semaphore_mem>>)
      %convert_element_type3A_136 = arith.extui %lt3A_76 : i1 to i32
      %cond3A_137 = arith.constant 0 : i32
      %cond3A_138 = arith.cmpi ne, %convert_element_type3A_136, %cond3A_137 : i32
      scf.if %cond3A_138 {
        %run_scoped3A_183 = arith.constant 0 : i32
        "tpu.region"() ({
          %run_scoped3A_185 = tpu.sem_alloc : memref<!tpu.dma_semaphore, #tpu.memory_space<semaphore_mem>>
          %dma_start3A_186 = arith.constant 0 : i32
          %dma_start3A_187 = arith.constant 0 : i32
          %dma_start3A_188 = tpu.memref_slice %arg6[%sub3A_70, %dma_start3A_186, %dma_start3A_187] : memref<2x8x32xi32, #tpu.memory_space<vmem>> -> memref<1x8x32xi32, #tpu.memory_space<vmem>>
          %dma_start3A_189 = tpu.memref_squeeze %dma_start3A_188 : memref<1x8x32xi32, #tpu.memory_space<vmem>> -> memref<8x32xi32, #tpu.memory_space<vmem>>
          %dma_start3A_190 = arith.constant 0 : i32
          %dma_start3A_191 = arith.constant 0 : i32
          %dma_start3A_192 = tpu.memref_slice %arg3[%run_scoped3A_183, %add3A_73, %dma_start3A_190, %dma_start3A_191] : memref<2x1250x8x32xi32, #tpu.memory_space<hbm>> -> memref<1x1x8x32xi32, #tpu.memory_space<hbm>>
          %dma_start3A_193 = tpu.memref_squeeze %dma_start3A_192 : memref<1x1x8x32xi32, #tpu.memory_space<hbm>> -> memref<8x32xi32, #tpu.memory_space<hbm>>
          %dma_start3A_194 = arith.constant 0 : i32
          %dma_start3A_195 = arith.constant 0 : i32
          %dma_start3A_196 = tpu.memref_slice %arg6[%sub3A_70, %dma_start3A_194, %dma_start3A_195] : memref<2x8x32xi32, #tpu.memory_space<vmem>> -> memref<1x8x32xi32, #tpu.memory_space<vmem>>
          %dma_start3A_197 = tpu.memref_squeeze %dma_start3A_196 : memref<1x8x32xi32, #tpu.memory_space<vmem>> -> memref<8x32xi32, #tpu.memory_space<vmem>>
          %dma_start3A_198 = arith.constant 0 : i32
          %dma_start3A_199 = arith.constant 0 : i32
          %dma_start3A_200 = tpu.memref_slice %arg3[%run_scoped3A_183, %add3A_73, %dma_start3A_198, %dma_start3A_199] : memref<2x1250x8x32xi32, #tpu.memory_space<hbm>> -> memref<1x1x8x32xi32, #tpu.memory_space<hbm>>
          %dma_start3A_201 = tpu.memref_squeeze %dma_start3A_200 : memref<1x1x8x32xi32, #tpu.memory_space<hbm>> -> memref<8x32xi32, #tpu.memory_space<hbm>>
          tpu.enqueue_dma source(%dma_start3A_201 : memref<8x32xi32, #tpu.memory_space<hbm>>) target(%dma_start3A_197 : memref<8x32xi32, #tpu.memory_space<vmem>>) target_semaphore(%run_scoped3A_185 : memref<!tpu.dma_semaphore, #tpu.memory_space<semaphore_mem>>)
          %dma_wait3A_202 = arith.constant 0 : i32
          %dma_wait3A_203 = arith.constant 0 : i32
          %dma_wait3A_204 = tpu.memref_slice %arg6[%sub3A_70, %dma_wait3A_202, %dma_wait3A_203] : memref<2x8x32xi32, #tpu.memory_space<vmem>> -> memref<1x8x32xi32, #tpu.memory_space<vmem>>
          %dma_wait3A_205 = tpu.memref_squeeze %dma_wait3A_204 : memref<1x8x32xi32, #tpu.memory_space<vmem>> -> memref<8x32xi32, #tpu.memory_space<vmem>>
          %dma_wait3A_206 = arith.constant 0 : i32
          %dma_wait3A_207 = arith.constant 0 : i32
          %dma_wait3A_208 = tpu.memref_slice %arg3[%run_scoped3A_183, %add3A_73, %dma_wait3A_206, %dma_wait3A_207] : memref<2x1250x8x32xi32, #tpu.memory_space<hbm>> -> memref<1x1x8x32xi32, #tpu.memory_space<hbm>>
          %dma_wait3A_209 = tpu.memref_squeeze %dma_wait3A_208 : memref<1x1x8x32xi32, #tpu.memory_space<hbm>> -> memref<8x32xi32, #tpu.memory_space<hbm>>
          %dma_wait3A_210 = arith.constant 0 : i32
          %dma_wait3A_211 = arith.constant 0 : i32
          %dma_wait3A_212 = tpu.memref_slice %arg6[%sub3A_70, %dma_wait3A_210, %dma_wait3A_211] : memref<2x8x32xi32, #tpu.memory_space<vmem>> -> memref<1x8x32xi32, #tpu.memory_space<vmem>>
          %dma_wait3A_213 = tpu.memref_squeeze %dma_wait3A_212 : memref<1x8x32xi32, #tpu.memory_space<vmem>> -> memref<8x32xi32, #tpu.memory_space<vmem>>
          %dma_wait3A_214 = arith.constant 0 : i32
          %dma_wait3A_215 = arith.constant 0 : i32
          %dma_wait3A_216 = tpu.memref_slice %arg3[%run_scoped3A_183, %add3A_73, %dma_wait3A_214, %dma_wait3A_215] : memref<2x1250x8x32xi32, #tpu.memory_space<hbm>> -> memref<1x1x8x32xi32, #tpu.memory_space<hbm>>
          %dma_wait3A_217 = tpu.memref_squeeze %dma_wait3A_216 : memref<1x1x8x32xi32, #tpu.memory_space<hbm>> -> memref<8x32xi32, #tpu.memory_space<hbm>>
          tpu.wait_dma2 semaphore(%run_scoped3A_185 : memref<!tpu.dma_semaphore, #tpu.memory_space<semaphore_mem>>) src(%dma_wait3A_217 : memref<8x32xi32, #tpu.memory_space<hbm>>) dst(%dma_wait3A_213 : memref<8x32xi32, #tpu.memory_space<vmem>>)
          tpu.yield
        }) : () -> ()
        %run_scoped3A_184 = arith.constant 1 : i32
        "tpu.region"() ({
          %run_scoped3A_185 = tpu.sem_alloc : memref<!tpu.dma_semaphore, #tpu.memory_space<semaphore_mem>>
          %dma_start3A_186 = arith.constant 0 : i32
          %dma_start3A_187 = arith.constant 0 : i32
          %dma_start3A_188 = tpu.memref_slice %arg7[%sub3A_70, %dma_start3A_186, %dma_start3A_187] : memref<2x8x32xi32, #tpu.memory_space<vmem>> -> memref<1x8x32xi32, #tpu.memory_space<vmem>>
          %dma_start3A_189 = tpu.memref_squeeze %dma_start3A_188 : memref<1x8x32xi32, #tpu.memory_space<vmem>> -> memref<8x32xi32, #tpu.memory_space<vmem>>
          %dma_start3A_190 = arith.constant 0 : i32
          %dma_start3A_191 = arith.constant 0 : i32
          %dma_start3A_192 = tpu.memref_slice %arg3[%run_scoped3A_184, %add3A_73, %dma_start3A_190, %dma_start3A_191] : memref<2x1250x8x32xi32, #tpu.memory_space<hbm>> -> memref<1x1x8x32xi32, #tpu.memory_space<hbm>>
          %dma_start3A_193 = tpu.memref_squeeze %dma_start3A_192 : memref<1x1x8x32xi32, #tpu.memory_space<hbm>> -> memref<8x32xi32, #tpu.memory_space<hbm>>
          %dma_start3A_194 = arith.constant 0 : i32
          %dma_start3A_195 = arith.constant 0 : i32
          %dma_start3A_196 = tpu.memref_slice %arg7[%sub3A_70, %dma_start3A_194, %dma_start3A_195] : memref<2x8x32xi32, #tpu.memory_space<vmem>> -> memref<1x8x32xi32, #tpu.memory_space<vmem>>
          %dma_start3A_197 = tpu.memref_squeeze %dma_start3A_196 : memref<1x8x32xi32, #tpu.memory_space<vmem>> -> memref<8x32xi32, #tpu.memory_space<vmem>>
          %dma_start3A_198 = arith.constant 0 : i32
          %dma_start3A_199 = arith.constant 0 : i32
          %dma_start3A_200 = tpu.memref_slice %arg3[%run_scoped3A_184, %add3A_73, %dma_start3A_198, %dma_start3A_199] : memref<2x1250x8x32xi32, #tpu.memory_space<hbm>> -> memref<1x1x8x32xi32, #tpu.memory_space<hbm>>
          %dma_start3A_201 = tpu.memref_squeeze %dma_start3A_200 : memref<1x1x8x32xi32, #tpu.memory_space<hbm>> -> memref<8x32xi32, #tpu.memory_space<hbm>>
          tpu.enqueue_dma source(%dma_start3A_201 : memref<8x32xi32, #tpu.memory_space<hbm>>) target(%dma_start3A_197 : memref<8x32xi32, #tpu.memory_space<vmem>>) target_semaphore(%run_scoped3A_185 : memref<!tpu.dma_semaphore, #tpu.memory_space<semaphore_mem>>)
          %dma_wait3A_202 = arith.constant 0 : i32
          %dma_wait3A_203 = arith.constant 0 : i32
          %dma_wait3A_204 = tpu.memref_slice %arg7[%sub3A_70, %dma_wait3A_202, %dma_wait3A_203] : memref<2x8x32xi32, #tpu.memory_space<vmem>> -> memref<1x8x32xi32, #tpu.memory_space<vmem>>
          %dma_wait3A_205 = tpu.memref_squeeze %dma_wait3A_204 : memref<1x8x32xi32, #tpu.memory_space<vmem>> -> memref<8x32xi32, #tpu.memory_space<vmem>>
          %dma_wait3A_206 = arith.constant 0 : i32
          %dma_wait3A_207 = arith.constant 0 : i32
          %dma_wait3A_208 = tpu.memref_slice %arg3[%run_scoped3A_184, %add3A_73, %dma_wait3A_206, %dma_wait3A_207] : memref<2x1250x8x32xi32, #tpu.memory_space<hbm>> -> memref<1x1x8x32xi32, #tpu.memory_space<hbm>>
          %dma_wait3A_209 = tpu.memref_squeeze %dma_wait3A_208 : memref<1x1x8x32xi32, #tpu.memory_space<hbm>> -> memref<8x32xi32, #tpu.memory_space<hbm>>
          %dma_wait3A_210 = arith.constant 0 : i32
          %dma_wait3A_211 = arith.constant 0 : i32
          %dma_wait3A_212 = tpu.memref_slice %arg7[%sub3A_70, %dma_wait3A_210, %dma_wait3A_211] : memref<2x8x32xi32, #tpu.memory_space<vmem>> -> memref<1x8x32xi32, #tpu.memory_space<vmem>>
          %dma_wait3A_213 = tpu.memref_squeeze %dma_wait3A_212 : memref<1x8x32xi32, #tpu.memory_space<vmem>> -> memref<8x32xi32, #tpu.memory_space<vmem>>
          %dma_wait3A_214 = arith.constant 0 : i32
          %dma_wait3A_215 = arith.constant 0 : i32
          %dma_wait3A_216 = tpu.memref_slice %arg3[%run_scoped3A_184, %add3A_73, %dma_wait3A_214, %dma_wait3A_215] : memref<2x1250x8x32xi32, #tpu.memory_space<hbm>> -> memref<1x1x8x32xi32, #tpu.memory_space<hbm>>
          %dma_wait3A_217 = tpu.memref_squeeze %dma_wait3A_216 : memref<1x1x8x32xi32, #tpu.memory_space<hbm>> -> memref<8x32xi32, #tpu.memory_space<hbm>>
          tpu.wait_dma2 semaphore(%run_scoped3A_185 : memref<!tpu.dma_semaphore, #tpu.memory_space<semaphore_mem>>) src(%dma_wait3A_217 : memref<8x32xi32, #tpu.memory_space<hbm>>) dst(%dma_wait3A_213 : memref<8x32xi32, #tpu.memory_space<vmem>>)
          tpu.yield
        }) : () -> ()
      } else {
      }
      %dma_wait3A_139 = arith.constant 4 : i32
      %dma_wait3A_140 = arith.constant 0 : i32
      %dma_wait3A_141 = tpu.memref_slice %arg6[%rem3A_69, %dma_wait3A_139, %dma_wait3A_140] : memref<2x8x32xi32, #tpu.memory_space<vmem>> -> memref<1x1x32xi32, #tpu.memory_space<vmem>>
      %dma_wait3A_142 = tpu.memref_squeeze %dma_wait3A_141 : memref<1x1x32xi32, #tpu.memory_space<vmem>> -> memref<32xi32, #tpu.memory_space<vmem>>
      %dma_wait3A_143 = arith.constant 0 : i32
      %dma_wait3A_144 = arith.constant 0 : i32
      %dma_wait3A_145 = tpu.memref_slice %arg2[%dma_wait3A_143, %dma_wait3A_144] : memref<10000x128xf32, #tpu.memory_space<hbm>> -> memref<10000x128xf32, #tpu.memory_space<hbm>>
      tpu.wait_indirect_dma semaphore(%arg12 : memref<!tpu.dma_semaphore, #tpu.memory_space<semaphore_mem>>) src(%dma_wait3A_145 : memref<10000x128xf32, #tpu.memory_space<hbm>>) dst(%arg8 : memref<32x128xf32, #tpu.memory_space<vmem>>)
      %run_scoped3A_146 = arith.constant 4 : i32
      "tpu.region"() ({
        %run_scoped3A_183 = tpu.sem_alloc : memref<!tpu.dma_semaphore, #tpu.memory_space<semaphore_mem>>
        %dma_start3A_184 = arith.constant 0 : i32
        %dma_start3A_185 = tpu.memref_slice %arg7[%rem3A_69, %run_scoped3A_146, %dma_start3A_184] : memref<2x8x32xi32, #tpu.memory_space<vmem>> -> memref<1x1x32xi32, #tpu.memory_space<vmem>>
        %dma_start3A_186 = tpu.memref_squeeze %dma_start3A_185 : memref<1x1x32xi32, #tpu.memory_space<vmem>> -> memref<32xi32, #tpu.memory_space<vmem>>
        %dma_start3A_187 = arith.constant 0 : i32
        %dma_start3A_188 = arith.constant 0 : i32
        %dma_start3A_189 = tpu.memref_slice %arg16[%dma_start3A_187, %dma_start3A_188] : memref<10000x128xf32, #tpu.memory_space<vmem_shared>> -> memref<10000x128xf32, #tpu.memory_space<vmem_shared>>
        tpu.enqueue_indirect_dma source(%arg8 : memref<32x128xf32, #tpu.memory_space<vmem>>) target(%dma_start3A_189 : memref<10000x128xf32, #tpu.memory_space<vmem_shared>>) offsets(%dma_start3A_186 : memref<32xi32, #tpu.memory_space<vmem>>) semaphore(%run_scoped3A_183 : memref<!tpu.dma_semaphore, #tpu.memory_space<semaphore_mem>>) {add = true}
        %dma_wait3A_190 = arith.constant 0 : i32
        %dma_wait3A_191 = tpu.memref_slice %arg7[%rem3A_69, %run_scoped3A_146, %dma_wait3A_190] : memref<2x8x32xi32, #tpu.memory_space<vmem>> -> memref<1x1x32xi32, #tpu.memory_space<vmem>>
        %dma_wait3A_192 = tpu.memref_squeeze %dma_wait3A_191 : memref<1x1x32xi32, #tpu.memory_space<vmem>> -> memref<32xi32, #tpu.memory_space<vmem>>
        %dma_wait3A_193 = arith.constant 0 : i32
        %dma_wait3A_194 = arith.constant 0 : i32
        %dma_wait3A_195 = tpu.memref_slice %arg16[%dma_wait3A_193, %dma_wait3A_194] : memref<10000x128xf32, #tpu.memory_space<vmem_shared>> -> memref<10000x128xf32, #tpu.memory_space<vmem_shared>>
        tpu.wait_indirect_dma semaphore(%run_scoped3A_183 : memref<!tpu.dma_semaphore, #tpu.memory_space<semaphore_mem>>) src(%arg8 : memref<32x128xf32, #tpu.memory_space<vmem>>) dst(%dma_wait3A_195 : memref<10000x128xf32, #tpu.memory_space<vmem_shared>>)
        tpu.yield
      }) : () -> ()
      %convert_element_type3A_147 = arith.extui %lt3A_76 : i1 to i32
      %cond3A_148 = arith.constant 0 : i32
      %cond3A_149 = arith.cmpi ne, %convert_element_type3A_147, %cond3A_148 : i32
      scf.if %cond3A_149 {
        %dma_start3A_183 = arith.constant 0 : i32
        %dma_start3A_184 = arith.constant 0 : i32
        %dma_start3A_185 = tpu.memref_slice %arg6[%sub3A_70, %dma_start3A_183, %dma_start3A_184] : memref<2x8x32xi32, #tpu.memory_space<vmem>> -> memref<1x1x32xi32, #tpu.memory_space<vmem>>
        %dma_start3A_186 = tpu.memref_squeeze %dma_start3A_185 : memref<1x1x32xi32, #tpu.memory_space<vmem>> -> memref<32xi32, #tpu.memory_space<vmem>>
        %dma_start3A_187 = arith.constant 0 : i32
        %dma_start3A_188 = arith.constant 0 : i32
        %dma_start3A_189 = tpu.memref_slice %arg2[%dma_start3A_187, %dma_start3A_188] : memref<10000x128xf32, #tpu.memory_space<hbm>> -> memref<10000x128xf32, #tpu.memory_space<hbm>>
        tpu.enqueue_indirect_dma source(%dma_start3A_189 : memref<10000x128xf32, #tpu.memory_space<hbm>>) target(%arg8 : memref<32x128xf32, #tpu.memory_space<vmem>>) offsets(%dma_start3A_186 : memref<32xi32, #tpu.memory_space<vmem>>) semaphore(%arg12 : memref<!tpu.dma_semaphore, #tpu.memory_space<semaphore_mem>>)
      } else {
      }
      %dma_wait3A_150 = arith.constant 5 : i32
      %dma_wait3A_151 = arith.constant 0 : i32
      %dma_wait3A_152 = tpu.memref_slice %arg6[%rem3A_69, %dma_wait3A_150, %dma_wait3A_151] : memref<2x8x32xi32, #tpu.memory_space<vmem>> -> memref<1x1x32xi32, #tpu.memory_space<vmem>>
      %dma_wait3A_153 = tpu.memref_squeeze %dma_wait3A_152 : memref<1x1x32xi32, #tpu.memory_space<vmem>> -> memref<32xi32, #tpu.memory_space<vmem>>
      %dma_wait3A_154 = arith.constant 0 : i32
      %dma_wait3A_155 = arith.constant 0 : i32
      %dma_wait3A_156 = tpu.memref_slice %arg2[%dma_wait3A_154, %dma_wait3A_155] : memref<10000x128xf32, #tpu.memory_space<hbm>> -> memref<10000x128xf32, #tpu.memory_space<hbm>>
      tpu.wait_indirect_dma semaphore(%arg13 : memref<!tpu.dma_semaphore, #tpu.memory_space<semaphore_mem>>) src(%dma_wait3A_156 : memref<10000x128xf32, #tpu.memory_space<hbm>>) dst(%arg9 : memref<32x128xf32, #tpu.memory_space<vmem>>)
      %run_scoped3A_157 = arith.constant 5 : i32
      "tpu.region"() ({
        %run_scoped3A_183 = tpu.sem_alloc : memref<!tpu.dma_semaphore, #tpu.memory_space<semaphore_mem>>
        %dma_start3A_184 = arith.constant 0 : i32
        %dma_start3A_185 = tpu.memref_slice %arg7[%rem3A_69, %run_scoped3A_157, %dma_start3A_184] : memref<2x8x32xi32, #tpu.memory_space<vmem>> -> memref<1x1x32xi32, #tpu.memory_space<vmem>>
        %dma_start3A_186 = tpu.memref_squeeze %dma_start3A_185 : memref<1x1x32xi32, #tpu.memory_space<vmem>> -> memref<32xi32, #tpu.memory_space<vmem>>
        %dma_start3A_187 = arith.constant 0 : i32
        %dma_start3A_188 = arith.constant 0 : i32
        %dma_start3A_189 = tpu.memref_slice %arg16[%dma_start3A_187, %dma_start3A_188] : memref<10000x128xf32, #tpu.memory_space<vmem_shared>> -> memref<10000x128xf32, #tpu.memory_space<vmem_shared>>
        tpu.enqueue_indirect_dma source(%arg9 : memref<32x128xf32, #tpu.memory_space<vmem>>) target(%dma_start3A_189 : memref<10000x128xf32, #tpu.memory_space<vmem_shared>>) offsets(%dma_start3A_186 : memref<32xi32, #tpu.memory_space<vmem>>) semaphore(%run_scoped3A_183 : memref<!tpu.dma_semaphore, #tpu.memory_space<semaphore_mem>>) {add = true}
        %dma_wait3A_190 = arith.constant 0 : i32
        %dma_wait3A_191 = tpu.memref_slice %arg7[%rem3A_69, %run_scoped3A_157, %dma_wait3A_190] : memref<2x8x32xi32, #tpu.memory_space<vmem>> -> memref<1x1x32xi32, #tpu.memory_space<vmem>>
        %dma_wait3A_192 = tpu.memref_squeeze %dma_wait3A_191 : memref<1x1x32xi32, #tpu.memory_space<vmem>> -> memref<32xi32, #tpu.memory_space<vmem>>
        %dma_wait3A_193 = arith.constant 0 : i32
        %dma_wait3A_194 = arith.constant 0 : i32
        %dma_wait3A_195 = tpu.memref_slice %arg16[%dma_wait3A_193, %dma_wait3A_194] : memref<10000x128xf32, #tpu.memory_space<vmem_shared>> -> memref<10000x128xf32, #tpu.memory_space<vmem_shared>>
        tpu.wait_indirect_dma semaphore(%run_scoped3A_183 : memref<!tpu.dma_semaphore, #tpu.memory_space<semaphore_mem>>) src(%arg9 : memref<32x128xf32, #tpu.memory_space<vmem>>) dst(%dma_wait3A_195 : memref<10000x128xf32, #tpu.memory_space<vmem_shared>>)
        tpu.yield
      }) : () -> ()
      %convert_element_type3A_158 = arith.extui %lt3A_76 : i1 to i32
      %cond3A_159 = arith.constant 0 : i32
      %cond3A_160 = arith.cmpi ne, %convert_element_type3A_158, %cond3A_159 : i32
      scf.if %cond3A_160 {
        %dma_start3A_183 = arith.constant 1 : i32
        %dma_start3A_184 = arith.constant 0 : i32
        %dma_start3A_185 = tpu.memref_slice %arg6[%sub3A_70, %dma_start3A_183, %dma_start3A_184] : memref<2x8x32xi32, #tpu.memory_space<vmem>> -> memref<1x1x32xi32, #tpu.memory_space<vmem>>
        %dma_start3A_186 = tpu.memref_squeeze %dma_start3A_185 : memref<1x1x32xi32, #tpu.memory_space<vmem>> -> memref<32xi32, #tpu.memory_space<vmem>>
        %dma_start3A_187 = arith.constant 0 : i32
        %dma_start3A_188 = arith.constant 0 : i32
        %dma_start3A_189 = tpu.memref_slice %arg2[%dma_start3A_187, %dma_start3A_188] : memref<10000x128xf32, #tpu.memory_space<hbm>> -> memref<10000x128xf32, #tpu.memory_space<hbm>>
        tpu.enqueue_indirect_dma source(%dma_start3A_189 : memref<10000x128xf32, #tpu.memory_space<hbm>>) target(%arg9 : memref<32x128xf32, #tpu.memory_space<vmem>>) offsets(%dma_start3A_186 : memref<32xi32, #tpu.memory_space<vmem>>) semaphore(%arg13 : memref<!tpu.dma_semaphore, #tpu.memory_space<semaphore_mem>>)
      } else {
      }
      %dma_wait3A_161 = arith.constant 6 : i32
      %dma_wait3A_162 = arith.constant 0 : i32
      %dma_wait3A_163 = tpu.memref_slice %arg6[%rem3A_69, %dma_wait3A_161, %dma_wait3A_162] : memref<2x8x32xi32, #tpu.memory_space<vmem>> -> memref<1x1x32xi32, #tpu.memory_space<vmem>>
      %dma_wait3A_164 = tpu.memref_squeeze %dma_wait3A_163 : memref<1x1x32xi32, #tpu.memory_space<vmem>> -> memref<32xi32, #tpu.memory_space<vmem>>
      %dma_wait3A_165 = arith.constant 0 : i32
      %dma_wait3A_166 = arith.constant 0 : i32
      %dma_wait3A_167 = tpu.memref_slice %arg2[%dma_wait3A_165, %dma_wait3A_166] : memref<10000x128xf32, #tpu.memory_space<hbm>> -> memref<10000x128xf32, #tpu.memory_space<hbm>>
      tpu.wait_indirect_dma semaphore(%arg14 : memref<!tpu.dma_semaphore, #tpu.memory_space<semaphore_mem>>) src(%dma_wait3A_167 : memref<10000x128xf32, #tpu.memory_space<hbm>>) dst(%arg10 : memref<32x128xf32, #tpu.memory_space<vmem>>)
      %run_scoped3A_168 = arith.constant 6 : i32
      "tpu.region"() ({
        %run_scoped3A_183 = tpu.sem_alloc : memref<!tpu.dma_semaphore, #tpu.memory_space<semaphore_mem>>
        %dma_start3A_184 = arith.constant 0 : i32
        %dma_start3A_185 = tpu.memref_slice %arg7[%rem3A_69, %run_scoped3A_168, %dma_start3A_184] : memref<2x8x32xi32, #tpu.memory_space<vmem>> -> memref<1x1x32xi32, #tpu.memory_space<vmem>>
        %dma_start3A_186 = tpu.memref_squeeze %dma_start3A_185 : memref<1x1x32xi32, #tpu.memory_space<vmem>> -> memref<32xi32, #tpu.memory_space<vmem>>
        %dma_start3A_187 = arith.constant 0 : i32
        %dma_start3A_188 = arith.constant 0 : i32
        %dma_start3A_189 = tpu.memref_slice %arg16[%dma_start3A_187, %dma_start3A_188] : memref<10000x128xf32, #tpu.memory_space<vmem_shared>> -> memref<10000x128xf32, #tpu.memory_space<vmem_shared>>
        tpu.enqueue_indirect_dma source(%arg10 : memref<32x128xf32, #tpu.memory_space<vmem>>) target(%dma_start3A_189 : memref<10000x128xf32, #tpu.memory_space<vmem_shared>>) offsets(%dma_start3A_186 : memref<32xi32, #tpu.memory_space<vmem>>) semaphore(%run_scoped3A_183 : memref<!tpu.dma_semaphore, #tpu.memory_space<semaphore_mem>>) {add = true}
        %dma_wait3A_190 = arith.constant 0 : i32
        %dma_wait3A_191 = tpu.memref_slice %arg7[%rem3A_69, %run_scoped3A_168, %dma_wait3A_190] : memref<2x8x32xi32, #tpu.memory_space<vmem>> -> memref<1x1x32xi32, #tpu.memory_space<vmem>>
        %dma_wait3A_192 = tpu.memref_squeeze %dma_wait3A_191 : memref<1x1x32xi32, #tpu.memory_space<vmem>> -> memref<32xi32, #tpu.memory_space<vmem>>
        %dma_wait3A_193 = arith.constant 0 : i32
        %dma_wait3A_194 = arith.constant 0 : i32
        %dma_wait3A_195 = tpu.memref_slice %arg16[%dma_wait3A_193, %dma_wait3A_194] : memref<10000x128xf32, #tpu.memory_space<vmem_shared>> -> memref<10000x128xf32, #tpu.memory_space<vmem_shared>>
        tpu.wait_indirect_dma semaphore(%run_scoped3A_183 : memref<!tpu.dma_semaphore, #tpu.memory_space<semaphore_mem>>) src(%arg10 : memref<32x128xf32, #tpu.memory_space<vmem>>) dst(%dma_wait3A_195 : memref<10000x128xf32, #tpu.memory_space<vmem_shared>>)
        tpu.yield
      }) : () -> ()
      %convert_element_type3A_169 = arith.extui %lt3A_76 : i1 to i32
      %cond3A_170 = arith.constant 0 : i32
      %cond3A_171 = arith.cmpi ne, %convert_element_type3A_169, %cond3A_170 : i32
      scf.if %cond3A_171 {
        %dma_start3A_183 = arith.constant 2 : i32
        %dma_start3A_184 = arith.constant 0 : i32
        %dma_start3A_185 = tpu.memref_slice %arg6[%sub3A_70, %dma_start3A_183, %dma_start3A_184] : memref<2x8x32xi32, #tpu.memory_space<vmem>> -> memref<1x1x32xi32, #tpu.memory_space<vmem>>
        %dma_start3A_186 = tpu.memref_squeeze %dma_start3A_185 : memref<1x1x32xi32, #tpu.memory_space<vmem>> -> memref<32xi32, #tpu.memory_space<vmem>>
        %dma_start3A_187 = arith.constant 0 : i32
        %dma_start3A_188 = arith.constant 0 : i32
        %dma_start3A_189 = tpu.memref_slice %arg2[%dma_start3A_187, %dma_start3A_188] : memref<10000x128xf32, #tpu.memory_space<hbm>> -> memref<10000x128xf32, #tpu.memory_space<hbm>>
        tpu.enqueue_indirect_dma source(%dma_start3A_189 : memref<10000x128xf32, #tpu.memory_space<hbm>>) target(%arg10 : memref<32x128xf32, #tpu.memory_space<vmem>>) offsets(%dma_start3A_186 : memref<32xi32, #tpu.memory_space<vmem>>) semaphore(%arg14 : memref<!tpu.dma_semaphore, #tpu.memory_space<semaphore_mem>>)
      } else {
      }
      %dma_wait3A_172 = arith.constant 7 : i32
      %dma_wait3A_173 = arith.constant 0 : i32
      %dma_wait3A_174 = tpu.memref_slice %arg6[%rem3A_69, %dma_wait3A_172, %dma_wait3A_173] : memref<2x8x32xi32, #tpu.memory_space<vmem>> -> memref<1x1x32xi32, #tpu.memory_space<vmem>>
      %dma_wait3A_175 = tpu.memref_squeeze %dma_wait3A_174 : memref<1x1x32xi32, #tpu.memory_space<vmem>> -> memref<32xi32, #tpu.memory_space<vmem>>
      %dma_wait3A_176 = arith.constant 0 : i32
      %dma_wait3A_177 = arith.constant 0 : i32
      %dma_wait3A_178 = tpu.memref_slice %arg2[%dma_wait3A_176, %dma_wait3A_177] : memref<10000x128xf32, #tpu.memory_space<hbm>> -> memref<10000x128xf32, #tpu.memory_space<hbm>>
      tpu.wait_indirect_dma semaphore(%arg15 : memref<!tpu.dma_semaphore, #tpu.memory_space<semaphore_mem>>) src(%dma_wait3A_178 : memref<10000x128xf32, #tpu.memory_space<hbm>>) dst(%arg11 : memref<32x128xf32, #tpu.memory_space<vmem>>)
      %run_scoped3A_179 = arith.constant 7 : i32
      "tpu.region"() ({
        %run_scoped3A_183 = tpu.sem_alloc : memref<!tpu.dma_semaphore, #tpu.memory_space<semaphore_mem>>
        %dma_start3A_184 = arith.constant 0 : i32
        %dma_start3A_185 = tpu.memref_slice %arg7[%rem3A_69, %run_scoped3A_179, %dma_start3A_184] : memref<2x8x32xi32, #tpu.memory_space<vmem>> -> memref<1x1x32xi32, #tpu.memory_space<vmem>>
        %dma_start3A_186 = tpu.memref_squeeze %dma_start3A_185 : memref<1x1x32xi32, #tpu.memory_space<vmem>> -> memref<32xi32, #tpu.memory_space<vmem>>
        %dma_start3A_187 = arith.constant 0 : i32
        %dma_start3A_188 = arith.constant 0 : i32
        %dma_start3A_189 = tpu.memref_slice %arg16[%dma_start3A_187, %dma_start3A_188] : memref<10000x128xf32, #tpu.memory_space<vmem_shared>> -> memref<10000x128xf32, #tpu.memory_space<vmem_shared>>
        tpu.enqueue_indirect_dma source(%arg11 : memref<32x128xf32, #tpu.memory_space<vmem>>) target(%dma_start3A_189 : memref<10000x128xf32, #tpu.memory_space<vmem_shared>>) offsets(%dma_start3A_186 : memref<32xi32, #tpu.memory_space<vmem>>) semaphore(%run_scoped3A_183 : memref<!tpu.dma_semaphore, #tpu.memory_space<semaphore_mem>>) {add = true}
        %dma_wait3A_190 = arith.constant 0 : i32
        %dma_wait3A_191 = tpu.memref_slice %arg7[%rem3A_69, %run_scoped3A_179, %dma_wait3A_190] : memref<2x8x32xi32, #tpu.memory_space<vmem>> -> memref<1x1x32xi32, #tpu.memory_space<vmem>>
        %dma_wait3A_192 = tpu.memref_squeeze %dma_wait3A_191 : memref<1x1x32xi32, #tpu.memory_space<vmem>> -> memref<32xi32, #tpu.memory_space<vmem>>
        %dma_wait3A_193 = arith.constant 0 : i32
        %dma_wait3A_194 = arith.constant 0 : i32
        %dma_wait3A_195 = tpu.memref_slice %arg16[%dma_wait3A_193, %dma_wait3A_194] : memref<10000x128xf32, #tpu.memory_space<vmem_shared>> -> memref<10000x128xf32, #tpu.memory_space<vmem_shared>>
        tpu.wait_indirect_dma semaphore(%run_scoped3A_183 : memref<!tpu.dma_semaphore, #tpu.memory_space<semaphore_mem>>) src(%arg11 : memref<32x128xf32, #tpu.memory_space<vmem>>) dst(%dma_wait3A_195 : memref<10000x128xf32, #tpu.memory_space<vmem_shared>>)
        tpu.yield
      }) : () -> ()
      %convert_element_type3A_180 = arith.extui %lt3A_76 : i1 to i32
      %cond3A_181 = arith.constant 0 : i32
      %cond3A_182 = arith.cmpi ne, %convert_element_type3A_180, %cond3A_181 : i32
      scf.if %cond3A_182 {
        %dma_start3A_183 = arith.constant 3 : i32
        %dma_start3A_184 = arith.constant 0 : i32
        %dma_start3A_185 = tpu.memref_slice %arg6[%sub3A_70, %dma_start3A_183, %dma_start3A_184] : memref<2x8x32xi32, #tpu.memory_space<vmem>> -> memref<1x1x32xi32, #tpu.memory_space<vmem>>
        %dma_start3A_186 = tpu.memref_squeeze %dma_start3A_185 : memref<1x1x32xi32, #tpu.memory_space<vmem>> -> memref<32xi32, #tpu.memory_space<vmem>>
        %dma_start3A_187 = arith.constant 0 : i32
        %dma_start3A_188 = arith.constant 0 : i32
        %dma_start3A_189 = tpu.memref_slice %arg2[%dma_start3A_187, %dma_start3A_188] : memref<10000x128xf32, #tpu.memory_space<hbm>> -> memref<10000x128xf32, #tpu.memory_space<hbm>>
        tpu.enqueue_indirect_dma source(%dma_start3A_189 : memref<10000x128xf32, #tpu.memory_space<hbm>>) target(%arg11 : memref<32x128xf32, #tpu.memory_space<vmem>>) offsets(%dma_start3A_186 : memref<32xi32, #tpu.memory_space<vmem>>) semaphore(%arg15 : memref<!tpu.dma_semaphore, #tpu.memory_space<semaphore_mem>>)
      } else {
      }
    }
    %while3A_55 = arith.constant 1 : i32
    scf.for %while3A_68 = %while3A_53 to %while3A_49 step %while3A_55  : i32 {
      %rem3A = arith.constant 2 : i32
      %rem3A_69 = arith.remsi %while3A_68, %rem3A : i32
      %sub3A = arith.constant 1 : i32
      %sub3A_70 = arith.subi %sub3A, %rem3A_69 : i32
      %add3A_71 = arith.addi %add3A, %while3A_68 : i32
      %add3A_72 = arith.constant 1 : i32
      %add3A_73 = arith.addi %add3A_71, %add3A_72 : i32
      %add3A_74 = arith.constant 1 : i32
      %add3A_75 = arith.addi %while3A_68, %add3A_74 : i32
      %lt3A_76 = arith.cmpi slt, %add3A_75, %select_n3A : i32
      %dma_wait3A = arith.constant 0 : i32
      %dma_wait3A_77 = arith.constant 0 : i32
      %dma_wait3A_78 = tpu.memref_slice %arg6[%rem3A_69, %dma_wait3A, %dma_wait3A_77] : memref<2x8x32xi32, #tpu.memory_space<vmem>> -> memref<1x1x32xi32, #tpu.memory_space<vmem>>
      %dma_wait3A_79 = tpu.memref_squeeze %dma_wait3A_78 : memref<1x1x32xi32, #tpu.memory_space<vmem>> -> memref<32xi32, #tpu.memory_space<vmem>>
      %dma_wait3A_80 = arith.constant 0 : i32
      %dma_wait3A_81 = arith.constant 0 : i32
      %dma_wait3A_82 = tpu.memref_slice %arg2[%dma_wait3A_80, %dma_wait3A_81] : memref<10000x128xf32, #tpu.memory_space<hbm>> -> memref<10000x128xf32, #tpu.memory_space<hbm>>
      tpu.wait_indirect_dma semaphore(%arg12 : memref<!tpu.dma_semaphore, #tpu.memory_space<semaphore_mem>>) src(%dma_wait3A_82 : memref<10000x128xf32, #tpu.memory_space<hbm>>) dst(%arg8 : memref<32x128xf32, #tpu.memory_space<vmem>>)
      %run_scoped3A_83 = arith.constant 0 : i32
      "tpu.region"() ({
        %run_scoped3A_183 = tpu.sem_alloc : memref<!tpu.dma_semaphore, #tpu.memory_space<semaphore_mem>>
        %dma_start3A_184 = arith.constant 0 : i32
        %dma_start3A_185 = tpu.memref_slice %arg7[%rem3A_69, %run_scoped3A_83, %dma_start3A_184] : memref<2x8x32xi32, #tpu.memory_space<vmem>> -> memref<1x1x32xi32, #tpu.memory_space<vmem>>
        %dma_start3A_186 = tpu.memref_squeeze %dma_start3A_185 : memref<1x1x32xi32, #tpu.memory_space<vmem>> -> memref<32xi32, #tpu.memory_space<vmem>>
        %dma_start3A_187 = arith.constant 0 : i32
        %dma_start3A_188 = arith.constant 0 : i32
        %dma_start3A_189 = tpu.memref_slice %arg16[%dma_start3A_187, %dma_start3A_188] : memref<10000x128xf32, #tpu.memory_space<vmem_shared>> -> memref<10000x128xf32, #tpu.memory_space<vmem_shared>>
        tpu.enqueue_indirect_dma source(%arg8 : memref<32x128xf32, #tpu.memory_space<vmem>>) target(%dma_start3A_189 : memref<10000x128xf32, #tpu.memory_space<vmem_shared>>) offsets(%dma_start3A_186 : memref<32xi32, #tpu.memory_space<vmem>>) semaphore(%run_scoped3A_183 : memref<!tpu.dma_semaphore, #tpu.memory_space<semaphore_mem>>) {add = true}
        %dma_wait3A_190 = arith.constant 0 : i32
        %dma_wait3A_191 = tpu.memref_slice %arg7[%rem3A_69, %run_scoped3A_83, %dma_wait3A_190] : memref<2x8x32xi32, #tpu.memory_space<vmem>> -> memref<1x1x32xi32, #tpu.memory_space<vmem>>
        %dma_wait3A_192 = tpu.memref_squeeze %dma_wait3A_191 : memref<1x1x32xi32, #tpu.memory_space<vmem>> -> memref<32xi32, #tpu.memory_space<vmem>>
        %dma_wait3A_193 = arith.constant 0 : i32
        %dma_wait3A_194 = arith.constant 0 : i32
        %dma_wait3A_195 = tpu.memref_slice %arg16[%dma_wait3A_193, %dma_wait3A_194] : memref<10000x128xf32, #tpu.memory_space<vmem_shared>> -> memref<10000x128xf32, #tpu.memory_space<vmem_shared>>
        tpu.wait_indirect_dma semaphore(%run_scoped3A_183 : memref<!tpu.dma_semaphore, #tpu.memory_space<semaphore_mem>>) src(%arg8 : memref<32x128xf32, #tpu.memory_space<vmem>>) dst(%dma_wait3A_195 : memref<10000x128xf32, #tpu.memory_space<vmem_shared>>)
        tpu.yield
      }) : () -> ()
      %dma_start3A_84 = arith.constant 4 : i32
      %dma_start3A_85 = arith.constant 0 : i32
      %dma_start3A_86 = tpu.memref_slice %arg6[%rem3A_69, %dma_start3A_84, %dma_start3A_85] : memref<2x8x32xi32, #tpu.memory_space<vmem>> -> memref<1x1x32xi32, #tpu.memory_space<vmem>>
      %dma_start3A_87 = tpu.memref_squeeze %dma_start3A_86 : memref<1x1x32xi32, #tpu.memory_space<vmem>> -> memref<32xi32, #tpu.memory_space<vmem>>
      %dma_start3A_88 = arith.constant 0 : i32
      %dma_start3A_89 = arith.constant 0 : i32
      %dma_start3A_90 = tpu.memref_slice %arg2[%dma_start3A_88, %dma_start3A_89] : memref<10000x128xf32, #tpu.memory_space<hbm>> -> memref<10000x128xf32, #tpu.memory_space<hbm>>
      tpu.enqueue_indirect_dma source(%dma_start3A_90 : memref<10000x128xf32, #tpu.memory_space<hbm>>) target(%arg8 : memref<32x128xf32, #tpu.memory_space<vmem>>) offsets(%dma_start3A_87 : memref<32xi32, #tpu.memory_space<vmem>>) semaphore(%arg12 : memref<!tpu.dma_semaphore, #tpu.memory_space<semaphore_mem>>)
      %dma_wait3A_91 = arith.constant 1 : i32
      %dma_wait3A_92 = arith.constant 0 : i32
      %dma_wait3A_93 = tpu.memref_slice %arg6[%rem3A_69, %dma_wait3A_91, %dma_wait3A_92] : memref<2x8x32xi32, #tpu.memory_space<vmem>> -> memref<1x1x32xi32, #tpu.memory_space<vmem>>
      %dma_wait3A_94 = tpu.memref_squeeze %dma_wait3A_93 : memref<1x1x32xi32, #tpu.memory_space<vmem>> -> memref<32xi32, #tpu.memory_space<vmem>>
      %dma_wait3A_95 = arith.constant 0 : i32
      %dma_wait3A_96 = arith.constant 0 : i32
      %dma_wait3A_97 = tpu.memref_slice %arg2[%dma_wait3A_95, %dma_wait3A_96] : memref<10000x128xf32, #tpu.memory_space<hbm>> -> memref<10000x128xf32, #tpu.memory_space<hbm>>
      tpu.wait_indirect_dma semaphore(%arg13 : memref<!tpu.dma_semaphore, #tpu.memory_space<semaphore_mem>>) src(%dma_wait3A_97 : memref<10000x128xf32, #tpu.memory_space<hbm>>) dst(%arg9 : memref<32x128xf32, #tpu.memory_space<vmem>>)
      %run_scoped3A_98 = arith.constant 1 : i32
      "tpu.region"() ({
        %run_scoped3A_183 = tpu.sem_alloc : memref<!tpu.dma_semaphore, #tpu.memory_space<semaphore_mem>>
        %dma_start3A_184 = arith.constant 0 : i32
        %dma_start3A_185 = tpu.memref_slice %arg7[%rem3A_69, %run_scoped3A_98, %dma_start3A_184] : memref<2x8x32xi32, #tpu.memory_space<vmem>> -> memref<1x1x32xi32, #tpu.memory_space<vmem>>
        %dma_start3A_186 = tpu.memref_squeeze %dma_start3A_185 : memref<1x1x32xi32, #tpu.memory_space<vmem>> -> memref<32xi32, #tpu.memory_space<vmem>>
        %dma_start3A_187 = arith.constant 0 : i32
        %dma_start3A_188 = arith.constant 0 : i32
        %dma_start3A_189 = tpu.memref_slice %arg16[%dma_start3A_187, %dma_start3A_188] : memref<10000x128xf32, #tpu.memory_space<vmem_shared>> -> memref<10000x128xf32, #tpu.memory_space<vmem_shared>>
        tpu.enqueue_indirect_dma source(%arg9 : memref<32x128xf32, #tpu.memory_space<vmem>>) target(%dma_start3A_189 : memref<10000x128xf32, #tpu.memory_space<vmem_shared>>) offsets(%dma_start3A_186 : memref<32xi32, #tpu.memory_space<vmem>>) semaphore(%run_scoped3A_183 : memref<!tpu.dma_semaphore, #tpu.memory_space<semaphore_mem>>) {add = true}
        %dma_wait3A_190 = arith.constant 0 : i32
        %dma_wait3A_191 = tpu.memref_slice %arg7[%rem3A_69, %run_scoped3A_98, %dma_wait3A_190] : memref<2x8x32xi32, #tpu.memory_space<vmem>> -> memref<1x1x32xi32, #tpu.memory_space<vmem>>
        %dma_wait3A_192 = tpu.memref_squeeze %dma_wait3A_191 : memref<1x1x32xi32, #tpu.memory_space<vmem>> -> memref<32xi32, #tpu.memory_space<vmem>>
        %dma_wait3A_193 = arith.constant 0 : i32
        %dma_wait3A_194 = arith.constant 0 : i32
        %dma_wait3A_195 = tpu.memref_slice %arg16[%dma_wait3A_193, %dma_wait3A_194] : memref<10000x128xf32, #tpu.memory_space<vmem_shared>> -> memref<10000x128xf32, #tpu.memory_space<vmem_shared>>
        tpu.wait_indirect_dma semaphore(%run_scoped3A_183 : memref<!tpu.dma_semaphore, #tpu.memory_space<semaphore_mem>>) src(%arg9 : memref<32x128xf32, #tpu.memory_space<vmem>>) dst(%dma_wait3A_195 : memref<10000x128xf32, #tpu.memory_space<vmem_shared>>)
        tpu.yield
      }) : () -> ()
      %dma_start3A_99 = arith.constant 5 : i32
      %dma_start3A_100 = arith.constant 0 : i32
      %dma_start3A_101 = tpu.memref_slice %arg6[%rem3A_69, %dma_start3A_99, %dma_start3A_100] : memref<2x8x32xi32, #tpu.memory_space<vmem>> -> memref<1x1x32xi32, #tpu.memory_space<vmem>>
      %dma_start3A_102 = tpu.memref_squeeze %dma_start3A_101 : memref<1x1x32xi32, #tpu.memory_space<vmem>> -> memref<32xi32, #tpu.memory_space<vmem>>
      %dma_start3A_103 = arith.constant 0 : i32
      %dma_start3A_104 = arith.constant 0 : i32
      %dma_start3A_105 = tpu.memref_slice %arg2[%dma_start3A_103, %dma_start3A_104] : memref<10000x128xf32, #tpu.memory_space<hbm>> -> memref<10000x128xf32, #tpu.memory_space<hbm>>
      tpu.enqueue_indirect_dma source(%dma_start3A_105 : memref<10000x128xf32, #tpu.memory_space<hbm>>) target(%arg9 : memref<32x128xf32, #tpu.memory_space<vmem>>) offsets(%dma_start3A_102 : memref<32xi32, #tpu.memory_space<vmem>>) semaphore(%arg13 : memref<!tpu.dma_semaphore, #tpu.memory_space<semaphore_mem>>)
      %dma_wait3A_106 = arith.constant 2 : i32
      %dma_wait3A_107 = arith.constant 0 : i32
      %dma_wait3A_108 = tpu.memref_slice %arg6[%rem3A_69, %dma_wait3A_106, %dma_wait3A_107] : memref<2x8x32xi32, #tpu.memory_space<vmem>> -> memref<1x1x32xi32, #tpu.memory_space<vmem>>
      %dma_wait3A_109 = tpu.memref_squeeze %dma_wait3A_108 : memref<1x1x32xi32, #tpu.memory_space<vmem>> -> memref<32xi32, #tpu.memory_space<vmem>>
      %dma_wait3A_110 = arith.constant 0 : i32
      %dma_wait3A_111 = arith.constant 0 : i32
      %dma_wait3A_112 = tpu.memref_slice %arg2[%dma_wait3A_110, %dma_wait3A_111] : memref<10000x128xf32, #tpu.memory_space<hbm>> -> memref<10000x128xf32, #tpu.memory_space<hbm>>
      tpu.wait_indirect_dma semaphore(%arg14 : memref<!tpu.dma_semaphore, #tpu.memory_space<semaphore_mem>>) src(%dma_wait3A_112 : memref<10000x128xf32, #tpu.memory_space<hbm>>) dst(%arg10 : memref<32x128xf32, #tpu.memory_space<vmem>>)
      %run_scoped3A_113 = arith.constant 2 : i32
      "tpu.region"() ({
        %run_scoped3A_183 = tpu.sem_alloc : memref<!tpu.dma_semaphore, #tpu.memory_space<semaphore_mem>>
        %dma_start3A_184 = arith.constant 0 : i32
        %dma_start3A_185 = tpu.memref_slice %arg7[%rem3A_69, %run_scoped3A_113, %dma_start3A_184] : memref<2x8x32xi32, #tpu.memory_space<vmem>> -> memref<1x1x32xi32, #tpu.memory_space<vmem>>
        %dma_start3A_186 = tpu.memref_squeeze %dma_start3A_185 : memref<1x1x32xi32, #tpu.memory_space<vmem>> -> memref<32xi32, #tpu.memory_space<vmem>>
        %dma_start3A_187 = arith.constant 0 : i32
        %dma_start3A_188 = arith.constant 0 : i32
        %dma_start3A_189 = tpu.memref_slice %arg16[%dma_start3A_187, %dma_start3A_188] : memref<10000x128xf32, #tpu.memory_space<vmem_shared>> -> memref<10000x128xf32, #tpu.memory_space<vmem_shared>>
        tpu.enqueue_indirect_dma source(%arg10 : memref<32x128xf32, #tpu.memory_space<vmem>>) target(%dma_start3A_189 : memref<10000x128xf32, #tpu.memory_space<vmem_shared>>) offsets(%dma_start3A_186 : memref<32xi32, #tpu.memory_space<vmem>>) semaphore(%run_scoped3A_183 : memref<!tpu.dma_semaphore, #tpu.memory_space<semaphore_mem>>) {add = true}
        %dma_wait3A_190 = arith.constant 0 : i32
        %dma_wait3A_191 = tpu.memref_slice %arg7[%rem3A_69, %run_scoped3A_113, %dma_wait3A_190] : memref<2x8x32xi32, #tpu.memory_space<vmem>> -> memref<1x1x32xi32, #tpu.memory_space<vmem>>
        %dma_wait3A_192 = tpu.memref_squeeze %dma_wait3A_191 : memref<1x1x32xi32, #tpu.memory_space<vmem>> -> memref<32xi32, #tpu.memory_space<vmem>>
        %dma_wait3A_193 = arith.constant 0 : i32
        %dma_wait3A_194 = arith.constant 0 : i32
        %dma_wait3A_195 = tpu.memref_slice %arg16[%dma_wait3A_193, %dma_wait3A_194] : memref<10000x128xf32, #tpu.memory_space<vmem_shared>> -> memref<10000x128xf32, #tpu.memory_space<vmem_shared>>
        tpu.wait_indirect_dma semaphore(%run_scoped3A_183 : memref<!tpu.dma_semaphore, #tpu.memory_space<semaphore_mem>>) src(%arg10 : memref<32x128xf32, #tpu.memory_space<vmem>>) dst(%dma_wait3A_195 : memref<10000x128xf32, #tpu.memory_space<vmem_shared>>)
        tpu.yield
      }) : () -> ()
      %dma_start3A_114 = arith.constant 6 : i32
      %dma_start3A_115 = arith.constant 0 : i32
      %dma_start3A_116 = tpu.memref_slice %arg6[%rem3A_69, %dma_start3A_114, %dma_start3A_115] : memref<2x8x32xi32, #tpu.memory_space<vmem>> -> memref<1x1x32xi32, #tpu.memory_space<vmem>>
      %dma_start3A_117 = tpu.memref_squeeze %dma_start3A_116 : memref<1x1x32xi32, #tpu.memory_space<vmem>> -> memref<32xi32, #tpu.memory_space<vmem>>
      %dma_start3A_118 = arith.constant 0 : i32
      %dma_start3A_119 = arith.constant 0 : i32
      %dma_start3A_120 = tpu.memref_slice %arg2[%dma_start3A_118, %dma_start3A_119] : memref<10000x128xf32, #tpu.memory_space<hbm>> -> memref<10000x128xf32, #tpu.memory_space<hbm>>
      tpu.enqueue_indirect_dma source(%dma_start3A_120 : memref<10000x128xf32, #tpu.memory_space<hbm>>) target(%arg10 : memref<32x128xf32, #tpu.memory_space<vmem>>) offsets(%dma_start3A_117 : memref<32xi32, #tpu.memory_space<vmem>>) semaphore(%arg14 : memref<!tpu.dma_semaphore, #tpu.memory_space<semaphore_mem>>)
      %dma_wait3A_121 = arith.constant 3 : i32
      %dma_wait3A_122 = arith.constant 0 : i32
      %dma_wait3A_123 = tpu.memref_slice %arg6[%rem3A_69, %dma_wait3A_121, %dma_wait3A_122] : memref<2x8x32xi32, #tpu.memory_space<vmem>> -> memref<1x1x32xi32, #tpu.memory_space<vmem>>
      %dma_wait3A_124 = tpu.memref_squeeze %dma_wait3A_123 : memref<1x1x32xi32, #tpu.memory_space<vmem>> -> memref<32xi32, #tpu.memory_space<vmem>>
      %dma_wait3A_125 = arith.constant 0 : i32
      %dma_wait3A_126 = arith.constant 0 : i32
      %dma_wait3A_127 = tpu.memref_slice %arg2[%dma_wait3A_125, %dma_wait3A_126] : memref<10000x128xf32, #tpu.memory_space<hbm>> -> memref<10000x128xf32, #tpu.memory_space<hbm>>
      tpu.wait_indirect_dma semaphore(%arg15 : memref<!tpu.dma_semaphore, #tpu.memory_space<semaphore_mem>>) src(%dma_wait3A_127 : memref<10000x128xf32, #tpu.memory_space<hbm>>) dst(%arg11 : memref<32x128xf32, #tpu.memory_space<vmem>>)
      %run_scoped3A_128 = arith.constant 3 : i32
      "tpu.region"() ({
        %run_scoped3A_183 = tpu.sem_alloc : memref<!tpu.dma_semaphore, #tpu.memory_space<semaphore_mem>>
        %dma_start3A_184 = arith.constant 0 : i32
        %dma_start3A_185 = tpu.memref_slice %arg7[%rem3A_69, %run_scoped3A_128, %dma_start3A_184] : memref<2x8x32xi32, #tpu.memory_space<vmem>> -> memref<1x1x32xi32, #tpu.memory_space<vmem>>
        %dma_start3A_186 = tpu.memref_squeeze %dma_start3A_185 : memref<1x1x32xi32, #tpu.memory_space<vmem>> -> memref<32xi32, #tpu.memory_space<vmem>>
        %dma_start3A_187 = arith.constant 0 : i32
        %dma_start3A_188 = arith.constant 0 : i32
        %dma_start3A_189 = tpu.memref_slice %arg16[%dma_start3A_187, %dma_start3A_188] : memref<10000x128xf32, #tpu.memory_space<vmem_shared>> -> memref<10000x128xf32, #tpu.memory_space<vmem_shared>>
        tpu.enqueue_indirect_dma source(%arg11 : memref<32x128xf32, #tpu.memory_space<vmem>>) target(%dma_start3A_189 : memref<10000x128xf32, #tpu.memory_space<vmem_shared>>) offsets(%dma_start3A_186 : memref<32xi32, #tpu.memory_space<vmem>>) semaphore(%run_scoped3A_183 : memref<!tpu.dma_semaphore, #tpu.memory_space<semaphore_mem>>) {add = true}
        %dma_wait3A_190 = arith.constant 0 : i32
        %dma_wait3A_191 = tpu.memref_slice %arg7[%rem3A_69, %run_scoped3A_128, %dma_wait3A_190] : memref<2x8x32xi32, #tpu.memory_space<vmem>> -> memref<1x1x32xi32, #tpu.memory_space<vmem>>
        %dma_wait3A_192 = tpu.memref_squeeze %dma_wait3A_191 : memref<1x1x32xi32, #tpu.memory_space<vmem>> -> memref<32xi32, #tpu.memory_space<vmem>>
        %dma_wait3A_193 = arith.constant 0 : i32
        %dma_wait3A_194 = arith.constant 0 : i32
        %dma_wait3A_195 = tpu.memref_slice %arg16[%dma_wait3A_193, %dma_wait3A_194] : memref<10000x128xf32, #tpu.memory_space<vmem_shared>> -> memref<10000x128xf32, #tpu.memory_space<vmem_shared>>
        tpu.wait_indirect_dma semaphore(%run_scoped3A_183 : memref<!tpu.dma_semaphore, #tpu.memory_space<semaphore_mem>>) src(%arg11 : memref<32x128xf32, #tpu.memory_space<vmem>>) dst(%dma_wait3A_195 : memref<10000x128xf32, #tpu.memory_space<vmem_shared>>)
        tpu.yield
      }) : () -> ()
      %dma_start3A_129 = arith.constant 7 : i32
      %dma_start3A_130 = arith.constant 0 : i32
      %dma_start3A_131 = tpu.memref_slice %arg6[%rem3A_69, %dma_start3A_129, %dma_start3A_130] : memref<2x8x32xi32, #tpu.memory_space<vmem>> -> memref<1x1x32xi32, #tpu.memory_space<vmem>>
      %dma_start3A_132 = tpu.memref_squeeze %dma_start3A_131 : memref<1x1x32xi32, #tpu.memory_space<vmem>> -> memref<32xi32, #tpu.memory_space<vmem>>
      %dma_start3A_133 = arith.constant 0 : i32
      %dma_start3A_134 = arith.constant 0 : i32
      %dma_start3A_135 = tpu.memref_slice %arg2[%dma_start3A_133, %dma_start3A_134] : memref<10000x128xf32, #tpu.memory_space<hbm>> -> memref<10000x128xf32, #tpu.memory_space<hbm>>
      tpu.enqueue_indirect_dma source(%dma_start3A_135 : memref<10000x128xf32, #tpu.memory_space<hbm>>) target(%arg11 : memref<32x128xf32, #tpu.memory_space<vmem>>) offsets(%dma_start3A_132 : memref<32xi32, #tpu.memory_space<vmem>>) semaphore(%arg15 : memref<!tpu.dma_semaphore, #tpu.memory_space<semaphore_mem>>)
      %convert_element_type3A_136 = arith.extui %lt3A_76 : i1 to i32
      %cond3A_137 = arith.constant 0 : i32
      %cond3A_138 = arith.cmpi ne, %convert_element_type3A_136, %cond3A_137 : i32
      scf.if %cond3A_138 {
        %run_scoped3A_183 = arith.constant 0 : i32
        "tpu.region"() ({
          %run_scoped3A_185 = tpu.sem_alloc : memref<!tpu.dma_semaphore, #tpu.memory_space<semaphore_mem>>
          %dma_start3A_186 = arith.constant 0 : i32
          %dma_start3A_187 = arith.constant 0 : i32
          %dma_start3A_188 = tpu.memref_slice %arg6[%sub3A_70, %dma_start3A_186, %dma_start3A_187] : memref<2x8x32xi32, #tpu.memory_space<vmem>> -> memref<1x8x32xi32, #tpu.memory_space<vmem>>
          %dma_start3A_189 = tpu.memref_squeeze %dma_start3A_188 : memref<1x8x32xi32, #tpu.memory_space<vmem>> -> memref<8x32xi32, #tpu.memory_space<vmem>>
          %dma_start3A_190 = arith.constant 0 : i32
          %dma_start3A_191 = arith.constant 0 : i32
          %dma_start3A_192 = tpu.memref_slice %arg3[%run_scoped3A_183, %add3A_73, %dma_start3A_190, %dma_start3A_191] : memref<2x1250x8x32xi32, #tpu.memory_space<hbm>> -> memref<1x1x8x32xi32, #tpu.memory_space<hbm>>
          %dma_start3A_193 = tpu.memref_squeeze %dma_start3A_192 : memref<1x1x8x32xi32, #tpu.memory_space<hbm>> -> memref<8x32xi32, #tpu.memory_space<hbm>>
          %dma_start3A_194 = arith.constant 0 : i32
          %dma_start3A_195 = arith.constant 0 : i32
          %dma_start3A_196 = tpu.memref_slice %arg6[%sub3A_70, %dma_start3A_194, %dma_start3A_195] : memref<2x8x32xi32, #tpu.memory_space<vmem>> -> memref<1x8x32xi32, #tpu.memory_space<vmem>>
          %dma_start3A_197 = tpu.memref_squeeze %dma_start3A_196 : memref<1x8x32xi32, #tpu.memory_space<vmem>> -> memref<8x32xi32, #tpu.memory_space<vmem>>
          %dma_start3A_198 = arith.constant 0 : i32
          %dma_start3A_199 = arith.constant 0 : i32
          %dma_start3A_200 = tpu.memref_slice %arg3[%run_scoped3A_183, %add3A_73, %dma_start3A_198, %dma_start3A_199] : memref<2x1250x8x32xi32, #tpu.memory_space<hbm>> -> memref<1x1x8x32xi32, #tpu.memory_space<hbm>>
          %dma_start3A_201 = tpu.memref_squeeze %dma_start3A_200 : memref<1x1x8x32xi32, #tpu.memory_space<hbm>> -> memref<8x32xi32, #tpu.memory_space<hbm>>
          tpu.enqueue_dma source(%dma_start3A_201 : memref<8x32xi32, #tpu.memory_space<hbm>>) target(%dma_start3A_197 : memref<8x32xi32, #tpu.memory_space<vmem>>) target_semaphore(%run_scoped3A_185 : memref<!tpu.dma_semaphore, #tpu.memory_space<semaphore_mem>>)
          %dma_wait3A_202 = arith.constant 0 : i32
          %dma_wait3A_203 = arith.constant 0 : i32
          %dma_wait3A_204 = tpu.memref_slice %arg6[%sub3A_70, %dma_wait3A_202, %dma_wait3A_203] : memref<2x8x32xi32, #tpu.memory_space<vmem>> -> memref<1x8x32xi32, #tpu.memory_space<vmem>>
          %dma_wait3A_205 = tpu.memref_squeeze %dma_wait3A_204 : memref<1x8x32xi32, #tpu.memory_space<vmem>> -> memref<8x32xi32, #tpu.memory_space<vmem>>
          %dma_wait3A_206 = arith.constant 0 : i32
          %dma_wait3A_207 = arith.constant 0 : i32
          %dma_wait3A_208 = tpu.memref_slice %arg3[%run_scoped3A_183, %add3A_73, %dma_wait3A_206, %dma_wait3A_207] : memref<2x1250x8x32xi32, #tpu.memory_space<hbm>> -> memref<1x1x8x32xi32, #tpu.memory_space<hbm>>
          %dma_wait3A_209 = tpu.memref_squeeze %dma_wait3A_208 : memref<1x1x8x32xi32, #tpu.memory_space<hbm>> -> memref<8x32xi32, #tpu.memory_space<hbm>>
          %dma_wait3A_210 = arith.constant 0 : i32
          %dma_wait3A_211 = arith.constant 0 : i32
          %dma_wait3A_212 = tpu.memref_slice %arg6[%sub3A_70, %dma_wait3A_210, %dma_wait3A_211] : memref<2x8x32xi32, #tpu.memory_space<vmem>> -> memref<1x8x32xi32, #tpu.memory_space<vmem>>
          %dma_wait3A_213 = tpu.memref_squeeze %dma_wait3A_212 : memref<1x8x32xi32, #tpu.memory_space<vmem>> -> memref<8x32xi32, #tpu.memory_space<vmem>>
          %dma_wait3A_214 = arith.constant 0 : i32
          %dma_wait3A_215 = arith.constant 0 : i32
          %dma_wait3A_216 = tpu.memref_slice %arg3[%run_scoped3A_183, %add3A_73, %dma_wait3A_214, %dma_wait3A_215] : memref<2x1250x8x32xi32, #tpu.memory_space<hbm>> -> memref<1x1x8x32xi32, #tpu.memory_space<hbm>>
          %dma_wait3A_217 = tpu.memref_squeeze %dma_wait3A_216 : memref<1x1x8x32xi32, #tpu.memory_space<hbm>> -> memref<8x32xi32, #tpu.memory_space<hbm>>
          tpu.wait_dma2 semaphore(%run_scoped3A_185 : memref<!tpu.dma_semaphore, #tpu.memory_space<semaphore_mem>>) src(%dma_wait3A_217 : memref<8x32xi32, #tpu.memory_space<hbm>>) dst(%dma_wait3A_213 : memref<8x32xi32, #tpu.memory_space<vmem>>)
          tpu.yield
        }) : () -> ()
        %run_scoped3A_184 = arith.constant 1 : i32
        "tpu.region"() ({
          %run_scoped3A_185 = tpu.sem_alloc : memref<!tpu.dma_semaphore, #tpu.memory_space<semaphore_mem>>
          %dma_start3A_186 = arith.constant 0 : i32
          %dma_start3A_187 = arith.constant 0 : i32
          %dma_start3A_188 = tpu.memref_slice %arg7[%sub3A_70, %dma_start3A_186, %dma_start3A_187] : memref<2x8x32xi32, #tpu.memory_space<vmem>> -> memref<1x8x32xi32, #tpu.memory_space<vmem>>
          %dma_start3A_189 = tpu.memref_squeeze %dma_start3A_188 : memref<1x8x32xi32, #tpu.memory_space<vmem>> -> memref<8x32xi32, #tpu.memory_space<vmem>>
          %dma_start3A_190 = arith.constant 0 : i32
          %dma_start3A_191 = arith.constant 0 : i32
          %dma_start3A_192 = tpu.memref_slice %arg3[%run_scoped3A_184, %add3A_73, %dma_start3A_190, %dma_start3A_191] : memref<2x1250x8x32xi32, #tpu.memory_space<hbm>> -> memref<1x1x8x32xi32, #tpu.memory_space<hbm>>
          %dma_start3A_193 = tpu.memref_squeeze %dma_start3A_192 : memref<1x1x8x32xi32, #tpu.memory_space<hbm>> -> memref<8x32xi32, #tpu.memory_space<hbm>>
          %dma_start3A_194 = arith.constant 0 : i32
          %dma_start3A_195 = arith.constant 0 : i32
          %dma_start3A_196 = tpu.memref_slice %arg7[%sub3A_70, %dma_start3A_194, %dma_start3A_195] : memref<2x8x32xi32, #tpu.memory_space<vmem>> -> memref<1x8x32xi32, #tpu.memory_space<vmem>>
          %dma_start3A_197 = tpu.memref_squeeze %dma_start3A_196 : memref<1x8x32xi32, #tpu.memory_space<vmem>> -> memref<8x32xi32, #tpu.memory_space<vmem>>
          %dma_start3A_198 = arith.constant 0 : i32
          %dma_start3A_199 = arith.constant 0 : i32
          %dma_start3A_200 = tpu.memref_slice %arg3[%run_scoped3A_184, %add3A_73, %dma_start3A_198, %dma_start3A_199] : memref<2x1250x8x32xi32, #tpu.memory_space<hbm>> -> memref<1x1x8x32xi32, #tpu.memory_space<hbm>>
          %dma_start3A_201 = tpu.memref_squeeze %dma_start3A_200 : memref<1x1x8x32xi32, #tpu.memory_space<hbm>> -> memref<8x32xi32, #tpu.memory_space<hbm>>
          tpu.enqueue_dma source(%dma_start3A_201 : memref<8x32xi32, #tpu.memory_space<hbm>>) target(%dma_start3A_197 : memref<8x32xi32, #tpu.memory_space<vmem>>) target_semaphore(%run_scoped3A_185 : memref<!tpu.dma_semaphore, #tpu.memory_space<semaphore_mem>>)
          %dma_wait3A_202 = arith.constant 0 : i32
          %dma_wait3A_203 = arith.constant 0 : i32
          %dma_wait3A_204 = tpu.memref_slice %arg7[%sub3A_70, %dma_wait3A_202, %dma_wait3A_203] : memref<2x8x32xi32, #tpu.memory_space<vmem>> -> memref<1x8x32xi32, #tpu.memory_space<vmem>>
          %dma_wait3A_205 = tpu.memref_squeeze %dma_wait3A_204 : memref<1x8x32xi32, #tpu.memory_space<vmem>> -> memref<8x32xi32, #tpu.memory_space<vmem>>
          %dma_wait3A_206 = arith.constant 0 : i32
          %dma_wait3A_207 = arith.constant 0 : i32
          %dma_wait3A_208 = tpu.memref_slice %arg3[%run_scoped3A_184, %add3A_73, %dma_wait3A_206, %dma_wait3A_207] : memref<2x1250x8x32xi32, #tpu.memory_space<hbm>> -> memref<1x1x8x32xi32, #tpu.memory_space<hbm>>
          %dma_wait3A_209 = tpu.memref_squeeze %dma_wait3A_208 : memref<1x1x8x32xi32, #tpu.memory_space<hbm>> -> memref<8x32xi32, #tpu.memory_space<hbm>>
          %dma_wait3A_210 = arith.constant 0 : i32
          %dma_wait3A_211 = arith.constant 0 : i32
          %dma_wait3A_212 = tpu.memref_slice %arg7[%sub3A_70, %dma_wait3A_210, %dma_wait3A_211] : memref<2x8x32xi32, #tpu.memory_space<vmem>> -> memref<1x8x32xi32, #tpu.memory_space<vmem>>
          %dma_wait3A_213 = tpu.memref_squeeze %dma_wait3A_212 : memref<1x8x32xi32, #tpu.memory_space<vmem>> -> memref<8x32xi32, #tpu.memory_space<vmem>>
          %dma_wait3A_214 = arith.constant 0 : i32
          %dma_wait3A_215 = arith.constant 0 : i32
          %dma_wait3A_216 = tpu.memref_slice %arg3[%run_scoped3A_184, %add3A_73, %dma_wait3A_214, %dma_wait3A_215] : memref<2x1250x8x32xi32, #tpu.memory_space<hbm>> -> memref<1x1x8x32xi32, #tpu.memory_space<hbm>>
          %dma_wait3A_217 = tpu.memref_squeeze %dma_wait3A_216 : memref<1x1x8x32xi32, #tpu.memory_space<hbm>> -> memref<8x32xi32, #tpu.memory_space<hbm>>
          tpu.wait_dma2 semaphore(%run_scoped3A_185 : memref<!tpu.dma_semaphore, #tpu.memory_space<semaphore_mem>>) src(%dma_wait3A_217 : memref<8x32xi32, #tpu.memory_space<hbm>>) dst(%dma_wait3A_213 : memref<8x32xi32, #tpu.memory_space<vmem>>)
          tpu.yield
        }) : () -> ()
      } else {
      }
      %dma_wait3A_139 = arith.constant 4 : i32
      %dma_wait3A_140 = arith.constant 0 : i32
      %dma_wait3A_141 = tpu.memref_slice %arg6[%rem3A_69, %dma_wait3A_139, %dma_wait3A_140] : memref<2x8x32xi32, #tpu.memory_space<vmem>> -> memref<1x1x32xi32, #tpu.memory_space<vmem>>
      %dma_wait3A_142 = tpu.memref_squeeze %dma_wait3A_141 : memref<1x1x32xi32, #tpu.memory_space<vmem>> -> memref<32xi32, #tpu.memory_space<vmem>>
      %dma_wait3A_143 = arith.constant 0 : i32
      %dma_wait3A_144 = arith.constant 0 : i32
      %dma_wait3A_145 = tpu.memref_slice %arg2[%dma_wait3A_143, %dma_wait3A_144] : memref<10000x128xf32, #tpu.memory_space<hbm>> -> memref<10000x128xf32, #tpu.memory_space<hbm>>
      tpu.wait_indirect_dma semaphore(%arg12 : memref<!tpu.dma_semaphore, #tpu.memory_space<semaphore_mem>>) src(%dma_wait3A_145 : memref<10000x128xf32, #tpu.memory_space<hbm>>) dst(%arg8 : memref<32x128xf32, #tpu.memory_space<vmem>>)
      %run_scoped3A_146 = arith.constant 4 : i32
      "tpu.region"() ({
        %run_scoped3A_183 = tpu.sem_alloc : memref<!tpu.dma_semaphore, #tpu.memory_space<semaphore_mem>>
        %dma_start3A_184 = arith.constant 0 : i32
        %dma_start3A_185 = tpu.memref_slice %arg7[%rem3A_69, %run_scoped3A_146, %dma_start3A_184] : memref<2x8x32xi32, #tpu.memory_space<vmem>> -> memref<1x1x32xi32, #tpu.memory_space<vmem>>
        %dma_start3A_186 = tpu.memref_squeeze %dma_start3A_185 : memref<1x1x32xi32, #tpu.memory_space<vmem>> -> memref<32xi32, #tpu.memory_space<vmem>>
        %dma_start3A_187 = arith.constant 0 : i32
        %dma_start3A_188 = arith.constant 0 : i32
        %dma_start3A_189 = tpu.memref_slice %arg16[%dma_start3A_187, %dma_start3A_188] : memref<10000x128xf32, #tpu.memory_space<vmem_shared>> -> memref<10000x128xf32, #tpu.memory_space<vmem_shared>>
        tpu.enqueue_indirect_dma source(%arg8 : memref<32x128xf32, #tpu.memory_space<vmem>>) target(%dma_start3A_189 : memref<10000x128xf32, #tpu.memory_space<vmem_shared>>) offsets(%dma_start3A_186 : memref<32xi32, #tpu.memory_space<vmem>>) semaphore(%run_scoped3A_183 : memref<!tpu.dma_semaphore, #tpu.memory_space<semaphore_mem>>) {add = true}
        %dma_wait3A_190 = arith.constant 0 : i32
        %dma_wait3A_191 = tpu.memref_slice %arg7[%rem3A_69, %run_scoped3A_146, %dma_wait3A_190] : memref<2x8x32xi32, #tpu.memory_space<vmem>> -> memref<1x1x32xi32, #tpu.memory_space<vmem>>
        %dma_wait3A_192 = tpu.memref_squeeze %dma_wait3A_191 : memref<1x1x32xi32, #tpu.memory_space<vmem>> -> memref<32xi32, #tpu.memory_space<vmem>>
        %dma_wait3A_193 = arith.constant 0 : i32
        %dma_wait3A_194 = arith.constant 0 : i32
        %dma_wait3A_195 = tpu.memref_slice %arg16[%dma_wait3A_193, %dma_wait3A_194] : memref<10000x128xf32, #tpu.memory_space<vmem_shared>> -> memref<10000x128xf32, #tpu.memory_space<vmem_shared>>
        tpu.wait_indirect_dma semaphore(%run_scoped3A_183 : memref<!tpu.dma_semaphore, #tpu.memory_space<semaphore_mem>>) src(%arg8 : memref<32x128xf32, #tpu.memory_space<vmem>>) dst(%dma_wait3A_195 : memref<10000x128xf32, #tpu.memory_space<vmem_shared>>)
        tpu.yield
      }) : () -> ()
      %convert_element_type3A_147 = arith.extui %lt3A_76 : i1 to i32
      %cond3A_148 = arith.constant 0 : i32
      %cond3A_149 = arith.cmpi ne, %convert_element_type3A_147, %cond3A_148 : i32
      scf.if %cond3A_149 {
        %dma_start3A_183 = arith.constant 0 : i32
        %dma_start3A_184 = arith.constant 0 : i32
        %dma_start3A_185 = tpu.memref_slice %arg6[%sub3A_70, %dma_start3A_183, %dma_start3A_184] : memref<2x8x32xi32, #tpu.memory_space<vmem>> -> memref<1x1x32xi32, #tpu.memory_space<vmem>>
        %dma_start3A_186 = tpu.memref_squeeze %dma_start3A_185 : memref<1x1x32xi32, #tpu.memory_space<vmem>> -> memref<32xi32, #tpu.memory_space<vmem>>
        %dma_start3A_187 = arith.constant 0 : i32
        %dma_start3A_188 = arith.constant 0 : i32
        %dma_start3A_189 = tpu.memref_slice %arg2[%dma_start3A_187, %dma_start3A_188] : memref<10000x128xf32, #tpu.memory_space<hbm>> -> memref<10000x128xf32, #tpu.memory_space<hbm>>
        tpu.enqueue_indirect_dma source(%dma_start3A_189 : memref<10000x128xf32, #tpu.memory_space<hbm>>) target(%arg8 : memref<32x128xf32, #tpu.memory_space<vmem>>) offsets(%dma_start3A_186 : memref<32xi32, #tpu.memory_space<vmem>>) semaphore(%arg12 : memref<!tpu.dma_semaphore, #tpu.memory_space<semaphore_mem>>)
      } else {
      }
      %dma_wait3A_150 = arith.constant 5 : i32
      %dma_wait3A_151 = arith.constant 0 : i32
      %dma_wait3A_152 = tpu.memref_slice %arg6[%rem3A_69, %dma_wait3A_150, %dma_wait3A_151] : memref<2x8x32xi32, #tpu.memory_space<vmem>> -> memref<1x1x32xi32, #tpu.memory_space<vmem>>
      %dma_wait3A_153 = tpu.memref_squeeze %dma_wait3A_152 : memref<1x1x32xi32, #tpu.memory_space<vmem>> -> memref<32xi32, #tpu.memory_space<vmem>>
      %dma_wait3A_154 = arith.constant 0 : i32
      %dma_wait3A_155 = arith.constant 0 : i32
      %dma_wait3A_156 = tpu.memref_slice %arg2[%dma_wait3A_154, %dma_wait3A_155] : memref<10000x128xf32, #tpu.memory_space<hbm>> -> memref<10000x128xf32, #tpu.memory_space<hbm>>
      tpu.wait_indirect_dma semaphore(%arg13 : memref<!tpu.dma_semaphore, #tpu.memory_space<semaphore_mem>>) src(%dma_wait3A_156 : memref<10000x128xf32, #tpu.memory_space<hbm>>) dst(%arg9 : memref<32x128xf32, #tpu.memory_space<vmem>>)
      %run_scoped3A_157 = arith.constant 5 : i32
      "tpu.region"() ({
        %run_scoped3A_183 = tpu.sem_alloc : memref<!tpu.dma_semaphore, #tpu.memory_space<semaphore_mem>>
        %dma_start3A_184 = arith.constant 0 : i32
        %dma_start3A_185 = tpu.memref_slice %arg7[%rem3A_69, %run_scoped3A_157, %dma_start3A_184] : memref<2x8x32xi32, #tpu.memory_space<vmem>> -> memref<1x1x32xi32, #tpu.memory_space<vmem>>
        %dma_start3A_186 = tpu.memref_squeeze %dma_start3A_185 : memref<1x1x32xi32, #tpu.memory_space<vmem>> -> memref<32xi32, #tpu.memory_space<vmem>>
        %dma_start3A_187 = arith.constant 0 : i32
        %dma_start3A_188 = arith.constant 0 : i32
        %dma_start3A_189 = tpu.memref_slice %arg16[%dma_start3A_187, %dma_start3A_188] : memref<10000x128xf32, #tpu.memory_space<vmem_shared>> -> memref<10000x128xf32, #tpu.memory_space<vmem_shared>>
        tpu.enqueue_indirect_dma source(%arg9 : memref<32x128xf32, #tpu.memory_space<vmem>>) target(%dma_start3A_189 : memref<10000x128xf32, #tpu.memory_space<vmem_shared>>) offsets(%dma_start3A_186 : memref<32xi32, #tpu.memory_space<vmem>>) semaphore(%run_scoped3A_183 : memref<!tpu.dma_semaphore, #tpu.memory_space<semaphore_mem>>) {add = true}
        %dma_wait3A_190 = arith.constant 0 : i32
        %dma_wait3A_191 = tpu.memref_slice %arg7[%rem3A_69, %run_scoped3A_157, %dma_wait3A_190] : memref<2x8x32xi32, #tpu.memory_space<vmem>> -> memref<1x1x32xi32, #tpu.memory_space<vmem>>
        %dma_wait3A_192 = tpu.memref_squeeze %dma_wait3A_191 : memref<1x1x32xi32, #tpu.memory_space<vmem>> -> memref<32xi32, #tpu.memory_space<vmem>>
        %dma_wait3A_193 = arith.constant 0 : i32
        %dma_wait3A_194 = arith.constant 0 : i32
        %dma_wait3A_195 = tpu.memref_slice %arg16[%dma_wait3A_193, %dma_wait3A_194] : memref<10000x128xf32, #tpu.memory_space<vmem_shared>> -> memref<10000x128xf32, #tpu.memory_space<vmem_shared>>
        tpu.wait_indirect_dma semaphore(%run_scoped3A_183 : memref<!tpu.dma_semaphore, #tpu.memory_space<semaphore_mem>>) src(%arg9 : memref<32x128xf32, #tpu.memory_space<vmem>>) dst(%dma_wait3A_195 : memref<10000x128xf32, #tpu.memory_space<vmem_shared>>)
        tpu.yield
      }) : () -> ()
      %convert_element_type3A_158 = arith.extui %lt3A_76 : i1 to i32
      %cond3A_159 = arith.constant 0 : i32
      %cond3A_160 = arith.cmpi ne, %convert_element_type3A_158, %cond3A_159 : i32
      scf.if %cond3A_160 {
        %dma_start3A_183 = arith.constant 1 : i32
        %dma_start3A_184 = arith.constant 0 : i32
        %dma_start3A_185 = tpu.memref_slice %arg6[%sub3A_70, %dma_start3A_183, %dma_start3A_184] : memref<2x8x32xi32, #tpu.memory_space<vmem>> -> memref<1x1x32xi32, #tpu.memory_space<vmem>>
        %dma_start3A_186 = tpu.memref_squeeze %dma_start3A_185 : memref<1x1x32xi32, #tpu.memory_space<vmem>> -> memref<32xi32, #tpu.memory_space<vmem>>
        %dma_start3A_187 = arith.constant 0 : i32
        %dma_start3A_188 = arith.constant 0 : i32
        %dma_start3A_189 = tpu.memref_slice %arg2[%dma_start3A_187, %dma_start3A_188] : memref<10000x128xf32, #tpu.memory_space<hbm>> -> memref<10000x128xf32, #tpu.memory_space<hbm>>
        tpu.enqueue_indirect_dma source(%dma_start3A_189 : memref<10000x128xf32, #tpu.memory_space<hbm>>) target(%arg9 : memref<32x128xf32, #tpu.memory_space<vmem>>) offsets(%dma_start3A_186 : memref<32xi32, #tpu.memory_space<vmem>>) semaphore(%arg13 : memref<!tpu.dma_semaphore, #tpu.memory_space<semaphore_mem>>)
      } else {
      }
      %dma_wait3A_161 = arith.constant 6 : i32
      %dma_wait3A_162 = arith.constant 0 : i32
      %dma_wait3A_163 = tpu.memref_slice %arg6[%rem3A_69, %dma_wait3A_161, %dma_wait3A_162] : memref<2x8x32xi32, #tpu.memory_space<vmem>> -> memref<1x1x32xi32, #tpu.memory_space<vmem>>
      %dma_wait3A_164 = tpu.memref_squeeze %dma_wait3A_163 : memref<1x1x32xi32, #tpu.memory_space<vmem>> -> memref<32xi32, #tpu.memory_space<vmem>>
      %dma_wait3A_165 = arith.constant 0 : i32
      %dma_wait3A_166 = arith.constant 0 : i32
      %dma_wait3A_167 = tpu.memref_slice %arg2[%dma_wait3A_165, %dma_wait3A_166] : memref<10000x128xf32, #tpu.memory_space<hbm>> -> memref<10000x128xf32, #tpu.memory_space<hbm>>
      tpu.wait_indirect_dma semaphore(%arg14 : memref<!tpu.dma_semaphore, #tpu.memory_space<semaphore_mem>>) src(%dma_wait3A_167 : memref<10000x128xf32, #tpu.memory_space<hbm>>) dst(%arg10 : memref<32x128xf32, #tpu.memory_space<vmem>>)
      %run_scoped3A_168 = arith.constant 6 : i32
      "tpu.region"() ({
        %run_scoped3A_183 = tpu.sem_alloc : memref<!tpu.dma_semaphore, #tpu.memory_space<semaphore_mem>>
        %dma_start3A_184 = arith.constant 0 : i32
        %dma_start3A_185 = tpu.memref_slice %arg7[%rem3A_69, %run_scoped3A_168, %dma_start3A_184] : memref<2x8x32xi32, #tpu.memory_space<vmem>> -> memref<1x1x32xi32, #tpu.memory_space<vmem>>
        %dma_start3A_186 = tpu.memref_squeeze %dma_start3A_185 : memref<1x1x32xi32, #tpu.memory_space<vmem>> -> memref<32xi32, #tpu.memory_space<vmem>>
        %dma_start3A_187 = arith.constant 0 : i32
        %dma_start3A_188 = arith.constant 0 : i32
        %dma_start3A_189 = tpu.memref_slice %arg16[%dma_start3A_187, %dma_start3A_188] : memref<10000x128xf32, #tpu.memory_space<vmem_shared>> -> memref<10000x128xf32, #tpu.memory_space<vmem_shared>>
        tpu.enqueue_indirect_dma source(%arg10 : memref<32x128xf32, #tpu.memory_space<vmem>>) target(%dma_start3A_189 : memref<10000x128xf32, #tpu.memory_space<vmem_shared>>) offsets(%dma_start3A_186 : memref<32xi32, #tpu.memory_space<vmem>>) semaphore(%run_scoped3A_183 : memref<!tpu.dma_semaphore, #tpu.memory_space<semaphore_mem>>) {add = true}
        %dma_wait3A_190 = arith.constant 0 : i32
        %dma_wait3A_191 = tpu.memref_slice %arg7[%rem3A_69, %run_scoped3A_168, %dma_wait3A_190] : memref<2x8x32xi32, #tpu.memory_space<vmem>> -> memref<1x1x32xi32, #tpu.memory_space<vmem>>
        %dma_wait3A_192 = tpu.memref_squeeze %dma_wait3A_191 : memref<1x1x32xi32, #tpu.memory_space<vmem>> -> memref<32xi32, #tpu.memory_space<vmem>>
        %dma_wait3A_193 = arith.constant 0 : i32
        %dma_wait3A_194 = arith.constant 0 : i32
        %dma_wait3A_195 = tpu.memref_slice %arg16[%dma_wait3A_193, %dma_wait3A_194] : memref<10000x128xf32, #tpu.memory_space<vmem_shared>> -> memref<10000x128xf32, #tpu.memory_space<vmem_shared>>
        tpu.wait_indirect_dma semaphore(%run_scoped3A_183 : memref<!tpu.dma_semaphore, #tpu.memory_space<semaphore_mem>>) src(%arg10 : memref<32x128xf32, #tpu.memory_space<vmem>>) dst(%dma_wait3A_195 : memref<10000x128xf32, #tpu.memory_space<vmem_shared>>)
        tpu.yield
      }) : () -> ()
      %convert_element_type3A_169 = arith.extui %lt3A_76 : i1 to i32
      %cond3A_170 = arith.constant 0 : i32
      %cond3A_171 = arith.cmpi ne, %convert_element_type3A_169, %cond3A_170 : i32
      scf.if %cond3A_171 {
        %dma_start3A_183 = arith.constant 2 : i32
        %dma_start3A_184 = arith.constant 0 : i32
        %dma_start3A_185 = tpu.memref_slice %arg6[%sub3A_70, %dma_start3A_183, %dma_start3A_184] : memref<2x8x32xi32, #tpu.memory_space<vmem>> -> memref<1x1x32xi32, #tpu.memory_space<vmem>>
        %dma_start3A_186 = tpu.memref_squeeze %dma_start3A_185 : memref<1x1x32xi32, #tpu.memory_space<vmem>> -> memref<32xi32, #tpu.memory_space<vmem>>
        %dma_start3A_187 = arith.constant 0 : i32
        %dma_start3A_188 = arith.constant 0 : i32
        %dma_start3A_189 = tpu.memref_slice %arg2[%dma_start3A_187, %dma_start3A_188] : memref<10000x128xf32, #tpu.memory_space<hbm>> -> memref<10000x128xf32, #tpu.memory_space<hbm>>
        tpu.enqueue_indirect_dma source(%dma_start3A_189 : memref<10000x128xf32, #tpu.memory_space<hbm>>) target(%arg10 : memref<32x128xf32, #tpu.memory_space<vmem>>) offsets(%dma_start3A_186 : memref<32xi32, #tpu.memory_space<vmem>>) semaphore(%arg14 : memref<!tpu.dma_semaphore, #tpu.memory_space<semaphore_mem>>)
      } else {
      }
      %dma_wait3A_172 = arith.constant 7 : i32
      %dma_wait3A_173 = arith.constant 0 : i32
      %dma_wait3A_174 = tpu.memref_slice %arg6[%rem3A_69, %dma_wait3A_172, %dma_wait3A_173] : memref<2x8x32xi32, #tpu.memory_space<vmem>> -> memref<1x1x32xi32, #tpu.memory_space<vmem>>
      %dma_wait3A_175 = tpu.memref_squeeze %dma_wait3A_174 : memref<1x1x32xi32, #tpu.memory_space<vmem>> -> memref<32xi32, #tpu.memory_space<vmem>>
      %dma_wait3A_176 = arith.constant 0 : i32
      %dma_wait3A_177 = arith.constant 0 : i32
      %dma_wait3A_178 = tpu.memref_slice %arg2[%dma_wait3A_176, %dma_wait3A_177] : memref<10000x128xf32, #tpu.memory_space<hbm>> -> memref<10000x128xf32, #tpu.memory_space<hbm>>
      tpu.wait_indirect_dma semaphore(%arg15 : memref<!tpu.dma_semaphore, #tpu.memory_space<semaphore_mem>>) src(%dma_wait3A_178 : memref<10000x128xf32, #tpu.memory_space<hbm>>) dst(%arg11 : memref<32x128xf32, #tpu.memory_space<vmem>>)
      %run_scoped3A_179 = arith.constant 7 : i32
      "tpu.region"() ({
        %run_scoped3A_183 = tpu.sem_alloc : memref<!tpu.dma_semaphore, #tpu.memory_space<semaphore_mem>>
        %dma_start3A_184 = arith.constant 0 : i32
        %dma_start3A_185 = tpu.memref_slice %arg7[%rem3A_69, %run_scoped3A_179, %dma_start3A_184] : memref<2x8x32xi32, #tpu.memory_space<vmem>> -> memref<1x1x32xi32, #tpu.memory_space<vmem>>
        %dma_start3A_186 = tpu.memref_squeeze %dma_start3A_185 : memref<1x1x32xi32, #tpu.memory_space<vmem>> -> memref<32xi32, #tpu.memory_space<vmem>>
        %dma_start3A_187 = arith.constant 0 : i32
        %dma_start3A_188 = arith.constant 0 : i32
        %dma_start3A_189 = tpu.memref_slice %arg16[%dma_start3A_187, %dma_start3A_188] : memref<10000x128xf32, #tpu.memory_space<vmem_shared>> -> memref<10000x128xf32, #tpu.memory_space<vmem_shared>>
        tpu.enqueue_indirect_dma source(%arg11 : memref<32x128xf32, #tpu.memory_space<vmem>>) target(%dma_start3A_189 : memref<10000x128xf32, #tpu.memory_space<vmem_shared>>) offsets(%dma_start3A_186 : memref<32xi32, #tpu.memory_space<vmem>>) semaphore(%run_scoped3A_183 : memref<!tpu.dma_semaphore, #tpu.memory_space<semaphore_mem>>) {add = true}
        %dma_wait3A_190 = arith.constant 0 : i32
        %dma_wait3A_191 = tpu.memref_slice %arg7[%rem3A_69, %run_scoped3A_179, %dma_wait3A_190] : memref<2x8x32xi32, #tpu.memory_space<vmem>> -> memref<1x1x32xi32, #tpu.memory_space<vmem>>
        %dma_wait3A_192 = tpu.memref_squeeze %dma_wait3A_191 : memref<1x1x32xi32, #tpu.memory_space<vmem>> -> memref<32xi32, #tpu.memory_space<vmem>>
        %dma_wait3A_193 = arith.constant 0 : i32
        %dma_wait3A_194 = arith.constant 0 : i32
        %dma_wait3A_195 = tpu.memref_slice %arg16[%dma_wait3A_193, %dma_wait3A_194] : memref<10000x128xf32, #tpu.memory_space<vmem_shared>> -> memref<10000x128xf32, #tpu.memory_space<vmem_shared>>
        tpu.wait_indirect_dma semaphore(%run_scoped3A_183 : memref<!tpu.dma_semaphore, #tpu.memory_space<semaphore_mem>>) src(%arg11 : memref<32x128xf32, #tpu.memory_space<vmem>>) dst(%dma_wait3A_195 : memref<10000x128xf32, #tpu.memory_space<vmem_shared>>)
        tpu.yield
      }) : () -> ()
      %convert_element_type3A_180 = arith.extui %lt3A_76 : i1 to i32
      %cond3A_181 = arith.constant 0 : i32
      %cond3A_182 = arith.cmpi ne, %convert_element_type3A_180, %cond3A_181 : i32
      scf.if %cond3A_182 {
        %dma_start3A_183 = arith.constant 3 : i32
        %dma_start3A_184 = arith.constant 0 : i32
        %dma_start3A_185 = tpu.memref_slice %arg6[%sub3A_70, %dma_start3A_183, %dma_start3A_184] : memref<2x8x32xi32, #tpu.memory_space<vmem>> -> memref<1x1x32xi32, #tpu.memory_space<vmem>>
        %dma_start3A_186 = tpu.memref_squeeze %dma_start3A_185 : memref<1x1x32xi32, #tpu.memory_space<vmem>> -> memref<32xi32, #tpu.memory_space<vmem>>
        %dma_start3A_187 = arith.constant 0 : i32
        %dma_start3A_188 = arith.constant 0 : i32
        %dma_start3A_189 = tpu.memref_slice %arg2[%dma_start3A_187, %dma_start3A_188] : memref<10000x128xf32, #tpu.memory_space<hbm>> -> memref<10000x128xf32, #tpu.memory_space<hbm>>
        tpu.enqueue_indirect_dma source(%dma_start3A_189 : memref<10000x128xf32, #tpu.memory_space<hbm>>) target(%arg11 : memref<32x128xf32, #tpu.memory_space<vmem>>) offsets(%dma_start3A_186 : memref<32xi32, #tpu.memory_space<vmem>>) semaphore(%arg15 : memref<!tpu.dma_semaphore, #tpu.memory_space<semaphore_mem>>)
      } else {
      }
    }
    %barrier3A_56 = arith.constant 0 : index
    tpu.barrier barrier_id(%barrier3A_56)
    %mul3A_57 = arith.constant 624 : i32
    %mul3A_58 = arith.muli %arg1, %mul3A_57 : i32
    %multiple_of3A_59 = tpu.assume_multiple %mul3A_58, 8 : i32
    %mul3A_60 = arith.constant 624 : i32
    %mul3A_61 = arith.muli %arg1, %mul3A_60 : i32
    %multiple_of3A_62 = tpu.assume_multiple %mul3A_61, 8 : i32
    "tpu.region"() ({
      %run_scoped3A_68 = tpu.sem_alloc : memref<!tpu.dma_semaphore, #tpu.memory_space<semaphore_mem>>
      %dma_start3A_69 = arith.constant 0 : i32
      %dma_start3A_70 = tpu.memref_slice %arg5[%arg0, %multiple_of3A_62, %dma_start3A_69] : memref<2x10000x128xf32, #tpu.memory_space<hbm>> -> memref<1x624x128xf32, #tpu.memory_space<hbm>>
      %dma_start3A_71 = tpu.memref_squeeze %dma_start3A_70 : memref<1x624x128xf32, #tpu.memory_space<hbm>> -> memref<624x128xf32, #tpu.memory_space<hbm>>
      %dma_start3A_72 = arith.constant 0 : i32
      %dma_start3A_73 = tpu.memref_slice %arg16[%multiple_of3A_59, %dma_start3A_72] : memref<10000x128xf32, #tpu.memory_space<vmem_shared>> -> memref<624x128xf32, #tpu.memory_space<vmem_shared>>
      tpu.enqueue_dma source(%dma_start3A_73 : memref<624x128xf32, #tpu.memory_space<vmem_shared>>) target(%dma_start3A_71 : memref<624x128xf32, #tpu.memory_space<hbm>>) target_semaphore(%run_scoped3A_68 : memref<!tpu.dma_semaphore, #tpu.memory_space<semaphore_mem>>)
      %dma_wait3A = arith.constant 0 : i32
      %dma_wait3A_74 = tpu.memref_slice %arg5[%arg0, %multiple_of3A_62, %dma_wait3A] : memref<2x10000x128xf32, #tpu.memory_space<hbm>> -> memref<1x624x128xf32, #tpu.memory_space<hbm>>
      %dma_wait3A_75 = tpu.memref_squeeze %dma_wait3A_74 : memref<1x624x128xf32, #tpu.memory_space<hbm>> -> memref<624x128xf32, #tpu.memory_space<hbm>>
      %dma_wait3A_76 = arith.constant 0 : i32
      %dma_wait3A_77 = tpu.memref_slice %arg16[%multiple_of3A_59, %dma_wait3A_76] : memref<10000x128xf32, #tpu.memory_space<vmem_shared>> -> memref<624x128xf32, #tpu.memory_space<vmem_shared>>
      tpu.wait_dma2 semaphore(%run_scoped3A_68 : memref<!tpu.dma_semaphore, #tpu.memory_space<semaphore_mem>>) src(%dma_wait3A_77 : memref<624x128xf32, #tpu.memory_space<vmem_shared>>) dst(%dma_wait3A_75 : memref<624x128xf32, #tpu.memory_space<hbm>>)
      tpu.yield
    }) : () -> ()
    %eq3A_63 = arith.constant 15 : i32
    %eq3A_64 = arith.cmpi eq, %arg1, %eq3A_63 : i32
    %convert_element_type3A_65 = arith.extui %eq3A_64 : i1 to i32
    %cond3A_66 = arith.constant 0 : i32
    %cond3A_67 = arith.cmpi ne, %convert_element_type3A_65, %cond3A_66 : i32
    scf.if %cond3A_67 {
      "tpu.region"() ({
        %run_scoped3A_68 = tpu.sem_alloc : memref<!tpu.dma_semaphore, #tpu.memory_space<semaphore_mem>>
        %dma_start3A_69 = arith.constant 9984 : i32
        %dma_start3A_70 = arith.constant 0 : i32
        %dma_start3A_71 = tpu.memref_slice %arg5[%arg0, %dma_start3A_69, %dma_start3A_70] : memref<2x10000x128xf32, #tpu.memory_space<hbm>> -> memref<1x16x128xf32, #tpu.memory_space<hbm>>
        %dma_start3A_72 = tpu.memref_squeeze %dma_start3A_71 : memref<1x16x128xf32, #tpu.memory_space<hbm>> -> memref<16x128xf32, #tpu.memory_space<hbm>>
        %dma_start3A_73 = arith.constant 9984 : i32
        %dma_start3A_74 = arith.constant 0 : i32
        %dma_start3A_75 = tpu.memref_slice %arg16[%dma_start3A_73, %dma_start3A_74] : memref<10000x128xf32, #tpu.memory_space<vmem_shared>> -> memref<16x128xf32, #tpu.memory_space<vmem_shared>>
        tpu.enqueue_dma source(%dma_start3A_75 : memref<16x128xf32, #tpu.memory_space<vmem_shared>>) target(%dma_start3A_72 : memref<16x128xf32, #tpu.memory_space<hbm>>) target_semaphore(%run_scoped3A_68 : memref<!tpu.dma_semaphore, #tpu.memory_space<semaphore_mem>>)
        %dma_wait3A = arith.constant 9984 : i32
        %dma_wait3A_76 = arith.constant 0 : i32
        %dma_wait3A_77 = tpu.memref_slice %arg5[%arg0, %dma_wait3A, %dma_wait3A_76] : memref<2x10000x128xf32, #tpu.memory_space<hbm>> -> memref<1x16x128xf32, #tpu.memory_space<hbm>>
        %dma_wait3A_78 = tpu.memref_squeeze %dma_wait3A_77 : memref<1x16x128xf32, #tpu.memory_space<hbm>> -> memref<16x128xf32, #tpu.memory_space<hbm>>
        %dma_wait3A_79 = arith.constant 9984 : i32
        %dma_wait3A_80 = arith.constant 0 : i32
        %dma_wait3A_81 = tpu.memref_slice %arg16[%dma_wait3A_79, %dma_wait3A_80] : memref<10000x128xf32, #tpu.memory_space<vmem_shared>> -> memref<16x128xf32, #tpu.memory_space<vmem_shared>>
        tpu.wait_dma2 semaphore(%run_scoped3A_68 : memref<!tpu.dma_semaphore, #tpu.memory_space<semaphore_mem>>) src(%dma_wait3A_81 : memref<16x128xf32, #tpu.memory_space<vmem_shared>>) dst(%dma_wait3A_78 : memref<16x128xf32, #tpu.memory_space<hbm>>)
        tpu.yield
      }) : () -> ()
    } else {
    }
    return
  }
}

#map = affine_map<(d0, d1) -> (0, 0, 0, 0)>
#map1 = affine_map<(d0, d1) -> (0, 0)>
#map2 = affine_map<(d0, d1) -> (0, 0, 0)>
module attributes {stable_mosaic.version = 14 : i64} {
  func.func @_sc_deg(%arg0: i32, %arg1: i32, %arg2: memref<2x1250x8x32xi32, #tpu.memory_space<hbm>>, %arg3: memref<32x128xf32, #tpu.memory_space<hbm>>, %arg4: memref<624x128xf32, #tpu.memory_space<hbm>>, %arg5: memref<2x10000x128xf32, #tpu.memory_space<hbm>>, %arg6: memref<8x32xi32, #tpu.memory_space<vmem>>, %arg7: memref<32x128xf32, #tpu.memory_space<vmem>>, %arg8: memref<10000x128xf32, #tpu.memory_space<vmem_shared>>) attributes {dimension_semantics = [#tpu.dimension_semantics<core_parallel>, #tpu.dimension_semantics<subcore_parallel>], iteration_bounds = array<i64: 2, 16>, scalar_prefetch = 0 : i64, scratch_operands = 3 : i64, tpu.core_type = #tpu.core_type<sc_vector_subcore>, window_params = [{transform_indices = #map}, {transform_indices = #map1}, {transform_indices = #map1}, {transform_indices = #map2}]} {
    %mul3A = arith.constant 16 : i32
    %mul3A_0 = arith.muli %arg0, %mul3A : i32
    %add3A = arith.addi %mul3A_0, %arg1 : i32
    %lt3A = arith.constant 30 : i32
    %lt3A_1 = arith.cmpi slt, %add3A, %lt3A : i32
    %jit3A = arith.constant 39 : i32
    %jit3A_2 = arith.constant 40 : i32
    %select_n3A = arith.select %lt3A_1, %jit3A, %jit3A_2 : i32
    %lt3A_3 = arith.constant 30 : i32
    %lt3A_4 = arith.cmpi slt, %add3A, %lt3A_3 : i32
    %mul3A_5 = arith.constant 39 : i32
    %mul3A_6 = arith.muli %add3A, %mul3A_5 : i32
    %sub3A = arith.constant 30 : i32
    %sub3A_7 = arith.subi %add3A, %sub3A : i32
    %mul3A_8 = arith.constant 40 : i32
    %mul3A_9 = arith.muli %sub3A_7, %mul3A_8 : i32
    %add3A_10 = arith.constant 1170 : i32
    %add3A_11 = arith.addi %add3A_10, %mul3A_9 : i32
    %select_n3A_12 = arith.select %lt3A_4, %mul3A_6, %add3A_11 : i32
    "tpu.region"() ({
      %run_scoped3A = tpu.sem_alloc : memref<!tpu.dma_semaphore, #tpu.memory_space<semaphore_mem>>
      tpu.enqueue_dma source(%arg3 : memref<32x128xf32, #tpu.memory_space<hbm>>) target(%arg7 : memref<32x128xf32, #tpu.memory_space<vmem>>) target_semaphore(%run_scoped3A : memref<!tpu.dma_semaphore, #tpu.memory_space<semaphore_mem>>)
      tpu.wait_dma2 semaphore(%run_scoped3A : memref<!tpu.dma_semaphore, #tpu.memory_space<semaphore_mem>>) src(%arg3 : memref<32x128xf32, #tpu.memory_space<hbm>>) dst(%arg7 : memref<32x128xf32, #tpu.memory_space<vmem>>)
      tpu.yield
    }) : () -> ()
    %mul3A_13 = arith.constant 624 : i32
    %mul3A_14 = arith.muli %arg1, %mul3A_13 : i32
    %multiple_of3A = tpu.assume_multiple %mul3A_14, 8 : i32
    "tpu.region"() ({
      %run_scoped3A = tpu.sem_alloc : memref<!tpu.dma_semaphore, #tpu.memory_space<semaphore_mem>>
      %dma_start3A = arith.constant 0 : i32
      %dma_start3A_38 = tpu.memref_slice %arg8[%multiple_of3A, %dma_start3A] : memref<10000x128xf32, #tpu.memory_space<vmem_shared>> -> memref<624x128xf32, #tpu.memory_space<vmem_shared>>
      tpu.enqueue_dma source(%arg4 : memref<624x128xf32, #tpu.memory_space<hbm>>) target(%dma_start3A_38 : memref<624x128xf32, #tpu.memory_space<vmem_shared>>) target_semaphore(%run_scoped3A : memref<!tpu.dma_semaphore, #tpu.memory_space<semaphore_mem>>)
      %dma_wait3A = arith.constant 0 : i32
      %dma_wait3A_39 = tpu.memref_slice %arg8[%multiple_of3A, %dma_wait3A] : memref<10000x128xf32, #tpu.memory_space<vmem_shared>> -> memref<624x128xf32, #tpu.memory_space<vmem_shared>>
      tpu.wait_dma2 semaphore(%run_scoped3A : memref<!tpu.dma_semaphore, #tpu.memory_space<semaphore_mem>>) src(%arg4 : memref<624x128xf32, #tpu.memory_space<hbm>>) dst(%dma_wait3A_39 : memref<624x128xf32, #tpu.memory_space<vmem_shared>>)
      tpu.yield
    }) : () -> ()
    %eq3A = arith.constant 15 : i32
    %eq3A_15 = arith.cmpi eq, %arg1, %eq3A : i32
    %convert_element_type3A = arith.extui %eq3A_15 : i1 to i32
    %cond3A = arith.constant 0 : i32
    %cond3A_16 = arith.cmpi ne, %convert_element_type3A, %cond3A : i32
    scf.if %cond3A_16 {
      "tpu.region"() ({
        %run_scoped3A = tpu.sem_alloc : memref<!tpu.dma_semaphore, #tpu.memory_space<semaphore_mem>>
        %dma_start3A = arith.constant 9984 : i32
        %dma_start3A_38 = arith.constant 0 : i32
        %dma_start3A_39 = tpu.memref_slice %arg8[%dma_start3A, %dma_start3A_38] : memref<10000x128xf32, #tpu.memory_space<vmem_shared>> -> memref<16x128xf32, #tpu.memory_space<vmem_shared>>
        %dma_start3A_40 = arith.constant 0 : i32
        %dma_start3A_41 = arith.constant 0 : i32
        %dma_start3A_42 = tpu.memref_slice %arg4[%dma_start3A_40, %dma_start3A_41] : memref<624x128xf32, #tpu.memory_space<hbm>> -> memref<16x128xf32, #tpu.memory_space<hbm>>
        tpu.enqueue_dma source(%dma_start3A_42 : memref<16x128xf32, #tpu.memory_space<hbm>>) target(%dma_start3A_39 : memref<16x128xf32, #tpu.memory_space<vmem_shared>>) target_semaphore(%run_scoped3A : memref<!tpu.dma_semaphore, #tpu.memory_space<semaphore_mem>>)
        %dma_wait3A = arith.constant 9984 : i32
        %dma_wait3A_43 = arith.constant 0 : i32
        %dma_wait3A_44 = tpu.memref_slice %arg8[%dma_wait3A, %dma_wait3A_43] : memref<10000x128xf32, #tpu.memory_space<vmem_shared>> -> memref<16x128xf32, #tpu.memory_space<vmem_shared>>
        %dma_wait3A_45 = arith.constant 0 : i32
        %dma_wait3A_46 = arith.constant 0 : i32
        %dma_wait3A_47 = tpu.memref_slice %arg4[%dma_wait3A_45, %dma_wait3A_46] : memref<624x128xf32, #tpu.memory_space<hbm>> -> memref<16x128xf32, #tpu.memory_space<hbm>>
        tpu.wait_dma2 semaphore(%run_scoped3A : memref<!tpu.dma_semaphore, #tpu.memory_space<semaphore_mem>>) src(%dma_wait3A_47 : memref<16x128xf32, #tpu.memory_space<hbm>>) dst(%dma_wait3A_44 : memref<16x128xf32, #tpu.memory_space<vmem_shared>>)
        tpu.yield
      }) : () -> ()
    } else {
    }
    %barrier3A = arith.constant 0 : index
    tpu.barrier barrier_id(%barrier3A)
    %while3A = arith.constant 0 : i32
    %while3A_17 = arith.constant 0 : i32
    %while3A_18 = arith.subi %select_n3A, %while3A_17 : i32
    %while3A_19 = arith.addi %while3A_17, %while3A_18 : i32
    %while3A_20 = arith.constant 1 : i32
    %while3A_21 = arith.divsi %while3A_18, %while3A_20 : i32
    %while3A_22 = arith.muli %while3A_21, %while3A_20 : i32
    %while3A_23 = arith.addi %while3A_17, %while3A_22 : i32
    %while3A_24 = arith.constant 1 : i32
    scf.for %while3A_38 = %while3A_17 to %while3A_23 step %while3A_24  : i32 {
      %add3A_39 = arith.addi %select_n3A_12, %while3A_38 : i32
      %run_scoped3A = arith.constant 1 : i32
      "tpu.region"() ({
        %run_scoped3A_45 = tpu.sem_alloc : memref<!tpu.dma_semaphore, #tpu.memory_space<semaphore_mem>>
        %dma_start3A = arith.constant 0 : i32
        %dma_start3A_46 = arith.constant 0 : i32
        %dma_start3A_47 = tpu.memref_slice %arg2[%run_scoped3A, %add3A_39, %dma_start3A, %dma_start3A_46] : memref<2x1250x8x32xi32, #tpu.memory_space<hbm>> -> memref<1x1x8x32xi32, #tpu.memory_space<hbm>>
        %dma_start3A_48 = tpu.memref_squeeze %dma_start3A_47 : memref<1x1x8x32xi32, #tpu.memory_space<hbm>> -> memref<8x32xi32, #tpu.memory_space<hbm>>
        %dma_start3A_49 = arith.constant 0 : i32
        %dma_start3A_50 = arith.constant 0 : i32
        %dma_start3A_51 = tpu.memref_slice %arg2[%run_scoped3A, %add3A_39, %dma_start3A_49, %dma_start3A_50] : memref<2x1250x8x32xi32, #tpu.memory_space<hbm>> -> memref<1x1x8x32xi32, #tpu.memory_space<hbm>>
        %dma_start3A_52 = tpu.memref_squeeze %dma_start3A_51 : memref<1x1x8x32xi32, #tpu.memory_space<hbm>> -> memref<8x32xi32, #tpu.memory_space<hbm>>
        tpu.enqueue_dma source(%dma_start3A_52 : memref<8x32xi32, #tpu.memory_space<hbm>>) target(%arg6 : memref<8x32xi32, #tpu.memory_space<vmem>>) target_semaphore(%run_scoped3A_45 : memref<!tpu.dma_semaphore, #tpu.memory_space<semaphore_mem>>)
        %dma_wait3A = arith.constant 0 : i32
        %dma_wait3A_53 = arith.constant 0 : i32
        %dma_wait3A_54 = tpu.memref_slice %arg2[%run_scoped3A, %add3A_39, %dma_wait3A, %dma_wait3A_53] : memref<2x1250x8x32xi32, #tpu.memory_space<hbm>> -> memref<1x1x8x32xi32, #tpu.memory_space<hbm>>
        %dma_wait3A_55 = tpu.memref_squeeze %dma_wait3A_54 : memref<1x1x8x32xi32, #tpu.memory_space<hbm>> -> memref<8x32xi32, #tpu.memory_space<hbm>>
        %dma_wait3A_56 = arith.constant 0 : i32
        %dma_wait3A_57 = arith.constant 0 : i32
        %dma_wait3A_58 = tpu.memref_slice %arg2[%run_scoped3A, %add3A_39, %dma_wait3A_56, %dma_wait3A_57] : memref<2x1250x8x32xi32, #tpu.memory_space<hbm>> -> memref<1x1x8x32xi32, #tpu.memory_space<hbm>>
        %dma_wait3A_59 = tpu.memref_squeeze %dma_wait3A_58 : memref<1x1x8x32xi32, #tpu.memory_space<hbm>> -> memref<8x32xi32, #tpu.memory_space<hbm>>
        tpu.wait_dma2 semaphore(%run_scoped3A_45 : memref<!tpu.dma_semaphore, #tpu.memory_space<semaphore_mem>>) src(%dma_wait3A_59 : memref<8x32xi32, #tpu.memory_space<hbm>>) dst(%arg6 : memref<8x32xi32, #tpu.memory_space<vmem>>)
        tpu.yield
      }) : () -> ()
      %scan3A = arith.constant 0 : i32
      %scan3A_40 = arith.constant 0 : i32
      %scan3A_41 = arith.constant 8 : i32
      %scan3A_42 = arith.addi %scan3A_40, %scan3A_41 : i32
      %scan3A_43 = arith.constant 1 : i32
      scf.for %scan3A_45 = %scan3A_40 to %scan3A_42 step %scan3A_43  : i32 {
        "tpu.region"() ({
          %run_scoped3A_46 = tpu.sem_alloc : memref<!tpu.dma_semaphore, #tpu.memory_space<semaphore_mem>>
          %dma_start3A = arith.constant 0 : i32
          %dma_start3A_47 = tpu.memref_slice %arg6[%scan3A_45, %dma_start3A] : memref<8x32xi32, #tpu.memory_space<vmem>> -> memref<1x32xi32, #tpu.memory_space<vmem>>
          %dma_start3A_48 = tpu.memref_squeeze %dma_start3A_47 : memref<1x32xi32, #tpu.memory_space<vmem>> -> memref<32xi32, #tpu.memory_space<vmem>>
          %dma_start3A_49 = arith.constant 0 : i32
          %dma_start3A_50 = arith.constant 0 : i32
          %dma_start3A_51 = tpu.memref_slice %arg8[%dma_start3A_49, %dma_start3A_50] : memref<10000x128xf32, #tpu.memory_space<vmem_shared>> -> memref<10000x128xf32, #tpu.memory_space<vmem_shared>>
          tpu.enqueue_indirect_dma source(%arg7 : memref<32x128xf32, #tpu.memory_space<vmem>>) target(%dma_start3A_51 : memref<10000x128xf32, #tpu.memory_space<vmem_shared>>) offsets(%dma_start3A_48 : memref<32xi32, #tpu.memory_space<vmem>>) semaphore(%run_scoped3A_46 : memref<!tpu.dma_semaphore, #tpu.memory_space<semaphore_mem>>) {add = true}
          %dma_wait3A = arith.constant 0 : i32
          %dma_wait3A_52 = tpu.memref_slice %arg6[%scan3A_45, %dma_wait3A] : memref<8x32xi32, #tpu.memory_space<vmem>> -> memref<1x32xi32, #tpu.memory_space<vmem>>
          %dma_wait3A_53 = tpu.memref_squeeze %dma_wait3A_52 : memref<1x32xi32, #tpu.memory_space<vmem>> -> memref<32xi32, #tpu.memory_space<vmem>>
          %dma_wait3A_54 = arith.constant 0 : i32
          %dma_wait3A_55 = arith.constant 0 : i32
          %dma_wait3A_56 = tpu.memref_slice %arg8[%dma_wait3A_54, %dma_wait3A_55] : memref<10000x128xf32, #tpu.memory_space<vmem_shared>> -> memref<10000x128xf32, #tpu.memory_space<vmem_shared>>
          tpu.wait_indirect_dma semaphore(%run_scoped3A_46 : memref<!tpu.dma_semaphore, #tpu.memory_space<semaphore_mem>>) src(%arg7 : memref<32x128xf32, #tpu.memory_space<vmem>>) dst(%dma_wait3A_56 : memref<10000x128xf32, #tpu.memory_space<vmem_shared>>)
          tpu.yield
        }) : () -> ()
      }
      %scan3A_44 = arith.constant 8 : i32
    }
    %while3A_25 = arith.constant 1 : i32
    scf.for %while3A_38 = %while3A_23 to %while3A_19 step %while3A_25  : i32 {
      %add3A_39 = arith.addi %select_n3A_12, %while3A_38 : i32
      %run_scoped3A = arith.constant 1 : i32
      "tpu.region"() ({
        %run_scoped3A_45 = tpu.sem_alloc : memref<!tpu.dma_semaphore, #tpu.memory_space<semaphore_mem>>
        %dma_start3A = arith.constant 0 : i32
        %dma_start3A_46 = arith.constant 0 : i32
        %dma_start3A_47 = tpu.memref_slice %arg2[%run_scoped3A, %add3A_39, %dma_start3A, %dma_start3A_46] : memref<2x1250x8x32xi32, #tpu.memory_space<hbm>> -> memref<1x1x8x32xi32, #tpu.memory_space<hbm>>
        %dma_start3A_48 = tpu.memref_squeeze %dma_start3A_47 : memref<1x1x8x32xi32, #tpu.memory_space<hbm>> -> memref<8x32xi32, #tpu.memory_space<hbm>>
        %dma_start3A_49 = arith.constant 0 : i32
        %dma_start3A_50 = arith.constant 0 : i32
        %dma_start3A_51 = tpu.memref_slice %arg2[%run_scoped3A, %add3A_39, %dma_start3A_49, %dma_start3A_50] : memref<2x1250x8x32xi32, #tpu.memory_space<hbm>> -> memref<1x1x8x32xi32, #tpu.memory_space<hbm>>
        %dma_start3A_52 = tpu.memref_squeeze %dma_start3A_51 : memref<1x1x8x32xi32, #tpu.memory_space<hbm>> -> memref<8x32xi32, #tpu.memory_space<hbm>>
        tpu.enqueue_dma source(%dma_start3A_52 : memref<8x32xi32, #tpu.memory_space<hbm>>) target(%arg6 : memref<8x32xi32, #tpu.memory_space<vmem>>) target_semaphore(%run_scoped3A_45 : memref<!tpu.dma_semaphore, #tpu.memory_space<semaphore_mem>>)
        %dma_wait3A = arith.constant 0 : i32
        %dma_wait3A_53 = arith.constant 0 : i32
        %dma_wait3A_54 = tpu.memref_slice %arg2[%run_scoped3A, %add3A_39, %dma_wait3A, %dma_wait3A_53] : memref<2x1250x8x32xi32, #tpu.memory_space<hbm>> -> memref<1x1x8x32xi32, #tpu.memory_space<hbm>>
        %dma_wait3A_55 = tpu.memref_squeeze %dma_wait3A_54 : memref<1x1x8x32xi32, #tpu.memory_space<hbm>> -> memref<8x32xi32, #tpu.memory_space<hbm>>
        %dma_wait3A_56 = arith.constant 0 : i32
        %dma_wait3A_57 = arith.constant 0 : i32
        %dma_wait3A_58 = tpu.memref_slice %arg2[%run_scoped3A, %add3A_39, %dma_wait3A_56, %dma_wait3A_57] : memref<2x1250x8x32xi32, #tpu.memory_space<hbm>> -> memref<1x1x8x32xi32, #tpu.memory_space<hbm>>
        %dma_wait3A_59 = tpu.memref_squeeze %dma_wait3A_58 : memref<1x1x8x32xi32, #tpu.memory_space<hbm>> -> memref<8x32xi32, #tpu.memory_space<hbm>>
        tpu.wait_dma2 semaphore(%run_scoped3A_45 : memref<!tpu.dma_semaphore, #tpu.memory_space<semaphore_mem>>) src(%dma_wait3A_59 : memref<8x32xi32, #tpu.memory_space<hbm>>) dst(%arg6 : memref<8x32xi32, #tpu.memory_space<vmem>>)
        tpu.yield
      }) : () -> ()
      %scan3A = arith.constant 0 : i32
      %scan3A_40 = arith.constant 0 : i32
      %scan3A_41 = arith.constant 8 : i32
      %scan3A_42 = arith.addi %scan3A_40, %scan3A_41 : i32
      %scan3A_43 = arith.constant 1 : i32
      scf.for %scan3A_45 = %scan3A_40 to %scan3A_42 step %scan3A_43  : i32 {
        "tpu.region"() ({
          %run_scoped3A_46 = tpu.sem_alloc : memref<!tpu.dma_semaphore, #tpu.memory_space<semaphore_mem>>
          %dma_start3A = arith.constant 0 : i32
          %dma_start3A_47 = tpu.memref_slice %arg6[%scan3A_45, %dma_start3A] : memref<8x32xi32, #tpu.memory_space<vmem>> -> memref<1x32xi32, #tpu.memory_space<vmem>>
          %dma_start3A_48 = tpu.memref_squeeze %dma_start3A_47 : memref<1x32xi32, #tpu.memory_space<vmem>> -> memref<32xi32, #tpu.memory_space<vmem>>
          %dma_start3A_49 = arith.constant 0 : i32
          %dma_start3A_50 = arith.constant 0 : i32
          %dma_start3A_51 = tpu.memref_slice %arg8[%dma_start3A_49, %dma_start3A_50] : memref<10000x128xf32, #tpu.memory_space<vmem_shared>> -> memref<10000x128xf32, #tpu.memory_space<vmem_shared>>
          tpu.enqueue_indirect_dma source(%arg7 : memref<32x128xf32, #tpu.memory_space<vmem>>) target(%dma_start3A_51 : memref<10000x128xf32, #tpu.memory_space<vmem_shared>>) offsets(%dma_start3A_48 : memref<32xi32, #tpu.memory_space<vmem>>) semaphore(%run_scoped3A_46 : memref<!tpu.dma_semaphore, #tpu.memory_space<semaphore_mem>>) {add = true}
          %dma_wait3A = arith.constant 0 : i32
          %dma_wait3A_52 = tpu.memref_slice %arg6[%scan3A_45, %dma_wait3A] : memref<8x32xi32, #tpu.memory_space<vmem>> -> memref<1x32xi32, #tpu.memory_space<vmem>>
          %dma_wait3A_53 = tpu.memref_squeeze %dma_wait3A_52 : memref<1x32xi32, #tpu.memory_space<vmem>> -> memref<32xi32, #tpu.memory_space<vmem>>
          %dma_wait3A_54 = arith.constant 0 : i32
          %dma_wait3A_55 = arith.constant 0 : i32
          %dma_wait3A_56 = tpu.memref_slice %arg8[%dma_wait3A_54, %dma_wait3A_55] : memref<10000x128xf32, #tpu.memory_space<vmem_shared>> -> memref<10000x128xf32, #tpu.memory_space<vmem_shared>>
          tpu.wait_indirect_dma semaphore(%run_scoped3A_46 : memref<!tpu.dma_semaphore, #tpu.memory_space<semaphore_mem>>) src(%arg7 : memref<32x128xf32, #tpu.memory_space<vmem>>) dst(%dma_wait3A_56 : memref<10000x128xf32, #tpu.memory_space<vmem_shared>>)
          tpu.yield
        }) : () -> ()
      }
      %scan3A_44 = arith.constant 8 : i32
    }
    %barrier3A_26 = arith.constant 0 : index
    tpu.barrier barrier_id(%barrier3A_26)
    %mul3A_27 = arith.constant 624 : i32
    %mul3A_28 = arith.muli %arg1, %mul3A_27 : i32
    %multiple_of3A_29 = tpu.assume_multiple %mul3A_28, 8 : i32
    %mul3A_30 = arith.constant 624 : i32
    %mul3A_31 = arith.muli %arg1, %mul3A_30 : i32
    %multiple_of3A_32 = tpu.assume_multiple %mul3A_31, 8 : i32
    "tpu.region"() ({
      %run_scoped3A = tpu.sem_alloc : memref<!tpu.dma_semaphore, #tpu.memory_space<semaphore_mem>>
      %dma_start3A = arith.constant 0 : i32
      %dma_start3A_38 = tpu.memref_slice %arg5[%arg0, %multiple_of3A_32, %dma_start3A] : memref<2x10000x128xf32, #tpu.memory_space<hbm>> -> memref<1x624x128xf32, #tpu.memory_space<hbm>>
      %dma_start3A_39 = tpu.memref_squeeze %dma_start3A_38 : memref<1x624x128xf32, #tpu.memory_space<hbm>> -> memref<624x128xf32, #tpu.memory_space<hbm>>
      %dma_start3A_40 = arith.constant 0 : i32
      %dma_start3A_41 = tpu.memref_slice %arg8[%multiple_of3A_29, %dma_start3A_40] : memref<10000x128xf32, #tpu.memory_space<vmem_shared>> -> memref<624x128xf32, #tpu.memory_space<vmem_shared>>
      tpu.enqueue_dma source(%dma_start3A_41 : memref<624x128xf32, #tpu.memory_space<vmem_shared>>) target(%dma_start3A_39 : memref<624x128xf32, #tpu.memory_space<hbm>>) target_semaphore(%run_scoped3A : memref<!tpu.dma_semaphore, #tpu.memory_space<semaphore_mem>>)
      %dma_wait3A = arith.constant 0 : i32
      %dma_wait3A_42 = tpu.memref_slice %arg5[%arg0, %multiple_of3A_32, %dma_wait3A] : memref<2x10000x128xf32, #tpu.memory_space<hbm>> -> memref<1x624x128xf32, #tpu.memory_space<hbm>>
      %dma_wait3A_43 = tpu.memref_squeeze %dma_wait3A_42 : memref<1x624x128xf32, #tpu.memory_space<hbm>> -> memref<624x128xf32, #tpu.memory_space<hbm>>
      %dma_wait3A_44 = arith.constant 0 : i32
      %dma_wait3A_45 = tpu.memref_slice %arg8[%multiple_of3A_29, %dma_wait3A_44] : memref<10000x128xf32, #tpu.memory_space<vmem_shared>> -> memref<624x128xf32, #tpu.memory_space<vmem_shared>>
      tpu.wait_dma2 semaphore(%run_scoped3A : memref<!tpu.dma_semaphore, #tpu.memory_space<semaphore_mem>>) src(%dma_wait3A_45 : memref<624x128xf32, #tpu.memory_space<vmem_shared>>) dst(%dma_wait3A_43 : memref<624x128xf32, #tpu.memory_space<hbm>>)
      tpu.yield
    }) : () -> ()
    %eq3A_33 = arith.constant 15 : i32
    %eq3A_34 = arith.cmpi eq, %arg1, %eq3A_33 : i32
    %convert_element_type3A_35 = arith.extui %eq3A_34 : i1 to i32
    %cond3A_36 = arith.constant 0 : i32
    %cond3A_37 = arith.cmpi ne, %convert_element_type3A_35, %cond3A_36 : i32
    scf.if %cond3A_37 {
      "tpu.region"() ({
        %run_scoped3A = tpu.sem_alloc : memref<!tpu.dma_semaphore, #tpu.memory_space<semaphore_mem>>
        %dma_start3A = arith.constant 9984 : i32
        %dma_start3A_38 = arith.constant 0 : i32
        %dma_start3A_39 = tpu.memref_slice %arg5[%arg0, %dma_start3A, %dma_start3A_38] : memref<2x10000x128xf32, #tpu.memory_space<hbm>> -> memref<1x16x128xf32, #tpu.memory_space<hbm>>
        %dma_start3A_40 = tpu.memref_squeeze %dma_start3A_39 : memref<1x16x128xf32, #tpu.memory_space<hbm>> -> memref<16x128xf32, #tpu.memory_space<hbm>>
        %dma_start3A_41 = arith.constant 9984 : i32
        %dma_start3A_42 = arith.constant 0 : i32
        %dma_start3A_43 = tpu.memref_slice %arg8[%dma_start3A_41, %dma_start3A_42] : memref<10000x128xf32, #tpu.memory_space<vmem_shared>> -> memref<16x128xf32, #tpu.memory_space<vmem_shared>>
        tpu.enqueue_dma source(%dma_start3A_43 : memref<16x128xf32, #tpu.memory_space<vmem_shared>>) target(%dma_start3A_40 : memref<16x128xf32, #tpu.memory_space<hbm>>) target_semaphore(%run_scoped3A : memref<!tpu.dma_semaphore, #tpu.memory_space<semaphore_mem>>)
        %dma_wait3A = arith.constant 9984 : i32
        %dma_wait3A_44 = arith.constant 0 : i32
        %dma_wait3A_45 = tpu.memref_slice %arg5[%arg0, %dma_wait3A, %dma_wait3A_44] : memref<2x10000x128xf32, #tpu.memory_space<hbm>> -> memref<1x16x128xf32, #tpu.memory_space<hbm>>
        %dma_wait3A_46 = tpu.memref_squeeze %dma_wait3A_45 : memref<1x16x128xf32, #tpu.memory_space<hbm>> -> memref<16x128xf32, #tpu.memory_space<hbm>>
        %dma_wait3A_47 = arith.constant 9984 : i32
        %dma_wait3A_48 = arith.constant 0 : i32
        %dma_wait3A_49 = tpu.memref_slice %arg8[%dma_wait3A_47, %dma_wait3A_48] : memref<10000x128xf32, #tpu.memory_space<vmem_shared>> -> memref<16x128xf32, #tpu.memory_space<vmem_shared>>
        tpu.wait_dma2 semaphore(%run_scoped3A : memref<!tpu.dma_semaphore, #tpu.memory_space<semaphore_mem>>) src(%dma_wait3A_49 : memref<16x128xf32, #tpu.memory_space<vmem_shared>>) dst(%dma_wait3A_46 : memref<16x128xf32, #tpu.memory_space<hbm>>)
        tpu.yield
      }) : () -> ()
    } else {
    }
    return
  }
}

#map = affine_map<(d0, d1) -> (0, 0)>
#map1 = affine_map<(d0, d1) -> (0, 0, 0, 0)>
#map2 = affine_map<(d0, d1) -> (0, 0, 0)>
module attributes {stable_mosaic.version = 14 : i64} {
  func.func @_sc_conv(%arg0: i32, %arg1: i32, %arg2: memref<10000x128xf32, #tpu.memory_space<hbm>>, %arg3: memref<2x1250x8x32xi32, #tpu.memory_space<hbm>>, %arg4: memref<624x128xf32, #tpu.memory_space<hbm>>, %arg5: memref<2x10000x128xf32, #tpu.memory_space<hbm>>, %arg6: memref<2x8x32xi32, #tpu.memory_space<vmem>>, %arg7: memref<2x8x32xi32, #tpu.memory_space<vmem>>, %arg8: memref<32x128xf32, #tpu.memory_space<vmem>>, %arg9: memref<32x128xf32, #tpu.memory_space<vmem>>, %arg10: memref<32x128xf32, #tpu.memory_space<vmem>>, %arg11: memref<32x128xf32, #tpu.memory_space<vmem>>, %arg12: memref<!tpu.dma_semaphore, #tpu.memory_space<semaphore_mem>>, %arg13: memref<!tpu.dma_semaphore, #tpu.memory_space<semaphore_mem>>, %arg14: memref<!tpu.dma_semaphore, #tpu.memory_space<semaphore_mem>>, %arg15: memref<!tpu.dma_semaphore, #tpu.memory_space<semaphore_mem>>, %arg16: memref<10000x128xf32, #tpu.memory_space<vmem_shared>>) attributes {dimension_semantics = [#tpu.dimension_semantics<core_parallel>, #tpu.dimension_semantics<subcore_parallel>], iteration_bounds = array<i64: 2, 16>, scalar_prefetch = 0 : i64, scratch_operands = 11 : i64, tpu.core_type = #tpu.core_type<sc_vector_subcore>, window_params = [{transform_indices = #map}, {transform_indices = #map1}, {transform_indices = #map}, {transform_indices = #map2}]} {
    %lt3A = arith.constant 15 : i32
    %lt3A_0 = arith.cmpi slt, %arg1, %lt3A : i32
    %jit3A = arith.constant 39 : i32
    %jit3A_1 = arith.constant 40 : i32
    %select_n3A = arith.select %lt3A_0, %jit3A, %jit3A_1 : i32
    %mul3A = arith.constant 625 : i32
    %mul3A_2 = arith.muli %arg0, %mul3A : i32
    %lt3A_3 = arith.constant 15 : i32
    %lt3A_4 = arith.cmpi slt, %arg1, %lt3A_3 : i32
    %mul3A_5 = arith.constant 39 : i32
    %mul3A_6 = arith.muli %arg1, %mul3A_5 : i32
    %jit3A_7 = arith.constant 585 : i32
    %select_n3A_8 = arith.select %lt3A_4, %mul3A_6, %jit3A_7 : i32
    %add3A = arith.addi %mul3A_2, %select_n3A_8 : i32
    %mul3A_9 = arith.constant 624 : i32
    %mul3A_10 = arith.muli %arg1, %mul3A_9 : i32
    %multiple_of3A = tpu.assume_multiple %mul3A_10, 8 : i32
    "tpu.region"() ({
      %run_scoped3A_68 = tpu.sem_alloc : memref<!tpu.dma_semaphore, #tpu.memory_space<semaphore_mem>>
      %dma_start3A_69 = arith.constant 0 : i32
      %dma_start3A_70 = tpu.memref_slice %arg16[%multiple_of3A, %dma_start3A_69] : memref<10000x128xf32, #tpu.memory_space<vmem_shared>> -> memref<624x128xf32, #tpu.memory_space<vmem_shared>>
      tpu.enqueue_dma source(%arg4 : memref<624x128xf32, #tpu.memory_space<hbm>>) target(%dma_start3A_70 : memref<624x128xf32, #tpu.memory_space<vmem_shared>>) target_semaphore(%run_scoped3A_68 : memref<!tpu.dma_semaphore, #tpu.memory_space<semaphore_mem>>)
      %dma_wait3A = arith.constant 0 : i32
      %dma_wait3A_71 = tpu.memref_slice %arg16[%multiple_of3A, %dma_wait3A] : memref<10000x128xf32, #tpu.memory_space<vmem_shared>> -> memref<624x128xf32, #tpu.memory_space<vmem_shared>>
      tpu.wait_dma2 semaphore(%run_scoped3A_68 : memref<!tpu.dma_semaphore, #tpu.memory_space<semaphore_mem>>) src(%arg4 : memref<624x128xf32, #tpu.memory_space<hbm>>) dst(%dma_wait3A_71 : memref<624x128xf32, #tpu.memory_space<vmem_shared>>)
      tpu.yield
    }) : () -> ()
    %eq3A = arith.constant 15 : i32
    %eq3A_11 = arith.cmpi eq, %arg1, %eq3A : i32
    %convert_element_type3A = arith.extui %eq3A_11 : i1 to i32
    %cond3A = arith.constant 0 : i32
    %cond3A_12 = arith.cmpi ne, %convert_element_type3A, %cond3A : i32
    scf.if %cond3A_12 {
      "tpu.region"() ({
        %run_scoped3A_68 = tpu.sem_alloc : memref<!tpu.dma_semaphore, #tpu.memory_space<semaphore_mem>>
        %dma_start3A_69 = arith.constant 9984 : i32
        %dma_start3A_70 = arith.constant 0 : i32
        %dma_start3A_71 = tpu.memref_slice %arg16[%dma_start3A_69, %dma_start3A_70] : memref<10000x128xf32, #tpu.memory_space<vmem_shared>> -> memref<16x128xf32, #tpu.memory_space<vmem_shared>>
        %dma_start3A_72 = arith.constant 0 : i32
        %dma_start3A_73 = arith.constant 0 : i32
        %dma_start3A_74 = tpu.memref_slice %arg4[%dma_start3A_72, %dma_start3A_73] : memref<624x128xf32, #tpu.memory_space<hbm>> -> memref<16x128xf32, #tpu.memory_space<hbm>>
        tpu.enqueue_dma source(%dma_start3A_74 : memref<16x128xf32, #tpu.memory_space<hbm>>) target(%dma_start3A_71 : memref<16x128xf32, #tpu.memory_space<vmem_shared>>) target_semaphore(%run_scoped3A_68 : memref<!tpu.dma_semaphore, #tpu.memory_space<semaphore_mem>>)
        %dma_wait3A = arith.constant 9984 : i32
        %dma_wait3A_75 = arith.constant 0 : i32
        %dma_wait3A_76 = tpu.memref_slice %arg16[%dma_wait3A, %dma_wait3A_75] : memref<10000x128xf32, #tpu.memory_space<vmem_shared>> -> memref<16x128xf32, #tpu.memory_space<vmem_shared>>
        %dma_wait3A_77 = arith.constant 0 : i32
        %dma_wait3A_78 = arith.constant 0 : i32
        %dma_wait3A_79 = tpu.memref_slice %arg4[%dma_wait3A_77, %dma_wait3A_78] : memref<624x128xf32, #tpu.memory_space<hbm>> -> memref<16x128xf32, #tpu.memory_space<hbm>>
        tpu.wait_dma2 semaphore(%run_scoped3A_68 : memref<!tpu.dma_semaphore, #tpu.memory_space<semaphore_mem>>) src(%dma_wait3A_79 : memref<16x128xf32, #tpu.memory_space<hbm>>) dst(%dma_wait3A_76 : memref<16x128xf32, #tpu.memory_space<vmem_shared>>)
        tpu.yield
      }) : () -> ()
    } else {
    }
    %barrier3A = arith.constant 0 : index
    tpu.barrier barrier_id(%barrier3A)
    %run_scoped3A = arith.constant 0 : i32
    %run_scoped3A_13 = arith.constant 0 : i32
    "tpu.region"() ({
      %run_scoped3A_68 = tpu.sem_alloc : memref<!tpu.dma_semaphore, #tpu.memory_space<semaphore_mem>>
      %dma_start3A_69 = arith.constant 0 : i32
      %dma_start3A_70 = arith.constant 0 : i32
      %dma_start3A_71 = tpu.memref_slice %arg6[%run_scoped3A_13, %dma_start3A_69, %dma_start3A_70] : memref<2x8x32xi32, #tpu.memory_space<vmem>> -> memref<1x8x32xi32, #tpu.memory_space<vmem>>
      %dma_start3A_72 = tpu.memref_squeeze %dma_start3A_71 : memref<1x8x32xi32, #tpu.memory_space<vmem>> -> memref<8x32xi32, #tpu.memory_space<vmem>>
      %dma_start3A_73 = arith.constant 0 : i32
      %dma_start3A_74 = arith.constant 0 : i32
      %dma_start3A_75 = tpu.memref_slice %arg3[%run_scoped3A, %add3A, %dma_start3A_73, %dma_start3A_74] : memref<2x1250x8x32xi32, #tpu.memory_space<hbm>> -> memref<1x1x8x32xi32, #tpu.memory_space<hbm>>
      %dma_start3A_76 = tpu.memref_squeeze %dma_start3A_75 : memref<1x1x8x32xi32, #tpu.memory_space<hbm>> -> memref<8x32xi32, #tpu.memory_space<hbm>>
      %dma_start3A_77 = arith.constant 0 : i32
      %dma_start3A_78 = arith.constant 0 : i32
      %dma_start3A_79 = tpu.memref_slice %arg6[%run_scoped3A_13, %dma_start3A_77, %dma_start3A_78] : memref<2x8x32xi32, #tpu.memory_space<vmem>> -> memref<1x8x32xi32, #tpu.memory_space<vmem>>
      %dma_start3A_80 = tpu.memref_squeeze %dma_start3A_79 : memref<1x8x32xi32, #tpu.memory_space<vmem>> -> memref<8x32xi32, #tpu.memory_space<vmem>>
      %dma_start3A_81 = arith.constant 0 : i32
      %dma_start3A_82 = arith.constant 0 : i32
      %dma_start3A_83 = tpu.memref_slice %arg3[%run_scoped3A, %add3A, %dma_start3A_81, %dma_start3A_82] : memref<2x1250x8x32xi32, #tpu.memory_space<hbm>> -> memref<1x1x8x32xi32, #tpu.memory_space<hbm>>
      %dma_start3A_84 = tpu.memref_squeeze %dma_start3A_83 : memref<1x1x8x32xi32, #tpu.memory_space<hbm>> -> memref<8x32xi32, #tpu.memory_space<hbm>>
      tpu.enqueue_dma source(%dma_start3A_84 : memref<8x32xi32, #tpu.memory_space<hbm>>) target(%dma_start3A_80 : memref<8x32xi32, #tpu.memory_space<vmem>>) target_semaphore(%run_scoped3A_68 : memref<!tpu.dma_semaphore, #tpu.memory_space<semaphore_mem>>)
      %dma_wait3A = arith.constant 0 : i32
      %dma_wait3A_85 = arith.constant 0 : i32
      %dma_wait3A_86 = tpu.memref_slice %arg6[%run_scoped3A_13, %dma_wait3A, %dma_wait3A_85] : memref<2x8x32xi32, #tpu.memory_space<vmem>> -> memref<1x8x32xi32, #tpu.memory_space<vmem>>
      %dma_wait3A_87 = tpu.memref_squeeze %dma_wait3A_86 : memref<1x8x32xi32, #tpu.memory_space<vmem>> -> memref<8x32xi32, #tpu.memory_space<vmem>>
      %dma_wait3A_88 = arith.constant 0 : i32
      %dma_wait3A_89 = arith.constant 0 : i32
      %dma_wait3A_90 = tpu.memref_slice %arg3[%run_scoped3A, %add3A, %dma_wait3A_88, %dma_wait3A_89] : memref<2x1250x8x32xi32, #tpu.memory_space<hbm>> -> memref<1x1x8x32xi32, #tpu.memory_space<hbm>>
      %dma_wait3A_91 = tpu.memref_squeeze %dma_wait3A_90 : memref<1x1x8x32xi32, #tpu.memory_space<hbm>> -> memref<8x32xi32, #tpu.memory_space<hbm>>
      %dma_wait3A_92 = arith.constant 0 : i32
      %dma_wait3A_93 = arith.constant 0 : i32
      %dma_wait3A_94 = tpu.memref_slice %arg6[%run_scoped3A_13, %dma_wait3A_92, %dma_wait3A_93] : memref<2x8x32xi32, #tpu.memory_space<vmem>> -> memref<1x8x32xi32, #tpu.memory_space<vmem>>
      %dma_wait3A_95 = tpu.memref_squeeze %dma_wait3A_94 : memref<1x8x32xi32, #tpu.memory_space<vmem>> -> memref<8x32xi32, #tpu.memory_space<vmem>>
      %dma_wait3A_96 = arith.constant 0 : i32
      %dma_wait3A_97 = arith.constant 0 : i32
      %dma_wait3A_98 = tpu.memref_slice %arg3[%run_scoped3A, %add3A, %dma_wait3A_96, %dma_wait3A_97] : memref<2x1250x8x32xi32, #tpu.memory_space<hbm>> -> memref<1x1x8x32xi32, #tpu.memory_space<hbm>>
      %dma_wait3A_99 = tpu.memref_squeeze %dma_wait3A_98 : memref<1x1x8x32xi32, #tpu.memory_space<hbm>> -> memref<8x32xi32, #tpu.memory_space<hbm>>
      tpu.wait_dma2 semaphore(%run_scoped3A_68 : memref<!tpu.dma_semaphore, #tpu.memory_space<semaphore_mem>>) src(%dma_wait3A_99 : memref<8x32xi32, #tpu.memory_space<hbm>>) dst(%dma_wait3A_95 : memref<8x32xi32, #tpu.memory_space<vmem>>)
      tpu.yield
    }) : () -> ()
    %run_scoped3A_14 = arith.constant 1 : i32
    %run_scoped3A_15 = arith.constant 0 : i32
    "tpu.region"() ({
      %run_scoped3A_68 = tpu.sem_alloc : memref<!tpu.dma_semaphore, #tpu.memory_space<semaphore_mem>>
      %dma_start3A_69 = arith.constant 0 : i32
      %dma_start3A_70 = arith.constant 0 : i32
      %dma_start3A_71 = tpu.memref_slice %arg7[%run_scoped3A_15, %dma_start3A_69, %dma_start3A_70] : memref<2x8x32xi32, #tpu.memory_space<vmem>> -> memref<1x8x32xi32, #tpu.memory_space<vmem>>
      %dma_start3A_72 = tpu.memref_squeeze %dma_start3A_71 : memref<1x8x32xi32, #tpu.memory_space<vmem>> -> memref<8x32xi32, #tpu.memory_space<vmem>>
      %dma_start3A_73 = arith.constant 0 : i32
      %dma_start3A_74 = arith.constant 0 : i32
      %dma_start3A_75 = tpu.memref_slice %arg3[%run_scoped3A_14, %add3A, %dma_start3A_73, %dma_start3A_74] : memref<2x1250x8x32xi32, #tpu.memory_space<hbm>> -> memref<1x1x8x32xi32, #tpu.memory_space<hbm>>
      %dma_start3A_76 = tpu.memref_squeeze %dma_start3A_75 : memref<1x1x8x32xi32, #tpu.memory_space<hbm>> -> memref<8x32xi32, #tpu.memory_space<hbm>>
      %dma_start3A_77 = arith.constant 0 : i32
      %dma_start3A_78 = arith.constant 0 : i32
      %dma_start3A_79 = tpu.memref_slice %arg7[%run_scoped3A_15, %dma_start3A_77, %dma_start3A_78] : memref<2x8x32xi32, #tpu.memory_space<vmem>> -> memref<1x8x32xi32, #tpu.memory_space<vmem>>
      %dma_start3A_80 = tpu.memref_squeeze %dma_start3A_79 : memref<1x8x32xi32, #tpu.memory_space<vmem>> -> memref<8x32xi32, #tpu.memory_space<vmem>>
      %dma_start3A_81 = arith.constant 0 : i32
      %dma_start3A_82 = arith.constant 0 : i32
      %dma_start3A_83 = tpu.memref_slice %arg3[%run_scoped3A_14, %add3A, %dma_start3A_81, %dma_start3A_82] : memref<2x1250x8x32xi32, #tpu.memory_space<hbm>> -> memref<1x1x8x32xi32, #tpu.memory_space<hbm>>
      %dma_start3A_84 = tpu.memref_squeeze %dma_start3A_83 : memref<1x1x8x32xi32, #tpu.memory_space<hbm>> -> memref<8x32xi32, #tpu.memory_space<hbm>>
      tpu.enqueue_dma source(%dma_start3A_84 : memref<8x32xi32, #tpu.memory_space<hbm>>) target(%dma_start3A_80 : memref<8x32xi32, #tpu.memory_space<vmem>>) target_semaphore(%run_scoped3A_68 : memref<!tpu.dma_semaphore, #tpu.memory_space<semaphore_mem>>)
      %dma_wait3A = arith.constant 0 : i32
      %dma_wait3A_85 = arith.constant 0 : i32
      %dma_wait3A_86 = tpu.memref_slice %arg7[%run_scoped3A_15, %dma_wait3A, %dma_wait3A_85] : memref<2x8x32xi32, #tpu.memory_space<vmem>> -> memref<1x8x32xi32, #tpu.memory_space<vmem>>
      %dma_wait3A_87 = tpu.memref_squeeze %dma_wait3A_86 : memref<1x8x32xi32, #tpu.memory_space<vmem>> -> memref<8x32xi32, #tpu.memory_space<vmem>>
      %dma_wait3A_88 = arith.constant 0 : i32
      %dma_wait3A_89 = arith.constant 0 : i32
      %dma_wait3A_90 = tpu.memref_slice %arg3[%run_scoped3A_14, %add3A, %dma_wait3A_88, %dma_wait3A_89] : memref<2x1250x8x32xi32, #tpu.memory_space<hbm>> -> memref<1x1x8x32xi32, #tpu.memory_space<hbm>>
      %dma_wait3A_91 = tpu.memref_squeeze %dma_wait3A_90 : memref<1x1x8x32xi32, #tpu.memory_space<hbm>> -> memref<8x32xi32, #tpu.memory_space<hbm>>
      %dma_wait3A_92 = arith.constant 0 : i32
      %dma_wait3A_93 = arith.constant 0 : i32
      %dma_wait3A_94 = tpu.memref_slice %arg7[%run_scoped3A_15, %dma_wait3A_92, %dma_wait3A_93] : memref<2x8x32xi32, #tpu.memory_space<vmem>> -> memref<1x8x32xi32, #tpu.memory_space<vmem>>
      %dma_wait3A_95 = tpu.memref_squeeze %dma_wait3A_94 : memref<1x8x32xi32, #tpu.memory_space<vmem>> -> memref<8x32xi32, #tpu.memory_space<vmem>>
      %dma_wait3A_96 = arith.constant 0 : i32
      %dma_wait3A_97 = arith.constant 0 : i32
      %dma_wait3A_98 = tpu.memref_slice %arg3[%run_scoped3A_14, %add3A, %dma_wait3A_96, %dma_wait3A_97] : memref<2x1250x8x32xi32, #tpu.memory_space<hbm>> -> memref<1x1x8x32xi32, #tpu.memory_space<hbm>>
      %dma_wait3A_99 = tpu.memref_squeeze %dma_wait3A_98 : memref<1x1x8x32xi32, #tpu.memory_space<hbm>> -> memref<8x32xi32, #tpu.memory_space<hbm>>
      tpu.wait_dma2 semaphore(%run_scoped3A_68 : memref<!tpu.dma_semaphore, #tpu.memory_space<semaphore_mem>>) src(%dma_wait3A_99 : memref<8x32xi32, #tpu.memory_space<hbm>>) dst(%dma_wait3A_95 : memref<8x32xi32, #tpu.memory_space<vmem>>)
      tpu.yield
    }) : () -> ()
    %dma_start3A = arith.constant 0 : i32
    %dma_start3A_16 = arith.constant 0 : i32
    %dma_start3A_17 = arith.constant 0 : i32
    %dma_start3A_18 = tpu.memref_slice %arg6[%dma_start3A, %dma_start3A_16, %dma_start3A_17] : memref<2x8x32xi32, #tpu.memory_space<vmem>> -> memref<1x1x32xi32, #tpu.memory_space<vmem>>
    %dma_start3A_19 = tpu.memref_squeeze %dma_start3A_18 : memref<1x1x32xi32, #tpu.memory_space<vmem>> -> memref<32xi32, #tpu.memory_space<vmem>>
    %dma_start3A_20 = arith.constant 0 : i32
    %dma_start3A_21 = arith.constant 0 : i32
    %dma_start3A_22 = tpu.memref_slice %arg2[%dma_start3A_20, %dma_start3A_21] : memref<10000x128xf32, #tpu.memory_space<hbm>> -> memref<10000x128xf32, #tpu.memory_space<hbm>>
    tpu.enqueue_indirect_dma source(%dma_start3A_22 : memref<10000x128xf32, #tpu.memory_space<hbm>>) target(%arg8 : memref<32x128xf32, #tpu.memory_space<vmem>>) offsets(%dma_start3A_19 : memref<32xi32, #tpu.memory_space<vmem>>) semaphore(%arg12 : memref<!tpu.dma_semaphore, #tpu.memory_space<semaphore_mem>>)
    %dma_start3A_23 = arith.constant 0 : i32
    %dma_start3A_24 = arith.constant 1 : i32
    %dma_start3A_25 = arith.constant 0 : i32
    %dma_start3A_26 = tpu.memref_slice %arg6[%dma_start3A_23, %dma_start3A_24, %dma_start3A_25] : memref<2x8x32xi32, #tpu.memory_space<vmem>> -> memref<1x1x32xi32, #tpu.memory_space<vmem>>
    %dma_start3A_27 = tpu.memref_squeeze %dma_start3A_26 : memref<1x1x32xi32, #tpu.memory_space<vmem>> -> memref<32xi32, #tpu.memory_space<vmem>>
    %dma_start3A_28 = arith.constant 0 : i32
    %dma_start3A_29 = arith.constant 0 : i32
    %dma_start3A_30 = tpu.memref_slice %arg2[%dma_start3A_28, %dma_start3A_29] : memref<10000x128xf32, #tpu.memory_space<hbm>> -> memref<10000x128xf32, #tpu.memory_space<hbm>>
    tpu.enqueue_indirect_dma source(%dma_start3A_30 : memref<10000x128xf32, #tpu.memory_space<hbm>>) target(%arg9 : memref<32x128xf32, #tpu.memory_space<vmem>>) offsets(%dma_start3A_27 : memref<32xi32, #tpu.memory_space<vmem>>) semaphore(%arg13 : memref<!tpu.dma_semaphore, #tpu.memory_space<semaphore_mem>>)
    %dma_start3A_31 = arith.constant 0 : i32
    %dma_start3A_32 = arith.constant 2 : i32
    %dma_start3A_33 = arith.constant 0 : i32
    %dma_start3A_34 = tpu.memref_slice %arg6[%dma_start3A_31, %dma_start3A_32, %dma_start3A_33] : memref<2x8x32xi32, #tpu.memory_space<vmem>> -> memref<1x1x32xi32, #tpu.memory_space<vmem>>
    %dma_start3A_35 = tpu.memref_squeeze %dma_start3A_34 : memref<1x1x32xi32, #tpu.memory_space<vmem>> -> memref<32xi32, #tpu.memory_space<vmem>>
    %dma_start3A_36 = arith.constant 0 : i32
    %dma_start3A_37 = arith.constant 0 : i32
    %dma_start3A_38 = tpu.memref_slice %arg2[%dma_start3A_36, %dma_start3A_37] : memref<10000x128xf32, #tpu.memory_space<hbm>> -> memref<10000x128xf32, #tpu.memory_space<hbm>>
    tpu.enqueue_indirect_dma source(%dma_start3A_38 : memref<10000x128xf32, #tpu.memory_space<hbm>>) target(%arg10 : memref<32x128xf32, #tpu.memory_space<vmem>>) offsets(%dma_start3A_35 : memref<32xi32, #tpu.memory_space<vmem>>) semaphore(%arg14 : memref<!tpu.dma_semaphore, #tpu.memory_space<semaphore_mem>>)
    %dma_start3A_39 = arith.constant 0 : i32
    %dma_start3A_40 = arith.constant 3 : i32
    %dma_start3A_41 = arith.constant 0 : i32
    %dma_start3A_42 = tpu.memref_slice %arg6[%dma_start3A_39, %dma_start3A_40, %dma_start3A_41] : memref<2x8x32xi32, #tpu.memory_space<vmem>> -> memref<1x1x32xi32, #tpu.memory_space<vmem>>
    %dma_start3A_43 = tpu.memref_squeeze %dma_start3A_42 : memref<1x1x32xi32, #tpu.memory_space<vmem>> -> memref<32xi32, #tpu.memory_space<vmem>>
    %dma_start3A_44 = arith.constant 0 : i32
    %dma_start3A_45 = arith.constant 0 : i32
    %dma_start3A_46 = tpu.memref_slice %arg2[%dma_start3A_44, %dma_start3A_45] : memref<10000x128xf32, #tpu.memory_space<hbm>> -> memref<10000x128xf32, #tpu.memory_space<hbm>>
    tpu.enqueue_indirect_dma source(%dma_start3A_46 : memref<10000x128xf32, #tpu.memory_space<hbm>>) target(%arg11 : memref<32x128xf32, #tpu.memory_space<vmem>>) offsets(%dma_start3A_43 : memref<32xi32, #tpu.memory_space<vmem>>) semaphore(%arg15 : memref<!tpu.dma_semaphore, #tpu.memory_space<semaphore_mem>>)
    %while3A = arith.constant 0 : i32
    %while3A_47 = arith.constant 0 : i32
    %while3A_48 = arith.subi %select_n3A, %while3A_47 : i32
    %while3A_49 = arith.addi %while3A_47, %while3A_48 : i32
    %while3A_50 = arith.constant 1 : i32
    %while3A_51 = arith.divsi %while3A_48, %while3A_50 : i32
    %while3A_52 = arith.muli %while3A_51, %while3A_50 : i32
    %while3A_53 = arith.addi %while3A_47, %while3A_52 : i32
    %while3A_54 = arith.constant 1 : i32
    scf.for %while3A_68 = %while3A_47 to %while3A_53 step %while3A_54  : i32 {
      %rem3A = arith.constant 2 : i32
      %rem3A_69 = arith.remsi %while3A_68, %rem3A : i32
      %sub3A = arith.constant 1 : i32
      %sub3A_70 = arith.subi %sub3A, %rem3A_69 : i32
      %add3A_71 = arith.addi %add3A, %while3A_68 : i32
      %add3A_72 = arith.constant 1 : i32
      %add3A_73 = arith.addi %add3A_71, %add3A_72 : i32
      %add3A_74 = arith.constant 1 : i32
      %add3A_75 = arith.addi %while3A_68, %add3A_74 : i32
      %lt3A_76 = arith.cmpi slt, %add3A_75, %select_n3A : i32
      %dma_wait3A = arith.constant 0 : i32
      %dma_wait3A_77 = arith.constant 0 : i32
      %dma_wait3A_78 = tpu.memref_slice %arg6[%rem3A_69, %dma_wait3A, %dma_wait3A_77] : memref<2x8x32xi32, #tpu.memory_space<vmem>> -> memref<1x1x32xi32, #tpu.memory_space<vmem>>
      %dma_wait3A_79 = tpu.memref_squeeze %dma_wait3A_78 : memref<1x1x32xi32, #tpu.memory_space<vmem>> -> memref<32xi32, #tpu.memory_space<vmem>>
      %dma_wait3A_80 = arith.constant 0 : i32
      %dma_wait3A_81 = arith.constant 0 : i32
      %dma_wait3A_82 = tpu.memref_slice %arg2[%dma_wait3A_80, %dma_wait3A_81] : memref<10000x128xf32, #tpu.memory_space<hbm>> -> memref<10000x128xf32, #tpu.memory_space<hbm>>
      tpu.wait_indirect_dma semaphore(%arg12 : memref<!tpu.dma_semaphore, #tpu.memory_space<semaphore_mem>>) src(%dma_wait3A_82 : memref<10000x128xf32, #tpu.memory_space<hbm>>) dst(%arg8 : memref<32x128xf32, #tpu.memory_space<vmem>>)
      %run_scoped3A_83 = arith.constant 0 : i32
      "tpu.region"() ({
        %run_scoped3A_183 = tpu.sem_alloc : memref<!tpu.dma_semaphore, #tpu.memory_space<semaphore_mem>>
        %dma_start3A_184 = arith.constant 0 : i32
        %dma_start3A_185 = tpu.memref_slice %arg7[%rem3A_69, %run_scoped3A_83, %dma_start3A_184] : memref<2x8x32xi32, #tpu.memory_space<vmem>> -> memref<1x1x32xi32, #tpu.memory_space<vmem>>
        %dma_start3A_186 = tpu.memref_squeeze %dma_start3A_185 : memref<1x1x32xi32, #tpu.memory_space<vmem>> -> memref<32xi32, #tpu.memory_space<vmem>>
        %dma_start3A_187 = arith.constant 0 : i32
        %dma_start3A_188 = arith.constant 0 : i32
        %dma_start3A_189 = tpu.memref_slice %arg16[%dma_start3A_187, %dma_start3A_188] : memref<10000x128xf32, #tpu.memory_space<vmem_shared>> -> memref<10000x128xf32, #tpu.memory_space<vmem_shared>>
        tpu.enqueue_indirect_dma source(%arg8 : memref<32x128xf32, #tpu.memory_space<vmem>>) target(%dma_start3A_189 : memref<10000x128xf32, #tpu.memory_space<vmem_shared>>) offsets(%dma_start3A_186 : memref<32xi32, #tpu.memory_space<vmem>>) semaphore(%run_scoped3A_183 : memref<!tpu.dma_semaphore, #tpu.memory_space<semaphore_mem>>) {add = true}
        %dma_wait3A_190 = arith.constant 0 : i32
        %dma_wait3A_191 = tpu.memref_slice %arg7[%rem3A_69, %run_scoped3A_83, %dma_wait3A_190] : memref<2x8x32xi32, #tpu.memory_space<vmem>> -> memref<1x1x32xi32, #tpu.memory_space<vmem>>
        %dma_wait3A_192 = tpu.memref_squeeze %dma_wait3A_191 : memref<1x1x32xi32, #tpu.memory_space<vmem>> -> memref<32xi32, #tpu.memory_space<vmem>>
        %dma_wait3A_193 = arith.constant 0 : i32
        %dma_wait3A_194 = arith.constant 0 : i32
        %dma_wait3A_195 = tpu.memref_slice %arg16[%dma_wait3A_193, %dma_wait3A_194] : memref<10000x128xf32, #tpu.memory_space<vmem_shared>> -> memref<10000x128xf32, #tpu.memory_space<vmem_shared>>
        tpu.wait_indirect_dma semaphore(%run_scoped3A_183 : memref<!tpu.dma_semaphore, #tpu.memory_space<semaphore_mem>>) src(%arg8 : memref<32x128xf32, #tpu.memory_space<vmem>>) dst(%dma_wait3A_195 : memref<10000x128xf32, #tpu.memory_space<vmem_shared>>)
        tpu.yield
      }) : () -> ()
      %dma_start3A_84 = arith.constant 4 : i32
      %dma_start3A_85 = arith.constant 0 : i32
      %dma_start3A_86 = tpu.memref_slice %arg6[%rem3A_69, %dma_start3A_84, %dma_start3A_85] : memref<2x8x32xi32, #tpu.memory_space<vmem>> -> memref<1x1x32xi32, #tpu.memory_space<vmem>>
      %dma_start3A_87 = tpu.memref_squeeze %dma_start3A_86 : memref<1x1x32xi32, #tpu.memory_space<vmem>> -> memref<32xi32, #tpu.memory_space<vmem>>
      %dma_start3A_88 = arith.constant 0 : i32
      %dma_start3A_89 = arith.constant 0 : i32
      %dma_start3A_90 = tpu.memref_slice %arg2[%dma_start3A_88, %dma_start3A_89] : memref<10000x128xf32, #tpu.memory_space<hbm>> -> memref<10000x128xf32, #tpu.memory_space<hbm>>
      tpu.enqueue_indirect_dma source(%dma_start3A_90 : memref<10000x128xf32, #tpu.memory_space<hbm>>) target(%arg8 : memref<32x128xf32, #tpu.memory_space<vmem>>) offsets(%dma_start3A_87 : memref<32xi32, #tpu.memory_space<vmem>>) semaphore(%arg12 : memref<!tpu.dma_semaphore, #tpu.memory_space<semaphore_mem>>)
      %dma_wait3A_91 = arith.constant 1 : i32
      %dma_wait3A_92 = arith.constant 0 : i32
      %dma_wait3A_93 = tpu.memref_slice %arg6[%rem3A_69, %dma_wait3A_91, %dma_wait3A_92] : memref<2x8x32xi32, #tpu.memory_space<vmem>> -> memref<1x1x32xi32, #tpu.memory_space<vmem>>
      %dma_wait3A_94 = tpu.memref_squeeze %dma_wait3A_93 : memref<1x1x32xi32, #tpu.memory_space<vmem>> -> memref<32xi32, #tpu.memory_space<vmem>>
      %dma_wait3A_95 = arith.constant 0 : i32
      %dma_wait3A_96 = arith.constant 0 : i32
      %dma_wait3A_97 = tpu.memref_slice %arg2[%dma_wait3A_95, %dma_wait3A_96] : memref<10000x128xf32, #tpu.memory_space<hbm>> -> memref<10000x128xf32, #tpu.memory_space<hbm>>
      tpu.wait_indirect_dma semaphore(%arg13 : memref<!tpu.dma_semaphore, #tpu.memory_space<semaphore_mem>>) src(%dma_wait3A_97 : memref<10000x128xf32, #tpu.memory_space<hbm>>) dst(%arg9 : memref<32x128xf32, #tpu.memory_space<vmem>>)
      %run_scoped3A_98 = arith.constant 1 : i32
      "tpu.region"() ({
        %run_scoped3A_183 = tpu.sem_alloc : memref<!tpu.dma_semaphore, #tpu.memory_space<semaphore_mem>>
        %dma_start3A_184 = arith.constant 0 : i32
        %dma_start3A_185 = tpu.memref_slice %arg7[%rem3A_69, %run_scoped3A_98, %dma_start3A_184] : memref<2x8x32xi32, #tpu.memory_space<vmem>> -> memref<1x1x32xi32, #tpu.memory_space<vmem>>
        %dma_start3A_186 = tpu.memref_squeeze %dma_start3A_185 : memref<1x1x32xi32, #tpu.memory_space<vmem>> -> memref<32xi32, #tpu.memory_space<vmem>>
        %dma_start3A_187 = arith.constant 0 : i32
        %dma_start3A_188 = arith.constant 0 : i32
        %dma_start3A_189 = tpu.memref_slice %arg16[%dma_start3A_187, %dma_start3A_188] : memref<10000x128xf32, #tpu.memory_space<vmem_shared>> -> memref<10000x128xf32, #tpu.memory_space<vmem_shared>>
        tpu.enqueue_indirect_dma source(%arg9 : memref<32x128xf32, #tpu.memory_space<vmem>>) target(%dma_start3A_189 : memref<10000x128xf32, #tpu.memory_space<vmem_shared>>) offsets(%dma_start3A_186 : memref<32xi32, #tpu.memory_space<vmem>>) semaphore(%run_scoped3A_183 : memref<!tpu.dma_semaphore, #tpu.memory_space<semaphore_mem>>) {add = true}
        %dma_wait3A_190 = arith.constant 0 : i32
        %dma_wait3A_191 = tpu.memref_slice %arg7[%rem3A_69, %run_scoped3A_98, %dma_wait3A_190] : memref<2x8x32xi32, #tpu.memory_space<vmem>> -> memref<1x1x32xi32, #tpu.memory_space<vmem>>
        %dma_wait3A_192 = tpu.memref_squeeze %dma_wait3A_191 : memref<1x1x32xi32, #tpu.memory_space<vmem>> -> memref<32xi32, #tpu.memory_space<vmem>>
        %dma_wait3A_193 = arith.constant 0 : i32
        %dma_wait3A_194 = arith.constant 0 : i32
        %dma_wait3A_195 = tpu.memref_slice %arg16[%dma_wait3A_193, %dma_wait3A_194] : memref<10000x128xf32, #tpu.memory_space<vmem_shared>> -> memref<10000x128xf32, #tpu.memory_space<vmem_shared>>
        tpu.wait_indirect_dma semaphore(%run_scoped3A_183 : memref<!tpu.dma_semaphore, #tpu.memory_space<semaphore_mem>>) src(%arg9 : memref<32x128xf32, #tpu.memory_space<vmem>>) dst(%dma_wait3A_195 : memref<10000x128xf32, #tpu.memory_space<vmem_shared>>)
        tpu.yield
      }) : () -> ()
      %dma_start3A_99 = arith.constant 5 : i32
      %dma_start3A_100 = arith.constant 0 : i32
      %dma_start3A_101 = tpu.memref_slice %arg6[%rem3A_69, %dma_start3A_99, %dma_start3A_100] : memref<2x8x32xi32, #tpu.memory_space<vmem>> -> memref<1x1x32xi32, #tpu.memory_space<vmem>>
      %dma_start3A_102 = tpu.memref_squeeze %dma_start3A_101 : memref<1x1x32xi32, #tpu.memory_space<vmem>> -> memref<32xi32, #tpu.memory_space<vmem>>
      %dma_start3A_103 = arith.constant 0 : i32
      %dma_start3A_104 = arith.constant 0 : i32
      %dma_start3A_105 = tpu.memref_slice %arg2[%dma_start3A_103, %dma_start3A_104] : memref<10000x128xf32, #tpu.memory_space<hbm>> -> memref<10000x128xf32, #tpu.memory_space<hbm>>
      tpu.enqueue_indirect_dma source(%dma_start3A_105 : memref<10000x128xf32, #tpu.memory_space<hbm>>) target(%arg9 : memref<32x128xf32, #tpu.memory_space<vmem>>) offsets(%dma_start3A_102 : memref<32xi32, #tpu.memory_space<vmem>>) semaphore(%arg13 : memref<!tpu.dma_semaphore, #tpu.memory_space<semaphore_mem>>)
      %dma_wait3A_106 = arith.constant 2 : i32
      %dma_wait3A_107 = arith.constant 0 : i32
      %dma_wait3A_108 = tpu.memref_slice %arg6[%rem3A_69, %dma_wait3A_106, %dma_wait3A_107] : memref<2x8x32xi32, #tpu.memory_space<vmem>> -> memref<1x1x32xi32, #tpu.memory_space<vmem>>
      %dma_wait3A_109 = tpu.memref_squeeze %dma_wait3A_108 : memref<1x1x32xi32, #tpu.memory_space<vmem>> -> memref<32xi32, #tpu.memory_space<vmem>>
      %dma_wait3A_110 = arith.constant 0 : i32
      %dma_wait3A_111 = arith.constant 0 : i32
      %dma_wait3A_112 = tpu.memref_slice %arg2[%dma_wait3A_110, %dma_wait3A_111] : memref<10000x128xf32, #tpu.memory_space<hbm>> -> memref<10000x128xf32, #tpu.memory_space<hbm>>
      tpu.wait_indirect_dma semaphore(%arg14 : memref<!tpu.dma_semaphore, #tpu.memory_space<semaphore_mem>>) src(%dma_wait3A_112 : memref<10000x128xf32, #tpu.memory_space<hbm>>) dst(%arg10 : memref<32x128xf32, #tpu.memory_space<vmem>>)
      %run_scoped3A_113 = arith.constant 2 : i32
      "tpu.region"() ({
        %run_scoped3A_183 = tpu.sem_alloc : memref<!tpu.dma_semaphore, #tpu.memory_space<semaphore_mem>>
        %dma_start3A_184 = arith.constant 0 : i32
        %dma_start3A_185 = tpu.memref_slice %arg7[%rem3A_69, %run_scoped3A_113, %dma_start3A_184] : memref<2x8x32xi32, #tpu.memory_space<vmem>> -> memref<1x1x32xi32, #tpu.memory_space<vmem>>
        %dma_start3A_186 = tpu.memref_squeeze %dma_start3A_185 : memref<1x1x32xi32, #tpu.memory_space<vmem>> -> memref<32xi32, #tpu.memory_space<vmem>>
        %dma_start3A_187 = arith.constant 0 : i32
        %dma_start3A_188 = arith.constant 0 : i32
        %dma_start3A_189 = tpu.memref_slice %arg16[%dma_start3A_187, %dma_start3A_188] : memref<10000x128xf32, #tpu.memory_space<vmem_shared>> -> memref<10000x128xf32, #tpu.memory_space<vmem_shared>>
        tpu.enqueue_indirect_dma source(%arg10 : memref<32x128xf32, #tpu.memory_space<vmem>>) target(%dma_start3A_189 : memref<10000x128xf32, #tpu.memory_space<vmem_shared>>) offsets(%dma_start3A_186 : memref<32xi32, #tpu.memory_space<vmem>>) semaphore(%run_scoped3A_183 : memref<!tpu.dma_semaphore, #tpu.memory_space<semaphore_mem>>) {add = true}
        %dma_wait3A_190 = arith.constant 0 : i32
        %dma_wait3A_191 = tpu.memref_slice %arg7[%rem3A_69, %run_scoped3A_113, %dma_wait3A_190] : memref<2x8x32xi32, #tpu.memory_space<vmem>> -> memref<1x1x32xi32, #tpu.memory_space<vmem>>
        %dma_wait3A_192 = tpu.memref_squeeze %dma_wait3A_191 : memref<1x1x32xi32, #tpu.memory_space<vmem>> -> memref<32xi32, #tpu.memory_space<vmem>>
        %dma_wait3A_193 = arith.constant 0 : i32
        %dma_wait3A_194 = arith.constant 0 : i32
        %dma_wait3A_195 = tpu.memref_slice %arg16[%dma_wait3A_193, %dma_wait3A_194] : memref<10000x128xf32, #tpu.memory_space<vmem_shared>> -> memref<10000x128xf32, #tpu.memory_space<vmem_shared>>
        tpu.wait_indirect_dma semaphore(%run_scoped3A_183 : memref<!tpu.dma_semaphore, #tpu.memory_space<semaphore_mem>>) src(%arg10 : memref<32x128xf32, #tpu.memory_space<vmem>>) dst(%dma_wait3A_195 : memref<10000x128xf32, #tpu.memory_space<vmem_shared>>)
        tpu.yield
      }) : () -> ()
      %dma_start3A_114 = arith.constant 6 : i32
      %dma_start3A_115 = arith.constant 0 : i32
      %dma_start3A_116 = tpu.memref_slice %arg6[%rem3A_69, %dma_start3A_114, %dma_start3A_115] : memref<2x8x32xi32, #tpu.memory_space<vmem>> -> memref<1x1x32xi32, #tpu.memory_space<vmem>>
      %dma_start3A_117 = tpu.memref_squeeze %dma_start3A_116 : memref<1x1x32xi32, #tpu.memory_space<vmem>> -> memref<32xi32, #tpu.memory_space<vmem>>
      %dma_start3A_118 = arith.constant 0 : i32
      %dma_start3A_119 = arith.constant 0 : i32
      %dma_start3A_120 = tpu.memref_slice %arg2[%dma_start3A_118, %dma_start3A_119] : memref<10000x128xf32, #tpu.memory_space<hbm>> -> memref<10000x128xf32, #tpu.memory_space<hbm>>
      tpu.enqueue_indirect_dma source(%dma_start3A_120 : memref<10000x128xf32, #tpu.memory_space<hbm>>) target(%arg10 : memref<32x128xf32, #tpu.memory_space<vmem>>) offsets(%dma_start3A_117 : memref<32xi32, #tpu.memory_space<vmem>>) semaphore(%arg14 : memref<!tpu.dma_semaphore, #tpu.memory_space<semaphore_mem>>)
      %dma_wait3A_121 = arith.constant 3 : i32
      %dma_wait3A_122 = arith.constant 0 : i32
      %dma_wait3A_123 = tpu.memref_slice %arg6[%rem3A_69, %dma_wait3A_121, %dma_wait3A_122] : memref<2x8x32xi32, #tpu.memory_space<vmem>> -> memref<1x1x32xi32, #tpu.memory_space<vmem>>
      %dma_wait3A_124 = tpu.memref_squeeze %dma_wait3A_123 : memref<1x1x32xi32, #tpu.memory_space<vmem>> -> memref<32xi32, #tpu.memory_space<vmem>>
      %dma_wait3A_125 = arith.constant 0 : i32
      %dma_wait3A_126 = arith.constant 0 : i32
      %dma_wait3A_127 = tpu.memref_slice %arg2[%dma_wait3A_125, %dma_wait3A_126] : memref<10000x128xf32, #tpu.memory_space<hbm>> -> memref<10000x128xf32, #tpu.memory_space<hbm>>
      tpu.wait_indirect_dma semaphore(%arg15 : memref<!tpu.dma_semaphore, #tpu.memory_space<semaphore_mem>>) src(%dma_wait3A_127 : memref<10000x128xf32, #tpu.memory_space<hbm>>) dst(%arg11 : memref<32x128xf32, #tpu.memory_space<vmem>>)
      %run_scoped3A_128 = arith.constant 3 : i32
      "tpu.region"() ({
        %run_scoped3A_183 = tpu.sem_alloc : memref<!tpu.dma_semaphore, #tpu.memory_space<semaphore_mem>>
        %dma_start3A_184 = arith.constant 0 : i32
        %dma_start3A_185 = tpu.memref_slice %arg7[%rem3A_69, %run_scoped3A_128, %dma_start3A_184] : memref<2x8x32xi32, #tpu.memory_space<vmem>> -> memref<1x1x32xi32, #tpu.memory_space<vmem>>
        %dma_start3A_186 = tpu.memref_squeeze %dma_start3A_185 : memref<1x1x32xi32, #tpu.memory_space<vmem>> -> memref<32xi32, #tpu.memory_space<vmem>>
        %dma_start3A_187 = arith.constant 0 : i32
        %dma_start3A_188 = arith.constant 0 : i32
        %dma_start3A_189 = tpu.memref_slice %arg16[%dma_start3A_187, %dma_start3A_188] : memref<10000x128xf32, #tpu.memory_space<vmem_shared>> -> memref<10000x128xf32, #tpu.memory_space<vmem_shared>>
        tpu.enqueue_indirect_dma source(%arg11 : memref<32x128xf32, #tpu.memory_space<vmem>>) target(%dma_start3A_189 : memref<10000x128xf32, #tpu.memory_space<vmem_shared>>) offsets(%dma_start3A_186 : memref<32xi32, #tpu.memory_space<vmem>>) semaphore(%run_scoped3A_183 : memref<!tpu.dma_semaphore, #tpu.memory_space<semaphore_mem>>) {add = true}
        %dma_wait3A_190 = arith.constant 0 : i32
        %dma_wait3A_191 = tpu.memref_slice %arg7[%rem3A_69, %run_scoped3A_128, %dma_wait3A_190] : memref<2x8x32xi32, #tpu.memory_space<vmem>> -> memref<1x1x32xi32, #tpu.memory_space<vmem>>
        %dma_wait3A_192 = tpu.memref_squeeze %dma_wait3A_191 : memref<1x1x32xi32, #tpu.memory_space<vmem>> -> memref<32xi32, #tpu.memory_space<vmem>>
        %dma_wait3A_193 = arith.constant 0 : i32
        %dma_wait3A_194 = arith.constant 0 : i32
        %dma_wait3A_195 = tpu.memref_slice %arg16[%dma_wait3A_193, %dma_wait3A_194] : memref<10000x128xf32, #tpu.memory_space<vmem_shared>> -> memref<10000x128xf32, #tpu.memory_space<vmem_shared>>
        tpu.wait_indirect_dma semaphore(%run_scoped3A_183 : memref<!tpu.dma_semaphore, #tpu.memory_space<semaphore_mem>>) src(%arg11 : memref<32x128xf32, #tpu.memory_space<vmem>>) dst(%dma_wait3A_195 : memref<10000x128xf32, #tpu.memory_space<vmem_shared>>)
        tpu.yield
      }) : () -> ()
      %dma_start3A_129 = arith.constant 7 : i32
      %dma_start3A_130 = arith.constant 0 : i32
      %dma_start3A_131 = tpu.memref_slice %arg6[%rem3A_69, %dma_start3A_129, %dma_start3A_130] : memref<2x8x32xi32, #tpu.memory_space<vmem>> -> memref<1x1x32xi32, #tpu.memory_space<vmem>>
      %dma_start3A_132 = tpu.memref_squeeze %dma_start3A_131 : memref<1x1x32xi32, #tpu.memory_space<vmem>> -> memref<32xi32, #tpu.memory_space<vmem>>
      %dma_start3A_133 = arith.constant 0 : i32
      %dma_start3A_134 = arith.constant 0 : i32
      %dma_start3A_135 = tpu.memref_slice %arg2[%dma_start3A_133, %dma_start3A_134] : memref<10000x128xf32, #tpu.memory_space<hbm>> -> memref<10000x128xf32, #tpu.memory_space<hbm>>
      tpu.enqueue_indirect_dma source(%dma_start3A_135 : memref<10000x128xf32, #tpu.memory_space<hbm>>) target(%arg11 : memref<32x128xf32, #tpu.memory_space<vmem>>) offsets(%dma_start3A_132 : memref<32xi32, #tpu.memory_space<vmem>>) semaphore(%arg15 : memref<!tpu.dma_semaphore, #tpu.memory_space<semaphore_mem>>)
      %convert_element_type3A_136 = arith.extui %lt3A_76 : i1 to i32
      %cond3A_137 = arith.constant 0 : i32
      %cond3A_138 = arith.cmpi ne, %convert_element_type3A_136, %cond3A_137 : i32
      scf.if %cond3A_138 {
        %run_scoped3A_183 = arith.constant 0 : i32
        "tpu.region"() ({
          %run_scoped3A_185 = tpu.sem_alloc : memref<!tpu.dma_semaphore, #tpu.memory_space<semaphore_mem>>
          %dma_start3A_186 = arith.constant 0 : i32
          %dma_start3A_187 = arith.constant 0 : i32
          %dma_start3A_188 = tpu.memref_slice %arg6[%sub3A_70, %dma_start3A_186, %dma_start3A_187] : memref<2x8x32xi32, #tpu.memory_space<vmem>> -> memref<1x8x32xi32, #tpu.memory_space<vmem>>
          %dma_start3A_189 = tpu.memref_squeeze %dma_start3A_188 : memref<1x8x32xi32, #tpu.memory_space<vmem>> -> memref<8x32xi32, #tpu.memory_space<vmem>>
          %dma_start3A_190 = arith.constant 0 : i32
          %dma_start3A_191 = arith.constant 0 : i32
          %dma_start3A_192 = tpu.memref_slice %arg3[%run_scoped3A_183, %add3A_73, %dma_start3A_190, %dma_start3A_191] : memref<2x1250x8x32xi32, #tpu.memory_space<hbm>> -> memref<1x1x8x32xi32, #tpu.memory_space<hbm>>
          %dma_start3A_193 = tpu.memref_squeeze %dma_start3A_192 : memref<1x1x8x32xi32, #tpu.memory_space<hbm>> -> memref<8x32xi32, #tpu.memory_space<hbm>>
          %dma_start3A_194 = arith.constant 0 : i32
          %dma_start3A_195 = arith.constant 0 : i32
          %dma_start3A_196 = tpu.memref_slice %arg6[%sub3A_70, %dma_start3A_194, %dma_start3A_195] : memref<2x8x32xi32, #tpu.memory_space<vmem>> -> memref<1x8x32xi32, #tpu.memory_space<vmem>>
          %dma_start3A_197 = tpu.memref_squeeze %dma_start3A_196 : memref<1x8x32xi32, #tpu.memory_space<vmem>> -> memref<8x32xi32, #tpu.memory_space<vmem>>
          %dma_start3A_198 = arith.constant 0 : i32
          %dma_start3A_199 = arith.constant 0 : i32
          %dma_start3A_200 = tpu.memref_slice %arg3[%run_scoped3A_183, %add3A_73, %dma_start3A_198, %dma_start3A_199] : memref<2x1250x8x32xi32, #tpu.memory_space<hbm>> -> memref<1x1x8x32xi32, #tpu.memory_space<hbm>>
          %dma_start3A_201 = tpu.memref_squeeze %dma_start3A_200 : memref<1x1x8x32xi32, #tpu.memory_space<hbm>> -> memref<8x32xi32, #tpu.memory_space<hbm>>
          tpu.enqueue_dma source(%dma_start3A_201 : memref<8x32xi32, #tpu.memory_space<hbm>>) target(%dma_start3A_197 : memref<8x32xi32, #tpu.memory_space<vmem>>) target_semaphore(%run_scoped3A_185 : memref<!tpu.dma_semaphore, #tpu.memory_space<semaphore_mem>>)
          %dma_wait3A_202 = arith.constant 0 : i32
          %dma_wait3A_203 = arith.constant 0 : i32
          %dma_wait3A_204 = tpu.memref_slice %arg6[%sub3A_70, %dma_wait3A_202, %dma_wait3A_203] : memref<2x8x32xi32, #tpu.memory_space<vmem>> -> memref<1x8x32xi32, #tpu.memory_space<vmem>>
          %dma_wait3A_205 = tpu.memref_squeeze %dma_wait3A_204 : memref<1x8x32xi32, #tpu.memory_space<vmem>> -> memref<8x32xi32, #tpu.memory_space<vmem>>
          %dma_wait3A_206 = arith.constant 0 : i32
          %dma_wait3A_207 = arith.constant 0 : i32
          %dma_wait3A_208 = tpu.memref_slice %arg3[%run_scoped3A_183, %add3A_73, %dma_wait3A_206, %dma_wait3A_207] : memref<2x1250x8x32xi32, #tpu.memory_space<hbm>> -> memref<1x1x8x32xi32, #tpu.memory_space<hbm>>
          %dma_wait3A_209 = tpu.memref_squeeze %dma_wait3A_208 : memref<1x1x8x32xi32, #tpu.memory_space<hbm>> -> memref<8x32xi32, #tpu.memory_space<hbm>>
          %dma_wait3A_210 = arith.constant 0 : i32
          %dma_wait3A_211 = arith.constant 0 : i32
          %dma_wait3A_212 = tpu.memref_slice %arg6[%sub3A_70, %dma_wait3A_210, %dma_wait3A_211] : memref<2x8x32xi32, #tpu.memory_space<vmem>> -> memref<1x8x32xi32, #tpu.memory_space<vmem>>
          %dma_wait3A_213 = tpu.memref_squeeze %dma_wait3A_212 : memref<1x8x32xi32, #tpu.memory_space<vmem>> -> memref<8x32xi32, #tpu.memory_space<vmem>>
          %dma_wait3A_214 = arith.constant 0 : i32
          %dma_wait3A_215 = arith.constant 0 : i32
          %dma_wait3A_216 = tpu.memref_slice %arg3[%run_scoped3A_183, %add3A_73, %dma_wait3A_214, %dma_wait3A_215] : memref<2x1250x8x32xi32, #tpu.memory_space<hbm>> -> memref<1x1x8x32xi32, #tpu.memory_space<hbm>>
          %dma_wait3A_217 = tpu.memref_squeeze %dma_wait3A_216 : memref<1x1x8x32xi32, #tpu.memory_space<hbm>> -> memref<8x32xi32, #tpu.memory_space<hbm>>
          tpu.wait_dma2 semaphore(%run_scoped3A_185 : memref<!tpu.dma_semaphore, #tpu.memory_space<semaphore_mem>>) src(%dma_wait3A_217 : memref<8x32xi32, #tpu.memory_space<hbm>>) dst(%dma_wait3A_213 : memref<8x32xi32, #tpu.memory_space<vmem>>)
          tpu.yield
        }) : () -> ()
        %run_scoped3A_184 = arith.constant 1 : i32
        "tpu.region"() ({
          %run_scoped3A_185 = tpu.sem_alloc : memref<!tpu.dma_semaphore, #tpu.memory_space<semaphore_mem>>
          %dma_start3A_186 = arith.constant 0 : i32
          %dma_start3A_187 = arith.constant 0 : i32
          %dma_start3A_188 = tpu.memref_slice %arg7[%sub3A_70, %dma_start3A_186, %dma_start3A_187] : memref<2x8x32xi32, #tpu.memory_space<vmem>> -> memref<1x8x32xi32, #tpu.memory_space<vmem>>
          %dma_start3A_189 = tpu.memref_squeeze %dma_start3A_188 : memref<1x8x32xi32, #tpu.memory_space<vmem>> -> memref<8x32xi32, #tpu.memory_space<vmem>>
          %dma_start3A_190 = arith.constant 0 : i32
          %dma_start3A_191 = arith.constant 0 : i32
          %dma_start3A_192 = tpu.memref_slice %arg3[%run_scoped3A_184, %add3A_73, %dma_start3A_190, %dma_start3A_191] : memref<2x1250x8x32xi32, #tpu.memory_space<hbm>> -> memref<1x1x8x32xi32, #tpu.memory_space<hbm>>
          %dma_start3A_193 = tpu.memref_squeeze %dma_start3A_192 : memref<1x1x8x32xi32, #tpu.memory_space<hbm>> -> memref<8x32xi32, #tpu.memory_space<hbm>>
          %dma_start3A_194 = arith.constant 0 : i32
          %dma_start3A_195 = arith.constant 0 : i32
          %dma_start3A_196 = tpu.memref_slice %arg7[%sub3A_70, %dma_start3A_194, %dma_start3A_195] : memref<2x8x32xi32, #tpu.memory_space<vmem>> -> memref<1x8x32xi32, #tpu.memory_space<vmem>>
          %dma_start3A_197 = tpu.memref_squeeze %dma_start3A_196 : memref<1x8x32xi32, #tpu.memory_space<vmem>> -> memref<8x32xi32, #tpu.memory_space<vmem>>
          %dma_start3A_198 = arith.constant 0 : i32
          %dma_start3A_199 = arith.constant 0 : i32
          %dma_start3A_200 = tpu.memref_slice %arg3[%run_scoped3A_184, %add3A_73, %dma_start3A_198, %dma_start3A_199] : memref<2x1250x8x32xi32, #tpu.memory_space<hbm>> -> memref<1x1x8x32xi32, #tpu.memory_space<hbm>>
          %dma_start3A_201 = tpu.memref_squeeze %dma_start3A_200 : memref<1x1x8x32xi32, #tpu.memory_space<hbm>> -> memref<8x32xi32, #tpu.memory_space<hbm>>
          tpu.enqueue_dma source(%dma_start3A_201 : memref<8x32xi32, #tpu.memory_space<hbm>>) target(%dma_start3A_197 : memref<8x32xi32, #tpu.memory_space<vmem>>) target_semaphore(%run_scoped3A_185 : memref<!tpu.dma_semaphore, #tpu.memory_space<semaphore_mem>>)
          %dma_wait3A_202 = arith.constant 0 : i32
          %dma_wait3A_203 = arith.constant 0 : i32
          %dma_wait3A_204 = tpu.memref_slice %arg7[%sub3A_70, %dma_wait3A_202, %dma_wait3A_203] : memref<2x8x32xi32, #tpu.memory_space<vmem>> -> memref<1x8x32xi32, #tpu.memory_space<vmem>>
          %dma_wait3A_205 = tpu.memref_squeeze %dma_wait3A_204 : memref<1x8x32xi32, #tpu.memory_space<vmem>> -> memref<8x32xi32, #tpu.memory_space<vmem>>
          %dma_wait3A_206 = arith.constant 0 : i32
          %dma_wait3A_207 = arith.constant 0 : i32
          %dma_wait3A_208 = tpu.memref_slice %arg3[%run_scoped3A_184, %add3A_73, %dma_wait3A_206, %dma_wait3A_207] : memref<2x1250x8x32xi32, #tpu.memory_space<hbm>> -> memref<1x1x8x32xi32, #tpu.memory_space<hbm>>
          %dma_wait3A_209 = tpu.memref_squeeze %dma_wait3A_208 : memref<1x1x8x32xi32, #tpu.memory_space<hbm>> -> memref<8x32xi32, #tpu.memory_space<hbm>>
          %dma_wait3A_210 = arith.constant 0 : i32
          %dma_wait3A_211 = arith.constant 0 : i32
          %dma_wait3A_212 = tpu.memref_slice %arg7[%sub3A_70, %dma_wait3A_210, %dma_wait3A_211] : memref<2x8x32xi32, #tpu.memory_space<vmem>> -> memref<1x8x32xi32, #tpu.memory_space<vmem>>
          %dma_wait3A_213 = tpu.memref_squeeze %dma_wait3A_212 : memref<1x8x32xi32, #tpu.memory_space<vmem>> -> memref<8x32xi32, #tpu.memory_space<vmem>>
          %dma_wait3A_214 = arith.constant 0 : i32
          %dma_wait3A_215 = arith.constant 0 : i32
          %dma_wait3A_216 = tpu.memref_slice %arg3[%run_scoped3A_184, %add3A_73, %dma_wait3A_214, %dma_wait3A_215] : memref<2x1250x8x32xi32, #tpu.memory_space<hbm>> -> memref<1x1x8x32xi32, #tpu.memory_space<hbm>>
          %dma_wait3A_217 = tpu.memref_squeeze %dma_wait3A_216 : memref<1x1x8x32xi32, #tpu.memory_space<hbm>> -> memref<8x32xi32, #tpu.memory_space<hbm>>
          tpu.wait_dma2 semaphore(%run_scoped3A_185 : memref<!tpu.dma_semaphore, #tpu.memory_space<semaphore_mem>>) src(%dma_wait3A_217 : memref<8x32xi32, #tpu.memory_space<hbm>>) dst(%dma_wait3A_213 : memref<8x32xi32, #tpu.memory_space<vmem>>)
          tpu.yield
        }) : () -> ()
      } else {
      }
      %dma_wait3A_139 = arith.constant 4 : i32
      %dma_wait3A_140 = arith.constant 0 : i32
      %dma_wait3A_141 = tpu.memref_slice %arg6[%rem3A_69, %dma_wait3A_139, %dma_wait3A_140] : memref<2x8x32xi32, #tpu.memory_space<vmem>> -> memref<1x1x32xi32, #tpu.memory_space<vmem>>
      %dma_wait3A_142 = tpu.memref_squeeze %dma_wait3A_141 : memref<1x1x32xi32, #tpu.memory_space<vmem>> -> memref<32xi32, #tpu.memory_space<vmem>>
      %dma_wait3A_143 = arith.constant 0 : i32
      %dma_wait3A_144 = arith.constant 0 : i32
      %dma_wait3A_145 = tpu.memref_slice %arg2[%dma_wait3A_143, %dma_wait3A_144] : memref<10000x128xf32, #tpu.memory_space<hbm>> -> memref<10000x128xf32, #tpu.memory_space<hbm>>
      tpu.wait_indirect_dma semaphore(%arg12 : memref<!tpu.dma_semaphore, #tpu.memory_space<semaphore_mem>>) src(%dma_wait3A_145 : memref<10000x128xf32, #tpu.memory_space<hbm>>) dst(%arg8 : memref<32x128xf32, #tpu.memory_space<vmem>>)
      %run_scoped3A_146 = arith.constant 4 : i32
      "tpu.region"() ({
        %run_scoped3A_183 = tpu.sem_alloc : memref<!tpu.dma_semaphore, #tpu.memory_space<semaphore_mem>>
        %dma_start3A_184 = arith.constant 0 : i32
        %dma_start3A_185 = tpu.memref_slice %arg7[%rem3A_69, %run_scoped3A_146, %dma_start3A_184] : memref<2x8x32xi32, #tpu.memory_space<vmem>> -> memref<1x1x32xi32, #tpu.memory_space<vmem>>
        %dma_start3A_186 = tpu.memref_squeeze %dma_start3A_185 : memref<1x1x32xi32, #tpu.memory_space<vmem>> -> memref<32xi32, #tpu.memory_space<vmem>>
        %dma_start3A_187 = arith.constant 0 : i32
        %dma_start3A_188 = arith.constant 0 : i32
        %dma_start3A_189 = tpu.memref_slice %arg16[%dma_start3A_187, %dma_start3A_188] : memref<10000x128xf32, #tpu.memory_space<vmem_shared>> -> memref<10000x128xf32, #tpu.memory_space<vmem_shared>>
        tpu.enqueue_indirect_dma source(%arg8 : memref<32x128xf32, #tpu.memory_space<vmem>>) target(%dma_start3A_189 : memref<10000x128xf32, #tpu.memory_space<vmem_shared>>) offsets(%dma_start3A_186 : memref<32xi32, #tpu.memory_space<vmem>>) semaphore(%run_scoped3A_183 : memref<!tpu.dma_semaphore, #tpu.memory_space<semaphore_mem>>) {add = true}
        %dma_wait3A_190 = arith.constant 0 : i32
        %dma_wait3A_191 = tpu.memref_slice %arg7[%rem3A_69, %run_scoped3A_146, %dma_wait3A_190] : memref<2x8x32xi32, #tpu.memory_space<vmem>> -> memref<1x1x32xi32, #tpu.memory_space<vmem>>
        %dma_wait3A_192 = tpu.memref_squeeze %dma_wait3A_191 : memref<1x1x32xi32, #tpu.memory_space<vmem>> -> memref<32xi32, #tpu.memory_space<vmem>>
        %dma_wait3A_193 = arith.constant 0 : i32
        %dma_wait3A_194 = arith.constant 0 : i32
        %dma_wait3A_195 = tpu.memref_slice %arg16[%dma_wait3A_193, %dma_wait3A_194] : memref<10000x128xf32, #tpu.memory_space<vmem_shared>> -> memref<10000x128xf32, #tpu.memory_space<vmem_shared>>
        tpu.wait_indirect_dma semaphore(%run_scoped3A_183 : memref<!tpu.dma_semaphore, #tpu.memory_space<semaphore_mem>>) src(%arg8 : memref<32x128xf32, #tpu.memory_space<vmem>>) dst(%dma_wait3A_195 : memref<10000x128xf32, #tpu.memory_space<vmem_shared>>)
        tpu.yield
      }) : () -> ()
      %convert_element_type3A_147 = arith.extui %lt3A_76 : i1 to i32
      %cond3A_148 = arith.constant 0 : i32
      %cond3A_149 = arith.cmpi ne, %convert_element_type3A_147, %cond3A_148 : i32
      scf.if %cond3A_149 {
        %dma_start3A_183 = arith.constant 0 : i32
        %dma_start3A_184 = arith.constant 0 : i32
        %dma_start3A_185 = tpu.memref_slice %arg6[%sub3A_70, %dma_start3A_183, %dma_start3A_184] : memref<2x8x32xi32, #tpu.memory_space<vmem>> -> memref<1x1x32xi32, #tpu.memory_space<vmem>>
        %dma_start3A_186 = tpu.memref_squeeze %dma_start3A_185 : memref<1x1x32xi32, #tpu.memory_space<vmem>> -> memref<32xi32, #tpu.memory_space<vmem>>
        %dma_start3A_187 = arith.constant 0 : i32
        %dma_start3A_188 = arith.constant 0 : i32
        %dma_start3A_189 = tpu.memref_slice %arg2[%dma_start3A_187, %dma_start3A_188] : memref<10000x128xf32, #tpu.memory_space<hbm>> -> memref<10000x128xf32, #tpu.memory_space<hbm>>
        tpu.enqueue_indirect_dma source(%dma_start3A_189 : memref<10000x128xf32, #tpu.memory_space<hbm>>) target(%arg8 : memref<32x128xf32, #tpu.memory_space<vmem>>) offsets(%dma_start3A_186 : memref<32xi32, #tpu.memory_space<vmem>>) semaphore(%arg12 : memref<!tpu.dma_semaphore, #tpu.memory_space<semaphore_mem>>)
      } else {
      }
      %dma_wait3A_150 = arith.constant 5 : i32
      %dma_wait3A_151 = arith.constant 0 : i32
      %dma_wait3A_152 = tpu.memref_slice %arg6[%rem3A_69, %dma_wait3A_150, %dma_wait3A_151] : memref<2x8x32xi32, #tpu.memory_space<vmem>> -> memref<1x1x32xi32, #tpu.memory_space<vmem>>
      %dma_wait3A_153 = tpu.memref_squeeze %dma_wait3A_152 : memref<1x1x32xi32, #tpu.memory_space<vmem>> -> memref<32xi32, #tpu.memory_space<vmem>>
      %dma_wait3A_154 = arith.constant 0 : i32
      %dma_wait3A_155 = arith.constant 0 : i32
      %dma_wait3A_156 = tpu.memref_slice %arg2[%dma_wait3A_154, %dma_wait3A_155] : memref<10000x128xf32, #tpu.memory_space<hbm>> -> memref<10000x128xf32, #tpu.memory_space<hbm>>
      tpu.wait_indirect_dma semaphore(%arg13 : memref<!tpu.dma_semaphore, #tpu.memory_space<semaphore_mem>>) src(%dma_wait3A_156 : memref<10000x128xf32, #tpu.memory_space<hbm>>) dst(%arg9 : memref<32x128xf32, #tpu.memory_space<vmem>>)
      %run_scoped3A_157 = arith.constant 5 : i32
      "tpu.region"() ({
        %run_scoped3A_183 = tpu.sem_alloc : memref<!tpu.dma_semaphore, #tpu.memory_space<semaphore_mem>>
        %dma_start3A_184 = arith.constant 0 : i32
        %dma_start3A_185 = tpu.memref_slice %arg7[%rem3A_69, %run_scoped3A_157, %dma_start3A_184] : memref<2x8x32xi32, #tpu.memory_space<vmem>> -> memref<1x1x32xi32, #tpu.memory_space<vmem>>
        %dma_start3A_186 = tpu.memref_squeeze %dma_start3A_185 : memref<1x1x32xi32, #tpu.memory_space<vmem>> -> memref<32xi32, #tpu.memory_space<vmem>>
        %dma_start3A_187 = arith.constant 0 : i32
        %dma_start3A_188 = arith.constant 0 : i32
        %dma_start3A_189 = tpu.memref_slice %arg16[%dma_start3A_187, %dma_start3A_188] : memref<10000x128xf32, #tpu.memory_space<vmem_shared>> -> memref<10000x128xf32, #tpu.memory_space<vmem_shared>>
        tpu.enqueue_indirect_dma source(%arg9 : memref<32x128xf32, #tpu.memory_space<vmem>>) target(%dma_start3A_189 : memref<10000x128xf32, #tpu.memory_space<vmem_shared>>) offsets(%dma_start3A_186 : memref<32xi32, #tpu.memory_space<vmem>>) semaphore(%run_scoped3A_183 : memref<!tpu.dma_semaphore, #tpu.memory_space<semaphore_mem>>) {add = true}
        %dma_wait3A_190 = arith.constant 0 : i32
        %dma_wait3A_191 = tpu.memref_slice %arg7[%rem3A_69, %run_scoped3A_157, %dma_wait3A_190] : memref<2x8x32xi32, #tpu.memory_space<vmem>> -> memref<1x1x32xi32, #tpu.memory_space<vmem>>
        %dma_wait3A_192 = tpu.memref_squeeze %dma_wait3A_191 : memref<1x1x32xi32, #tpu.memory_space<vmem>> -> memref<32xi32, #tpu.memory_space<vmem>>
        %dma_wait3A_193 = arith.constant 0 : i32
        %dma_wait3A_194 = arith.constant 0 : i32
        %dma_wait3A_195 = tpu.memref_slice %arg16[%dma_wait3A_193, %dma_wait3A_194] : memref<10000x128xf32, #tpu.memory_space<vmem_shared>> -> memref<10000x128xf32, #tpu.memory_space<vmem_shared>>
        tpu.wait_indirect_dma semaphore(%run_scoped3A_183 : memref<!tpu.dma_semaphore, #tpu.memory_space<semaphore_mem>>) src(%arg9 : memref<32x128xf32, #tpu.memory_space<vmem>>) dst(%dma_wait3A_195 : memref<10000x128xf32, #tpu.memory_space<vmem_shared>>)
        tpu.yield
      }) : () -> ()
      %convert_element_type3A_158 = arith.extui %lt3A_76 : i1 to i32
      %cond3A_159 = arith.constant 0 : i32
      %cond3A_160 = arith.cmpi ne, %convert_element_type3A_158, %cond3A_159 : i32
      scf.if %cond3A_160 {
        %dma_start3A_183 = arith.constant 1 : i32
        %dma_start3A_184 = arith.constant 0 : i32
        %dma_start3A_185 = tpu.memref_slice %arg6[%sub3A_70, %dma_start3A_183, %dma_start3A_184] : memref<2x8x32xi32, #tpu.memory_space<vmem>> -> memref<1x1x32xi32, #tpu.memory_space<vmem>>
        %dma_start3A_186 = tpu.memref_squeeze %dma_start3A_185 : memref<1x1x32xi32, #tpu.memory_space<vmem>> -> memref<32xi32, #tpu.memory_space<vmem>>
        %dma_start3A_187 = arith.constant 0 : i32
        %dma_start3A_188 = arith.constant 0 : i32
        %dma_start3A_189 = tpu.memref_slice %arg2[%dma_start3A_187, %dma_start3A_188] : memref<10000x128xf32, #tpu.memory_space<hbm>> -> memref<10000x128xf32, #tpu.memory_space<hbm>>
        tpu.enqueue_indirect_dma source(%dma_start3A_189 : memref<10000x128xf32, #tpu.memory_space<hbm>>) target(%arg9 : memref<32x128xf32, #tpu.memory_space<vmem>>) offsets(%dma_start3A_186 : memref<32xi32, #tpu.memory_space<vmem>>) semaphore(%arg13 : memref<!tpu.dma_semaphore, #tpu.memory_space<semaphore_mem>>)
      } else {
      }
      %dma_wait3A_161 = arith.constant 6 : i32
      %dma_wait3A_162 = arith.constant 0 : i32
      %dma_wait3A_163 = tpu.memref_slice %arg6[%rem3A_69, %dma_wait3A_161, %dma_wait3A_162] : memref<2x8x32xi32, #tpu.memory_space<vmem>> -> memref<1x1x32xi32, #tpu.memory_space<vmem>>
      %dma_wait3A_164 = tpu.memref_squeeze %dma_wait3A_163 : memref<1x1x32xi32, #tpu.memory_space<vmem>> -> memref<32xi32, #tpu.memory_space<vmem>>
      %dma_wait3A_165 = arith.constant 0 : i32
      %dma_wait3A_166 = arith.constant 0 : i32
      %dma_wait3A_167 = tpu.memref_slice %arg2[%dma_wait3A_165, %dma_wait3A_166] : memref<10000x128xf32, #tpu.memory_space<hbm>> -> memref<10000x128xf32, #tpu.memory_space<hbm>>
      tpu.wait_indirect_dma semaphore(%arg14 : memref<!tpu.dma_semaphore, #tpu.memory_space<semaphore_mem>>) src(%dma_wait3A_167 : memref<10000x128xf32, #tpu.memory_space<hbm>>) dst(%arg10 : memref<32x128xf32, #tpu.memory_space<vmem>>)
      %run_scoped3A_168 = arith.constant 6 : i32
      "tpu.region"() ({
        %run_scoped3A_183 = tpu.sem_alloc : memref<!tpu.dma_semaphore, #tpu.memory_space<semaphore_mem>>
        %dma_start3A_184 = arith.constant 0 : i32
        %dma_start3A_185 = tpu.memref_slice %arg7[%rem3A_69, %run_scoped3A_168, %dma_start3A_184] : memref<2x8x32xi32, #tpu.memory_space<vmem>> -> memref<1x1x32xi32, #tpu.memory_space<vmem>>
        %dma_start3A_186 = tpu.memref_squeeze %dma_start3A_185 : memref<1x1x32xi32, #tpu.memory_space<vmem>> -> memref<32xi32, #tpu.memory_space<vmem>>
        %dma_start3A_187 = arith.constant 0 : i32
        %dma_start3A_188 = arith.constant 0 : i32
        %dma_start3A_189 = tpu.memref_slice %arg16[%dma_start3A_187, %dma_start3A_188] : memref<10000x128xf32, #tpu.memory_space<vmem_shared>> -> memref<10000x128xf32, #tpu.memory_space<vmem_shared>>
        tpu.enqueue_indirect_dma source(%arg10 : memref<32x128xf32, #tpu.memory_space<vmem>>) target(%dma_start3A_189 : memref<10000x128xf32, #tpu.memory_space<vmem_shared>>) offsets(%dma_start3A_186 : memref<32xi32, #tpu.memory_space<vmem>>) semaphore(%run_scoped3A_183 : memref<!tpu.dma_semaphore, #tpu.memory_space<semaphore_mem>>) {add = true}
        %dma_wait3A_190 = arith.constant 0 : i32
        %dma_wait3A_191 = tpu.memref_slice %arg7[%rem3A_69, %run_scoped3A_168, %dma_wait3A_190] : memref<2x8x32xi32, #tpu.memory_space<vmem>> -> memref<1x1x32xi32, #tpu.memory_space<vmem>>
        %dma_wait3A_192 = tpu.memref_squeeze %dma_wait3A_191 : memref<1x1x32xi32, #tpu.memory_space<vmem>> -> memref<32xi32, #tpu.memory_space<vmem>>
        %dma_wait3A_193 = arith.constant 0 : i32
        %dma_wait3A_194 = arith.constant 0 : i32
        %dma_wait3A_195 = tpu.memref_slice %arg16[%dma_wait3A_193, %dma_wait3A_194] : memref<10000x128xf32, #tpu.memory_space<vmem_shared>> -> memref<10000x128xf32, #tpu.memory_space<vmem_shared>>
        tpu.wait_indirect_dma semaphore(%run_scoped3A_183 : memref<!tpu.dma_semaphore, #tpu.memory_space<semaphore_mem>>) src(%arg10 : memref<32x128xf32, #tpu.memory_space<vmem>>) dst(%dma_wait3A_195 : memref<10000x128xf32, #tpu.memory_space<vmem_shared>>)
        tpu.yield
      }) : () -> ()
      %convert_element_type3A_169 = arith.extui %lt3A_76 : i1 to i32
      %cond3A_170 = arith.constant 0 : i32
      %cond3A_171 = arith.cmpi ne, %convert_element_type3A_169, %cond3A_170 : i32
      scf.if %cond3A_171 {
        %dma_start3A_183 = arith.constant 2 : i32
        %dma_start3A_184 = arith.constant 0 : i32
        %dma_start3A_185 = tpu.memref_slice %arg6[%sub3A_70, %dma_start3A_183, %dma_start3A_184] : memref<2x8x32xi32, #tpu.memory_space<vmem>> -> memref<1x1x32xi32, #tpu.memory_space<vmem>>
        %dma_start3A_186 = tpu.memref_squeeze %dma_start3A_185 : memref<1x1x32xi32, #tpu.memory_space<vmem>> -> memref<32xi32, #tpu.memory_space<vmem>>
        %dma_start3A_187 = arith.constant 0 : i32
        %dma_start3A_188 = arith.constant 0 : i32
        %dma_start3A_189 = tpu.memref_slice %arg2[%dma_start3A_187, %dma_start3A_188] : memref<10000x128xf32, #tpu.memory_space<hbm>> -> memref<10000x128xf32, #tpu.memory_space<hbm>>
        tpu.enqueue_indirect_dma source(%dma_start3A_189 : memref<10000x128xf32, #tpu.memory_space<hbm>>) target(%arg10 : memref<32x128xf32, #tpu.memory_space<vmem>>) offsets(%dma_start3A_186 : memref<32xi32, #tpu.memory_space<vmem>>) semaphore(%arg14 : memref<!tpu.dma_semaphore, #tpu.memory_space<semaphore_mem>>)
      } else {
      }
      %dma_wait3A_172 = arith.constant 7 : i32
      %dma_wait3A_173 = arith.constant 0 : i32
      %dma_wait3A_174 = tpu.memref_slice %arg6[%rem3A_69, %dma_wait3A_172, %dma_wait3A_173] : memref<2x8x32xi32, #tpu.memory_space<vmem>> -> memref<1x1x32xi32, #tpu.memory_space<vmem>>
      %dma_wait3A_175 = tpu.memref_squeeze %dma_wait3A_174 : memref<1x1x32xi32, #tpu.memory_space<vmem>> -> memref<32xi32, #tpu.memory_space<vmem>>
      %dma_wait3A_176 = arith.constant 0 : i32
      %dma_wait3A_177 = arith.constant 0 : i32
      %dma_wait3A_178 = tpu.memref_slice %arg2[%dma_wait3A_176, %dma_wait3A_177] : memref<10000x128xf32, #tpu.memory_space<hbm>> -> memref<10000x128xf32, #tpu.memory_space<hbm>>
      tpu.wait_indirect_dma semaphore(%arg15 : memref<!tpu.dma_semaphore, #tpu.memory_space<semaphore_mem>>) src(%dma_wait3A_178 : memref<10000x128xf32, #tpu.memory_space<hbm>>) dst(%arg11 : memref<32x128xf32, #tpu.memory_space<vmem>>)
      %run_scoped3A_179 = arith.constant 7 : i32
      "tpu.region"() ({
        %run_scoped3A_183 = tpu.sem_alloc : memref<!tpu.dma_semaphore, #tpu.memory_space<semaphore_mem>>
        %dma_start3A_184 = arith.constant 0 : i32
        %dma_start3A_185 = tpu.memref_slice %arg7[%rem3A_69, %run_scoped3A_179, %dma_start3A_184] : memref<2x8x32xi32, #tpu.memory_space<vmem>> -> memref<1x1x32xi32, #tpu.memory_space<vmem>>
        %dma_start3A_186 = tpu.memref_squeeze %dma_start3A_185 : memref<1x1x32xi32, #tpu.memory_space<vmem>> -> memref<32xi32, #tpu.memory_space<vmem>>
        %dma_start3A_187 = arith.constant 0 : i32
        %dma_start3A_188 = arith.constant 0 : i32
        %dma_start3A_189 = tpu.memref_slice %arg16[%dma_start3A_187, %dma_start3A_188] : memref<10000x128xf32, #tpu.memory_space<vmem_shared>> -> memref<10000x128xf32, #tpu.memory_space<vmem_shared>>
        tpu.enqueue_indirect_dma source(%arg11 : memref<32x128xf32, #tpu.memory_space<vmem>>) target(%dma_start3A_189 : memref<10000x128xf32, #tpu.memory_space<vmem_shared>>) offsets(%dma_start3A_186 : memref<32xi32, #tpu.memory_space<vmem>>) semaphore(%run_scoped3A_183 : memref<!tpu.dma_semaphore, #tpu.memory_space<semaphore_mem>>) {add = true}
        %dma_wait3A_190 = arith.constant 0 : i32
        %dma_wait3A_191 = tpu.memref_slice %arg7[%rem3A_69, %run_scoped3A_179, %dma_wait3A_190] : memref<2x8x32xi32, #tpu.memory_space<vmem>> -> memref<1x1x32xi32, #tpu.memory_space<vmem>>
        %dma_wait3A_192 = tpu.memref_squeeze %dma_wait3A_191 : memref<1x1x32xi32, #tpu.memory_space<vmem>> -> memref<32xi32, #tpu.memory_space<vmem>>
        %dma_wait3A_193 = arith.constant 0 : i32
        %dma_wait3A_194 = arith.constant 0 : i32
        %dma_wait3A_195 = tpu.memref_slice %arg16[%dma_wait3A_193, %dma_wait3A_194] : memref<10000x128xf32, #tpu.memory_space<vmem_shared>> -> memref<10000x128xf32, #tpu.memory_space<vmem_shared>>
        tpu.wait_indirect_dma semaphore(%run_scoped3A_183 : memref<!tpu.dma_semaphore, #tpu.memory_space<semaphore_mem>>) src(%arg11 : memref<32x128xf32, #tpu.memory_space<vmem>>) dst(%dma_wait3A_195 : memref<10000x128xf32, #tpu.memory_space<vmem_shared>>)
        tpu.yield
      }) : () -> ()
      %convert_element_type3A_180 = arith.extui %lt3A_76 : i1 to i32
      %cond3A_181 = arith.constant 0 : i32
      %cond3A_182 = arith.cmpi ne, %convert_element_type3A_180, %cond3A_181 : i32
      scf.if %cond3A_182 {
        %dma_start3A_183 = arith.constant 3 : i32
        %dma_start3A_184 = arith.constant 0 : i32
        %dma_start3A_185 = tpu.memref_slice %arg6[%sub3A_70, %dma_start3A_183, %dma_start3A_184] : memref<2x8x32xi32, #tpu.memory_space<vmem>> -> memref<1x1x32xi32, #tpu.memory_space<vmem>>
        %dma_start3A_186 = tpu.memref_squeeze %dma_start3A_185 : memref<1x1x32xi32, #tpu.memory_space<vmem>> -> memref<32xi32, #tpu.memory_space<vmem>>
        %dma_start3A_187 = arith.constant 0 : i32
        %dma_start3A_188 = arith.constant 0 : i32
        %dma_start3A_189 = tpu.memref_slice %arg2[%dma_start3A_187, %dma_start3A_188] : memref<10000x128xf32, #tpu.memory_space<hbm>> -> memref<10000x128xf32, #tpu.memory_space<hbm>>
        tpu.enqueue_indirect_dma source(%dma_start3A_189 : memref<10000x128xf32, #tpu.memory_space<hbm>>) target(%arg11 : memref<32x128xf32, #tpu.memory_space<vmem>>) offsets(%dma_start3A_186 : memref<32xi32, #tpu.memory_space<vmem>>) semaphore(%arg15 : memref<!tpu.dma_semaphore, #tpu.memory_space<semaphore_mem>>)
      } else {
      }
    }
    %while3A_55 = arith.constant 1 : i32
    scf.for %while3A_68 = %while3A_53 to %while3A_49 step %while3A_55  : i32 {
      %rem3A = arith.constant 2 : i32
      %rem3A_69 = arith.remsi %while3A_68, %rem3A : i32
      %sub3A = arith.constant 1 : i32
      %sub3A_70 = arith.subi %sub3A, %rem3A_69 : i32
      %add3A_71 = arith.addi %add3A, %while3A_68 : i32
      %add3A_72 = arith.constant 1 : i32
      %add3A_73 = arith.addi %add3A_71, %add3A_72 : i32
      %add3A_74 = arith.constant 1 : i32
      %add3A_75 = arith.addi %while3A_68, %add3A_74 : i32
      %lt3A_76 = arith.cmpi slt, %add3A_75, %select_n3A : i32
      %dma_wait3A = arith.constant 0 : i32
      %dma_wait3A_77 = arith.constant 0 : i32
      %dma_wait3A_78 = tpu.memref_slice %arg6[%rem3A_69, %dma_wait3A, %dma_wait3A_77] : memref<2x8x32xi32, #tpu.memory_space<vmem>> -> memref<1x1x32xi32, #tpu.memory_space<vmem>>
      %dma_wait3A_79 = tpu.memref_squeeze %dma_wait3A_78 : memref<1x1x32xi32, #tpu.memory_space<vmem>> -> memref<32xi32, #tpu.memory_space<vmem>>
      %dma_wait3A_80 = arith.constant 0 : i32
      %dma_wait3A_81 = arith.constant 0 : i32
      %dma_wait3A_82 = tpu.memref_slice %arg2[%dma_wait3A_80, %dma_wait3A_81] : memref<10000x128xf32, #tpu.memory_space<hbm>> -> memref<10000x128xf32, #tpu.memory_space<hbm>>
      tpu.wait_indirect_dma semaphore(%arg12 : memref<!tpu.dma_semaphore, #tpu.memory_space<semaphore_mem>>) src(%dma_wait3A_82 : memref<10000x128xf32, #tpu.memory_space<hbm>>) dst(%arg8 : memref<32x128xf32, #tpu.memory_space<vmem>>)
      %run_scoped3A_83 = arith.constant 0 : i32
      "tpu.region"() ({
        %run_scoped3A_183 = tpu.sem_alloc : memref<!tpu.dma_semaphore, #tpu.memory_space<semaphore_mem>>
        %dma_start3A_184 = arith.constant 0 : i32
        %dma_start3A_185 = tpu.memref_slice %arg7[%rem3A_69, %run_scoped3A_83, %dma_start3A_184] : memref<2x8x32xi32, #tpu.memory_space<vmem>> -> memref<1x1x32xi32, #tpu.memory_space<vmem>>
        %dma_start3A_186 = tpu.memref_squeeze %dma_start3A_185 : memref<1x1x32xi32, #tpu.memory_space<vmem>> -> memref<32xi32, #tpu.memory_space<vmem>>
        %dma_start3A_187 = arith.constant 0 : i32
        %dma_start3A_188 = arith.constant 0 : i32
        %dma_start3A_189 = tpu.memref_slice %arg16[%dma_start3A_187, %dma_start3A_188] : memref<10000x128xf32, #tpu.memory_space<vmem_shared>> -> memref<10000x128xf32, #tpu.memory_space<vmem_shared>>
        tpu.enqueue_indirect_dma source(%arg8 : memref<32x128xf32, #tpu.memory_space<vmem>>) target(%dma_start3A_189 : memref<10000x128xf32, #tpu.memory_space<vmem_shared>>) offsets(%dma_start3A_186 : memref<32xi32, #tpu.memory_space<vmem>>) semaphore(%run_scoped3A_183 : memref<!tpu.dma_semaphore, #tpu.memory_space<semaphore_mem>>) {add = true}
        %dma_wait3A_190 = arith.constant 0 : i32
        %dma_wait3A_191 = tpu.memref_slice %arg7[%rem3A_69, %run_scoped3A_83, %dma_wait3A_190] : memref<2x8x32xi32, #tpu.memory_space<vmem>> -> memref<1x1x32xi32, #tpu.memory_space<vmem>>
        %dma_wait3A_192 = tpu.memref_squeeze %dma_wait3A_191 : memref<1x1x32xi32, #tpu.memory_space<vmem>> -> memref<32xi32, #tpu.memory_space<vmem>>
        %dma_wait3A_193 = arith.constant 0 : i32
        %dma_wait3A_194 = arith.constant 0 : i32
        %dma_wait3A_195 = tpu.memref_slice %arg16[%dma_wait3A_193, %dma_wait3A_194] : memref<10000x128xf32, #tpu.memory_space<vmem_shared>> -> memref<10000x128xf32, #tpu.memory_space<vmem_shared>>
        tpu.wait_indirect_dma semaphore(%run_scoped3A_183 : memref<!tpu.dma_semaphore, #tpu.memory_space<semaphore_mem>>) src(%arg8 : memref<32x128xf32, #tpu.memory_space<vmem>>) dst(%dma_wait3A_195 : memref<10000x128xf32, #tpu.memory_space<vmem_shared>>)
        tpu.yield
      }) : () -> ()
      %dma_start3A_84 = arith.constant 4 : i32
      %dma_start3A_85 = arith.constant 0 : i32
      %dma_start3A_86 = tpu.memref_slice %arg6[%rem3A_69, %dma_start3A_84, %dma_start3A_85] : memref<2x8x32xi32, #tpu.memory_space<vmem>> -> memref<1x1x32xi32, #tpu.memory_space<vmem>>
      %dma_start3A_87 = tpu.memref_squeeze %dma_start3A_86 : memref<1x1x32xi32, #tpu.memory_space<vmem>> -> memref<32xi32, #tpu.memory_space<vmem>>
      %dma_start3A_88 = arith.constant 0 : i32
      %dma_start3A_89 = arith.constant 0 : i32
      %dma_start3A_90 = tpu.memref_slice %arg2[%dma_start3A_88, %dma_start3A_89] : memref<10000x128xf32, #tpu.memory_space<hbm>> -> memref<10000x128xf32, #tpu.memory_space<hbm>>
      tpu.enqueue_indirect_dma source(%dma_start3A_90 : memref<10000x128xf32, #tpu.memory_space<hbm>>) target(%arg8 : memref<32x128xf32, #tpu.memory_space<vmem>>) offsets(%dma_start3A_87 : memref<32xi32, #tpu.memory_space<vmem>>) semaphore(%arg12 : memref<!tpu.dma_semaphore, #tpu.memory_space<semaphore_mem>>)
      %dma_wait3A_91 = arith.constant 1 : i32
      %dma_wait3A_92 = arith.constant 0 : i32
      %dma_wait3A_93 = tpu.memref_slice %arg6[%rem3A_69, %dma_wait3A_91, %dma_wait3A_92] : memref<2x8x32xi32, #tpu.memory_space<vmem>> -> memref<1x1x32xi32, #tpu.memory_space<vmem>>
      %dma_wait3A_94 = tpu.memref_squeeze %dma_wait3A_93 : memref<1x1x32xi32, #tpu.memory_space<vmem>> -> memref<32xi32, #tpu.memory_space<vmem>>
      %dma_wait3A_95 = arith.constant 0 : i32
      %dma_wait3A_96 = arith.constant 0 : i32
      %dma_wait3A_97 = tpu.memref_slice %arg2[%dma_wait3A_95, %dma_wait3A_96] : memref<10000x128xf32, #tpu.memory_space<hbm>> -> memref<10000x128xf32, #tpu.memory_space<hbm>>
      tpu.wait_indirect_dma semaphore(%arg13 : memref<!tpu.dma_semaphore, #tpu.memory_space<semaphore_mem>>) src(%dma_wait3A_97 : memref<10000x128xf32, #tpu.memory_space<hbm>>) dst(%arg9 : memref<32x128xf32, #tpu.memory_space<vmem>>)
      %run_scoped3A_98 = arith.constant 1 : i32
      "tpu.region"() ({
        %run_scoped3A_183 = tpu.sem_alloc : memref<!tpu.dma_semaphore, #tpu.memory_space<semaphore_mem>>
        %dma_start3A_184 = arith.constant 0 : i32
        %dma_start3A_185 = tpu.memref_slice %arg7[%rem3A_69, %run_scoped3A_98, %dma_start3A_184] : memref<2x8x32xi32, #tpu.memory_space<vmem>> -> memref<1x1x32xi32, #tpu.memory_space<vmem>>
        %dma_start3A_186 = tpu.memref_squeeze %dma_start3A_185 : memref<1x1x32xi32, #tpu.memory_space<vmem>> -> memref<32xi32, #tpu.memory_space<vmem>>
        %dma_start3A_187 = arith.constant 0 : i32
        %dma_start3A_188 = arith.constant 0 : i32
        %dma_start3A_189 = tpu.memref_slice %arg16[%dma_start3A_187, %dma_start3A_188] : memref<10000x128xf32, #tpu.memory_space<vmem_shared>> -> memref<10000x128xf32, #tpu.memory_space<vmem_shared>>
        tpu.enqueue_indirect_dma source(%arg9 : memref<32x128xf32, #tpu.memory_space<vmem>>) target(%dma_start3A_189 : memref<10000x128xf32, #tpu.memory_space<vmem_shared>>) offsets(%dma_start3A_186 : memref<32xi32, #tpu.memory_space<vmem>>) semaphore(%run_scoped3A_183 : memref<!tpu.dma_semaphore, #tpu.memory_space<semaphore_mem>>) {add = true}
        %dma_wait3A_190 = arith.constant 0 : i32
        %dma_wait3A_191 = tpu.memref_slice %arg7[%rem3A_69, %run_scoped3A_98, %dma_wait3A_190] : memref<2x8x32xi32, #tpu.memory_space<vmem>> -> memref<1x1x32xi32, #tpu.memory_space<vmem>>
        %dma_wait3A_192 = tpu.memref_squeeze %dma_wait3A_191 : memref<1x1x32xi32, #tpu.memory_space<vmem>> -> memref<32xi32, #tpu.memory_space<vmem>>
        %dma_wait3A_193 = arith.constant 0 : i32
        %dma_wait3A_194 = arith.constant 0 : i32
        %dma_wait3A_195 = tpu.memref_slice %arg16[%dma_wait3A_193, %dma_wait3A_194] : memref<10000x128xf32, #tpu.memory_space<vmem_shared>> -> memref<10000x128xf32, #tpu.memory_space<vmem_shared>>
        tpu.wait_indirect_dma semaphore(%run_scoped3A_183 : memref<!tpu.dma_semaphore, #tpu.memory_space<semaphore_mem>>) src(%arg9 : memref<32x128xf32, #tpu.memory_space<vmem>>) dst(%dma_wait3A_195 : memref<10000x128xf32, #tpu.memory_space<vmem_shared>>)
        tpu.yield
      }) : () -> ()
      %dma_start3A_99 = arith.constant 5 : i32
      %dma_start3A_100 = arith.constant 0 : i32
      %dma_start3A_101 = tpu.memref_slice %arg6[%rem3A_69, %dma_start3A_99, %dma_start3A_100] : memref<2x8x32xi32, #tpu.memory_space<vmem>> -> memref<1x1x32xi32, #tpu.memory_space<vmem>>
      %dma_start3A_102 = tpu.memref_squeeze %dma_start3A_101 : memref<1x1x32xi32, #tpu.memory_space<vmem>> -> memref<32xi32, #tpu.memory_space<vmem>>
      %dma_start3A_103 = arith.constant 0 : i32
      %dma_start3A_104 = arith.constant 0 : i32
      %dma_start3A_105 = tpu.memref_slice %arg2[%dma_start3A_103, %dma_start3A_104] : memref<10000x128xf32, #tpu.memory_space<hbm>> -> memref<10000x128xf32, #tpu.memory_space<hbm>>
      tpu.enqueue_indirect_dma source(%dma_start3A_105 : memref<10000x128xf32, #tpu.memory_space<hbm>>) target(%arg9 : memref<32x128xf32, #tpu.memory_space<vmem>>) offsets(%dma_start3A_102 : memref<32xi32, #tpu.memory_space<vmem>>) semaphore(%arg13 : memref<!tpu.dma_semaphore, #tpu.memory_space<semaphore_mem>>)
      %dma_wait3A_106 = arith.constant 2 : i32
      %dma_wait3A_107 = arith.constant 0 : i32
      %dma_wait3A_108 = tpu.memref_slice %arg6[%rem3A_69, %dma_wait3A_106, %dma_wait3A_107] : memref<2x8x32xi32, #tpu.memory_space<vmem>> -> memref<1x1x32xi32, #tpu.memory_space<vmem>>
      %dma_wait3A_109 = tpu.memref_squeeze %dma_wait3A_108 : memref<1x1x32xi32, #tpu.memory_space<vmem>> -> memref<32xi32, #tpu.memory_space<vmem>>
      %dma_wait3A_110 = arith.constant 0 : i32
      %dma_wait3A_111 = arith.constant 0 : i32
      %dma_wait3A_112 = tpu.memref_slice %arg2[%dma_wait3A_110, %dma_wait3A_111] : memref<10000x128xf32, #tpu.memory_space<hbm>> -> memref<10000x128xf32, #tpu.memory_space<hbm>>
      tpu.wait_indirect_dma semaphore(%arg14 : memref<!tpu.dma_semaphore, #tpu.memory_space<semaphore_mem>>) src(%dma_wait3A_112 : memref<10000x128xf32, #tpu.memory_space<hbm>>) dst(%arg10 : memref<32x128xf32, #tpu.memory_space<vmem>>)
      %run_scoped3A_113 = arith.constant 2 : i32
      "tpu.region"() ({
        %run_scoped3A_183 = tpu.sem_alloc : memref<!tpu.dma_semaphore, #tpu.memory_space<semaphore_mem>>
        %dma_start3A_184 = arith.constant 0 : i32
        %dma_start3A_185 = tpu.memref_slice %arg7[%rem3A_69, %run_scoped3A_113, %dma_start3A_184] : memref<2x8x32xi32, #tpu.memory_space<vmem>> -> memref<1x1x32xi32, #tpu.memory_space<vmem>>
        %dma_start3A_186 = tpu.memref_squeeze %dma_start3A_185 : memref<1x1x32xi32, #tpu.memory_space<vmem>> -> memref<32xi32, #tpu.memory_space<vmem>>
        %dma_start3A_187 = arith.constant 0 : i32
        %dma_start3A_188 = arith.constant 0 : i32
        %dma_start3A_189 = tpu.memref_slice %arg16[%dma_start3A_187, %dma_start3A_188] : memref<10000x128xf32, #tpu.memory_space<vmem_shared>> -> memref<10000x128xf32, #tpu.memory_space<vmem_shared>>
        tpu.enqueue_indirect_dma source(%arg10 : memref<32x128xf32, #tpu.memory_space<vmem>>) target(%dma_start3A_189 : memref<10000x128xf32, #tpu.memory_space<vmem_shared>>) offsets(%dma_start3A_186 : memref<32xi32, #tpu.memory_space<vmem>>) semaphore(%run_scoped3A_183 : memref<!tpu.dma_semaphore, #tpu.memory_space<semaphore_mem>>) {add = true}
        %dma_wait3A_190 = arith.constant 0 : i32
        %dma_wait3A_191 = tpu.memref_slice %arg7[%rem3A_69, %run_scoped3A_113, %dma_wait3A_190] : memref<2x8x32xi32, #tpu.memory_space<vmem>> -> memref<1x1x32xi32, #tpu.memory_space<vmem>>
        %dma_wait3A_192 = tpu.memref_squeeze %dma_wait3A_191 : memref<1x1x32xi32, #tpu.memory_space<vmem>> -> memref<32xi32, #tpu.memory_space<vmem>>
        %dma_wait3A_193 = arith.constant 0 : i32
        %dma_wait3A_194 = arith.constant 0 : i32
        %dma_wait3A_195 = tpu.memref_slice %arg16[%dma_wait3A_193, %dma_wait3A_194] : memref<10000x128xf32, #tpu.memory_space<vmem_shared>> -> memref<10000x128xf32, #tpu.memory_space<vmem_shared>>
        tpu.wait_indirect_dma semaphore(%run_scoped3A_183 : memref<!tpu.dma_semaphore, #tpu.memory_space<semaphore_mem>>) src(%arg10 : memref<32x128xf32, #tpu.memory_space<vmem>>) dst(%dma_wait3A_195 : memref<10000x128xf32, #tpu.memory_space<vmem_shared>>)
        tpu.yield
      }) : () -> ()
      %dma_start3A_114 = arith.constant 6 : i32
      %dma_start3A_115 = arith.constant 0 : i32
      %dma_start3A_116 = tpu.memref_slice %arg6[%rem3A_69, %dma_start3A_114, %dma_start3A_115] : memref<2x8x32xi32, #tpu.memory_space<vmem>> -> memref<1x1x32xi32, #tpu.memory_space<vmem>>
      %dma_start3A_117 = tpu.memref_squeeze %dma_start3A_116 : memref<1x1x32xi32, #tpu.memory_space<vmem>> -> memref<32xi32, #tpu.memory_space<vmem>>
      %dma_start3A_118 = arith.constant 0 : i32
      %dma_start3A_119 = arith.constant 0 : i32
      %dma_start3A_120 = tpu.memref_slice %arg2[%dma_start3A_118, %dma_start3A_119] : memref<10000x128xf32, #tpu.memory_space<hbm>> -> memref<10000x128xf32, #tpu.memory_space<hbm>>
      tpu.enqueue_indirect_dma source(%dma_start3A_120 : memref<10000x128xf32, #tpu.memory_space<hbm>>) target(%arg10 : memref<32x128xf32, #tpu.memory_space<vmem>>) offsets(%dma_start3A_117 : memref<32xi32, #tpu.memory_space<vmem>>) semaphore(%arg14 : memref<!tpu.dma_semaphore, #tpu.memory_space<semaphore_mem>>)
      %dma_wait3A_121 = arith.constant 3 : i32
      %dma_wait3A_122 = arith.constant 0 : i32
      %dma_wait3A_123 = tpu.memref_slice %arg6[%rem3A_69, %dma_wait3A_121, %dma_wait3A_122] : memref<2x8x32xi32, #tpu.memory_space<vmem>> -> memref<1x1x32xi32, #tpu.memory_space<vmem>>
      %dma_wait3A_124 = tpu.memref_squeeze %dma_wait3A_123 : memref<1x1x32xi32, #tpu.memory_space<vmem>> -> memref<32xi32, #tpu.memory_space<vmem>>
      %dma_wait3A_125 = arith.constant 0 : i32
      %dma_wait3A_126 = arith.constant 0 : i32
      %dma_wait3A_127 = tpu.memref_slice %arg2[%dma_wait3A_125, %dma_wait3A_126] : memref<10000x128xf32, #tpu.memory_space<hbm>> -> memref<10000x128xf32, #tpu.memory_space<hbm>>
      tpu.wait_indirect_dma semaphore(%arg15 : memref<!tpu.dma_semaphore, #tpu.memory_space<semaphore_mem>>) src(%dma_wait3A_127 : memref<10000x128xf32, #tpu.memory_space<hbm>>) dst(%arg11 : memref<32x128xf32, #tpu.memory_space<vmem>>)
      %run_scoped3A_128 = arith.constant 3 : i32
      "tpu.region"() ({
        %run_scoped3A_183 = tpu.sem_alloc : memref<!tpu.dma_semaphore, #tpu.memory_space<semaphore_mem>>
        %dma_start3A_184 = arith.constant 0 : i32
        %dma_start3A_185 = tpu.memref_slice %arg7[%rem3A_69, %run_scoped3A_128, %dma_start3A_184] : memref<2x8x32xi32, #tpu.memory_space<vmem>> -> memref<1x1x32xi32, #tpu.memory_space<vmem>>
        %dma_start3A_186 = tpu.memref_squeeze %dma_start3A_185 : memref<1x1x32xi32, #tpu.memory_space<vmem>> -> memref<32xi32, #tpu.memory_space<vmem>>
        %dma_start3A_187 = arith.constant 0 : i32
        %dma_start3A_188 = arith.constant 0 : i32
        %dma_start3A_189 = tpu.memref_slice %arg16[%dma_start3A_187, %dma_start3A_188] : memref<10000x128xf32, #tpu.memory_space<vmem_shared>> -> memref<10000x128xf32, #tpu.memory_space<vmem_shared>>
        tpu.enqueue_indirect_dma source(%arg11 : memref<32x128xf32, #tpu.memory_space<vmem>>) target(%dma_start3A_189 : memref<10000x128xf32, #tpu.memory_space<vmem_shared>>) offsets(%dma_start3A_186 : memref<32xi32, #tpu.memory_space<vmem>>) semaphore(%run_scoped3A_183 : memref<!tpu.dma_semaphore, #tpu.memory_space<semaphore_mem>>) {add = true}
        %dma_wait3A_190 = arith.constant 0 : i32
        %dma_wait3A_191 = tpu.memref_slice %arg7[%rem3A_69, %run_scoped3A_128, %dma_wait3A_190] : memref<2x8x32xi32, #tpu.memory_space<vmem>> -> memref<1x1x32xi32, #tpu.memory_space<vmem>>
        %dma_wait3A_192 = tpu.memref_squeeze %dma_wait3A_191 : memref<1x1x32xi32, #tpu.memory_space<vmem>> -> memref<32xi32, #tpu.memory_space<vmem>>
        %dma_wait3A_193 = arith.constant 0 : i32
        %dma_wait3A_194 = arith.constant 0 : i32
        %dma_wait3A_195 = tpu.memref_slice %arg16[%dma_wait3A_193, %dma_wait3A_194] : memref<10000x128xf32, #tpu.memory_space<vmem_shared>> -> memref<10000x128xf32, #tpu.memory_space<vmem_shared>>
        tpu.wait_indirect_dma semaphore(%run_scoped3A_183 : memref<!tpu.dma_semaphore, #tpu.memory_space<semaphore_mem>>) src(%arg11 : memref<32x128xf32, #tpu.memory_space<vmem>>) dst(%dma_wait3A_195 : memref<10000x128xf32, #tpu.memory_space<vmem_shared>>)
        tpu.yield
      }) : () -> ()
      %dma_start3A_129 = arith.constant 7 : i32
      %dma_start3A_130 = arith.constant 0 : i32
      %dma_start3A_131 = tpu.memref_slice %arg6[%rem3A_69, %dma_start3A_129, %dma_start3A_130] : memref<2x8x32xi32, #tpu.memory_space<vmem>> -> memref<1x1x32xi32, #tpu.memory_space<vmem>>
      %dma_start3A_132 = tpu.memref_squeeze %dma_start3A_131 : memref<1x1x32xi32, #tpu.memory_space<vmem>> -> memref<32xi32, #tpu.memory_space<vmem>>
      %dma_start3A_133 = arith.constant 0 : i32
      %dma_start3A_134 = arith.constant 0 : i32
      %dma_start3A_135 = tpu.memref_slice %arg2[%dma_start3A_133, %dma_start3A_134] : memref<10000x128xf32, #tpu.memory_space<hbm>> -> memref<10000x128xf32, #tpu.memory_space<hbm>>
      tpu.enqueue_indirect_dma source(%dma_start3A_135 : memref<10000x128xf32, #tpu.memory_space<hbm>>) target(%arg11 : memref<32x128xf32, #tpu.memory_space<vmem>>) offsets(%dma_start3A_132 : memref<32xi32, #tpu.memory_space<vmem>>) semaphore(%arg15 : memref<!tpu.dma_semaphore, #tpu.memory_space<semaphore_mem>>)
      %convert_element_type3A_136 = arith.extui %lt3A_76 : i1 to i32
      %cond3A_137 = arith.constant 0 : i32
      %cond3A_138 = arith.cmpi ne, %convert_element_type3A_136, %cond3A_137 : i32
      scf.if %cond3A_138 {
        %run_scoped3A_183 = arith.constant 0 : i32
        "tpu.region"() ({
          %run_scoped3A_185 = tpu.sem_alloc : memref<!tpu.dma_semaphore, #tpu.memory_space<semaphore_mem>>
          %dma_start3A_186 = arith.constant 0 : i32
          %dma_start3A_187 = arith.constant 0 : i32
          %dma_start3A_188 = tpu.memref_slice %arg6[%sub3A_70, %dma_start3A_186, %dma_start3A_187] : memref<2x8x32xi32, #tpu.memory_space<vmem>> -> memref<1x8x32xi32, #tpu.memory_space<vmem>>
          %dma_start3A_189 = tpu.memref_squeeze %dma_start3A_188 : memref<1x8x32xi32, #tpu.memory_space<vmem>> -> memref<8x32xi32, #tpu.memory_space<vmem>>
          %dma_start3A_190 = arith.constant 0 : i32
          %dma_start3A_191 = arith.constant 0 : i32
          %dma_start3A_192 = tpu.memref_slice %arg3[%run_scoped3A_183, %add3A_73, %dma_start3A_190, %dma_start3A_191] : memref<2x1250x8x32xi32, #tpu.memory_space<hbm>> -> memref<1x1x8x32xi32, #tpu.memory_space<hbm>>
          %dma_start3A_193 = tpu.memref_squeeze %dma_start3A_192 : memref<1x1x8x32xi32, #tpu.memory_space<hbm>> -> memref<8x32xi32, #tpu.memory_space<hbm>>
          %dma_start3A_194 = arith.constant 0 : i32
          %dma_start3A_195 = arith.constant 0 : i32
          %dma_start3A_196 = tpu.memref_slice %arg6[%sub3A_70, %dma_start3A_194, %dma_start3A_195] : memref<2x8x32xi32, #tpu.memory_space<vmem>> -> memref<1x8x32xi32, #tpu.memory_space<vmem>>
          %dma_start3A_197 = tpu.memref_squeeze %dma_start3A_196 : memref<1x8x32xi32, #tpu.memory_space<vmem>> -> memref<8x32xi32, #tpu.memory_space<vmem>>
          %dma_start3A_198 = arith.constant 0 : i32
          %dma_start3A_199 = arith.constant 0 : i32
          %dma_start3A_200 = tpu.memref_slice %arg3[%run_scoped3A_183, %add3A_73, %dma_start3A_198, %dma_start3A_199] : memref<2x1250x8x32xi32, #tpu.memory_space<hbm>> -> memref<1x1x8x32xi32, #tpu.memory_space<hbm>>
          %dma_start3A_201 = tpu.memref_squeeze %dma_start3A_200 : memref<1x1x8x32xi32, #tpu.memory_space<hbm>> -> memref<8x32xi32, #tpu.memory_space<hbm>>
          tpu.enqueue_dma source(%dma_start3A_201 : memref<8x32xi32, #tpu.memory_space<hbm>>) target(%dma_start3A_197 : memref<8x32xi32, #tpu.memory_space<vmem>>) target_semaphore(%run_scoped3A_185 : memref<!tpu.dma_semaphore, #tpu.memory_space<semaphore_mem>>)
          %dma_wait3A_202 = arith.constant 0 : i32
          %dma_wait3A_203 = arith.constant 0 : i32
          %dma_wait3A_204 = tpu.memref_slice %arg6[%sub3A_70, %dma_wait3A_202, %dma_wait3A_203] : memref<2x8x32xi32, #tpu.memory_space<vmem>> -> memref<1x8x32xi32, #tpu.memory_space<vmem>>
          %dma_wait3A_205 = tpu.memref_squeeze %dma_wait3A_204 : memref<1x8x32xi32, #tpu.memory_space<vmem>> -> memref<8x32xi32, #tpu.memory_space<vmem>>
          %dma_wait3A_206 = arith.constant 0 : i32
          %dma_wait3A_207 = arith.constant 0 : i32
          %dma_wait3A_208 = tpu.memref_slice %arg3[%run_scoped3A_183, %add3A_73, %dma_wait3A_206, %dma_wait3A_207] : memref<2x1250x8x32xi32, #tpu.memory_space<hbm>> -> memref<1x1x8x32xi32, #tpu.memory_space<hbm>>
          %dma_wait3A_209 = tpu.memref_squeeze %dma_wait3A_208 : memref<1x1x8x32xi32, #tpu.memory_space<hbm>> -> memref<8x32xi32, #tpu.memory_space<hbm>>
          %dma_wait3A_210 = arith.constant 0 : i32
          %dma_wait3A_211 = arith.constant 0 : i32
          %dma_wait3A_212 = tpu.memref_slice %arg6[%sub3A_70, %dma_wait3A_210, %dma_wait3A_211] : memref<2x8x32xi32, #tpu.memory_space<vmem>> -> memref<1x8x32xi32, #tpu.memory_space<vmem>>
          %dma_wait3A_213 = tpu.memref_squeeze %dma_wait3A_212 : memref<1x8x32xi32, #tpu.memory_space<vmem>> -> memref<8x32xi32, #tpu.memory_space<vmem>>
          %dma_wait3A_214 = arith.constant 0 : i32
          %dma_wait3A_215 = arith.constant 0 : i32
          %dma_wait3A_216 = tpu.memref_slice %arg3[%run_scoped3A_183, %add3A_73, %dma_wait3A_214, %dma_wait3A_215] : memref<2x1250x8x32xi32, #tpu.memory_space<hbm>> -> memref<1x1x8x32xi32, #tpu.memory_space<hbm>>
          %dma_wait3A_217 = tpu.memref_squeeze %dma_wait3A_216 : memref<1x1x8x32xi32, #tpu.memory_space<hbm>> -> memref<8x32xi32, #tpu.memory_space<hbm>>
          tpu.wait_dma2 semaphore(%run_scoped3A_185 : memref<!tpu.dma_semaphore, #tpu.memory_space<semaphore_mem>>) src(%dma_wait3A_217 : memref<8x32xi32, #tpu.memory_space<hbm>>) dst(%dma_wait3A_213 : memref<8x32xi32, #tpu.memory_space<vmem>>)
          tpu.yield
        }) : () -> ()
        %run_scoped3A_184 = arith.constant 1 : i32
        "tpu.region"() ({
          %run_scoped3A_185 = tpu.sem_alloc : memref<!tpu.dma_semaphore, #tpu.memory_space<semaphore_mem>>
          %dma_start3A_186 = arith.constant 0 : i32
          %dma_start3A_187 = arith.constant 0 : i32
          %dma_start3A_188 = tpu.memref_slice %arg7[%sub3A_70, %dma_start3A_186, %dma_start3A_187] : memref<2x8x32xi32, #tpu.memory_space<vmem>> -> memref<1x8x32xi32, #tpu.memory_space<vmem>>
          %dma_start3A_189 = tpu.memref_squeeze %dma_start3A_188 : memref<1x8x32xi32, #tpu.memory_space<vmem>> -> memref<8x32xi32, #tpu.memory_space<vmem>>
          %dma_start3A_190 = arith.constant 0 : i32
          %dma_start3A_191 = arith.constant 0 : i32
          %dma_start3A_192 = tpu.memref_slice %arg3[%run_scoped3A_184, %add3A_73, %dma_start3A_190, %dma_start3A_191] : memref<2x1250x8x32xi32, #tpu.memory_space<hbm>> -> memref<1x1x8x32xi32, #tpu.memory_space<hbm>>
          %dma_start3A_193 = tpu.memref_squeeze %dma_start3A_192 : memref<1x1x8x32xi32, #tpu.memory_space<hbm>> -> memref<8x32xi32, #tpu.memory_space<hbm>>
          %dma_start3A_194 = arith.constant 0 : i32
          %dma_start3A_195 = arith.constant 0 : i32
          %dma_start3A_196 = tpu.memref_slice %arg7[%sub3A_70, %dma_start3A_194, %dma_start3A_195] : memref<2x8x32xi32, #tpu.memory_space<vmem>> -> memref<1x8x32xi32, #tpu.memory_space<vmem>>
          %dma_start3A_197 = tpu.memref_squeeze %dma_start3A_196 : memref<1x8x32xi32, #tpu.memory_space<vmem>> -> memref<8x32xi32, #tpu.memory_space<vmem>>
          %dma_start3A_198 = arith.constant 0 : i32
          %dma_start3A_199 = arith.constant 0 : i32
          %dma_start3A_200 = tpu.memref_slice %arg3[%run_scoped3A_184, %add3A_73, %dma_start3A_198, %dma_start3A_199] : memref<2x1250x8x32xi32, #tpu.memory_space<hbm>> -> memref<1x1x8x32xi32, #tpu.memory_space<hbm>>
          %dma_start3A_201 = tpu.memref_squeeze %dma_start3A_200 : memref<1x1x8x32xi32, #tpu.memory_space<hbm>> -> memref<8x32xi32, #tpu.memory_space<hbm>>
          tpu.enqueue_dma source(%dma_start3A_201 : memref<8x32xi32, #tpu.memory_space<hbm>>) target(%dma_start3A_197 : memref<8x32xi32, #tpu.memory_space<vmem>>) target_semaphore(%run_scoped3A_185 : memref<!tpu.dma_semaphore, #tpu.memory_space<semaphore_mem>>)
          %dma_wait3A_202 = arith.constant 0 : i32
          %dma_wait3A_203 = arith.constant 0 : i32
          %dma_wait3A_204 = tpu.memref_slice %arg7[%sub3A_70, %dma_wait3A_202, %dma_wait3A_203] : memref<2x8x32xi32, #tpu.memory_space<vmem>> -> memref<1x8x32xi32, #tpu.memory_space<vmem>>
          %dma_wait3A_205 = tpu.memref_squeeze %dma_wait3A_204 : memref<1x8x32xi32, #tpu.memory_space<vmem>> -> memref<8x32xi32, #tpu.memory_space<vmem>>
          %dma_wait3A_206 = arith.constant 0 : i32
          %dma_wait3A_207 = arith.constant 0 : i32
          %dma_wait3A_208 = tpu.memref_slice %arg3[%run_scoped3A_184, %add3A_73, %dma_wait3A_206, %dma_wait3A_207] : memref<2x1250x8x32xi32, #tpu.memory_space<hbm>> -> memref<1x1x8x32xi32, #tpu.memory_space<hbm>>
          %dma_wait3A_209 = tpu.memref_squeeze %dma_wait3A_208 : memref<1x1x8x32xi32, #tpu.memory_space<hbm>> -> memref<8x32xi32, #tpu.memory_space<hbm>>
          %dma_wait3A_210 = arith.constant 0 : i32
          %dma_wait3A_211 = arith.constant 0 : i32
          %dma_wait3A_212 = tpu.memref_slice %arg7[%sub3A_70, %dma_wait3A_210, %dma_wait3A_211] : memref<2x8x32xi32, #tpu.memory_space<vmem>> -> memref<1x8x32xi32, #tpu.memory_space<vmem>>
          %dma_wait3A_213 = tpu.memref_squeeze %dma_wait3A_212 : memref<1x8x32xi32, #tpu.memory_space<vmem>> -> memref<8x32xi32, #tpu.memory_space<vmem>>
          %dma_wait3A_214 = arith.constant 0 : i32
          %dma_wait3A_215 = arith.constant 0 : i32
          %dma_wait3A_216 = tpu.memref_slice %arg3[%run_scoped3A_184, %add3A_73, %dma_wait3A_214, %dma_wait3A_215] : memref<2x1250x8x32xi32, #tpu.memory_space<hbm>> -> memref<1x1x8x32xi32, #tpu.memory_space<hbm>>
          %dma_wait3A_217 = tpu.memref_squeeze %dma_wait3A_216 : memref<1x1x8x32xi32, #tpu.memory_space<hbm>> -> memref<8x32xi32, #tpu.memory_space<hbm>>
          tpu.wait_dma2 semaphore(%run_scoped3A_185 : memref<!tpu.dma_semaphore, #tpu.memory_space<semaphore_mem>>) src(%dma_wait3A_217 : memref<8x32xi32, #tpu.memory_space<hbm>>) dst(%dma_wait3A_213 : memref<8x32xi32, #tpu.memory_space<vmem>>)
          tpu.yield
        }) : () -> ()
      } else {
      }
      %dma_wait3A_139 = arith.constant 4 : i32
      %dma_wait3A_140 = arith.constant 0 : i32
      %dma_wait3A_141 = tpu.memref_slice %arg6[%rem3A_69, %dma_wait3A_139, %dma_wait3A_140] : memref<2x8x32xi32, #tpu.memory_space<vmem>> -> memref<1x1x32xi32, #tpu.memory_space<vmem>>
      %dma_wait3A_142 = tpu.memref_squeeze %dma_wait3A_141 : memref<1x1x32xi32, #tpu.memory_space<vmem>> -> memref<32xi32, #tpu.memory_space<vmem>>
      %dma_wait3A_143 = arith.constant 0 : i32
      %dma_wait3A_144 = arith.constant 0 : i32
      %dma_wait3A_145 = tpu.memref_slice %arg2[%dma_wait3A_143, %dma_wait3A_144] : memref<10000x128xf32, #tpu.memory_space<hbm>> -> memref<10000x128xf32, #tpu.memory_space<hbm>>
      tpu.wait_indirect_dma semaphore(%arg12 : memref<!tpu.dma_semaphore, #tpu.memory_space<semaphore_mem>>) src(%dma_wait3A_145 : memref<10000x128xf32, #tpu.memory_space<hbm>>) dst(%arg8 : memref<32x128xf32, #tpu.memory_space<vmem>>)
      %run_scoped3A_146 = arith.constant 4 : i32
      "tpu.region"() ({
        %run_scoped3A_183 = tpu.sem_alloc : memref<!tpu.dma_semaphore, #tpu.memory_space<semaphore_mem>>
        %dma_start3A_184 = arith.constant 0 : i32
        %dma_start3A_185 = tpu.memref_slice %arg7[%rem3A_69, %run_scoped3A_146, %dma_start3A_184] : memref<2x8x32xi32, #tpu.memory_space<vmem>> -> memref<1x1x32xi32, #tpu.memory_space<vmem>>
        %dma_start3A_186 = tpu.memref_squeeze %dma_start3A_185 : memref<1x1x32xi32, #tpu.memory_space<vmem>> -> memref<32xi32, #tpu.memory_space<vmem>>
        %dma_start3A_187 = arith.constant 0 : i32
        %dma_start3A_188 = arith.constant 0 : i32
        %dma_start3A_189 = tpu.memref_slice %arg16[%dma_start3A_187, %dma_start3A_188] : memref<10000x128xf32, #tpu.memory_space<vmem_shared>> -> memref<10000x128xf32, #tpu.memory_space<vmem_shared>>
        tpu.enqueue_indirect_dma source(%arg8 : memref<32x128xf32, #tpu.memory_space<vmem>>) target(%dma_start3A_189 : memref<10000x128xf32, #tpu.memory_space<vmem_shared>>) offsets(%dma_start3A_186 : memref<32xi32, #tpu.memory_space<vmem>>) semaphore(%run_scoped3A_183 : memref<!tpu.dma_semaphore, #tpu.memory_space<semaphore_mem>>) {add = true}
        %dma_wait3A_190 = arith.constant 0 : i32
        %dma_wait3A_191 = tpu.memref_slice %arg7[%rem3A_69, %run_scoped3A_146, %dma_wait3A_190] : memref<2x8x32xi32, #tpu.memory_space<vmem>> -> memref<1x1x32xi32, #tpu.memory_space<vmem>>
        %dma_wait3A_192 = tpu.memref_squeeze %dma_wait3A_191 : memref<1x1x32xi32, #tpu.memory_space<vmem>> -> memref<32xi32, #tpu.memory_space<vmem>>
        %dma_wait3A_193 = arith.constant 0 : i32
        %dma_wait3A_194 = arith.constant 0 : i32
        %dma_wait3A_195 = tpu.memref_slice %arg16[%dma_wait3A_193, %dma_wait3A_194] : memref<10000x128xf32, #tpu.memory_space<vmem_shared>> -> memref<10000x128xf32, #tpu.memory_space<vmem_shared>>
        tpu.wait_indirect_dma semaphore(%run_scoped3A_183 : memref<!tpu.dma_semaphore, #tpu.memory_space<semaphore_mem>>) src(%arg8 : memref<32x128xf32, #tpu.memory_space<vmem>>) dst(%dma_wait3A_195 : memref<10000x128xf32, #tpu.memory_space<vmem_shared>>)
        tpu.yield
      }) : () -> ()
      %convert_element_type3A_147 = arith.extui %lt3A_76 : i1 to i32
      %cond3A_148 = arith.constant 0 : i32
      %cond3A_149 = arith.cmpi ne, %convert_element_type3A_147, %cond3A_148 : i32
      scf.if %cond3A_149 {
        %dma_start3A_183 = arith.constant 0 : i32
        %dma_start3A_184 = arith.constant 0 : i32
        %dma_start3A_185 = tpu.memref_slice %arg6[%sub3A_70, %dma_start3A_183, %dma_start3A_184] : memref<2x8x32xi32, #tpu.memory_space<vmem>> -> memref<1x1x32xi32, #tpu.memory_space<vmem>>
        %dma_start3A_186 = tpu.memref_squeeze %dma_start3A_185 : memref<1x1x32xi32, #tpu.memory_space<vmem>> -> memref<32xi32, #tpu.memory_space<vmem>>
        %dma_start3A_187 = arith.constant 0 : i32
        %dma_start3A_188 = arith.constant 0 : i32
        %dma_start3A_189 = tpu.memref_slice %arg2[%dma_start3A_187, %dma_start3A_188] : memref<10000x128xf32, #tpu.memory_space<hbm>> -> memref<10000x128xf32, #tpu.memory_space<hbm>>
        tpu.enqueue_indirect_dma source(%dma_start3A_189 : memref<10000x128xf32, #tpu.memory_space<hbm>>) target(%arg8 : memref<32x128xf32, #tpu.memory_space<vmem>>) offsets(%dma_start3A_186 : memref<32xi32, #tpu.memory_space<vmem>>) semaphore(%arg12 : memref<!tpu.dma_semaphore, #tpu.memory_space<semaphore_mem>>)
      } else {
      }
      %dma_wait3A_150 = arith.constant 5 : i32
      %dma_wait3A_151 = arith.constant 0 : i32
      %dma_wait3A_152 = tpu.memref_slice %arg6[%rem3A_69, %dma_wait3A_150, %dma_wait3A_151] : memref<2x8x32xi32, #tpu.memory_space<vmem>> -> memref<1x1x32xi32, #tpu.memory_space<vmem>>
      %dma_wait3A_153 = tpu.memref_squeeze %dma_wait3A_152 : memref<1x1x32xi32, #tpu.memory_space<vmem>> -> memref<32xi32, #tpu.memory_space<vmem>>
      %dma_wait3A_154 = arith.constant 0 : i32
      %dma_wait3A_155 = arith.constant 0 : i32
      %dma_wait3A_156 = tpu.memref_slice %arg2[%dma_wait3A_154, %dma_wait3A_155] : memref<10000x128xf32, #tpu.memory_space<hbm>> -> memref<10000x128xf32, #tpu.memory_space<hbm>>
      tpu.wait_indirect_dma semaphore(%arg13 : memref<!tpu.dma_semaphore, #tpu.memory_space<semaphore_mem>>) src(%dma_wait3A_156 : memref<10000x128xf32, #tpu.memory_space<hbm>>) dst(%arg9 : memref<32x128xf32, #tpu.memory_space<vmem>>)
      %run_scoped3A_157 = arith.constant 5 : i32
      "tpu.region"() ({
        %run_scoped3A_183 = tpu.sem_alloc : memref<!tpu.dma_semaphore, #tpu.memory_space<semaphore_mem>>
        %dma_start3A_184 = arith.constant 0 : i32
        %dma_start3A_185 = tpu.memref_slice %arg7[%rem3A_69, %run_scoped3A_157, %dma_start3A_184] : memref<2x8x32xi32, #tpu.memory_space<vmem>> -> memref<1x1x32xi32, #tpu.memory_space<vmem>>
        %dma_start3A_186 = tpu.memref_squeeze %dma_start3A_185 : memref<1x1x32xi32, #tpu.memory_space<vmem>> -> memref<32xi32, #tpu.memory_space<vmem>>
        %dma_start3A_187 = arith.constant 0 : i32
        %dma_start3A_188 = arith.constant 0 : i32
        %dma_start3A_189 = tpu.memref_slice %arg16[%dma_start3A_187, %dma_start3A_188] : memref<10000x128xf32, #tpu.memory_space<vmem_shared>> -> memref<10000x128xf32, #tpu.memory_space<vmem_shared>>
        tpu.enqueue_indirect_dma source(%arg9 : memref<32x128xf32, #tpu.memory_space<vmem>>) target(%dma_start3A_189 : memref<10000x128xf32, #tpu.memory_space<vmem_shared>>) offsets(%dma_start3A_186 : memref<32xi32, #tpu.memory_space<vmem>>) semaphore(%run_scoped3A_183 : memref<!tpu.dma_semaphore, #tpu.memory_space<semaphore_mem>>) {add = true}
        %dma_wait3A_190 = arith.constant 0 : i32
        %dma_wait3A_191 = tpu.memref_slice %arg7[%rem3A_69, %run_scoped3A_157, %dma_wait3A_190] : memref<2x8x32xi32, #tpu.memory_space<vmem>> -> memref<1x1x32xi32, #tpu.memory_space<vmem>>
        %dma_wait3A_192 = tpu.memref_squeeze %dma_wait3A_191 : memref<1x1x32xi32, #tpu.memory_space<vmem>> -> memref<32xi32, #tpu.memory_space<vmem>>
        %dma_wait3A_193 = arith.constant 0 : i32
        %dma_wait3A_194 = arith.constant 0 : i32
        %dma_wait3A_195 = tpu.memref_slice %arg16[%dma_wait3A_193, %dma_wait3A_194] : memref<10000x128xf32, #tpu.memory_space<vmem_shared>> -> memref<10000x128xf32, #tpu.memory_space<vmem_shared>>
        tpu.wait_indirect_dma semaphore(%run_scoped3A_183 : memref<!tpu.dma_semaphore, #tpu.memory_space<semaphore_mem>>) src(%arg9 : memref<32x128xf32, #tpu.memory_space<vmem>>) dst(%dma_wait3A_195 : memref<10000x128xf32, #tpu.memory_space<vmem_shared>>)
        tpu.yield
      }) : () -> ()
      %convert_element_type3A_158 = arith.extui %lt3A_76 : i1 to i32
      %cond3A_159 = arith.constant 0 : i32
      %cond3A_160 = arith.cmpi ne, %convert_element_type3A_158, %cond3A_159 : i32
      scf.if %cond3A_160 {
        %dma_start3A_183 = arith.constant 1 : i32
        %dma_start3A_184 = arith.constant 0 : i32
        %dma_start3A_185 = tpu.memref_slice %arg6[%sub3A_70, %dma_start3A_183, %dma_start3A_184] : memref<2x8x32xi32, #tpu.memory_space<vmem>> -> memref<1x1x32xi32, #tpu.memory_space<vmem>>
        %dma_start3A_186 = tpu.memref_squeeze %dma_start3A_185 : memref<1x1x32xi32, #tpu.memory_space<vmem>> -> memref<32xi32, #tpu.memory_space<vmem>>
        %dma_start3A_187 = arith.constant 0 : i32
        %dma_start3A_188 = arith.constant 0 : i32
        %dma_start3A_189 = tpu.memref_slice %arg2[%dma_start3A_187, %dma_start3A_188] : memref<10000x128xf32, #tpu.memory_space<hbm>> -> memref<10000x128xf32, #tpu.memory_space<hbm>>
        tpu.enqueue_indirect_dma source(%dma_start3A_189 : memref<10000x128xf32, #tpu.memory_space<hbm>>) target(%arg9 : memref<32x128xf32, #tpu.memory_space<vmem>>) offsets(%dma_start3A_186 : memref<32xi32, #tpu.memory_space<vmem>>) semaphore(%arg13 : memref<!tpu.dma_semaphore, #tpu.memory_space<semaphore_mem>>)
      } else {
      }
      %dma_wait3A_161 = arith.constant 6 : i32
      %dma_wait3A_162 = arith.constant 0 : i32
      %dma_wait3A_163 = tpu.memref_slice %arg6[%rem3A_69, %dma_wait3A_161, %dma_wait3A_162] : memref<2x8x32xi32, #tpu.memory_space<vmem>> -> memref<1x1x32xi32, #tpu.memory_space<vmem>>
      %dma_wait3A_164 = tpu.memref_squeeze %dma_wait3A_163 : memref<1x1x32xi32, #tpu.memory_space<vmem>> -> memref<32xi32, #tpu.memory_space<vmem>>
      %dma_wait3A_165 = arith.constant 0 : i32
      %dma_wait3A_166 = arith.constant 0 : i32
      %dma_wait3A_167 = tpu.memref_slice %arg2[%dma_wait3A_165, %dma_wait3A_166] : memref<10000x128xf32, #tpu.memory_space<hbm>> -> memref<10000x128xf32, #tpu.memory_space<hbm>>
      tpu.wait_indirect_dma semaphore(%arg14 : memref<!tpu.dma_semaphore, #tpu.memory_space<semaphore_mem>>) src(%dma_wait3A_167 : memref<10000x128xf32, #tpu.memory_space<hbm>>) dst(%arg10 : memref<32x128xf32, #tpu.memory_space<vmem>>)
      %run_scoped3A_168 = arith.constant 6 : i32
      "tpu.region"() ({
        %run_scoped3A_183 = tpu.sem_alloc : memref<!tpu.dma_semaphore, #tpu.memory_space<semaphore_mem>>
        %dma_start3A_184 = arith.constant 0 : i32
        %dma_start3A_185 = tpu.memref_slice %arg7[%rem3A_69, %run_scoped3A_168, %dma_start3A_184] : memref<2x8x32xi32, #tpu.memory_space<vmem>> -> memref<1x1x32xi32, #tpu.memory_space<vmem>>
        %dma_start3A_186 = tpu.memref_squeeze %dma_start3A_185 : memref<1x1x32xi32, #tpu.memory_space<vmem>> -> memref<32xi32, #tpu.memory_space<vmem>>
        %dma_start3A_187 = arith.constant 0 : i32
        %dma_start3A_188 = arith.constant 0 : i32
        %dma_start3A_189 = tpu.memref_slice %arg16[%dma_start3A_187, %dma_start3A_188] : memref<10000x128xf32, #tpu.memory_space<vmem_shared>> -> memref<10000x128xf32, #tpu.memory_space<vmem_shared>>
        tpu.enqueue_indirect_dma source(%arg10 : memref<32x128xf32, #tpu.memory_space<vmem>>) target(%dma_start3A_189 : memref<10000x128xf32, #tpu.memory_space<vmem_shared>>) offsets(%dma_start3A_186 : memref<32xi32, #tpu.memory_space<vmem>>) semaphore(%run_scoped3A_183 : memref<!tpu.dma_semaphore, #tpu.memory_space<semaphore_mem>>) {add = true}
        %dma_wait3A_190 = arith.constant 0 : i32
        %dma_wait3A_191 = tpu.memref_slice %arg7[%rem3A_69, %run_scoped3A_168, %dma_wait3A_190] : memref<2x8x32xi32, #tpu.memory_space<vmem>> -> memref<1x1x32xi32, #tpu.memory_space<vmem>>
        %dma_wait3A_192 = tpu.memref_squeeze %dma_wait3A_191 : memref<1x1x32xi32, #tpu.memory_space<vmem>> -> memref<32xi32, #tpu.memory_space<vmem>>
        %dma_wait3A_193 = arith.constant 0 : i32
        %dma_wait3A_194 = arith.constant 0 : i32
        %dma_wait3A_195 = tpu.memref_slice %arg16[%dma_wait3A_193, %dma_wait3A_194] : memref<10000x128xf32, #tpu.memory_space<vmem_shared>> -> memref<10000x128xf32, #tpu.memory_space<vmem_shared>>
        tpu.wait_indirect_dma semaphore(%run_scoped3A_183 : memref<!tpu.dma_semaphore, #tpu.memory_space<semaphore_mem>>) src(%arg10 : memref<32x128xf32, #tpu.memory_space<vmem>>) dst(%dma_wait3A_195 : memref<10000x128xf32, #tpu.memory_space<vmem_shared>>)
        tpu.yield
      }) : () -> ()
      %convert_element_type3A_169 = arith.extui %lt3A_76 : i1 to i32
      %cond3A_170 = arith.constant 0 : i32
      %cond3A_171 = arith.cmpi ne, %convert_element_type3A_169, %cond3A_170 : i32
      scf.if %cond3A_171 {
        %dma_start3A_183 = arith.constant 2 : i32
        %dma_start3A_184 = arith.constant 0 : i32
        %dma_start3A_185 = tpu.memref_slice %arg6[%sub3A_70, %dma_start3A_183, %dma_start3A_184] : memref<2x8x32xi32, #tpu.memory_space<vmem>> -> memref<1x1x32xi32, #tpu.memory_space<vmem>>
        %dma_start3A_186 = tpu.memref_squeeze %dma_start3A_185 : memref<1x1x32xi32, #tpu.memory_space<vmem>> -> memref<32xi32, #tpu.memory_space<vmem>>
        %dma_start3A_187 = arith.constant 0 : i32
        %dma_start3A_188 = arith.constant 0 : i32
        %dma_start3A_189 = tpu.memref_slice %arg2[%dma_start3A_187, %dma_start3A_188] : memref<10000x128xf32, #tpu.memory_space<hbm>> -> memref<10000x128xf32, #tpu.memory_space<hbm>>
        tpu.enqueue_indirect_dma source(%dma_start3A_189 : memref<10000x128xf32, #tpu.memory_space<hbm>>) target(%arg10 : memref<32x128xf32, #tpu.memory_space<vmem>>) offsets(%dma_start3A_186 : memref<32xi32, #tpu.memory_space<vmem>>) semaphore(%arg14 : memref<!tpu.dma_semaphore, #tpu.memory_space<semaphore_mem>>)
      } else {
      }
      %dma_wait3A_172 = arith.constant 7 : i32
      %dma_wait3A_173 = arith.constant 0 : i32
      %dma_wait3A_174 = tpu.memref_slice %arg6[%rem3A_69, %dma_wait3A_172, %dma_wait3A_173] : memref<2x8x32xi32, #tpu.memory_space<vmem>> -> memref<1x1x32xi32, #tpu.memory_space<vmem>>
      %dma_wait3A_175 = tpu.memref_squeeze %dma_wait3A_174 : memref<1x1x32xi32, #tpu.memory_space<vmem>> -> memref<32xi32, #tpu.memory_space<vmem>>
      %dma_wait3A_176 = arith.constant 0 : i32
      %dma_wait3A_177 = arith.constant 0 : i32
      %dma_wait3A_178 = tpu.memref_slice %arg2[%dma_wait3A_176, %dma_wait3A_177] : memref<10000x128xf32, #tpu.memory_space<hbm>> -> memref<10000x128xf32, #tpu.memory_space<hbm>>
      tpu.wait_indirect_dma semaphore(%arg15 : memref<!tpu.dma_semaphore, #tpu.memory_space<semaphore_mem>>) src(%dma_wait3A_178 : memref<10000x128xf32, #tpu.memory_space<hbm>>) dst(%arg11 : memref<32x128xf32, #tpu.memory_space<vmem>>)
      %run_scoped3A_179 = arith.constant 7 : i32
      "tpu.region"() ({
        %run_scoped3A_183 = tpu.sem_alloc : memref<!tpu.dma_semaphore, #tpu.memory_space<semaphore_mem>>
        %dma_start3A_184 = arith.constant 0 : i32
        %dma_start3A_185 = tpu.memref_slice %arg7[%rem3A_69, %run_scoped3A_179, %dma_start3A_184] : memref<2x8x32xi32, #tpu.memory_space<vmem>> -> memref<1x1x32xi32, #tpu.memory_space<vmem>>
        %dma_start3A_186 = tpu.memref_squeeze %dma_start3A_185 : memref<1x1x32xi32, #tpu.memory_space<vmem>> -> memref<32xi32, #tpu.memory_space<vmem>>
        %dma_start3A_187 = arith.constant 0 : i32
        %dma_start3A_188 = arith.constant 0 : i32
        %dma_start3A_189 = tpu.memref_slice %arg16[%dma_start3A_187, %dma_start3A_188] : memref<10000x128xf32, #tpu.memory_space<vmem_shared>> -> memref<10000x128xf32, #tpu.memory_space<vmem_shared>>
        tpu.enqueue_indirect_dma source(%arg11 : memref<32x128xf32, #tpu.memory_space<vmem>>) target(%dma_start3A_189 : memref<10000x128xf32, #tpu.memory_space<vmem_shared>>) offsets(%dma_start3A_186 : memref<32xi32, #tpu.memory_space<vmem>>) semaphore(%run_scoped3A_183 : memref<!tpu.dma_semaphore, #tpu.memory_space<semaphore_mem>>) {add = true}
        %dma_wait3A_190 = arith.constant 0 : i32
        %dma_wait3A_191 = tpu.memref_slice %arg7[%rem3A_69, %run_scoped3A_179, %dma_wait3A_190] : memref<2x8x32xi32, #tpu.memory_space<vmem>> -> memref<1x1x32xi32, #tpu.memory_space<vmem>>
        %dma_wait3A_192 = tpu.memref_squeeze %dma_wait3A_191 : memref<1x1x32xi32, #tpu.memory_space<vmem>> -> memref<32xi32, #tpu.memory_space<vmem>>
        %dma_wait3A_193 = arith.constant 0 : i32
        %dma_wait3A_194 = arith.constant 0 : i32
        %dma_wait3A_195 = tpu.memref_slice %arg16[%dma_wait3A_193, %dma_wait3A_194] : memref<10000x128xf32, #tpu.memory_space<vmem_shared>> -> memref<10000x128xf32, #tpu.memory_space<vmem_shared>>
        tpu.wait_indirect_dma semaphore(%run_scoped3A_183 : memref<!tpu.dma_semaphore, #tpu.memory_space<semaphore_mem>>) src(%arg11 : memref<32x128xf32, #tpu.memory_space<vmem>>) dst(%dma_wait3A_195 : memref<10000x128xf32, #tpu.memory_space<vmem_shared>>)
        tpu.yield
      }) : () -> ()
      %convert_element_type3A_180 = arith.extui %lt3A_76 : i1 to i32
      %cond3A_181 = arith.constant 0 : i32
      %cond3A_182 = arith.cmpi ne, %convert_element_type3A_180, %cond3A_181 : i32
      scf.if %cond3A_182 {
        %dma_start3A_183 = arith.constant 3 : i32
        %dma_start3A_184 = arith.constant 0 : i32
        %dma_start3A_185 = tpu.memref_slice %arg6[%sub3A_70, %dma_start3A_183, %dma_start3A_184] : memref<2x8x32xi32, #tpu.memory_space<vmem>> -> memref<1x1x32xi32, #tpu.memory_space<vmem>>
        %dma_start3A_186 = tpu.memref_squeeze %dma_start3A_185 : memref<1x1x32xi32, #tpu.memory_space<vmem>> -> memref<32xi32, #tpu.memory_space<vmem>>
        %dma_start3A_187 = arith.constant 0 : i32
        %dma_start3A_188 = arith.constant 0 : i32
        %dma_start3A_189 = tpu.memref_slice %arg2[%dma_start3A_187, %dma_start3A_188] : memref<10000x128xf32, #tpu.memory_space<hbm>> -> memref<10000x128xf32, #tpu.memory_space<hbm>>
        tpu.enqueue_indirect_dma source(%dma_start3A_189 : memref<10000x128xf32, #tpu.memory_space<hbm>>) target(%arg11 : memref<32x128xf32, #tpu.memory_space<vmem>>) offsets(%dma_start3A_186 : memref<32xi32, #tpu.memory_space<vmem>>) semaphore(%arg15 : memref<!tpu.dma_semaphore, #tpu.memory_space<semaphore_mem>>)
      } else {
      }
    }
    %barrier3A_56 = arith.constant 0 : index
    tpu.barrier barrier_id(%barrier3A_56)
    %mul3A_57 = arith.constant 624 : i32
    %mul3A_58 = arith.muli %arg1, %mul3A_57 : i32
    %multiple_of3A_59 = tpu.assume_multiple %mul3A_58, 8 : i32
    %mul3A_60 = arith.constant 624 : i32
    %mul3A_61 = arith.muli %arg1, %mul3A_60 : i32
    %multiple_of3A_62 = tpu.assume_multiple %mul3A_61, 8 : i32
    "tpu.region"() ({
      %run_scoped3A_68 = tpu.sem_alloc : memref<!tpu.dma_semaphore, #tpu.memory_space<semaphore_mem>>
      %dma_start3A_69 = arith.constant 0 : i32
      %dma_start3A_70 = tpu.memref_slice %arg5[%arg0, %multiple_of3A_62, %dma_start3A_69] : memref<2x10000x128xf32, #tpu.memory_space<hbm>> -> memref<1x624x128xf32, #tpu.memory_space<hbm>>
      %dma_start3A_71 = tpu.memref_squeeze %dma_start3A_70 : memref<1x624x128xf32, #tpu.memory_space<hbm>> -> memref<624x128xf32, #tpu.memory_space<hbm>>
      %dma_start3A_72 = arith.constant 0 : i32
      %dma_start3A_73 = tpu.memref_slice %arg16[%multiple_of3A_59, %dma_start3A_72] : memref<10000x128xf32, #tpu.memory_space<vmem_shared>> -> memref<624x128xf32, #tpu.memory_space<vmem_shared>>
      tpu.enqueue_dma source(%dma_start3A_73 : memref<624x128xf32, #tpu.memory_space<vmem_shared>>) target(%dma_start3A_71 : memref<624x128xf32, #tpu.memory_space<hbm>>) target_semaphore(%run_scoped3A_68 : memref<!tpu.dma_semaphore, #tpu.memory_space<semaphore_mem>>)
      %dma_wait3A = arith.constant 0 : i32
      %dma_wait3A_74 = tpu.memref_slice %arg5[%arg0, %multiple_of3A_62, %dma_wait3A] : memref<2x10000x128xf32, #tpu.memory_space<hbm>> -> memref<1x624x128xf32, #tpu.memory_space<hbm>>
      %dma_wait3A_75 = tpu.memref_squeeze %dma_wait3A_74 : memref<1x624x128xf32, #tpu.memory_space<hbm>> -> memref<624x128xf32, #tpu.memory_space<hbm>>
      %dma_wait3A_76 = arith.constant 0 : i32
      %dma_wait3A_77 = tpu.memref_slice %arg16[%multiple_of3A_59, %dma_wait3A_76] : memref<10000x128xf32, #tpu.memory_space<vmem_shared>> -> memref<624x128xf32, #tpu.memory_space<vmem_shared>>
      tpu.wait_dma2 semaphore(%run_scoped3A_68 : memref<!tpu.dma_semaphore, #tpu.memory_space<semaphore_mem>>) src(%dma_wait3A_77 : memref<624x128xf32, #tpu.memory_space<vmem_shared>>) dst(%dma_wait3A_75 : memref<624x128xf32, #tpu.memory_space<hbm>>)
      tpu.yield
    }) : () -> ()
    %eq3A_63 = arith.constant 15 : i32
    %eq3A_64 = arith.cmpi eq, %arg1, %eq3A_63 : i32
    %convert_element_type3A_65 = arith.extui %eq3A_64 : i1 to i32
    %cond3A_66 = arith.constant 0 : i32
    %cond3A_67 = arith.cmpi ne, %convert_element_type3A_65, %cond3A_66 : i32
    scf.if %cond3A_67 {
      "tpu.region"() ({
        %run_scoped3A_68 = tpu.sem_alloc : memref<!tpu.dma_semaphore, #tpu.memory_space<semaphore_mem>>
        %dma_start3A_69 = arith.constant 9984 : i32
        %dma_start3A_70 = arith.constant 0 : i32
        %dma_start3A_71 = tpu.memref_slice %arg5[%arg0, %dma_start3A_69, %dma_start3A_70] : memref<2x10000x128xf32, #tpu.memory_space<hbm>> -> memref<1x16x128xf32, #tpu.memory_space<hbm>>
        %dma_start3A_72 = tpu.memref_squeeze %dma_start3A_71 : memref<1x16x128xf32, #tpu.memory_space<hbm>> -> memref<16x128xf32, #tpu.memory_space<hbm>>
        %dma_start3A_73 = arith.constant 9984 : i32
        %dma_start3A_74 = arith.constant 0 : i32
        %dma_start3A_75 = tpu.memref_slice %arg16[%dma_start3A_73, %dma_start3A_74] : memref<10000x128xf32, #tpu.memory_space<vmem_shared>> -> memref<16x128xf32, #tpu.memory_space<vmem_shared>>
        tpu.enqueue_dma source(%dma_start3A_75 : memref<16x128xf32, #tpu.memory_space<vmem_shared>>) target(%dma_start3A_72 : memref<16x128xf32, #tpu.memory_space<hbm>>) target_semaphore(%run_scoped3A_68 : memref<!tpu.dma_semaphore, #tpu.memory_space<semaphore_mem>>)
        %dma_wait3A = arith.constant 9984 : i32
        %dma_wait3A_76 = arith.constant 0 : i32
        %dma_wait3A_77 = tpu.memref_slice %arg5[%arg0, %dma_wait3A, %dma_wait3A_76] : memref<2x10000x128xf32, #tpu.memory_space<hbm>> -> memref<1x16x128xf32, #tpu.memory_space<hbm>>
        %dma_wait3A_78 = tpu.memref_squeeze %dma_wait3A_77 : memref<1x16x128xf32, #tpu.memory_space<hbm>> -> memref<16x128xf32, #tpu.memory_space<hbm>>
        %dma_wait3A_79 = arith.constant 9984 : i32
        %dma_wait3A_80 = arith.constant 0 : i32
        %dma_wait3A_81 = tpu.memref_slice %arg16[%dma_wait3A_79, %dma_wait3A_80] : memref<10000x128xf32, #tpu.memory_space<vmem_shared>> -> memref<16x128xf32, #tpu.memory_space<vmem_shared>>
        tpu.wait_dma2 semaphore(%run_scoped3A_68 : memref<!tpu.dma_semaphore, #tpu.memory_space<semaphore_mem>>) src(%dma_wait3A_81 : memref<16x128xf32, #tpu.memory_space<vmem_shared>>) dst(%dma_wait3A_78 : memref<16x128xf32, #tpu.memory_space<hbm>>)
        tpu.yield
      }) : () -> ()
    } else {
    }
    return
  }
}

#map = affine_map<(d0, d1) -> (0, 0)>
#map1 = affine_map<(d0, d1) -> (0, 0, 0, 0)>
#map2 = affine_map<(d0, d1) -> (0, 0, 0)>
module attributes {stable_mosaic.version = 14 : i64} {
  func.func @_sc_conv(%arg0: i32, %arg1: i32, %arg2: memref<10000x128xf32, #tpu.memory_space<hbm>>, %arg3: memref<2x1250x8x32xi32, #tpu.memory_space<hbm>>, %arg4: memref<624x128xf32, #tpu.memory_space<hbm>>, %arg5: memref<2x10000x128xf32, #tpu.memory_space<hbm>>, %arg6: memref<2x8x32xi32, #tpu.memory_space<vmem>>, %arg7: memref<2x8x32xi32, #tpu.memory_space<vmem>>, %arg8: memref<32x128xf32, #tpu.memory_space<vmem>>, %arg9: memref<32x128xf32, #tpu.memory_space<vmem>>, %arg10: memref<32x128xf32, #tpu.memory_space<vmem>>, %arg11: memref<32x128xf32, #tpu.memory_space<vmem>>, %arg12: memref<!tpu.dma_semaphore, #tpu.memory_space<semaphore_mem>>, %arg13: memref<!tpu.dma_semaphore, #tpu.memory_space<semaphore_mem>>, %arg14: memref<!tpu.dma_semaphore, #tpu.memory_space<semaphore_mem>>, %arg15: memref<!tpu.dma_semaphore, #tpu.memory_space<semaphore_mem>>, %arg16: memref<10000x128xf32, #tpu.memory_space<vmem_shared>>) attributes {dimension_semantics = [#tpu.dimension_semantics<core_parallel>, #tpu.dimension_semantics<subcore_parallel>], iteration_bounds = array<i64: 2, 16>, scalar_prefetch = 0 : i64, scratch_operands = 11 : i64, tpu.core_type = #tpu.core_type<sc_vector_subcore>, window_params = [{transform_indices = #map}, {transform_indices = #map1}, {transform_indices = #map}, {transform_indices = #map2}]} {
    %lt3A = arith.constant 15 : i32
    %lt3A_0 = arith.cmpi slt, %arg1, %lt3A : i32
    %jit3A = arith.constant 39 : i32
    %jit3A_1 = arith.constant 40 : i32
    %select_n3A = arith.select %lt3A_0, %jit3A, %jit3A_1 : i32
    %mul3A = arith.constant 625 : i32
    %mul3A_2 = arith.muli %arg0, %mul3A : i32
    %lt3A_3 = arith.constant 15 : i32
    %lt3A_4 = arith.cmpi slt, %arg1, %lt3A_3 : i32
    %mul3A_5 = arith.constant 39 : i32
    %mul3A_6 = arith.muli %arg1, %mul3A_5 : i32
    %jit3A_7 = arith.constant 585 : i32
    %select_n3A_8 = arith.select %lt3A_4, %mul3A_6, %jit3A_7 : i32
    %add3A = arith.addi %mul3A_2, %select_n3A_8 : i32
    %mul3A_9 = arith.constant 624 : i32
    %mul3A_10 = arith.muli %arg1, %mul3A_9 : i32
    %multiple_of3A = tpu.assume_multiple %mul3A_10, 8 : i32
    "tpu.region"() ({
      %run_scoped3A_68 = tpu.sem_alloc : memref<!tpu.dma_semaphore, #tpu.memory_space<semaphore_mem>>
      %dma_start3A_69 = arith.constant 0 : i32
      %dma_start3A_70 = tpu.memref_slice %arg16[%multiple_of3A, %dma_start3A_69] : memref<10000x128xf32, #tpu.memory_space<vmem_shared>> -> memref<624x128xf32, #tpu.memory_space<vmem_shared>>
      tpu.enqueue_dma source(%arg4 : memref<624x128xf32, #tpu.memory_space<hbm>>) target(%dma_start3A_70 : memref<624x128xf32, #tpu.memory_space<vmem_shared>>) target_semaphore(%run_scoped3A_68 : memref<!tpu.dma_semaphore, #tpu.memory_space<semaphore_mem>>)
      %dma_wait3A = arith.constant 0 : i32
      %dma_wait3A_71 = tpu.memref_slice %arg16[%multiple_of3A, %dma_wait3A] : memref<10000x128xf32, #tpu.memory_space<vmem_shared>> -> memref<624x128xf32, #tpu.memory_space<vmem_shared>>
      tpu.wait_dma2 semaphore(%run_scoped3A_68 : memref<!tpu.dma_semaphore, #tpu.memory_space<semaphore_mem>>) src(%arg4 : memref<624x128xf32, #tpu.memory_space<hbm>>) dst(%dma_wait3A_71 : memref<624x128xf32, #tpu.memory_space<vmem_shared>>)
      tpu.yield
    }) : () -> ()
    %eq3A = arith.constant 15 : i32
    %eq3A_11 = arith.cmpi eq, %arg1, %eq3A : i32
    %convert_element_type3A = arith.extui %eq3A_11 : i1 to i32
    %cond3A = arith.constant 0 : i32
    %cond3A_12 = arith.cmpi ne, %convert_element_type3A, %cond3A : i32
    scf.if %cond3A_12 {
      "tpu.region"() ({
        %run_scoped3A_68 = tpu.sem_alloc : memref<!tpu.dma_semaphore, #tpu.memory_space<semaphore_mem>>
        %dma_start3A_69 = arith.constant 9984 : i32
        %dma_start3A_70 = arith.constant 0 : i32
        %dma_start3A_71 = tpu.memref_slice %arg16[%dma_start3A_69, %dma_start3A_70] : memref<10000x128xf32, #tpu.memory_space<vmem_shared>> -> memref<16x128xf32, #tpu.memory_space<vmem_shared>>
        %dma_start3A_72 = arith.constant 0 : i32
        %dma_start3A_73 = arith.constant 0 : i32
        %dma_start3A_74 = tpu.memref_slice %arg4[%dma_start3A_72, %dma_start3A_73] : memref<624x128xf32, #tpu.memory_space<hbm>> -> memref<16x128xf32, #tpu.memory_space<hbm>>
        tpu.enqueue_dma source(%dma_start3A_74 : memref<16x128xf32, #tpu.memory_space<hbm>>) target(%dma_start3A_71 : memref<16x128xf32, #tpu.memory_space<vmem_shared>>) target_semaphore(%run_scoped3A_68 : memref<!tpu.dma_semaphore, #tpu.memory_space<semaphore_mem>>)
        %dma_wait3A = arith.constant 9984 : i32
        %dma_wait3A_75 = arith.constant 0 : i32
        %dma_wait3A_76 = tpu.memref_slice %arg16[%dma_wait3A, %dma_wait3A_75] : memref<10000x128xf32, #tpu.memory_space<vmem_shared>> -> memref<16x128xf32, #tpu.memory_space<vmem_shared>>
        %dma_wait3A_77 = arith.constant 0 : i32
        %dma_wait3A_78 = arith.constant 0 : i32
        %dma_wait3A_79 = tpu.memref_slice %arg4[%dma_wait3A_77, %dma_wait3A_78] : memref<624x128xf32, #tpu.memory_space<hbm>> -> memref<16x128xf32, #tpu.memory_space<hbm>>
        tpu.wait_dma2 semaphore(%run_scoped3A_68 : memref<!tpu.dma_semaphore, #tpu.memory_space<semaphore_mem>>) src(%dma_wait3A_79 : memref<16x128xf32, #tpu.memory_space<hbm>>) dst(%dma_wait3A_76 : memref<16x128xf32, #tpu.memory_space<vmem_shared>>)
        tpu.yield
      }) : () -> ()
    } else {
    }
    %barrier3A = arith.constant 0 : index
    tpu.barrier barrier_id(%barrier3A)
    %run_scoped3A = arith.constant 0 : i32
    %run_scoped3A_13 = arith.constant 0 : i32
    "tpu.region"() ({
      %run_scoped3A_68 = tpu.sem_alloc : memref<!tpu.dma_semaphore, #tpu.memory_space<semaphore_mem>>
      %dma_start3A_69 = arith.constant 0 : i32
      %dma_start3A_70 = arith.constant 0 : i32
      %dma_start3A_71 = tpu.memref_slice %arg6[%run_scoped3A_13, %dma_start3A_69, %dma_start3A_70] : memref<2x8x32xi32, #tpu.memory_space<vmem>> -> memref<1x8x32xi32, #tpu.memory_space<vmem>>
      %dma_start3A_72 = tpu.memref_squeeze %dma_start3A_71 : memref<1x8x32xi32, #tpu.memory_space<vmem>> -> memref<8x32xi32, #tpu.memory_space<vmem>>
      %dma_start3A_73 = arith.constant 0 : i32
      %dma_start3A_74 = arith.constant 0 : i32
      %dma_start3A_75 = tpu.memref_slice %arg3[%run_scoped3A, %add3A, %dma_start3A_73, %dma_start3A_74] : memref<2x1250x8x32xi32, #tpu.memory_space<hbm>> -> memref<1x1x8x32xi32, #tpu.memory_space<hbm>>
      %dma_start3A_76 = tpu.memref_squeeze %dma_start3A_75 : memref<1x1x8x32xi32, #tpu.memory_space<hbm>> -> memref<8x32xi32, #tpu.memory_space<hbm>>
      %dma_start3A_77 = arith.constant 0 : i32
      %dma_start3A_78 = arith.constant 0 : i32
      %dma_start3A_79 = tpu.memref_slice %arg6[%run_scoped3A_13, %dma_start3A_77, %dma_start3A_78] : memref<2x8x32xi32, #tpu.memory_space<vmem>> -> memref<1x8x32xi32, #tpu.memory_space<vmem>>
      %dma_start3A_80 = tpu.memref_squeeze %dma_start3A_79 : memref<1x8x32xi32, #tpu.memory_space<vmem>> -> memref<8x32xi32, #tpu.memory_space<vmem>>
      %dma_start3A_81 = arith.constant 0 : i32
      %dma_start3A_82 = arith.constant 0 : i32
      %dma_start3A_83 = tpu.memref_slice %arg3[%run_scoped3A, %add3A, %dma_start3A_81, %dma_start3A_82] : memref<2x1250x8x32xi32, #tpu.memory_space<hbm>> -> memref<1x1x8x32xi32, #tpu.memory_space<hbm>>
      %dma_start3A_84 = tpu.memref_squeeze %dma_start3A_83 : memref<1x1x8x32xi32, #tpu.memory_space<hbm>> -> memref<8x32xi32, #tpu.memory_space<hbm>>
      tpu.enqueue_dma source(%dma_start3A_84 : memref<8x32xi32, #tpu.memory_space<hbm>>) target(%dma_start3A_80 : memref<8x32xi32, #tpu.memory_space<vmem>>) target_semaphore(%run_scoped3A_68 : memref<!tpu.dma_semaphore, #tpu.memory_space<semaphore_mem>>)
      %dma_wait3A = arith.constant 0 : i32
      %dma_wait3A_85 = arith.constant 0 : i32
      %dma_wait3A_86 = tpu.memref_slice %arg6[%run_scoped3A_13, %dma_wait3A, %dma_wait3A_85] : memref<2x8x32xi32, #tpu.memory_space<vmem>> -> memref<1x8x32xi32, #tpu.memory_space<vmem>>
      %dma_wait3A_87 = tpu.memref_squeeze %dma_wait3A_86 : memref<1x8x32xi32, #tpu.memory_space<vmem>> -> memref<8x32xi32, #tpu.memory_space<vmem>>
      %dma_wait3A_88 = arith.constant 0 : i32
      %dma_wait3A_89 = arith.constant 0 : i32
      %dma_wait3A_90 = tpu.memref_slice %arg3[%run_scoped3A, %add3A, %dma_wait3A_88, %dma_wait3A_89] : memref<2x1250x8x32xi32, #tpu.memory_space<hbm>> -> memref<1x1x8x32xi32, #tpu.memory_space<hbm>>
      %dma_wait3A_91 = tpu.memref_squeeze %dma_wait3A_90 : memref<1x1x8x32xi32, #tpu.memory_space<hbm>> -> memref<8x32xi32, #tpu.memory_space<hbm>>
      %dma_wait3A_92 = arith.constant 0 : i32
      %dma_wait3A_93 = arith.constant 0 : i32
      %dma_wait3A_94 = tpu.memref_slice %arg6[%run_scoped3A_13, %dma_wait3A_92, %dma_wait3A_93] : memref<2x8x32xi32, #tpu.memory_space<vmem>> -> memref<1x8x32xi32, #tpu.memory_space<vmem>>
      %dma_wait3A_95 = tpu.memref_squeeze %dma_wait3A_94 : memref<1x8x32xi32, #tpu.memory_space<vmem>> -> memref<8x32xi32, #tpu.memory_space<vmem>>
      %dma_wait3A_96 = arith.constant 0 : i32
      %dma_wait3A_97 = arith.constant 0 : i32
      %dma_wait3A_98 = tpu.memref_slice %arg3[%run_scoped3A, %add3A, %dma_wait3A_96, %dma_wait3A_97] : memref<2x1250x8x32xi32, #tpu.memory_space<hbm>> -> memref<1x1x8x32xi32, #tpu.memory_space<hbm>>
      %dma_wait3A_99 = tpu.memref_squeeze %dma_wait3A_98 : memref<1x1x8x32xi32, #tpu.memory_space<hbm>> -> memref<8x32xi32, #tpu.memory_space<hbm>>
      tpu.wait_dma2 semaphore(%run_scoped3A_68 : memref<!tpu.dma_semaphore, #tpu.memory_space<semaphore_mem>>) src(%dma_wait3A_99 : memref<8x32xi32, #tpu.memory_space<hbm>>) dst(%dma_wait3A_95 : memref<8x32xi32, #tpu.memory_space<vmem>>)
      tpu.yield
    }) : () -> ()
    %run_scoped3A_14 = arith.constant 1 : i32
    %run_scoped3A_15 = arith.constant 0 : i32
    "tpu.region"() ({
      %run_scoped3A_68 = tpu.sem_alloc : memref<!tpu.dma_semaphore, #tpu.memory_space<semaphore_mem>>
      %dma_start3A_69 = arith.constant 0 : i32
      %dma_start3A_70 = arith.constant 0 : i32
      %dma_start3A_71 = tpu.memref_slice %arg7[%run_scoped3A_15, %dma_start3A_69, %dma_start3A_70] : memref<2x8x32xi32, #tpu.memory_space<vmem>> -> memref<1x8x32xi32, #tpu.memory_space<vmem>>
      %dma_start3A_72 = tpu.memref_squeeze %dma_start3A_71 : memref<1x8x32xi32, #tpu.memory_space<vmem>> -> memref<8x32xi32, #tpu.memory_space<vmem>>
      %dma_start3A_73 = arith.constant 0 : i32
      %dma_start3A_74 = arith.constant 0 : i32
      %dma_start3A_75 = tpu.memref_slice %arg3[%run_scoped3A_14, %add3A, %dma_start3A_73, %dma_start3A_74] : memref<2x1250x8x32xi32, #tpu.memory_space<hbm>> -> memref<1x1x8x32xi32, #tpu.memory_space<hbm>>
      %dma_start3A_76 = tpu.memref_squeeze %dma_start3A_75 : memref<1x1x8x32xi32, #tpu.memory_space<hbm>> -> memref<8x32xi32, #tpu.memory_space<hbm>>
      %dma_start3A_77 = arith.constant 0 : i32
      %dma_start3A_78 = arith.constant 0 : i32
      %dma_start3A_79 = tpu.memref_slice %arg7[%run_scoped3A_15, %dma_start3A_77, %dma_start3A_78] : memref<2x8x32xi32, #tpu.memory_space<vmem>> -> memref<1x8x32xi32, #tpu.memory_space<vmem>>
      %dma_start3A_80 = tpu.memref_squeeze %dma_start3A_79 : memref<1x8x32xi32, #tpu.memory_space<vmem>> -> memref<8x32xi32, #tpu.memory_space<vmem>>
      %dma_start3A_81 = arith.constant 0 : i32
      %dma_start3A_82 = arith.constant 0 : i32
      %dma_start3A_83 = tpu.memref_slice %arg3[%run_scoped3A_14, %add3A, %dma_start3A_81, %dma_start3A_82] : memref<2x1250x8x32xi32, #tpu.memory_space<hbm>> -> memref<1x1x8x32xi32, #tpu.memory_space<hbm>>
      %dma_start3A_84 = tpu.memref_squeeze %dma_start3A_83 : memref<1x1x8x32xi32, #tpu.memory_space<hbm>> -> memref<8x32xi32, #tpu.memory_space<hbm>>
      tpu.enqueue_dma source(%dma_start3A_84 : memref<8x32xi32, #tpu.memory_space<hbm>>) target(%dma_start3A_80 : memref<8x32xi32, #tpu.memory_space<vmem>>) target_semaphore(%run_scoped3A_68 : memref<!tpu.dma_semaphore, #tpu.memory_space<semaphore_mem>>)
      %dma_wait3A = arith.constant 0 : i32
      %dma_wait3A_85 = arith.constant 0 : i32
      %dma_wait3A_86 = tpu.memref_slice %arg7[%run_scoped3A_15, %dma_wait3A, %dma_wait3A_85] : memref<2x8x32xi32, #tpu.memory_space<vmem>> -> memref<1x8x32xi32, #tpu.memory_space<vmem>>
      %dma_wait3A_87 = tpu.memref_squeeze %dma_wait3A_86 : memref<1x8x32xi32, #tpu.memory_space<vmem>> -> memref<8x32xi32, #tpu.memory_space<vmem>>
      %dma_wait3A_88 = arith.constant 0 : i32
      %dma_wait3A_89 = arith.constant 0 : i32
      %dma_wait3A_90 = tpu.memref_slice %arg3[%run_scoped3A_14, %add3A, %dma_wait3A_88, %dma_wait3A_89] : memref<2x1250x8x32xi32, #tpu.memory_space<hbm>> -> memref<1x1x8x32xi32, #tpu.memory_space<hbm>>
      %dma_wait3A_91 = tpu.memref_squeeze %dma_wait3A_90 : memref<1x1x8x32xi32, #tpu.memory_space<hbm>> -> memref<8x32xi32, #tpu.memory_space<hbm>>
      %dma_wait3A_92 = arith.constant 0 : i32
      %dma_wait3A_93 = arith.constant 0 : i32
      %dma_wait3A_94 = tpu.memref_slice %arg7[%run_scoped3A_15, %dma_wait3A_92, %dma_wait3A_93] : memref<2x8x32xi32, #tpu.memory_space<vmem>> -> memref<1x8x32xi32, #tpu.memory_space<vmem>>
      %dma_wait3A_95 = tpu.memref_squeeze %dma_wait3A_94 : memref<1x8x32xi32, #tpu.memory_space<vmem>> -> memref<8x32xi32, #tpu.memory_space<vmem>>
      %dma_wait3A_96 = arith.constant 0 : i32
      %dma_wait3A_97 = arith.constant 0 : i32
      %dma_wait3A_98 = tpu.memref_slice %arg3[%run_scoped3A_14, %add3A, %dma_wait3A_96, %dma_wait3A_97] : memref<2x1250x8x32xi32, #tpu.memory_space<hbm>> -> memref<1x1x8x32xi32, #tpu.memory_space<hbm>>
      %dma_wait3A_99 = tpu.memref_squeeze %dma_wait3A_98 : memref<1x1x8x32xi32, #tpu.memory_space<hbm>> -> memref<8x32xi32, #tpu.memory_space<hbm>>
      tpu.wait_dma2 semaphore(%run_scoped3A_68 : memref<!tpu.dma_semaphore, #tpu.memory_space<semaphore_mem>>) src(%dma_wait3A_99 : memref<8x32xi32, #tpu.memory_space<hbm>>) dst(%dma_wait3A_95 : memref<8x32xi32, #tpu.memory_space<vmem>>)
      tpu.yield
    }) : () -> ()
    %dma_start3A = arith.constant 0 : i32
    %dma_start3A_16 = arith.constant 0 : i32
    %dma_start3A_17 = arith.constant 0 : i32
    %dma_start3A_18 = tpu.memref_slice %arg6[%dma_start3A, %dma_start3A_16, %dma_start3A_17] : memref<2x8x32xi32, #tpu.memory_space<vmem>> -> memref<1x1x32xi32, #tpu.memory_space<vmem>>
    %dma_start3A_19 = tpu.memref_squeeze %dma_start3A_18 : memref<1x1x32xi32, #tpu.memory_space<vmem>> -> memref<32xi32, #tpu.memory_space<vmem>>
    %dma_start3A_20 = arith.constant 0 : i32
    %dma_start3A_21 = arith.constant 0 : i32
    %dma_start3A_22 = tpu.memref_slice %arg2[%dma_start3A_20, %dma_start3A_21] : memref<10000x128xf32, #tpu.memory_space<hbm>> -> memref<10000x128xf32, #tpu.memory_space<hbm>>
    tpu.enqueue_indirect_dma source(%dma_start3A_22 : memref<10000x128xf32, #tpu.memory_space<hbm>>) target(%arg8 : memref<32x128xf32, #tpu.memory_space<vmem>>) offsets(%dma_start3A_19 : memref<32xi32, #tpu.memory_space<vmem>>) semaphore(%arg12 : memref<!tpu.dma_semaphore, #tpu.memory_space<semaphore_mem>>)
    %dma_start3A_23 = arith.constant 0 : i32
    %dma_start3A_24 = arith.constant 1 : i32
    %dma_start3A_25 = arith.constant 0 : i32
    %dma_start3A_26 = tpu.memref_slice %arg6[%dma_start3A_23, %dma_start3A_24, %dma_start3A_25] : memref<2x8x32xi32, #tpu.memory_space<vmem>> -> memref<1x1x32xi32, #tpu.memory_space<vmem>>
    %dma_start3A_27 = tpu.memref_squeeze %dma_start3A_26 : memref<1x1x32xi32, #tpu.memory_space<vmem>> -> memref<32xi32, #tpu.memory_space<vmem>>
    %dma_start3A_28 = arith.constant 0 : i32
    %dma_start3A_29 = arith.constant 0 : i32
    %dma_start3A_30 = tpu.memref_slice %arg2[%dma_start3A_28, %dma_start3A_29] : memref<10000x128xf32, #tpu.memory_space<hbm>> -> memref<10000x128xf32, #tpu.memory_space<hbm>>
    tpu.enqueue_indirect_dma source(%dma_start3A_30 : memref<10000x128xf32, #tpu.memory_space<hbm>>) target(%arg9 : memref<32x128xf32, #tpu.memory_space<vmem>>) offsets(%dma_start3A_27 : memref<32xi32, #tpu.memory_space<vmem>>) semaphore(%arg13 : memref<!tpu.dma_semaphore, #tpu.memory_space<semaphore_mem>>)
    %dma_start3A_31 = arith.constant 0 : i32
    %dma_start3A_32 = arith.constant 2 : i32
    %dma_start3A_33 = arith.constant 0 : i32
    %dma_start3A_34 = tpu.memref_slice %arg6[%dma_start3A_31, %dma_start3A_32, %dma_start3A_33] : memref<2x8x32xi32, #tpu.memory_space<vmem>> -> memref<1x1x32xi32, #tpu.memory_space<vmem>>
    %dma_start3A_35 = tpu.memref_squeeze %dma_start3A_34 : memref<1x1x32xi32, #tpu.memory_space<vmem>> -> memref<32xi32, #tpu.memory_space<vmem>>
    %dma_start3A_36 = arith.constant 0 : i32
    %dma_start3A_37 = arith.constant 0 : i32
    %dma_start3A_38 = tpu.memref_slice %arg2[%dma_start3A_36, %dma_start3A_37] : memref<10000x128xf32, #tpu.memory_space<hbm>> -> memref<10000x128xf32, #tpu.memory_space<hbm>>
    tpu.enqueue_indirect_dma source(%dma_start3A_38 : memref<10000x128xf32, #tpu.memory_space<hbm>>) target(%arg10 : memref<32x128xf32, #tpu.memory_space<vmem>>) offsets(%dma_start3A_35 : memref<32xi32, #tpu.memory_space<vmem>>) semaphore(%arg14 : memref<!tpu.dma_semaphore, #tpu.memory_space<semaphore_mem>>)
    %dma_start3A_39 = arith.constant 0 : i32
    %dma_start3A_40 = arith.constant 3 : i32
    %dma_start3A_41 = arith.constant 0 : i32
    %dma_start3A_42 = tpu.memref_slice %arg6[%dma_start3A_39, %dma_start3A_40, %dma_start3A_41] : memref<2x8x32xi32, #tpu.memory_space<vmem>> -> memref<1x1x32xi32, #tpu.memory_space<vmem>>
    %dma_start3A_43 = tpu.memref_squeeze %dma_start3A_42 : memref<1x1x32xi32, #tpu.memory_space<vmem>> -> memref<32xi32, #tpu.memory_space<vmem>>
    %dma_start3A_44 = arith.constant 0 : i32
    %dma_start3A_45 = arith.constant 0 : i32
    %dma_start3A_46 = tpu.memref_slice %arg2[%dma_start3A_44, %dma_start3A_45] : memref<10000x128xf32, #tpu.memory_space<hbm>> -> memref<10000x128xf32, #tpu.memory_space<hbm>>
    tpu.enqueue_indirect_dma source(%dma_start3A_46 : memref<10000x128xf32, #tpu.memory_space<hbm>>) target(%arg11 : memref<32x128xf32, #tpu.memory_space<vmem>>) offsets(%dma_start3A_43 : memref<32xi32, #tpu.memory_space<vmem>>) semaphore(%arg15 : memref<!tpu.dma_semaphore, #tpu.memory_space<semaphore_mem>>)
    %while3A = arith.constant 0 : i32
    %while3A_47 = arith.constant 0 : i32
    %while3A_48 = arith.subi %select_n3A, %while3A_47 : i32
    %while3A_49 = arith.addi %while3A_47, %while3A_48 : i32
    %while3A_50 = arith.constant 1 : i32
    %while3A_51 = arith.divsi %while3A_48, %while3A_50 : i32
    %while3A_52 = arith.muli %while3A_51, %while3A_50 : i32
    %while3A_53 = arith.addi %while3A_47, %while3A_52 : i32
    %while3A_54 = arith.constant 1 : i32
    scf.for %while3A_68 = %while3A_47 to %while3A_53 step %while3A_54  : i32 {
      %rem3A = arith.constant 2 : i32
      %rem3A_69 = arith.remsi %while3A_68, %rem3A : i32
      %sub3A = arith.constant 1 : i32
      %sub3A_70 = arith.subi %sub3A, %rem3A_69 : i32
      %add3A_71 = arith.addi %add3A, %while3A_68 : i32
      %add3A_72 = arith.constant 1 : i32
      %add3A_73 = arith.addi %add3A_71, %add3A_72 : i32
      %add3A_74 = arith.constant 1 : i32
      %add3A_75 = arith.addi %while3A_68, %add3A_74 : i32
      %lt3A_76 = arith.cmpi slt, %add3A_75, %select_n3A : i32
      %dma_wait3A = arith.constant 0 : i32
      %dma_wait3A_77 = arith.constant 0 : i32
      %dma_wait3A_78 = tpu.memref_slice %arg6[%rem3A_69, %dma_wait3A, %dma_wait3A_77] : memref<2x8x32xi32, #tpu.memory_space<vmem>> -> memref<1x1x32xi32, #tpu.memory_space<vmem>>
      %dma_wait3A_79 = tpu.memref_squeeze %dma_wait3A_78 : memref<1x1x32xi32, #tpu.memory_space<vmem>> -> memref<32xi32, #tpu.memory_space<vmem>>
      %dma_wait3A_80 = arith.constant 0 : i32
      %dma_wait3A_81 = arith.constant 0 : i32
      %dma_wait3A_82 = tpu.memref_slice %arg2[%dma_wait3A_80, %dma_wait3A_81] : memref<10000x128xf32, #tpu.memory_space<hbm>> -> memref<10000x128xf32, #tpu.memory_space<hbm>>
      tpu.wait_indirect_dma semaphore(%arg12 : memref<!tpu.dma_semaphore, #tpu.memory_space<semaphore_mem>>) src(%dma_wait3A_82 : memref<10000x128xf32, #tpu.memory_space<hbm>>) dst(%arg8 : memref<32x128xf32, #tpu.memory_space<vmem>>)
      %run_scoped3A_83 = arith.constant 0 : i32
      "tpu.region"() ({
        %run_scoped3A_183 = tpu.sem_alloc : memref<!tpu.dma_semaphore, #tpu.memory_space<semaphore_mem>>
        %dma_start3A_184 = arith.constant 0 : i32
        %dma_start3A_185 = tpu.memref_slice %arg7[%rem3A_69, %run_scoped3A_83, %dma_start3A_184] : memref<2x8x32xi32, #tpu.memory_space<vmem>> -> memref<1x1x32xi32, #tpu.memory_space<vmem>>
        %dma_start3A_186 = tpu.memref_squeeze %dma_start3A_185 : memref<1x1x32xi32, #tpu.memory_space<vmem>> -> memref<32xi32, #tpu.memory_space<vmem>>
        %dma_start3A_187 = arith.constant 0 : i32
        %dma_start3A_188 = arith.constant 0 : i32
        %dma_start3A_189 = tpu.memref_slice %arg16[%dma_start3A_187, %dma_start3A_188] : memref<10000x128xf32, #tpu.memory_space<vmem_shared>> -> memref<10000x128xf32, #tpu.memory_space<vmem_shared>>
        tpu.enqueue_indirect_dma source(%arg8 : memref<32x128xf32, #tpu.memory_space<vmem>>) target(%dma_start3A_189 : memref<10000x128xf32, #tpu.memory_space<vmem_shared>>) offsets(%dma_start3A_186 : memref<32xi32, #tpu.memory_space<vmem>>) semaphore(%run_scoped3A_183 : memref<!tpu.dma_semaphore, #tpu.memory_space<semaphore_mem>>) {add = true}
        %dma_wait3A_190 = arith.constant 0 : i32
        %dma_wait3A_191 = tpu.memref_slice %arg7[%rem3A_69, %run_scoped3A_83, %dma_wait3A_190] : memref<2x8x32xi32, #tpu.memory_space<vmem>> -> memref<1x1x32xi32, #tpu.memory_space<vmem>>
        %dma_wait3A_192 = tpu.memref_squeeze %dma_wait3A_191 : memref<1x1x32xi32, #tpu.memory_space<vmem>> -> memref<32xi32, #tpu.memory_space<vmem>>
        %dma_wait3A_193 = arith.constant 0 : i32
        %dma_wait3A_194 = arith.constant 0 : i32
        %dma_wait3A_195 = tpu.memref_slice %arg16[%dma_wait3A_193, %dma_wait3A_194] : memref<10000x128xf32, #tpu.memory_space<vmem_shared>> -> memref<10000x128xf32, #tpu.memory_space<vmem_shared>>
        tpu.wait_indirect_dma semaphore(%run_scoped3A_183 : memref<!tpu.dma_semaphore, #tpu.memory_space<semaphore_mem>>) src(%arg8 : memref<32x128xf32, #tpu.memory_space<vmem>>) dst(%dma_wait3A_195 : memref<10000x128xf32, #tpu.memory_space<vmem_shared>>)
        tpu.yield
      }) : () -> ()
      %dma_start3A_84 = arith.constant 4 : i32
      %dma_start3A_85 = arith.constant 0 : i32
      %dma_start3A_86 = tpu.memref_slice %arg6[%rem3A_69, %dma_start3A_84, %dma_start3A_85] : memref<2x8x32xi32, #tpu.memory_space<vmem>> -> memref<1x1x32xi32, #tpu.memory_space<vmem>>
      %dma_start3A_87 = tpu.memref_squeeze %dma_start3A_86 : memref<1x1x32xi32, #tpu.memory_space<vmem>> -> memref<32xi32, #tpu.memory_space<vmem>>
      %dma_start3A_88 = arith.constant 0 : i32
      %dma_start3A_89 = arith.constant 0 : i32
      %dma_start3A_90 = tpu.memref_slice %arg2[%dma_start3A_88, %dma_start3A_89] : memref<10000x128xf32, #tpu.memory_space<hbm>> -> memref<10000x128xf32, #tpu.memory_space<hbm>>
      tpu.enqueue_indirect_dma source(%dma_start3A_90 : memref<10000x128xf32, #tpu.memory_space<hbm>>) target(%arg8 : memref<32x128xf32, #tpu.memory_space<vmem>>) offsets(%dma_start3A_87 : memref<32xi32, #tpu.memory_space<vmem>>) semaphore(%arg12 : memref<!tpu.dma_semaphore, #tpu.memory_space<semaphore_mem>>)
      %dma_wait3A_91 = arith.constant 1 : i32
      %dma_wait3A_92 = arith.constant 0 : i32
      %dma_wait3A_93 = tpu.memref_slice %arg6[%rem3A_69, %dma_wait3A_91, %dma_wait3A_92] : memref<2x8x32xi32, #tpu.memory_space<vmem>> -> memref<1x1x32xi32, #tpu.memory_space<vmem>>
      %dma_wait3A_94 = tpu.memref_squeeze %dma_wait3A_93 : memref<1x1x32xi32, #tpu.memory_space<vmem>> -> memref<32xi32, #tpu.memory_space<vmem>>
      %dma_wait3A_95 = arith.constant 0 : i32
      %dma_wait3A_96 = arith.constant 0 : i32
      %dma_wait3A_97 = tpu.memref_slice %arg2[%dma_wait3A_95, %dma_wait3A_96] : memref<10000x128xf32, #tpu.memory_space<hbm>> -> memref<10000x128xf32, #tpu.memory_space<hbm>>
      tpu.wait_indirect_dma semaphore(%arg13 : memref<!tpu.dma_semaphore, #tpu.memory_space<semaphore_mem>>) src(%dma_wait3A_97 : memref<10000x128xf32, #tpu.memory_space<hbm>>) dst(%arg9 : memref<32x128xf32, #tpu.memory_space<vmem>>)
      %run_scoped3A_98 = arith.constant 1 : i32
      "tpu.region"() ({
        %run_scoped3A_183 = tpu.sem_alloc : memref<!tpu.dma_semaphore, #tpu.memory_space<semaphore_mem>>
        %dma_start3A_184 = arith.constant 0 : i32
        %dma_start3A_185 = tpu.memref_slice %arg7[%rem3A_69, %run_scoped3A_98, %dma_start3A_184] : memref<2x8x32xi32, #tpu.memory_space<vmem>> -> memref<1x1x32xi32, #tpu.memory_space<vmem>>
        %dma_start3A_186 = tpu.memref_squeeze %dma_start3A_185 : memref<1x1x32xi32, #tpu.memory_space<vmem>> -> memref<32xi32, #tpu.memory_space<vmem>>
        %dma_start3A_187 = arith.constant 0 : i32
        %dma_start3A_188 = arith.constant 0 : i32
        %dma_start3A_189 = tpu.memref_slice %arg16[%dma_start3A_187, %dma_start3A_188] : memref<10000x128xf32, #tpu.memory_space<vmem_shared>> -> memref<10000x128xf32, #tpu.memory_space<vmem_shared>>
        tpu.enqueue_indirect_dma source(%arg9 : memref<32x128xf32, #tpu.memory_space<vmem>>) target(%dma_start3A_189 : memref<10000x128xf32, #tpu.memory_space<vmem_shared>>) offsets(%dma_start3A_186 : memref<32xi32, #tpu.memory_space<vmem>>) semaphore(%run_scoped3A_183 : memref<!tpu.dma_semaphore, #tpu.memory_space<semaphore_mem>>) {add = true}
        %dma_wait3A_190 = arith.constant 0 : i32
        %dma_wait3A_191 = tpu.memref_slice %arg7[%rem3A_69, %run_scoped3A_98, %dma_wait3A_190] : memref<2x8x32xi32, #tpu.memory_space<vmem>> -> memref<1x1x32xi32, #tpu.memory_space<vmem>>
        %dma_wait3A_192 = tpu.memref_squeeze %dma_wait3A_191 : memref<1x1x32xi32, #tpu.memory_space<vmem>> -> memref<32xi32, #tpu.memory_space<vmem>>
        %dma_wait3A_193 = arith.constant 0 : i32
        %dma_wait3A_194 = arith.constant 0 : i32
        %dma_wait3A_195 = tpu.memref_slice %arg16[%dma_wait3A_193, %dma_wait3A_194] : memref<10000x128xf32, #tpu.memory_space<vmem_shared>> -> memref<10000x128xf32, #tpu.memory_space<vmem_shared>>
        tpu.wait_indirect_dma semaphore(%run_scoped3A_183 : memref<!tpu.dma_semaphore, #tpu.memory_space<semaphore_mem>>) src(%arg9 : memref<32x128xf32, #tpu.memory_space<vmem>>) dst(%dma_wait3A_195 : memref<10000x128xf32, #tpu.memory_space<vmem_shared>>)
        tpu.yield
      }) : () -> ()
      %dma_start3A_99 = arith.constant 5 : i32
      %dma_start3A_100 = arith.constant 0 : i32
      %dma_start3A_101 = tpu.memref_slice %arg6[%rem3A_69, %dma_start3A_99, %dma_start3A_100] : memref<2x8x32xi32, #tpu.memory_space<vmem>> -> memref<1x1x32xi32, #tpu.memory_space<vmem>>
      %dma_start3A_102 = tpu.memref_squeeze %dma_start3A_101 : memref<1x1x32xi32, #tpu.memory_space<vmem>> -> memref<32xi32, #tpu.memory_space<vmem>>
      %dma_start3A_103 = arith.constant 0 : i32
      %dma_start3A_104 = arith.constant 0 : i32
      %dma_start3A_105 = tpu.memref_slice %arg2[%dma_start3A_103, %dma_start3A_104] : memref<10000x128xf32, #tpu.memory_space<hbm>> -> memref<10000x128xf32, #tpu.memory_space<hbm>>
      tpu.enqueue_indirect_dma source(%dma_start3A_105 : memref<10000x128xf32, #tpu.memory_space<hbm>>) target(%arg9 : memref<32x128xf32, #tpu.memory_space<vmem>>) offsets(%dma_start3A_102 : memref<32xi32, #tpu.memory_space<vmem>>) semaphore(%arg13 : memref<!tpu.dma_semaphore, #tpu.memory_space<semaphore_mem>>)
      %dma_wait3A_106 = arith.constant 2 : i32
      %dma_wait3A_107 = arith.constant 0 : i32
      %dma_wait3A_108 = tpu.memref_slice %arg6[%rem3A_69, %dma_wait3A_106, %dma_wait3A_107] : memref<2x8x32xi32, #tpu.memory_space<vmem>> -> memref<1x1x32xi32, #tpu.memory_space<vmem>>
      %dma_wait3A_109 = tpu.memref_squeeze %dma_wait3A_108 : memref<1x1x32xi32, #tpu.memory_space<vmem>> -> memref<32xi32, #tpu.memory_space<vmem>>
      %dma_wait3A_110 = arith.constant 0 : i32
      %dma_wait3A_111 = arith.constant 0 : i32
      %dma_wait3A_112 = tpu.memref_slice %arg2[%dma_wait3A_110, %dma_wait3A_111] : memref<10000x128xf32, #tpu.memory_space<hbm>> -> memref<10000x128xf32, #tpu.memory_space<hbm>>
      tpu.wait_indirect_dma semaphore(%arg14 : memref<!tpu.dma_semaphore, #tpu.memory_space<semaphore_mem>>) src(%dma_wait3A_112 : memref<10000x128xf32, #tpu.memory_space<hbm>>) dst(%arg10 : memref<32x128xf32, #tpu.memory_space<vmem>>)
      %run_scoped3A_113 = arith.constant 2 : i32
      "tpu.region"() ({
        %run_scoped3A_183 = tpu.sem_alloc : memref<!tpu.dma_semaphore, #tpu.memory_space<semaphore_mem>>
        %dma_start3A_184 = arith.constant 0 : i32
        %dma_start3A_185 = tpu.memref_slice %arg7[%rem3A_69, %run_scoped3A_113, %dma_start3A_184] : memref<2x8x32xi32, #tpu.memory_space<vmem>> -> memref<1x1x32xi32, #tpu.memory_space<vmem>>
        %dma_start3A_186 = tpu.memref_squeeze %dma_start3A_185 : memref<1x1x32xi32, #tpu.memory_space<vmem>> -> memref<32xi32, #tpu.memory_space<vmem>>
        %dma_start3A_187 = arith.constant 0 : i32
        %dma_start3A_188 = arith.constant 0 : i32
        %dma_start3A_189 = tpu.memref_slice %arg16[%dma_start3A_187, %dma_start3A_188] : memref<10000x128xf32, #tpu.memory_space<vmem_shared>> -> memref<10000x128xf32, #tpu.memory_space<vmem_shared>>
        tpu.enqueue_indirect_dma source(%arg10 : memref<32x128xf32, #tpu.memory_space<vmem>>) target(%dma_start3A_189 : memref<10000x128xf32, #tpu.memory_space<vmem_shared>>) offsets(%dma_start3A_186 : memref<32xi32, #tpu.memory_space<vmem>>) semaphore(%run_scoped3A_183 : memref<!tpu.dma_semaphore, #tpu.memory_space<semaphore_mem>>) {add = true}
        %dma_wait3A_190 = arith.constant 0 : i32
        %dma_wait3A_191 = tpu.memref_slice %arg7[%rem3A_69, %run_scoped3A_113, %dma_wait3A_190] : memref<2x8x32xi32, #tpu.memory_space<vmem>> -> memref<1x1x32xi32, #tpu.memory_space<vmem>>
        %dma_wait3A_192 = tpu.memref_squeeze %dma_wait3A_191 : memref<1x1x32xi32, #tpu.memory_space<vmem>> -> memref<32xi32, #tpu.memory_space<vmem>>
        %dma_wait3A_193 = arith.constant 0 : i32
        %dma_wait3A_194 = arith.constant 0 : i32
        %dma_wait3A_195 = tpu.memref_slice %arg16[%dma_wait3A_193, %dma_wait3A_194] : memref<10000x128xf32, #tpu.memory_space<vmem_shared>> -> memref<10000x128xf32, #tpu.memory_space<vmem_shared>>
        tpu.wait_indirect_dma semaphore(%run_scoped3A_183 : memref<!tpu.dma_semaphore, #tpu.memory_space<semaphore_mem>>) src(%arg10 : memref<32x128xf32, #tpu.memory_space<vmem>>) dst(%dma_wait3A_195 : memref<10000x128xf32, #tpu.memory_space<vmem_shared>>)
        tpu.yield
      }) : () -> ()
      %dma_start3A_114 = arith.constant 6 : i32
      %dma_start3A_115 = arith.constant 0 : i32
      %dma_start3A_116 = tpu.memref_slice %arg6[%rem3A_69, %dma_start3A_114, %dma_start3A_115] : memref<2x8x32xi32, #tpu.memory_space<vmem>> -> memref<1x1x32xi32, #tpu.memory_space<vmem>>
      %dma_start3A_117 = tpu.memref_squeeze %dma_start3A_116 : memref<1x1x32xi32, #tpu.memory_space<vmem>> -> memref<32xi32, #tpu.memory_space<vmem>>
      %dma_start3A_118 = arith.constant 0 : i32
      %dma_start3A_119 = arith.constant 0 : i32
      %dma_start3A_120 = tpu.memref_slice %arg2[%dma_start3A_118, %dma_start3A_119] : memref<10000x128xf32, #tpu.memory_space<hbm>> -> memref<10000x128xf32, #tpu.memory_space<hbm>>
      tpu.enqueue_indirect_dma source(%dma_start3A_120 : memref<10000x128xf32, #tpu.memory_space<hbm>>) target(%arg10 : memref<32x128xf32, #tpu.memory_space<vmem>>) offsets(%dma_start3A_117 : memref<32xi32, #tpu.memory_space<vmem>>) semaphore(%arg14 : memref<!tpu.dma_semaphore, #tpu.memory_space<semaphore_mem>>)
      %dma_wait3A_121 = arith.constant 3 : i32
      %dma_wait3A_122 = arith.constant 0 : i32
      %dma_wait3A_123 = tpu.memref_slice %arg6[%rem3A_69, %dma_wait3A_121, %dma_wait3A_122] : memref<2x8x32xi32, #tpu.memory_space<vmem>> -> memref<1x1x32xi32, #tpu.memory_space<vmem>>
      %dma_wait3A_124 = tpu.memref_squeeze %dma_wait3A_123 : memref<1x1x32xi32, #tpu.memory_space<vmem>> -> memref<32xi32, #tpu.memory_space<vmem>>
      %dma_wait3A_125 = arith.constant 0 : i32
      %dma_wait3A_126 = arith.constant 0 : i32
      %dma_wait3A_127 = tpu.memref_slice %arg2[%dma_wait3A_125, %dma_wait3A_126] : memref<10000x128xf32, #tpu.memory_space<hbm>> -> memref<10000x128xf32, #tpu.memory_space<hbm>>
      tpu.wait_indirect_dma semaphore(%arg15 : memref<!tpu.dma_semaphore, #tpu.memory_space<semaphore_mem>>) src(%dma_wait3A_127 : memref<10000x128xf32, #tpu.memory_space<hbm>>) dst(%arg11 : memref<32x128xf32, #tpu.memory_space<vmem>>)
      %run_scoped3A_128 = arith.constant 3 : i32
      "tpu.region"() ({
        %run_scoped3A_183 = tpu.sem_alloc : memref<!tpu.dma_semaphore, #tpu.memory_space<semaphore_mem>>
        %dma_start3A_184 = arith.constant 0 : i32
        %dma_start3A_185 = tpu.memref_slice %arg7[%rem3A_69, %run_scoped3A_128, %dma_start3A_184] : memref<2x8x32xi32, #tpu.memory_space<vmem>> -> memref<1x1x32xi32, #tpu.memory_space<vmem>>
        %dma_start3A_186 = tpu.memref_squeeze %dma_start3A_185 : memref<1x1x32xi32, #tpu.memory_space<vmem>> -> memref<32xi32, #tpu.memory_space<vmem>>
        %dma_start3A_187 = arith.constant 0 : i32
        %dma_start3A_188 = arith.constant 0 : i32
        %dma_start3A_189 = tpu.memref_slice %arg16[%dma_start3A_187, %dma_start3A_188] : memref<10000x128xf32, #tpu.memory_space<vmem_shared>> -> memref<10000x128xf32, #tpu.memory_space<vmem_shared>>
        tpu.enqueue_indirect_dma source(%arg11 : memref<32x128xf32, #tpu.memory_space<vmem>>) target(%dma_start3A_189 : memref<10000x128xf32, #tpu.memory_space<vmem_shared>>) offsets(%dma_start3A_186 : memref<32xi32, #tpu.memory_space<vmem>>) semaphore(%run_scoped3A_183 : memref<!tpu.dma_semaphore, #tpu.memory_space<semaphore_mem>>) {add = true}
        %dma_wait3A_190 = arith.constant 0 : i32
        %dma_wait3A_191 = tpu.memref_slice %arg7[%rem3A_69, %run_scoped3A_128, %dma_wait3A_190] : memref<2x8x32xi32, #tpu.memory_space<vmem>> -> memref<1x1x32xi32, #tpu.memory_space<vmem>>
        %dma_wait3A_192 = tpu.memref_squeeze %dma_wait3A_191 : memref<1x1x32xi32, #tpu.memory_space<vmem>> -> memref<32xi32, #tpu.memory_space<vmem>>
        %dma_wait3A_193 = arith.constant 0 : i32
        %dma_wait3A_194 = arith.constant 0 : i32
        %dma_wait3A_195 = tpu.memref_slice %arg16[%dma_wait3A_193, %dma_wait3A_194] : memref<10000x128xf32, #tpu.memory_space<vmem_shared>> -> memref<10000x128xf32, #tpu.memory_space<vmem_shared>>
        tpu.wait_indirect_dma semaphore(%run_scoped3A_183 : memref<!tpu.dma_semaphore, #tpu.memory_space<semaphore_mem>>) src(%arg11 : memref<32x128xf32, #tpu.memory_space<vmem>>) dst(%dma_wait3A_195 : memref<10000x128xf32, #tpu.memory_space<vmem_shared>>)
        tpu.yield
      }) : () -> ()
      %dma_start3A_129 = arith.constant 7 : i32
      %dma_start3A_130 = arith.constant 0 : i32
      %dma_start3A_131 = tpu.memref_slice %arg6[%rem3A_69, %dma_start3A_129, %dma_start3A_130] : memref<2x8x32xi32, #tpu.memory_space<vmem>> -> memref<1x1x32xi32, #tpu.memory_space<vmem>>
      %dma_start3A_132 = tpu.memref_squeeze %dma_start3A_131 : memref<1x1x32xi32, #tpu.memory_space<vmem>> -> memref<32xi32, #tpu.memory_space<vmem>>
      %dma_start3A_133 = arith.constant 0 : i32
      %dma_start3A_134 = arith.constant 0 : i32
      %dma_start3A_135 = tpu.memref_slice %arg2[%dma_start3A_133, %dma_start3A_134] : memref<10000x128xf32, #tpu.memory_space<hbm>> -> memref<10000x128xf32, #tpu.memory_space<hbm>>
      tpu.enqueue_indirect_dma source(%dma_start3A_135 : memref<10000x128xf32, #tpu.memory_space<hbm>>) target(%arg11 : memref<32x128xf32, #tpu.memory_space<vmem>>) offsets(%dma_start3A_132 : memref<32xi32, #tpu.memory_space<vmem>>) semaphore(%arg15 : memref<!tpu.dma_semaphore, #tpu.memory_space<semaphore_mem>>)
      %convert_element_type3A_136 = arith.extui %lt3A_76 : i1 to i32
      %cond3A_137 = arith.constant 0 : i32
      %cond3A_138 = arith.cmpi ne, %convert_element_type3A_136, %cond3A_137 : i32
      scf.if %cond3A_138 {
        %run_scoped3A_183 = arith.constant 0 : i32
        "tpu.region"() ({
          %run_scoped3A_185 = tpu.sem_alloc : memref<!tpu.dma_semaphore, #tpu.memory_space<semaphore_mem>>
          %dma_start3A_186 = arith.constant 0 : i32
          %dma_start3A_187 = arith.constant 0 : i32
          %dma_start3A_188 = tpu.memref_slice %arg6[%sub3A_70, %dma_start3A_186, %dma_start3A_187] : memref<2x8x32xi32, #tpu.memory_space<vmem>> -> memref<1x8x32xi32, #tpu.memory_space<vmem>>
          %dma_start3A_189 = tpu.memref_squeeze %dma_start3A_188 : memref<1x8x32xi32, #tpu.memory_space<vmem>> -> memref<8x32xi32, #tpu.memory_space<vmem>>
          %dma_start3A_190 = arith.constant 0 : i32
          %dma_start3A_191 = arith.constant 0 : i32
          %dma_start3A_192 = tpu.memref_slice %arg3[%run_scoped3A_183, %add3A_73, %dma_start3A_190, %dma_start3A_191] : memref<2x1250x8x32xi32, #tpu.memory_space<hbm>> -> memref<1x1x8x32xi32, #tpu.memory_space<hbm>>
          %dma_start3A_193 = tpu.memref_squeeze %dma_start3A_192 : memref<1x1x8x32xi32, #tpu.memory_space<hbm>> -> memref<8x32xi32, #tpu.memory_space<hbm>>
          %dma_start3A_194 = arith.constant 0 : i32
          %dma_start3A_195 = arith.constant 0 : i32
          %dma_start3A_196 = tpu.memref_slice %arg6[%sub3A_70, %dma_start3A_194, %dma_start3A_195] : memref<2x8x32xi32, #tpu.memory_space<vmem>> -> memref<1x8x32xi32, #tpu.memory_space<vmem>>
          %dma_start3A_197 = tpu.memref_squeeze %dma_start3A_196 : memref<1x8x32xi32, #tpu.memory_space<vmem>> -> memref<8x32xi32, #tpu.memory_space<vmem>>
          %dma_start3A_198 = arith.constant 0 : i32
          %dma_start3A_199 = arith.constant 0 : i32
          %dma_start3A_200 = tpu.memref_slice %arg3[%run_scoped3A_183, %add3A_73, %dma_start3A_198, %dma_start3A_199] : memref<2x1250x8x32xi32, #tpu.memory_space<hbm>> -> memref<1x1x8x32xi32, #tpu.memory_space<hbm>>
          %dma_start3A_201 = tpu.memref_squeeze %dma_start3A_200 : memref<1x1x8x32xi32, #tpu.memory_space<hbm>> -> memref<8x32xi32, #tpu.memory_space<hbm>>
          tpu.enqueue_dma source(%dma_start3A_201 : memref<8x32xi32, #tpu.memory_space<hbm>>) target(%dma_start3A_197 : memref<8x32xi32, #tpu.memory_space<vmem>>) target_semaphore(%run_scoped3A_185 : memref<!tpu.dma_semaphore, #tpu.memory_space<semaphore_mem>>)
          %dma_wait3A_202 = arith.constant 0 : i32
          %dma_wait3A_203 = arith.constant 0 : i32
          %dma_wait3A_204 = tpu.memref_slice %arg6[%sub3A_70, %dma_wait3A_202, %dma_wait3A_203] : memref<2x8x32xi32, #tpu.memory_space<vmem>> -> memref<1x8x32xi32, #tpu.memory_space<vmem>>
          %dma_wait3A_205 = tpu.memref_squeeze %dma_wait3A_204 : memref<1x8x32xi32, #tpu.memory_space<vmem>> -> memref<8x32xi32, #tpu.memory_space<vmem>>
          %dma_wait3A_206 = arith.constant 0 : i32
          %dma_wait3A_207 = arith.constant 0 : i32
          %dma_wait3A_208 = tpu.memref_slice %arg3[%run_scoped3A_183, %add3A_73, %dma_wait3A_206, %dma_wait3A_207] : memref<2x1250x8x32xi32, #tpu.memory_space<hbm>> -> memref<1x1x8x32xi32, #tpu.memory_space<hbm>>
          %dma_wait3A_209 = tpu.memref_squeeze %dma_wait3A_208 : memref<1x1x8x32xi32, #tpu.memory_space<hbm>> -> memref<8x32xi32, #tpu.memory_space<hbm>>
          %dma_wait3A_210 = arith.constant 0 : i32
          %dma_wait3A_211 = arith.constant 0 : i32
          %dma_wait3A_212 = tpu.memref_slice %arg6[%sub3A_70, %dma_wait3A_210, %dma_wait3A_211] : memref<2x8x32xi32, #tpu.memory_space<vmem>> -> memref<1x8x32xi32, #tpu.memory_space<vmem>>
          %dma_wait3A_213 = tpu.memref_squeeze %dma_wait3A_212 : memref<1x8x32xi32, #tpu.memory_space<vmem>> -> memref<8x32xi32, #tpu.memory_space<vmem>>
          %dma_wait3A_214 = arith.constant 0 : i32
          %dma_wait3A_215 = arith.constant 0 : i32
          %dma_wait3A_216 = tpu.memref_slice %arg3[%run_scoped3A_183, %add3A_73, %dma_wait3A_214, %dma_wait3A_215] : memref<2x1250x8x32xi32, #tpu.memory_space<hbm>> -> memref<1x1x8x32xi32, #tpu.memory_space<hbm>>
          %dma_wait3A_217 = tpu.memref_squeeze %dma_wait3A_216 : memref<1x1x8x32xi32, #tpu.memory_space<hbm>> -> memref<8x32xi32, #tpu.memory_space<hbm>>
          tpu.wait_dma2 semaphore(%run_scoped3A_185 : memref<!tpu.dma_semaphore, #tpu.memory_space<semaphore_mem>>) src(%dma_wait3A_217 : memref<8x32xi32, #tpu.memory_space<hbm>>) dst(%dma_wait3A_213 : memref<8x32xi32, #tpu.memory_space<vmem>>)
          tpu.yield
        }) : () -> ()
        %run_scoped3A_184 = arith.constant 1 : i32
        "tpu.region"() ({
          %run_scoped3A_185 = tpu.sem_alloc : memref<!tpu.dma_semaphore, #tpu.memory_space<semaphore_mem>>
          %dma_start3A_186 = arith.constant 0 : i32
          %dma_start3A_187 = arith.constant 0 : i32
          %dma_start3A_188 = tpu.memref_slice %arg7[%sub3A_70, %dma_start3A_186, %dma_start3A_187] : memref<2x8x32xi32, #tpu.memory_space<vmem>> -> memref<1x8x32xi32, #tpu.memory_space<vmem>>
          %dma_start3A_189 = tpu.memref_squeeze %dma_start3A_188 : memref<1x8x32xi32, #tpu.memory_space<vmem>> -> memref<8x32xi32, #tpu.memory_space<vmem>>
          %dma_start3A_190 = arith.constant 0 : i32
          %dma_start3A_191 = arith.constant 0 : i32
          %dma_start3A_192 = tpu.memref_slice %arg3[%run_scoped3A_184, %add3A_73, %dma_start3A_190, %dma_start3A_191] : memref<2x1250x8x32xi32, #tpu.memory_space<hbm>> -> memref<1x1x8x32xi32, #tpu.memory_space<hbm>>
          %dma_start3A_193 = tpu.memref_squeeze %dma_start3A_192 : memref<1x1x8x32xi32, #tpu.memory_space<hbm>> -> memref<8x32xi32, #tpu.memory_space<hbm>>
          %dma_start3A_194 = arith.constant 0 : i32
          %dma_start3A_195 = arith.constant 0 : i32
          %dma_start3A_196 = tpu.memref_slice %arg7[%sub3A_70, %dma_start3A_194, %dma_start3A_195] : memref<2x8x32xi32, #tpu.memory_space<vmem>> -> memref<1x8x32xi32, #tpu.memory_space<vmem>>
          %dma_start3A_197 = tpu.memref_squeeze %dma_start3A_196 : memref<1x8x32xi32, #tpu.memory_space<vmem>> -> memref<8x32xi32, #tpu.memory_space<vmem>>
          %dma_start3A_198 = arith.constant 0 : i32
          %dma_start3A_199 = arith.constant 0 : i32
          %dma_start3A_200 = tpu.memref_slice %arg3[%run_scoped3A_184, %add3A_73, %dma_start3A_198, %dma_start3A_199] : memref<2x1250x8x32xi32, #tpu.memory_space<hbm>> -> memref<1x1x8x32xi32, #tpu.memory_space<hbm>>
          %dma_start3A_201 = tpu.memref_squeeze %dma_start3A_200 : memref<1x1x8x32xi32, #tpu.memory_space<hbm>> -> memref<8x32xi32, #tpu.memory_space<hbm>>
          tpu.enqueue_dma source(%dma_start3A_201 : memref<8x32xi32, #tpu.memory_space<hbm>>) target(%dma_start3A_197 : memref<8x32xi32, #tpu.memory_space<vmem>>) target_semaphore(%run_scoped3A_185 : memref<!tpu.dma_semaphore, #tpu.memory_space<semaphore_mem>>)
          %dma_wait3A_202 = arith.constant 0 : i32
          %dma_wait3A_203 = arith.constant 0 : i32
          %dma_wait3A_204 = tpu.memref_slice %arg7[%sub3A_70, %dma_wait3A_202, %dma_wait3A_203] : memref<2x8x32xi32, #tpu.memory_space<vmem>> -> memref<1x8x32xi32, #tpu.memory_space<vmem>>
          %dma_wait3A_205 = tpu.memref_squeeze %dma_wait3A_204 : memref<1x8x32xi32, #tpu.memory_space<vmem>> -> memref<8x32xi32, #tpu.memory_space<vmem>>
          %dma_wait3A_206 = arith.constant 0 : i32
          %dma_wait3A_207 = arith.constant 0 : i32
          %dma_wait3A_208 = tpu.memref_slice %arg3[%run_scoped3A_184, %add3A_73, %dma_wait3A_206, %dma_wait3A_207] : memref<2x1250x8x32xi32, #tpu.memory_space<hbm>> -> memref<1x1x8x32xi32, #tpu.memory_space<hbm>>
          %dma_wait3A_209 = tpu.memref_squeeze %dma_wait3A_208 : memref<1x1x8x32xi32, #tpu.memory_space<hbm>> -> memref<8x32xi32, #tpu.memory_space<hbm>>
          %dma_wait3A_210 = arith.constant 0 : i32
          %dma_wait3A_211 = arith.constant 0 : i32
          %dma_wait3A_212 = tpu.memref_slice %arg7[%sub3A_70, %dma_wait3A_210, %dma_wait3A_211] : memref<2x8x32xi32, #tpu.memory_space<vmem>> -> memref<1x8x32xi32, #tpu.memory_space<vmem>>
          %dma_wait3A_213 = tpu.memref_squeeze %dma_wait3A_212 : memref<1x8x32xi32, #tpu.memory_space<vmem>> -> memref<8x32xi32, #tpu.memory_space<vmem>>
          %dma_wait3A_214 = arith.constant 0 : i32
          %dma_wait3A_215 = arith.constant 0 : i32
          %dma_wait3A_216 = tpu.memref_slice %arg3[%run_scoped3A_184, %add3A_73, %dma_wait3A_214, %dma_wait3A_215] : memref<2x1250x8x32xi32, #tpu.memory_space<hbm>> -> memref<1x1x8x32xi32, #tpu.memory_space<hbm>>
          %dma_wait3A_217 = tpu.memref_squeeze %dma_wait3A_216 : memref<1x1x8x32xi32, #tpu.memory_space<hbm>> -> memref<8x32xi32, #tpu.memory_space<hbm>>
          tpu.wait_dma2 semaphore(%run_scoped3A_185 : memref<!tpu.dma_semaphore, #tpu.memory_space<semaphore_mem>>) src(%dma_wait3A_217 : memref<8x32xi32, #tpu.memory_space<hbm>>) dst(%dma_wait3A_213 : memref<8x32xi32, #tpu.memory_space<vmem>>)
          tpu.yield
        }) : () -> ()
      } else {
      }
      %dma_wait3A_139 = arith.constant 4 : i32
      %dma_wait3A_140 = arith.constant 0 : i32
      %dma_wait3A_141 = tpu.memref_slice %arg6[%rem3A_69, %dma_wait3A_139, %dma_wait3A_140] : memref<2x8x32xi32, #tpu.memory_space<vmem>> -> memref<1x1x32xi32, #tpu.memory_space<vmem>>
      %dma_wait3A_142 = tpu.memref_squeeze %dma_wait3A_141 : memref<1x1x32xi32, #tpu.memory_space<vmem>> -> memref<32xi32, #tpu.memory_space<vmem>>
      %dma_wait3A_143 = arith.constant 0 : i32
      %dma_wait3A_144 = arith.constant 0 : i32
      %dma_wait3A_145 = tpu.memref_slice %arg2[%dma_wait3A_143, %dma_wait3A_144] : memref<10000x128xf32, #tpu.memory_space<hbm>> -> memref<10000x128xf32, #tpu.memory_space<hbm>>
      tpu.wait_indirect_dma semaphore(%arg12 : memref<!tpu.dma_semaphore, #tpu.memory_space<semaphore_mem>>) src(%dma_wait3A_145 : memref<10000x128xf32, #tpu.memory_space<hbm>>) dst(%arg8 : memref<32x128xf32, #tpu.memory_space<vmem>>)
      %run_scoped3A_146 = arith.constant 4 : i32
      "tpu.region"() ({
        %run_scoped3A_183 = tpu.sem_alloc : memref<!tpu.dma_semaphore, #tpu.memory_space<semaphore_mem>>
        %dma_start3A_184 = arith.constant 0 : i32
        %dma_start3A_185 = tpu.memref_slice %arg7[%rem3A_69, %run_scoped3A_146, %dma_start3A_184] : memref<2x8x32xi32, #tpu.memory_space<vmem>> -> memref<1x1x32xi32, #tpu.memory_space<vmem>>
        %dma_start3A_186 = tpu.memref_squeeze %dma_start3A_185 : memref<1x1x32xi32, #tpu.memory_space<vmem>> -> memref<32xi32, #tpu.memory_space<vmem>>
        %dma_start3A_187 = arith.constant 0 : i32
        %dma_start3A_188 = arith.constant 0 : i32
        %dma_start3A_189 = tpu.memref_slice %arg16[%dma_start3A_187, %dma_start3A_188] : memref<10000x128xf32, #tpu.memory_space<vmem_shared>> -> memref<10000x128xf32, #tpu.memory_space<vmem_shared>>
        tpu.enqueue_indirect_dma source(%arg8 : memref<32x128xf32, #tpu.memory_space<vmem>>) target(%dma_start3A_189 : memref<10000x128xf32, #tpu.memory_space<vmem_shared>>) offsets(%dma_start3A_186 : memref<32xi32, #tpu.memory_space<vmem>>) semaphore(%run_scoped3A_183 : memref<!tpu.dma_semaphore, #tpu.memory_space<semaphore_mem>>) {add = true}
        %dma_wait3A_190 = arith.constant 0 : i32
        %dma_wait3A_191 = tpu.memref_slice %arg7[%rem3A_69, %run_scoped3A_146, %dma_wait3A_190] : memref<2x8x32xi32, #tpu.memory_space<vmem>> -> memref<1x1x32xi32, #tpu.memory_space<vmem>>
        %dma_wait3A_192 = tpu.memref_squeeze %dma_wait3A_191 : memref<1x1x32xi32, #tpu.memory_space<vmem>> -> memref<32xi32, #tpu.memory_space<vmem>>
        %dma_wait3A_193 = arith.constant 0 : i32
        %dma_wait3A_194 = arith.constant 0 : i32
        %dma_wait3A_195 = tpu.memref_slice %arg16[%dma_wait3A_193, %dma_wait3A_194] : memref<10000x128xf32, #tpu.memory_space<vmem_shared>> -> memref<10000x128xf32, #tpu.memory_space<vmem_shared>>
        tpu.wait_indirect_dma semaphore(%run_scoped3A_183 : memref<!tpu.dma_semaphore, #tpu.memory_space<semaphore_mem>>) src(%arg8 : memref<32x128xf32, #tpu.memory_space<vmem>>) dst(%dma_wait3A_195 : memref<10000x128xf32, #tpu.memory_space<vmem_shared>>)
        tpu.yield
      }) : () -> ()
      %convert_element_type3A_147 = arith.extui %lt3A_76 : i1 to i32
      %cond3A_148 = arith.constant 0 : i32
      %cond3A_149 = arith.cmpi ne, %convert_element_type3A_147, %cond3A_148 : i32
      scf.if %cond3A_149 {
        %dma_start3A_183 = arith.constant 0 : i32
        %dma_start3A_184 = arith.constant 0 : i32
        %dma_start3A_185 = tpu.memref_slice %arg6[%sub3A_70, %dma_start3A_183, %dma_start3A_184] : memref<2x8x32xi32, #tpu.memory_space<vmem>> -> memref<1x1x32xi32, #tpu.memory_space<vmem>>
        %dma_start3A_186 = tpu.memref_squeeze %dma_start3A_185 : memref<1x1x32xi32, #tpu.memory_space<vmem>> -> memref<32xi32, #tpu.memory_space<vmem>>
        %dma_start3A_187 = arith.constant 0 : i32
        %dma_start3A_188 = arith.constant 0 : i32
        %dma_start3A_189 = tpu.memref_slice %arg2[%dma_start3A_187, %dma_start3A_188] : memref<10000x128xf32, #tpu.memory_space<hbm>> -> memref<10000x128xf32, #tpu.memory_space<hbm>>
        tpu.enqueue_indirect_dma source(%dma_start3A_189 : memref<10000x128xf32, #tpu.memory_space<hbm>>) target(%arg8 : memref<32x128xf32, #tpu.memory_space<vmem>>) offsets(%dma_start3A_186 : memref<32xi32, #tpu.memory_space<vmem>>) semaphore(%arg12 : memref<!tpu.dma_semaphore, #tpu.memory_space<semaphore_mem>>)
      } else {
      }
      %dma_wait3A_150 = arith.constant 5 : i32
      %dma_wait3A_151 = arith.constant 0 : i32
      %dma_wait3A_152 = tpu.memref_slice %arg6[%rem3A_69, %dma_wait3A_150, %dma_wait3A_151] : memref<2x8x32xi32, #tpu.memory_space<vmem>> -> memref<1x1x32xi32, #tpu.memory_space<vmem>>
      %dma_wait3A_153 = tpu.memref_squeeze %dma_wait3A_152 : memref<1x1x32xi32, #tpu.memory_space<vmem>> -> memref<32xi32, #tpu.memory_space<vmem>>
      %dma_wait3A_154 = arith.constant 0 : i32
      %dma_wait3A_155 = arith.constant 0 : i32
      %dma_wait3A_156 = tpu.memref_slice %arg2[%dma_wait3A_154, %dma_wait3A_155] : memref<10000x128xf32, #tpu.memory_space<hbm>> -> memref<10000x128xf32, #tpu.memory_space<hbm>>
      tpu.wait_indirect_dma semaphore(%arg13 : memref<!tpu.dma_semaphore, #tpu.memory_space<semaphore_mem>>) src(%dma_wait3A_156 : memref<10000x128xf32, #tpu.memory_space<hbm>>) dst(%arg9 : memref<32x128xf32, #tpu.memory_space<vmem>>)
      %run_scoped3A_157 = arith.constant 5 : i32
      "tpu.region"() ({
        %run_scoped3A_183 = tpu.sem_alloc : memref<!tpu.dma_semaphore, #tpu.memory_space<semaphore_mem>>
        %dma_start3A_184 = arith.constant 0 : i32
        %dma_start3A_185 = tpu.memref_slice %arg7[%rem3A_69, %run_scoped3A_157, %dma_start3A_184] : memref<2x8x32xi32, #tpu.memory_space<vmem>> -> memref<1x1x32xi32, #tpu.memory_space<vmem>>
        %dma_start3A_186 = tpu.memref_squeeze %dma_start3A_185 : memref<1x1x32xi32, #tpu.memory_space<vmem>> -> memref<32xi32, #tpu.memory_space<vmem>>
        %dma_start3A_187 = arith.constant 0 : i32
        %dma_start3A_188 = arith.constant 0 : i32
        %dma_start3A_189 = tpu.memref_slice %arg16[%dma_start3A_187, %dma_start3A_188] : memref<10000x128xf32, #tpu.memory_space<vmem_shared>> -> memref<10000x128xf32, #tpu.memory_space<vmem_shared>>
        tpu.enqueue_indirect_dma source(%arg9 : memref<32x128xf32, #tpu.memory_space<vmem>>) target(%dma_start3A_189 : memref<10000x128xf32, #tpu.memory_space<vmem_shared>>) offsets(%dma_start3A_186 : memref<32xi32, #tpu.memory_space<vmem>>) semaphore(%run_scoped3A_183 : memref<!tpu.dma_semaphore, #tpu.memory_space<semaphore_mem>>) {add = true}
        %dma_wait3A_190 = arith.constant 0 : i32
        %dma_wait3A_191 = tpu.memref_slice %arg7[%rem3A_69, %run_scoped3A_157, %dma_wait3A_190] : memref<2x8x32xi32, #tpu.memory_space<vmem>> -> memref<1x1x32xi32, #tpu.memory_space<vmem>>
        %dma_wait3A_192 = tpu.memref_squeeze %dma_wait3A_191 : memref<1x1x32xi32, #tpu.memory_space<vmem>> -> memref<32xi32, #tpu.memory_space<vmem>>
        %dma_wait3A_193 = arith.constant 0 : i32
        %dma_wait3A_194 = arith.constant 0 : i32
        %dma_wait3A_195 = tpu.memref_slice %arg16[%dma_wait3A_193, %dma_wait3A_194] : memref<10000x128xf32, #tpu.memory_space<vmem_shared>> -> memref<10000x128xf32, #tpu.memory_space<vmem_shared>>
        tpu.wait_indirect_dma semaphore(%run_scoped3A_183 : memref<!tpu.dma_semaphore, #tpu.memory_space<semaphore_mem>>) src(%arg9 : memref<32x128xf32, #tpu.memory_space<vmem>>) dst(%dma_wait3A_195 : memref<10000x128xf32, #tpu.memory_space<vmem_shared>>)
        tpu.yield
      }) : () -> ()
      %convert_element_type3A_158 = arith.extui %lt3A_76 : i1 to i32
      %cond3A_159 = arith.constant 0 : i32
      %cond3A_160 = arith.cmpi ne, %convert_element_type3A_158, %cond3A_159 : i32
      scf.if %cond3A_160 {
        %dma_start3A_183 = arith.constant 1 : i32
        %dma_start3A_184 = arith.constant 0 : i32
        %dma_start3A_185 = tpu.memref_slice %arg6[%sub3A_70, %dma_start3A_183, %dma_start3A_184] : memref<2x8x32xi32, #tpu.memory_space<vmem>> -> memref<1x1x32xi32, #tpu.memory_space<vmem>>
        %dma_start3A_186 = tpu.memref_squeeze %dma_start3A_185 : memref<1x1x32xi32, #tpu.memory_space<vmem>> -> memref<32xi32, #tpu.memory_space<vmem>>
        %dma_start3A_187 = arith.constant 0 : i32
        %dma_start3A_188 = arith.constant 0 : i32
        %dma_start3A_189 = tpu.memref_slice %arg2[%dma_start3A_187, %dma_start3A_188] : memref<10000x128xf32, #tpu.memory_space<hbm>> -> memref<10000x128xf32, #tpu.memory_space<hbm>>
        tpu.enqueue_indirect_dma source(%dma_start3A_189 : memref<10000x128xf32, #tpu.memory_space<hbm>>) target(%arg9 : memref<32x128xf32, #tpu.memory_space<vmem>>) offsets(%dma_start3A_186 : memref<32xi32, #tpu.memory_space<vmem>>) semaphore(%arg13 : memref<!tpu.dma_semaphore, #tpu.memory_space<semaphore_mem>>)
      } else {
      }
      %dma_wait3A_161 = arith.constant 6 : i32
      %dma_wait3A_162 = arith.constant 0 : i32
      %dma_wait3A_163 = tpu.memref_slice %arg6[%rem3A_69, %dma_wait3A_161, %dma_wait3A_162] : memref<2x8x32xi32, #tpu.memory_space<vmem>> -> memref<1x1x32xi32, #tpu.memory_space<vmem>>
      %dma_wait3A_164 = tpu.memref_squeeze %dma_wait3A_163 : memref<1x1x32xi32, #tpu.memory_space<vmem>> -> memref<32xi32, #tpu.memory_space<vmem>>
      %dma_wait3A_165 = arith.constant 0 : i32
      %dma_wait3A_166 = arith.constant 0 : i32
      %dma_wait3A_167 = tpu.memref_slice %arg2[%dma_wait3A_165, %dma_wait3A_166] : memref<10000x128xf32, #tpu.memory_space<hbm>> -> memref<10000x128xf32, #tpu.memory_space<hbm>>
      tpu.wait_indirect_dma semaphore(%arg14 : memref<!tpu.dma_semaphore, #tpu.memory_space<semaphore_mem>>) src(%dma_wait3A_167 : memref<10000x128xf32, #tpu.memory_space<hbm>>) dst(%arg10 : memref<32x128xf32, #tpu.memory_space<vmem>>)
      %run_scoped3A_168 = arith.constant 6 : i32
      "tpu.region"() ({
        %run_scoped3A_183 = tpu.sem_alloc : memref<!tpu.dma_semaphore, #tpu.memory_space<semaphore_mem>>
        %dma_start3A_184 = arith.constant 0 : i32
        %dma_start3A_185 = tpu.memref_slice %arg7[%rem3A_69, %run_scoped3A_168, %dma_start3A_184] : memref<2x8x32xi32, #tpu.memory_space<vmem>> -> memref<1x1x32xi32, #tpu.memory_space<vmem>>
        %dma_start3A_186 = tpu.memref_squeeze %dma_start3A_185 : memref<1x1x32xi32, #tpu.memory_space<vmem>> -> memref<32xi32, #tpu.memory_space<vmem>>
        %dma_start3A_187 = arith.constant 0 : i32
        %dma_start3A_188 = arith.constant 0 : i32
        %dma_start3A_189 = tpu.memref_slice %arg16[%dma_start3A_187, %dma_start3A_188] : memref<10000x128xf32, #tpu.memory_space<vmem_shared>> -> memref<10000x128xf32, #tpu.memory_space<vmem_shared>>
        tpu.enqueue_indirect_dma source(%arg10 : memref<32x128xf32, #tpu.memory_space<vmem>>) target(%dma_start3A_189 : memref<10000x128xf32, #tpu.memory_space<vmem_shared>>) offsets(%dma_start3A_186 : memref<32xi32, #tpu.memory_space<vmem>>) semaphore(%run_scoped3A_183 : memref<!tpu.dma_semaphore, #tpu.memory_space<semaphore_mem>>) {add = true}
        %dma_wait3A_190 = arith.constant 0 : i32
        %dma_wait3A_191 = tpu.memref_slice %arg7[%rem3A_69, %run_scoped3A_168, %dma_wait3A_190] : memref<2x8x32xi32, #tpu.memory_space<vmem>> -> memref<1x1x32xi32, #tpu.memory_space<vmem>>
        %dma_wait3A_192 = tpu.memref_squeeze %dma_wait3A_191 : memref<1x1x32xi32, #tpu.memory_space<vmem>> -> memref<32xi32, #tpu.memory_space<vmem>>
        %dma_wait3A_193 = arith.constant 0 : i32
        %dma_wait3A_194 = arith.constant 0 : i32
        %dma_wait3A_195 = tpu.memref_slice %arg16[%dma_wait3A_193, %dma_wait3A_194] : memref<10000x128xf32, #tpu.memory_space<vmem_shared>> -> memref<10000x128xf32, #tpu.memory_space<vmem_shared>>
        tpu.wait_indirect_dma semaphore(%run_scoped3A_183 : memref<!tpu.dma_semaphore, #tpu.memory_space<semaphore_mem>>) src(%arg10 : memref<32x128xf32, #tpu.memory_space<vmem>>) dst(%dma_wait3A_195 : memref<10000x128xf32, #tpu.memory_space<vmem_shared>>)
        tpu.yield
      }) : () -> ()
      %convert_element_type3A_169 = arith.extui %lt3A_76 : i1 to i32
      %cond3A_170 = arith.constant 0 : i32
      %cond3A_171 = arith.cmpi ne, %convert_element_type3A_169, %cond3A_170 : i32
      scf.if %cond3A_171 {
        %dma_start3A_183 = arith.constant 2 : i32
        %dma_start3A_184 = arith.constant 0 : i32
        %dma_start3A_185 = tpu.memref_slice %arg6[%sub3A_70, %dma_start3A_183, %dma_start3A_184] : memref<2x8x32xi32, #tpu.memory_space<vmem>> -> memref<1x1x32xi32, #tpu.memory_space<vmem>>
        %dma_start3A_186 = tpu.memref_squeeze %dma_start3A_185 : memref<1x1x32xi32, #tpu.memory_space<vmem>> -> memref<32xi32, #tpu.memory_space<vmem>>
        %dma_start3A_187 = arith.constant 0 : i32
        %dma_start3A_188 = arith.constant 0 : i32
        %dma_start3A_189 = tpu.memref_slice %arg2[%dma_start3A_187, %dma_start3A_188] : memref<10000x128xf32, #tpu.memory_space<hbm>> -> memref<10000x128xf32, #tpu.memory_space<hbm>>
        tpu.enqueue_indirect_dma source(%dma_start3A_189 : memref<10000x128xf32, #tpu.memory_space<hbm>>) target(%arg10 : memref<32x128xf32, #tpu.memory_space<vmem>>) offsets(%dma_start3A_186 : memref<32xi32, #tpu.memory_space<vmem>>) semaphore(%arg14 : memref<!tpu.dma_semaphore, #tpu.memory_space<semaphore_mem>>)
      } else {
      }
      %dma_wait3A_172 = arith.constant 7 : i32
      %dma_wait3A_173 = arith.constant 0 : i32
      %dma_wait3A_174 = tpu.memref_slice %arg6[%rem3A_69, %dma_wait3A_172, %dma_wait3A_173] : memref<2x8x32xi32, #tpu.memory_space<vmem>> -> memref<1x1x32xi32, #tpu.memory_space<vmem>>
      %dma_wait3A_175 = tpu.memref_squeeze %dma_wait3A_174 : memref<1x1x32xi32, #tpu.memory_space<vmem>> -> memref<32xi32, #tpu.memory_space<vmem>>
      %dma_wait3A_176 = arith.constant 0 : i32
      %dma_wait3A_177 = arith.constant 0 : i32
      %dma_wait3A_178 = tpu.memref_slice %arg2[%dma_wait3A_176, %dma_wait3A_177] : memref<10000x128xf32, #tpu.memory_space<hbm>> -> memref<10000x128xf32, #tpu.memory_space<hbm>>
      tpu.wait_indirect_dma semaphore(%arg15 : memref<!tpu.dma_semaphore, #tpu.memory_space<semaphore_mem>>) src(%dma_wait3A_178 : memref<10000x128xf32, #tpu.memory_space<hbm>>) dst(%arg11 : memref<32x128xf32, #tpu.memory_space<vmem>>)
      %run_scoped3A_179 = arith.constant 7 : i32
      "tpu.region"() ({
        %run_scoped3A_183 = tpu.sem_alloc : memref<!tpu.dma_semaphore, #tpu.memory_space<semaphore_mem>>
        %dma_start3A_184 = arith.constant 0 : i32
        %dma_start3A_185 = tpu.memref_slice %arg7[%rem3A_69, %run_scoped3A_179, %dma_start3A_184] : memref<2x8x32xi32, #tpu.memory_space<vmem>> -> memref<1x1x32xi32, #tpu.memory_space<vmem>>
        %dma_start3A_186 = tpu.memref_squeeze %dma_start3A_185 : memref<1x1x32xi32, #tpu.memory_space<vmem>> -> memref<32xi32, #tpu.memory_space<vmem>>
        %dma_start3A_187 = arith.constant 0 : i32
        %dma_start3A_188 = arith.constant 0 : i32
        %dma_start3A_189 = tpu.memref_slice %arg16[%dma_start3A_187, %dma_start3A_188] : memref<10000x128xf32, #tpu.memory_space<vmem_shared>> -> memref<10000x128xf32, #tpu.memory_space<vmem_shared>>
        tpu.enqueue_indirect_dma source(%arg11 : memref<32x128xf32, #tpu.memory_space<vmem>>) target(%dma_start3A_189 : memref<10000x128xf32, #tpu.memory_space<vmem_shared>>) offsets(%dma_start3A_186 : memref<32xi32, #tpu.memory_space<vmem>>) semaphore(%run_scoped3A_183 : memref<!tpu.dma_semaphore, #tpu.memory_space<semaphore_mem>>) {add = true}
        %dma_wait3A_190 = arith.constant 0 : i32
        %dma_wait3A_191 = tpu.memref_slice %arg7[%rem3A_69, %run_scoped3A_179, %dma_wait3A_190] : memref<2x8x32xi32, #tpu.memory_space<vmem>> -> memref<1x1x32xi32, #tpu.memory_space<vmem>>
        %dma_wait3A_192 = tpu.memref_squeeze %dma_wait3A_191 : memref<1x1x32xi32, #tpu.memory_space<vmem>> -> memref<32xi32, #tpu.memory_space<vmem>>
        %dma_wait3A_193 = arith.constant 0 : i32
        %dma_wait3A_194 = arith.constant 0 : i32
        %dma_wait3A_195 = tpu.memref_slice %arg16[%dma_wait3A_193, %dma_wait3A_194] : memref<10000x128xf32, #tpu.memory_space<vmem_shared>> -> memref<10000x128xf32, #tpu.memory_space<vmem_shared>>
        tpu.wait_indirect_dma semaphore(%run_scoped3A_183 : memref<!tpu.dma_semaphore, #tpu.memory_space<semaphore_mem>>) src(%arg11 : memref<32x128xf32, #tpu.memory_space<vmem>>) dst(%dma_wait3A_195 : memref<10000x128xf32, #tpu.memory_space<vmem_shared>>)
        tpu.yield
      }) : () -> ()
      %convert_element_type3A_180 = arith.extui %lt3A_76 : i1 to i32
      %cond3A_181 = arith.constant 0 : i32
      %cond3A_182 = arith.cmpi ne, %convert_element_type3A_180, %cond3A_181 : i32
      scf.if %cond3A_182 {
        %dma_start3A_183 = arith.constant 3 : i32
        %dma_start3A_184 = arith.constant 0 : i32
        %dma_start3A_185 = tpu.memref_slice %arg6[%sub3A_70, %dma_start3A_183, %dma_start3A_184] : memref<2x8x32xi32, #tpu.memory_space<vmem>> -> memref<1x1x32xi32, #tpu.memory_space<vmem>>
        %dma_start3A_186 = tpu.memref_squeeze %dma_start3A_185 : memref<1x1x32xi32, #tpu.memory_space<vmem>> -> memref<32xi32, #tpu.memory_space<vmem>>
        %dma_start3A_187 = arith.constant 0 : i32
        %dma_start3A_188 = arith.constant 0 : i32
        %dma_start3A_189 = tpu.memref_slice %arg2[%dma_start3A_187, %dma_start3A_188] : memref<10000x128xf32, #tpu.memory_space<hbm>> -> memref<10000x128xf32, #tpu.memory_space<hbm>>
        tpu.enqueue_indirect_dma source(%dma_start3A_189 : memref<10000x128xf32, #tpu.memory_space<hbm>>) target(%arg11 : memref<32x128xf32, #tpu.memory_space<vmem>>) offsets(%dma_start3A_186 : memref<32xi32, #tpu.memory_space<vmem>>) semaphore(%arg15 : memref<!tpu.dma_semaphore, #tpu.memory_space<semaphore_mem>>)
      } else {
      }
    }
    %while3A_55 = arith.constant 1 : i32
    scf.for %while3A_68 = %while3A_53 to %while3A_49 step %while3A_55  : i32 {
      %rem3A = arith.constant 2 : i32
      %rem3A_69 = arith.remsi %while3A_68, %rem3A : i32
      %sub3A = arith.constant 1 : i32
      %sub3A_70 = arith.subi %sub3A, %rem3A_69 : i32
      %add3A_71 = arith.addi %add3A, %while3A_68 : i32
      %add3A_72 = arith.constant 1 : i32
      %add3A_73 = arith.addi %add3A_71, %add3A_72 : i32
      %add3A_74 = arith.constant 1 : i32
      %add3A_75 = arith.addi %while3A_68, %add3A_74 : i32
      %lt3A_76 = arith.cmpi slt, %add3A_75, %select_n3A : i32
      %dma_wait3A = arith.constant 0 : i32
      %dma_wait3A_77 = arith.constant 0 : i32
      %dma_wait3A_78 = tpu.memref_slice %arg6[%rem3A_69, %dma_wait3A, %dma_wait3A_77] : memref<2x8x32xi32, #tpu.memory_space<vmem>> -> memref<1x1x32xi32, #tpu.memory_space<vmem>>
      %dma_wait3A_79 = tpu.memref_squeeze %dma_wait3A_78 : memref<1x1x32xi32, #tpu.memory_space<vmem>> -> memref<32xi32, #tpu.memory_space<vmem>>
      %dma_wait3A_80 = arith.constant 0 : i32
      %dma_wait3A_81 = arith.constant 0 : i32
      %dma_wait3A_82 = tpu.memref_slice %arg2[%dma_wait3A_80, %dma_wait3A_81] : memref<10000x128xf32, #tpu.memory_space<hbm>> -> memref<10000x128xf32, #tpu.memory_space<hbm>>
      tpu.wait_indirect_dma semaphore(%arg12 : memref<!tpu.dma_semaphore, #tpu.memory_space<semaphore_mem>>) src(%dma_wait3A_82 : memref<10000x128xf32, #tpu.memory_space<hbm>>) dst(%arg8 : memref<32x128xf32, #tpu.memory_space<vmem>>)
      %run_scoped3A_83 = arith.constant 0 : i32
      "tpu.region"() ({
        %run_scoped3A_183 = tpu.sem_alloc : memref<!tpu.dma_semaphore, #tpu.memory_space<semaphore_mem>>
        %dma_start3A_184 = arith.constant 0 : i32
        %dma_start3A_185 = tpu.memref_slice %arg7[%rem3A_69, %run_scoped3A_83, %dma_start3A_184] : memref<2x8x32xi32, #tpu.memory_space<vmem>> -> memref<1x1x32xi32, #tpu.memory_space<vmem>>
        %dma_start3A_186 = tpu.memref_squeeze %dma_start3A_185 : memref<1x1x32xi32, #tpu.memory_space<vmem>> -> memref<32xi32, #tpu.memory_space<vmem>>
        %dma_start3A_187 = arith.constant 0 : i32
        %dma_start3A_188 = arith.constant 0 : i32
        %dma_start3A_189 = tpu.memref_slice %arg16[%dma_start3A_187, %dma_start3A_188] : memref<10000x128xf32, #tpu.memory_space<vmem_shared>> -> memref<10000x128xf32, #tpu.memory_space<vmem_shared>>
        tpu.enqueue_indirect_dma source(%arg8 : memref<32x128xf32, #tpu.memory_space<vmem>>) target(%dma_start3A_189 : memref<10000x128xf32, #tpu.memory_space<vmem_shared>>) offsets(%dma_start3A_186 : memref<32xi32, #tpu.memory_space<vmem>>) semaphore(%run_scoped3A_183 : memref<!tpu.dma_semaphore, #tpu.memory_space<semaphore_mem>>) {add = true}
        %dma_wait3A_190 = arith.constant 0 : i32
        %dma_wait3A_191 = tpu.memref_slice %arg7[%rem3A_69, %run_scoped3A_83, %dma_wait3A_190] : memref<2x8x32xi32, #tpu.memory_space<vmem>> -> memref<1x1x32xi32, #tpu.memory_space<vmem>>
        %dma_wait3A_192 = tpu.memref_squeeze %dma_wait3A_191 : memref<1x1x32xi32, #tpu.memory_space<vmem>> -> memref<32xi32, #tpu.memory_space<vmem>>
        %dma_wait3A_193 = arith.constant 0 : i32
        %dma_wait3A_194 = arith.constant 0 : i32
        %dma_wait3A_195 = tpu.memref_slice %arg16[%dma_wait3A_193, %dma_wait3A_194] : memref<10000x128xf32, #tpu.memory_space<vmem_shared>> -> memref<10000x128xf32, #tpu.memory_space<vmem_shared>>
        tpu.wait_indirect_dma semaphore(%run_scoped3A_183 : memref<!tpu.dma_semaphore, #tpu.memory_space<semaphore_mem>>) src(%arg8 : memref<32x128xf32, #tpu.memory_space<vmem>>) dst(%dma_wait3A_195 : memref<10000x128xf32, #tpu.memory_space<vmem_shared>>)
        tpu.yield
      }) : () -> ()
      %dma_start3A_84 = arith.constant 4 : i32
      %dma_start3A_85 = arith.constant 0 : i32
      %dma_start3A_86 = tpu.memref_slice %arg6[%rem3A_69, %dma_start3A_84, %dma_start3A_85] : memref<2x8x32xi32, #tpu.memory_space<vmem>> -> memref<1x1x32xi32, #tpu.memory_space<vmem>>
      %dma_start3A_87 = tpu.memref_squeeze %dma_start3A_86 : memref<1x1x32xi32, #tpu.memory_space<vmem>> -> memref<32xi32, #tpu.memory_space<vmem>>
      %dma_start3A_88 = arith.constant 0 : i32
      %dma_start3A_89 = arith.constant 0 : i32
      %dma_start3A_90 = tpu.memref_slice %arg2[%dma_start3A_88, %dma_start3A_89] : memref<10000x128xf32, #tpu.memory_space<hbm>> -> memref<10000x128xf32, #tpu.memory_space<hbm>>
      tpu.enqueue_indirect_dma source(%dma_start3A_90 : memref<10000x128xf32, #tpu.memory_space<hbm>>) target(%arg8 : memref<32x128xf32, #tpu.memory_space<vmem>>) offsets(%dma_start3A_87 : memref<32xi32, #tpu.memory_space<vmem>>) semaphore(%arg12 : memref<!tpu.dma_semaphore, #tpu.memory_space<semaphore_mem>>)
      %dma_wait3A_91 = arith.constant 1 : i32
      %dma_wait3A_92 = arith.constant 0 : i32
      %dma_wait3A_93 = tpu.memref_slice %arg6[%rem3A_69, %dma_wait3A_91, %dma_wait3A_92] : memref<2x8x32xi32, #tpu.memory_space<vmem>> -> memref<1x1x32xi32, #tpu.memory_space<vmem>>
      %dma_wait3A_94 = tpu.memref_squeeze %dma_wait3A_93 : memref<1x1x32xi32, #tpu.memory_space<vmem>> -> memref<32xi32, #tpu.memory_space<vmem>>
      %dma_wait3A_95 = arith.constant 0 : i32
      %dma_wait3A_96 = arith.constant 0 : i32
      %dma_wait3A_97 = tpu.memref_slice %arg2[%dma_wait3A_95, %dma_wait3A_96] : memref<10000x128xf32, #tpu.memory_space<hbm>> -> memref<10000x128xf32, #tpu.memory_space<hbm>>
      tpu.wait_indirect_dma semaphore(%arg13 : memref<!tpu.dma_semaphore, #tpu.memory_space<semaphore_mem>>) src(%dma_wait3A_97 : memref<10000x128xf32, #tpu.memory_space<hbm>>) dst(%arg9 : memref<32x128xf32, #tpu.memory_space<vmem>>)
      %run_scoped3A_98 = arith.constant 1 : i32
      "tpu.region"() ({
        %run_scoped3A_183 = tpu.sem_alloc : memref<!tpu.dma_semaphore, #tpu.memory_space<semaphore_mem>>
        %dma_start3A_184 = arith.constant 0 : i32
        %dma_start3A_185 = tpu.memref_slice %arg7[%rem3A_69, %run_scoped3A_98, %dma_start3A_184] : memref<2x8x32xi32, #tpu.memory_space<vmem>> -> memref<1x1x32xi32, #tpu.memory_space<vmem>>
        %dma_start3A_186 = tpu.memref_squeeze %dma_start3A_185 : memref<1x1x32xi32, #tpu.memory_space<vmem>> -> memref<32xi32, #tpu.memory_space<vmem>>
        %dma_start3A_187 = arith.constant 0 : i32
        %dma_start3A_188 = arith.constant 0 : i32
        %dma_start3A_189 = tpu.memref_slice %arg16[%dma_start3A_187, %dma_start3A_188] : memref<10000x128xf32, #tpu.memory_space<vmem_shared>> -> memref<10000x128xf32, #tpu.memory_space<vmem_shared>>
        tpu.enqueue_indirect_dma source(%arg9 : memref<32x128xf32, #tpu.memory_space<vmem>>) target(%dma_start3A_189 : memref<10000x128xf32, #tpu.memory_space<vmem_shared>>) offsets(%dma_start3A_186 : memref<32xi32, #tpu.memory_space<vmem>>) semaphore(%run_scoped3A_183 : memref<!tpu.dma_semaphore, #tpu.memory_space<semaphore_mem>>) {add = true}
        %dma_wait3A_190 = arith.constant 0 : i32
        %dma_wait3A_191 = tpu.memref_slice %arg7[%rem3A_69, %run_scoped3A_98, %dma_wait3A_190] : memref<2x8x32xi32, #tpu.memory_space<vmem>> -> memref<1x1x32xi32, #tpu.memory_space<vmem>>
        %dma_wait3A_192 = tpu.memref_squeeze %dma_wait3A_191 : memref<1x1x32xi32, #tpu.memory_space<vmem>> -> memref<32xi32, #tpu.memory_space<vmem>>
        %dma_wait3A_193 = arith.constant 0 : i32
        %dma_wait3A_194 = arith.constant 0 : i32
        %dma_wait3A_195 = tpu.memref_slice %arg16[%dma_wait3A_193, %dma_wait3A_194] : memref<10000x128xf32, #tpu.memory_space<vmem_shared>> -> memref<10000x128xf32, #tpu.memory_space<vmem_shared>>
        tpu.wait_indirect_dma semaphore(%run_scoped3A_183 : memref<!tpu.dma_semaphore, #tpu.memory_space<semaphore_mem>>) src(%arg9 : memref<32x128xf32, #tpu.memory_space<vmem>>) dst(%dma_wait3A_195 : memref<10000x128xf32, #tpu.memory_space<vmem_shared>>)
        tpu.yield
      }) : () -> ()
      %dma_start3A_99 = arith.constant 5 : i32
      %dma_start3A_100 = arith.constant 0 : i32
      %dma_start3A_101 = tpu.memref_slice %arg6[%rem3A_69, %dma_start3A_99, %dma_start3A_100] : memref<2x8x32xi32, #tpu.memory_space<vmem>> -> memref<1x1x32xi32, #tpu.memory_space<vmem>>
      %dma_start3A_102 = tpu.memref_squeeze %dma_start3A_101 : memref<1x1x32xi32, #tpu.memory_space<vmem>> -> memref<32xi32, #tpu.memory_space<vmem>>
      %dma_start3A_103 = arith.constant 0 : i32
      %dma_start3A_104 = arith.constant 0 : i32
      %dma_start3A_105 = tpu.memref_slice %arg2[%dma_start3A_103, %dma_start3A_104] : memref<10000x128xf32, #tpu.memory_space<hbm>> -> memref<10000x128xf32, #tpu.memory_space<hbm>>
      tpu.enqueue_indirect_dma source(%dma_start3A_105 : memref<10000x128xf32, #tpu.memory_space<hbm>>) target(%arg9 : memref<32x128xf32, #tpu.memory_space<vmem>>) offsets(%dma_start3A_102 : memref<32xi32, #tpu.memory_space<vmem>>) semaphore(%arg13 : memref<!tpu.dma_semaphore, #tpu.memory_space<semaphore_mem>>)
      %dma_wait3A_106 = arith.constant 2 : i32
      %dma_wait3A_107 = arith.constant 0 : i32
      %dma_wait3A_108 = tpu.memref_slice %arg6[%rem3A_69, %dma_wait3A_106, %dma_wait3A_107] : memref<2x8x32xi32, #tpu.memory_space<vmem>> -> memref<1x1x32xi32, #tpu.memory_space<vmem>>
      %dma_wait3A_109 = tpu.memref_squeeze %dma_wait3A_108 : memref<1x1x32xi32, #tpu.memory_space<vmem>> -> memref<32xi32, #tpu.memory_space<vmem>>
      %dma_wait3A_110 = arith.constant 0 : i32
      %dma_wait3A_111 = arith.constant 0 : i32
      %dma_wait3A_112 = tpu.memref_slice %arg2[%dma_wait3A_110, %dma_wait3A_111] : memref<10000x128xf32, #tpu.memory_space<hbm>> -> memref<10000x128xf32, #tpu.memory_space<hbm>>
      tpu.wait_indirect_dma semaphore(%arg14 : memref<!tpu.dma_semaphore, #tpu.memory_space<semaphore_mem>>) src(%dma_wait3A_112 : memref<10000x128xf32, #tpu.memory_space<hbm>>) dst(%arg10 : memref<32x128xf32, #tpu.memory_space<vmem>>)
      %run_scoped3A_113 = arith.constant 2 : i32
      "tpu.region"() ({
        %run_scoped3A_183 = tpu.sem_alloc : memref<!tpu.dma_semaphore, #tpu.memory_space<semaphore_mem>>
        %dma_start3A_184 = arith.constant 0 : i32
        %dma_start3A_185 = tpu.memref_slice %arg7[%rem3A_69, %run_scoped3A_113, %dma_start3A_184] : memref<2x8x32xi32, #tpu.memory_space<vmem>> -> memref<1x1x32xi32, #tpu.memory_space<vmem>>
        %dma_start3A_186 = tpu.memref_squeeze %dma_start3A_185 : memref<1x1x32xi32, #tpu.memory_space<vmem>> -> memref<32xi32, #tpu.memory_space<vmem>>
        %dma_start3A_187 = arith.constant 0 : i32
        %dma_start3A_188 = arith.constant 0 : i32
        %dma_start3A_189 = tpu.memref_slice %arg16[%dma_start3A_187, %dma_start3A_188] : memref<10000x128xf32, #tpu.memory_space<vmem_shared>> -> memref<10000x128xf32, #tpu.memory_space<vmem_shared>>
        tpu.enqueue_indirect_dma source(%arg10 : memref<32x128xf32, #tpu.memory_space<vmem>>) target(%dma_start3A_189 : memref<10000x128xf32, #tpu.memory_space<vmem_shared>>) offsets(%dma_start3A_186 : memref<32xi32, #tpu.memory_space<vmem>>) semaphore(%run_scoped3A_183 : memref<!tpu.dma_semaphore, #tpu.memory_space<semaphore_mem>>) {add = true}
        %dma_wait3A_190 = arith.constant 0 : i32
        %dma_wait3A_191 = tpu.memref_slice %arg7[%rem3A_69, %run_scoped3A_113, %dma_wait3A_190] : memref<2x8x32xi32, #tpu.memory_space<vmem>> -> memref<1x1x32xi32, #tpu.memory_space<vmem>>
        %dma_wait3A_192 = tpu.memref_squeeze %dma_wait3A_191 : memref<1x1x32xi32, #tpu.memory_space<vmem>> -> memref<32xi32, #tpu.memory_space<vmem>>
        %dma_wait3A_193 = arith.constant 0 : i32
        %dma_wait3A_194 = arith.constant 0 : i32
        %dma_wait3A_195 = tpu.memref_slice %arg16[%dma_wait3A_193, %dma_wait3A_194] : memref<10000x128xf32, #tpu.memory_space<vmem_shared>> -> memref<10000x128xf32, #tpu.memory_space<vmem_shared>>
        tpu.wait_indirect_dma semaphore(%run_scoped3A_183 : memref<!tpu.dma_semaphore, #tpu.memory_space<semaphore_mem>>) src(%arg10 : memref<32x128xf32, #tpu.memory_space<vmem>>) dst(%dma_wait3A_195 : memref<10000x128xf32, #tpu.memory_space<vmem_shared>>)
        tpu.yield
      }) : () -> ()
      %dma_start3A_114 = arith.constant 6 : i32
      %dma_start3A_115 = arith.constant 0 : i32
      %dma_start3A_116 = tpu.memref_slice %arg6[%rem3A_69, %dma_start3A_114, %dma_start3A_115] : memref<2x8x32xi32, #tpu.memory_space<vmem>> -> memref<1x1x32xi32, #tpu.memory_space<vmem>>
      %dma_start3A_117 = tpu.memref_squeeze %dma_start3A_116 : memref<1x1x32xi32, #tpu.memory_space<vmem>> -> memref<32xi32, #tpu.memory_space<vmem>>
      %dma_start3A_118 = arith.constant 0 : i32
      %dma_start3A_119 = arith.constant 0 : i32
      %dma_start3A_120 = tpu.memref_slice %arg2[%dma_start3A_118, %dma_start3A_119] : memref<10000x128xf32, #tpu.memory_space<hbm>> -> memref<10000x128xf32, #tpu.memory_space<hbm>>
      tpu.enqueue_indirect_dma source(%dma_start3A_120 : memref<10000x128xf32, #tpu.memory_space<hbm>>) target(%arg10 : memref<32x128xf32, #tpu.memory_space<vmem>>) offsets(%dma_start3A_117 : memref<32xi32, #tpu.memory_space<vmem>>) semaphore(%arg14 : memref<!tpu.dma_semaphore, #tpu.memory_space<semaphore_mem>>)
      %dma_wait3A_121 = arith.constant 3 : i32
      %dma_wait3A_122 = arith.constant 0 : i32
      %dma_wait3A_123 = tpu.memref_slice %arg6[%rem3A_69, %dma_wait3A_121, %dma_wait3A_122] : memref<2x8x32xi32, #tpu.memory_space<vmem>> -> memref<1x1x32xi32, #tpu.memory_space<vmem>>
      %dma_wait3A_124 = tpu.memref_squeeze %dma_wait3A_123 : memref<1x1x32xi32, #tpu.memory_space<vmem>> -> memref<32xi32, #tpu.memory_space<vmem>>
      %dma_wait3A_125 = arith.constant 0 : i32
      %dma_wait3A_126 = arith.constant 0 : i32
      %dma_wait3A_127 = tpu.memref_slice %arg2[%dma_wait3A_125, %dma_wait3A_126] : memref<10000x128xf32, #tpu.memory_space<hbm>> -> memref<10000x128xf32, #tpu.memory_space<hbm>>
      tpu.wait_indirect_dma semaphore(%arg15 : memref<!tpu.dma_semaphore, #tpu.memory_space<semaphore_mem>>) src(%dma_wait3A_127 : memref<10000x128xf32, #tpu.memory_space<hbm>>) dst(%arg11 : memref<32x128xf32, #tpu.memory_space<vmem>>)
      %run_scoped3A_128 = arith.constant 3 : i32
      "tpu.region"() ({
        %run_scoped3A_183 = tpu.sem_alloc : memref<!tpu.dma_semaphore, #tpu.memory_space<semaphore_mem>>
        %dma_start3A_184 = arith.constant 0 : i32
        %dma_start3A_185 = tpu.memref_slice %arg7[%rem3A_69, %run_scoped3A_128, %dma_start3A_184] : memref<2x8x32xi32, #tpu.memory_space<vmem>> -> memref<1x1x32xi32, #tpu.memory_space<vmem>>
        %dma_start3A_186 = tpu.memref_squeeze %dma_start3A_185 : memref<1x1x32xi32, #tpu.memory_space<vmem>> -> memref<32xi32, #tpu.memory_space<vmem>>
        %dma_start3A_187 = arith.constant 0 : i32
        %dma_start3A_188 = arith.constant 0 : i32
        %dma_start3A_189 = tpu.memref_slice %arg16[%dma_start3A_187, %dma_start3A_188] : memref<10000x128xf32, #tpu.memory_space<vmem_shared>> -> memref<10000x128xf32, #tpu.memory_space<vmem_shared>>
        tpu.enqueue_indirect_dma source(%arg11 : memref<32x128xf32, #tpu.memory_space<vmem>>) target(%dma_start3A_189 : memref<10000x128xf32, #tpu.memory_space<vmem_shared>>) offsets(%dma_start3A_186 : memref<32xi32, #tpu.memory_space<vmem>>) semaphore(%run_scoped3A_183 : memref<!tpu.dma_semaphore, #tpu.memory_space<semaphore_mem>>) {add = true}
        %dma_wait3A_190 = arith.constant 0 : i32
        %dma_wait3A_191 = tpu.memref_slice %arg7[%rem3A_69, %run_scoped3A_128, %dma_wait3A_190] : memref<2x8x32xi32, #tpu.memory_space<vmem>> -> memref<1x1x32xi32, #tpu.memory_space<vmem>>
        %dma_wait3A_192 = tpu.memref_squeeze %dma_wait3A_191 : memref<1x1x32xi32, #tpu.memory_space<vmem>> -> memref<32xi32, #tpu.memory_space<vmem>>
        %dma_wait3A_193 = arith.constant 0 : i32
        %dma_wait3A_194 = arith.constant 0 : i32
        %dma_wait3A_195 = tpu.memref_slice %arg16[%dma_wait3A_193, %dma_wait3A_194] : memref<10000x128xf32, #tpu.memory_space<vmem_shared>> -> memref<10000x128xf32, #tpu.memory_space<vmem_shared>>
        tpu.wait_indirect_dma semaphore(%run_scoped3A_183 : memref<!tpu.dma_semaphore, #tpu.memory_space<semaphore_mem>>) src(%arg11 : memref<32x128xf32, #tpu.memory_space<vmem>>) dst(%dma_wait3A_195 : memref<10000x128xf32, #tpu.memory_space<vmem_shared>>)
        tpu.yield
      }) : () -> ()
      %dma_start3A_129 = arith.constant 7 : i32
      %dma_start3A_130 = arith.constant 0 : i32
      %dma_start3A_131 = tpu.memref_slice %arg6[%rem3A_69, %dma_start3A_129, %dma_start3A_130] : memref<2x8x32xi32, #tpu.memory_space<vmem>> -> memref<1x1x32xi32, #tpu.memory_space<vmem>>
      %dma_start3A_132 = tpu.memref_squeeze %dma_start3A_131 : memref<1x1x32xi32, #tpu.memory_space<vmem>> -> memref<32xi32, #tpu.memory_space<vmem>>
      %dma_start3A_133 = arith.constant 0 : i32
      %dma_start3A_134 = arith.constant 0 : i32
      %dma_start3A_135 = tpu.memref_slice %arg2[%dma_start3A_133, %dma_start3A_134] : memref<10000x128xf32, #tpu.memory_space<hbm>> -> memref<10000x128xf32, #tpu.memory_space<hbm>>
      tpu.enqueue_indirect_dma source(%dma_start3A_135 : memref<10000x128xf32, #tpu.memory_space<hbm>>) target(%arg11 : memref<32x128xf32, #tpu.memory_space<vmem>>) offsets(%dma_start3A_132 : memref<32xi32, #tpu.memory_space<vmem>>) semaphore(%arg15 : memref<!tpu.dma_semaphore, #tpu.memory_space<semaphore_mem>>)
      %convert_element_type3A_136 = arith.extui %lt3A_76 : i1 to i32
      %cond3A_137 = arith.constant 0 : i32
      %cond3A_138 = arith.cmpi ne, %convert_element_type3A_136, %cond3A_137 : i32
      scf.if %cond3A_138 {
        %run_scoped3A_183 = arith.constant 0 : i32
        "tpu.region"() ({
          %run_scoped3A_185 = tpu.sem_alloc : memref<!tpu.dma_semaphore, #tpu.memory_space<semaphore_mem>>
          %dma_start3A_186 = arith.constant 0 : i32
          %dma_start3A_187 = arith.constant 0 : i32
          %dma_start3A_188 = tpu.memref_slice %arg6[%sub3A_70, %dma_start3A_186, %dma_start3A_187] : memref<2x8x32xi32, #tpu.memory_space<vmem>> -> memref<1x8x32xi32, #tpu.memory_space<vmem>>
          %dma_start3A_189 = tpu.memref_squeeze %dma_start3A_188 : memref<1x8x32xi32, #tpu.memory_space<vmem>> -> memref<8x32xi32, #tpu.memory_space<vmem>>
          %dma_start3A_190 = arith.constant 0 : i32
          %dma_start3A_191 = arith.constant 0 : i32
          %dma_start3A_192 = tpu.memref_slice %arg3[%run_scoped3A_183, %add3A_73, %dma_start3A_190, %dma_start3A_191] : memref<2x1250x8x32xi32, #tpu.memory_space<hbm>> -> memref<1x1x8x32xi32, #tpu.memory_space<hbm>>
          %dma_start3A_193 = tpu.memref_squeeze %dma_start3A_192 : memref<1x1x8x32xi32, #tpu.memory_space<hbm>> -> memref<8x32xi32, #tpu.memory_space<hbm>>
          %dma_start3A_194 = arith.constant 0 : i32
          %dma_start3A_195 = arith.constant 0 : i32
          %dma_start3A_196 = tpu.memref_slice %arg6[%sub3A_70, %dma_start3A_194, %dma_start3A_195] : memref<2x8x32xi32, #tpu.memory_space<vmem>> -> memref<1x8x32xi32, #tpu.memory_space<vmem>>
          %dma_start3A_197 = tpu.memref_squeeze %dma_start3A_196 : memref<1x8x32xi32, #tpu.memory_space<vmem>> -> memref<8x32xi32, #tpu.memory_space<vmem>>
          %dma_start3A_198 = arith.constant 0 : i32
          %dma_start3A_199 = arith.constant 0 : i32
          %dma_start3A_200 = tpu.memref_slice %arg3[%run_scoped3A_183, %add3A_73, %dma_start3A_198, %dma_start3A_199] : memref<2x1250x8x32xi32, #tpu.memory_space<hbm>> -> memref<1x1x8x32xi32, #tpu.memory_space<hbm>>
          %dma_start3A_201 = tpu.memref_squeeze %dma_start3A_200 : memref<1x1x8x32xi32, #tpu.memory_space<hbm>> -> memref<8x32xi32, #tpu.memory_space<hbm>>
          tpu.enqueue_dma source(%dma_start3A_201 : memref<8x32xi32, #tpu.memory_space<hbm>>) target(%dma_start3A_197 : memref<8x32xi32, #tpu.memory_space<vmem>>) target_semaphore(%run_scoped3A_185 : memref<!tpu.dma_semaphore, #tpu.memory_space<semaphore_mem>>)
          %dma_wait3A_202 = arith.constant 0 : i32
          %dma_wait3A_203 = arith.constant 0 : i32
          %dma_wait3A_204 = tpu.memref_slice %arg6[%sub3A_70, %dma_wait3A_202, %dma_wait3A_203] : memref<2x8x32xi32, #tpu.memory_space<vmem>> -> memref<1x8x32xi32, #tpu.memory_space<vmem>>
          %dma_wait3A_205 = tpu.memref_squeeze %dma_wait3A_204 : memref<1x8x32xi32, #tpu.memory_space<vmem>> -> memref<8x32xi32, #tpu.memory_space<vmem>>
          %dma_wait3A_206 = arith.constant 0 : i32
          %dma_wait3A_207 = arith.constant 0 : i32
          %dma_wait3A_208 = tpu.memref_slice %arg3[%run_scoped3A_183, %add3A_73, %dma_wait3A_206, %dma_wait3A_207] : memref<2x1250x8x32xi32, #tpu.memory_space<hbm>> -> memref<1x1x8x32xi32, #tpu.memory_space<hbm>>
          %dma_wait3A_209 = tpu.memref_squeeze %dma_wait3A_208 : memref<1x1x8x32xi32, #tpu.memory_space<hbm>> -> memref<8x32xi32, #tpu.memory_space<hbm>>
          %dma_wait3A_210 = arith.constant 0 : i32
          %dma_wait3A_211 = arith.constant 0 : i32
          %dma_wait3A_212 = tpu.memref_slice %arg6[%sub3A_70, %dma_wait3A_210, %dma_wait3A_211] : memref<2x8x32xi32, #tpu.memory_space<vmem>> -> memref<1x8x32xi32, #tpu.memory_space<vmem>>
          %dma_wait3A_213 = tpu.memref_squeeze %dma_wait3A_212 : memref<1x8x32xi32, #tpu.memory_space<vmem>> -> memref<8x32xi32, #tpu.memory_space<vmem>>
          %dma_wait3A_214 = arith.constant 0 : i32
          %dma_wait3A_215 = arith.constant 0 : i32
          %dma_wait3A_216 = tpu.memref_slice %arg3[%run_scoped3A_183, %add3A_73, %dma_wait3A_214, %dma_wait3A_215] : memref<2x1250x8x32xi32, #tpu.memory_space<hbm>> -> memref<1x1x8x32xi32, #tpu.memory_space<hbm>>
          %dma_wait3A_217 = tpu.memref_squeeze %dma_wait3A_216 : memref<1x1x8x32xi32, #tpu.memory_space<hbm>> -> memref<8x32xi32, #tpu.memory_space<hbm>>
          tpu.wait_dma2 semaphore(%run_scoped3A_185 : memref<!tpu.dma_semaphore, #tpu.memory_space<semaphore_mem>>) src(%dma_wait3A_217 : memref<8x32xi32, #tpu.memory_space<hbm>>) dst(%dma_wait3A_213 : memref<8x32xi32, #tpu.memory_space<vmem>>)
          tpu.yield
        }) : () -> ()
        %run_scoped3A_184 = arith.constant 1 : i32
        "tpu.region"() ({
          %run_scoped3A_185 = tpu.sem_alloc : memref<!tpu.dma_semaphore, #tpu.memory_space<semaphore_mem>>
          %dma_start3A_186 = arith.constant 0 : i32
          %dma_start3A_187 = arith.constant 0 : i32
          %dma_start3A_188 = tpu.memref_slice %arg7[%sub3A_70, %dma_start3A_186, %dma_start3A_187] : memref<2x8x32xi32, #tpu.memory_space<vmem>> -> memref<1x8x32xi32, #tpu.memory_space<vmem>>
          %dma_start3A_189 = tpu.memref_squeeze %dma_start3A_188 : memref<1x8x32xi32, #tpu.memory_space<vmem>> -> memref<8x32xi32, #tpu.memory_space<vmem>>
          %dma_start3A_190 = arith.constant 0 : i32
          %dma_start3A_191 = arith.constant 0 : i32
          %dma_start3A_192 = tpu.memref_slice %arg3[%run_scoped3A_184, %add3A_73, %dma_start3A_190, %dma_start3A_191] : memref<2x1250x8x32xi32, #tpu.memory_space<hbm>> -> memref<1x1x8x32xi32, #tpu.memory_space<hbm>>
          %dma_start3A_193 = tpu.memref_squeeze %dma_start3A_192 : memref<1x1x8x32xi32, #tpu.memory_space<hbm>> -> memref<8x32xi32, #tpu.memory_space<hbm>>
          %dma_start3A_194 = arith.constant 0 : i32
          %dma_start3A_195 = arith.constant 0 : i32
          %dma_start3A_196 = tpu.memref_slice %arg7[%sub3A_70, %dma_start3A_194, %dma_start3A_195] : memref<2x8x32xi32, #tpu.memory_space<vmem>> -> memref<1x8x32xi32, #tpu.memory_space<vmem>>
          %dma_start3A_197 = tpu.memref_squeeze %dma_start3A_196 : memref<1x8x32xi32, #tpu.memory_space<vmem>> -> memref<8x32xi32, #tpu.memory_space<vmem>>
          %dma_start3A_198 = arith.constant 0 : i32
          %dma_start3A_199 = arith.constant 0 : i32
          %dma_start3A_200 = tpu.memref_slice %arg3[%run_scoped3A_184, %add3A_73, %dma_start3A_198, %dma_start3A_199] : memref<2x1250x8x32xi32, #tpu.memory_space<hbm>> -> memref<1x1x8x32xi32, #tpu.memory_space<hbm>>
          %dma_start3A_201 = tpu.memref_squeeze %dma_start3A_200 : memref<1x1x8x32xi32, #tpu.memory_space<hbm>> -> memref<8x32xi32, #tpu.memory_space<hbm>>
          tpu.enqueue_dma source(%dma_start3A_201 : memref<8x32xi32, #tpu.memory_space<hbm>>) target(%dma_start3A_197 : memref<8x32xi32, #tpu.memory_space<vmem>>) target_semaphore(%run_scoped3A_185 : memref<!tpu.dma_semaphore, #tpu.memory_space<semaphore_mem>>)
          %dma_wait3A_202 = arith.constant 0 : i32
          %dma_wait3A_203 = arith.constant 0 : i32
          %dma_wait3A_204 = tpu.memref_slice %arg7[%sub3A_70, %dma_wait3A_202, %dma_wait3A_203] : memref<2x8x32xi32, #tpu.memory_space<vmem>> -> memref<1x8x32xi32, #tpu.memory_space<vmem>>
          %dma_wait3A_205 = tpu.memref_squeeze %dma_wait3A_204 : memref<1x8x32xi32, #tpu.memory_space<vmem>> -> memref<8x32xi32, #tpu.memory_space<vmem>>
          %dma_wait3A_206 = arith.constant 0 : i32
          %dma_wait3A_207 = arith.constant 0 : i32
          %dma_wait3A_208 = tpu.memref_slice %arg3[%run_scoped3A_184, %add3A_73, %dma_wait3A_206, %dma_wait3A_207] : memref<2x1250x8x32xi32, #tpu.memory_space<hbm>> -> memref<1x1x8x32xi32, #tpu.memory_space<hbm>>
          %dma_wait3A_209 = tpu.memref_squeeze %dma_wait3A_208 : memref<1x1x8x32xi32, #tpu.memory_space<hbm>> -> memref<8x32xi32, #tpu.memory_space<hbm>>
          %dma_wait3A_210 = arith.constant 0 : i32
          %dma_wait3A_211 = arith.constant 0 : i32
          %dma_wait3A_212 = tpu.memref_slice %arg7[%sub3A_70, %dma_wait3A_210, %dma_wait3A_211] : memref<2x8x32xi32, #tpu.memory_space<vmem>> -> memref<1x8x32xi32, #tpu.memory_space<vmem>>
          %dma_wait3A_213 = tpu.memref_squeeze %dma_wait3A_212 : memref<1x8x32xi32, #tpu.memory_space<vmem>> -> memref<8x32xi32, #tpu.memory_space<vmem>>
          %dma_wait3A_214 = arith.constant 0 : i32
          %dma_wait3A_215 = arith.constant 0 : i32
          %dma_wait3A_216 = tpu.memref_slice %arg3[%run_scoped3A_184, %add3A_73, %dma_wait3A_214, %dma_wait3A_215] : memref<2x1250x8x32xi32, #tpu.memory_space<hbm>> -> memref<1x1x8x32xi32, #tpu.memory_space<hbm>>
          %dma_wait3A_217 = tpu.memref_squeeze %dma_wait3A_216 : memref<1x1x8x32xi32, #tpu.memory_space<hbm>> -> memref<8x32xi32, #tpu.memory_space<hbm>>
          tpu.wait_dma2 semaphore(%run_scoped3A_185 : memref<!tpu.dma_semaphore, #tpu.memory_space<semaphore_mem>>) src(%dma_wait3A_217 : memref<8x32xi32, #tpu.memory_space<hbm>>) dst(%dma_wait3A_213 : memref<8x32xi32, #tpu.memory_space<vmem>>)
          tpu.yield
        }) : () -> ()
      } else {
      }
      %dma_wait3A_139 = arith.constant 4 : i32
      %dma_wait3A_140 = arith.constant 0 : i32
      %dma_wait3A_141 = tpu.memref_slice %arg6[%rem3A_69, %dma_wait3A_139, %dma_wait3A_140] : memref<2x8x32xi32, #tpu.memory_space<vmem>> -> memref<1x1x32xi32, #tpu.memory_space<vmem>>
      %dma_wait3A_142 = tpu.memref_squeeze %dma_wait3A_141 : memref<1x1x32xi32, #tpu.memory_space<vmem>> -> memref<32xi32, #tpu.memory_space<vmem>>
      %dma_wait3A_143 = arith.constant 0 : i32
      %dma_wait3A_144 = arith.constant 0 : i32
      %dma_wait3A_145 = tpu.memref_slice %arg2[%dma_wait3A_143, %dma_wait3A_144] : memref<10000x128xf32, #tpu.memory_space<hbm>> -> memref<10000x128xf32, #tpu.memory_space<hbm>>
      tpu.wait_indirect_dma semaphore(%arg12 : memref<!tpu.dma_semaphore, #tpu.memory_space<semaphore_mem>>) src(%dma_wait3A_145 : memref<10000x128xf32, #tpu.memory_space<hbm>>) dst(%arg8 : memref<32x128xf32, #tpu.memory_space<vmem>>)
      %run_scoped3A_146 = arith.constant 4 : i32
      "tpu.region"() ({
        %run_scoped3A_183 = tpu.sem_alloc : memref<!tpu.dma_semaphore, #tpu.memory_space<semaphore_mem>>
        %dma_start3A_184 = arith.constant 0 : i32
        %dma_start3A_185 = tpu.memref_slice %arg7[%rem3A_69, %run_scoped3A_146, %dma_start3A_184] : memref<2x8x32xi32, #tpu.memory_space<vmem>> -> memref<1x1x32xi32, #tpu.memory_space<vmem>>
        %dma_start3A_186 = tpu.memref_squeeze %dma_start3A_185 : memref<1x1x32xi32, #tpu.memory_space<vmem>> -> memref<32xi32, #tpu.memory_space<vmem>>
        %dma_start3A_187 = arith.constant 0 : i32
        %dma_start3A_188 = arith.constant 0 : i32
        %dma_start3A_189 = tpu.memref_slice %arg16[%dma_start3A_187, %dma_start3A_188] : memref<10000x128xf32, #tpu.memory_space<vmem_shared>> -> memref<10000x128xf32, #tpu.memory_space<vmem_shared>>
        tpu.enqueue_indirect_dma source(%arg8 : memref<32x128xf32, #tpu.memory_space<vmem>>) target(%dma_start3A_189 : memref<10000x128xf32, #tpu.memory_space<vmem_shared>>) offsets(%dma_start3A_186 : memref<32xi32, #tpu.memory_space<vmem>>) semaphore(%run_scoped3A_183 : memref<!tpu.dma_semaphore, #tpu.memory_space<semaphore_mem>>) {add = true}
        %dma_wait3A_190 = arith.constant 0 : i32
        %dma_wait3A_191 = tpu.memref_slice %arg7[%rem3A_69, %run_scoped3A_146, %dma_wait3A_190] : memref<2x8x32xi32, #tpu.memory_space<vmem>> -> memref<1x1x32xi32, #tpu.memory_space<vmem>>
        %dma_wait3A_192 = tpu.memref_squeeze %dma_wait3A_191 : memref<1x1x32xi32, #tpu.memory_space<vmem>> -> memref<32xi32, #tpu.memory_space<vmem>>
        %dma_wait3A_193 = arith.constant 0 : i32
        %dma_wait3A_194 = arith.constant 0 : i32
        %dma_wait3A_195 = tpu.memref_slice %arg16[%dma_wait3A_193, %dma_wait3A_194] : memref<10000x128xf32, #tpu.memory_space<vmem_shared>> -> memref<10000x128xf32, #tpu.memory_space<vmem_shared>>
        tpu.wait_indirect_dma semaphore(%run_scoped3A_183 : memref<!tpu.dma_semaphore, #tpu.memory_space<semaphore_mem>>) src(%arg8 : memref<32x128xf32, #tpu.memory_space<vmem>>) dst(%dma_wait3A_195 : memref<10000x128xf32, #tpu.memory_space<vmem_shared>>)
        tpu.yield
      }) : () -> ()
      %convert_element_type3A_147 = arith.extui %lt3A_76 : i1 to i32
      %cond3A_148 = arith.constant 0 : i32
      %cond3A_149 = arith.cmpi ne, %convert_element_type3A_147, %cond3A_148 : i32
      scf.if %cond3A_149 {
        %dma_start3A_183 = arith.constant 0 : i32
        %dma_start3A_184 = arith.constant 0 : i32
        %dma_start3A_185 = tpu.memref_slice %arg6[%sub3A_70, %dma_start3A_183, %dma_start3A_184] : memref<2x8x32xi32, #tpu.memory_space<vmem>> -> memref<1x1x32xi32, #tpu.memory_space<vmem>>
        %dma_start3A_186 = tpu.memref_squeeze %dma_start3A_185 : memref<1x1x32xi32, #tpu.memory_space<vmem>> -> memref<32xi32, #tpu.memory_space<vmem>>
        %dma_start3A_187 = arith.constant 0 : i32
        %dma_start3A_188 = arith.constant 0 : i32
        %dma_start3A_189 = tpu.memref_slice %arg2[%dma_start3A_187, %dma_start3A_188] : memref<10000x128xf32, #tpu.memory_space<hbm>> -> memref<10000x128xf32, #tpu.memory_space<hbm>>
        tpu.enqueue_indirect_dma source(%dma_start3A_189 : memref<10000x128xf32, #tpu.memory_space<hbm>>) target(%arg8 : memref<32x128xf32, #tpu.memory_space<vmem>>) offsets(%dma_start3A_186 : memref<32xi32, #tpu.memory_space<vmem>>) semaphore(%arg12 : memref<!tpu.dma_semaphore, #tpu.memory_space<semaphore_mem>>)
      } else {
      }
      %dma_wait3A_150 = arith.constant 5 : i32
      %dma_wait3A_151 = arith.constant 0 : i32
      %dma_wait3A_152 = tpu.memref_slice %arg6[%rem3A_69, %dma_wait3A_150, %dma_wait3A_151] : memref<2x8x32xi32, #tpu.memory_space<vmem>> -> memref<1x1x32xi32, #tpu.memory_space<vmem>>
      %dma_wait3A_153 = tpu.memref_squeeze %dma_wait3A_152 : memref<1x1x32xi32, #tpu.memory_space<vmem>> -> memref<32xi32, #tpu.memory_space<vmem>>
      %dma_wait3A_154 = arith.constant 0 : i32
      %dma_wait3A_155 = arith.constant 0 : i32
      %dma_wait3A_156 = tpu.memref_slice %arg2[%dma_wait3A_154, %dma_wait3A_155] : memref<10000x128xf32, #tpu.memory_space<hbm>> -> memref<10000x128xf32, #tpu.memory_space<hbm>>
      tpu.wait_indirect_dma semaphore(%arg13 : memref<!tpu.dma_semaphore, #tpu.memory_space<semaphore_mem>>) src(%dma_wait3A_156 : memref<10000x128xf32, #tpu.memory_space<hbm>>) dst(%arg9 : memref<32x128xf32, #tpu.memory_space<vmem>>)
      %run_scoped3A_157 = arith.constant 5 : i32
      "tpu.region"() ({
        %run_scoped3A_183 = tpu.sem_alloc : memref<!tpu.dma_semaphore, #tpu.memory_space<semaphore_mem>>
        %dma_start3A_184 = arith.constant 0 : i32
        %dma_start3A_185 = tpu.memref_slice %arg7[%rem3A_69, %run_scoped3A_157, %dma_start3A_184] : memref<2x8x32xi32, #tpu.memory_space<vmem>> -> memref<1x1x32xi32, #tpu.memory_space<vmem>>
        %dma_start3A_186 = tpu.memref_squeeze %dma_start3A_185 : memref<1x1x32xi32, #tpu.memory_space<vmem>> -> memref<32xi32, #tpu.memory_space<vmem>>
        %dma_start3A_187 = arith.constant 0 : i32
        %dma_start3A_188 = arith.constant 0 : i32
        %dma_start3A_189 = tpu.memref_slice %arg16[%dma_start3A_187, %dma_start3A_188] : memref<10000x128xf32, #tpu.memory_space<vmem_shared>> -> memref<10000x128xf32, #tpu.memory_space<vmem_shared>>
        tpu.enqueue_indirect_dma source(%arg9 : memref<32x128xf32, #tpu.memory_space<vmem>>) target(%dma_start3A_189 : memref<10000x128xf32, #tpu.memory_space<vmem_shared>>) offsets(%dma_start3A_186 : memref<32xi32, #tpu.memory_space<vmem>>) semaphore(%run_scoped3A_183 : memref<!tpu.dma_semaphore, #tpu.memory_space<semaphore_mem>>) {add = true}
        %dma_wait3A_190 = arith.constant 0 : i32
        %dma_wait3A_191 = tpu.memref_slice %arg7[%rem3A_69, %run_scoped3A_157, %dma_wait3A_190] : memref<2x8x32xi32, #tpu.memory_space<vmem>> -> memref<1x1x32xi32, #tpu.memory_space<vmem>>
        %dma_wait3A_192 = tpu.memref_squeeze %dma_wait3A_191 : memref<1x1x32xi32, #tpu.memory_space<vmem>> -> memref<32xi32, #tpu.memory_space<vmem>>
        %dma_wait3A_193 = arith.constant 0 : i32
        %dma_wait3A_194 = arith.constant 0 : i32
        %dma_wait3A_195 = tpu.memref_slice %arg16[%dma_wait3A_193, %dma_wait3A_194] : memref<10000x128xf32, #tpu.memory_space<vmem_shared>> -> memref<10000x128xf32, #tpu.memory_space<vmem_shared>>
        tpu.wait_indirect_dma semaphore(%run_scoped3A_183 : memref<!tpu.dma_semaphore, #tpu.memory_space<semaphore_mem>>) src(%arg9 : memref<32x128xf32, #tpu.memory_space<vmem>>) dst(%dma_wait3A_195 : memref<10000x128xf32, #tpu.memory_space<vmem_shared>>)
        tpu.yield
      }) : () -> ()
      %convert_element_type3A_158 = arith.extui %lt3A_76 : i1 to i32
      %cond3A_159 = arith.constant 0 : i32
      %cond3A_160 = arith.cmpi ne, %convert_element_type3A_158, %cond3A_159 : i32
      scf.if %cond3A_160 {
        %dma_start3A_183 = arith.constant 1 : i32
        %dma_start3A_184 = arith.constant 0 : i32
        %dma_start3A_185 = tpu.memref_slice %arg6[%sub3A_70, %dma_start3A_183, %dma_start3A_184] : memref<2x8x32xi32, #tpu.memory_space<vmem>> -> memref<1x1x32xi32, #tpu.memory_space<vmem>>
        %dma_start3A_186 = tpu.memref_squeeze %dma_start3A_185 : memref<1x1x32xi32, #tpu.memory_space<vmem>> -> memref<32xi32, #tpu.memory_space<vmem>>
        %dma_start3A_187 = arith.constant 0 : i32
        %dma_start3A_188 = arith.constant 0 : i32
        %dma_start3A_189 = tpu.memref_slice %arg2[%dma_start3A_187, %dma_start3A_188] : memref<10000x128xf32, #tpu.memory_space<hbm>> -> memref<10000x128xf32, #tpu.memory_space<hbm>>
        tpu.enqueue_indirect_dma source(%dma_start3A_189 : memref<10000x128xf32, #tpu.memory_space<hbm>>) target(%arg9 : memref<32x128xf32, #tpu.memory_space<vmem>>) offsets(%dma_start3A_186 : memref<32xi32, #tpu.memory_space<vmem>>) semaphore(%arg13 : memref<!tpu.dma_semaphore, #tpu.memory_space<semaphore_mem>>)
      } else {
      }
      %dma_wait3A_161 = arith.constant 6 : i32
      %dma_wait3A_162 = arith.constant 0 : i32
      %dma_wait3A_163 = tpu.memref_slice %arg6[%rem3A_69, %dma_wait3A_161, %dma_wait3A_162] : memref<2x8x32xi32, #tpu.memory_space<vmem>> -> memref<1x1x32xi32, #tpu.memory_space<vmem>>
      %dma_wait3A_164 = tpu.memref_squeeze %dma_wait3A_163 : memref<1x1x32xi32, #tpu.memory_space<vmem>> -> memref<32xi32, #tpu.memory_space<vmem>>
      %dma_wait3A_165 = arith.constant 0 : i32
      %dma_wait3A_166 = arith.constant 0 : i32
      %dma_wait3A_167 = tpu.memref_slice %arg2[%dma_wait3A_165, %dma_wait3A_166] : memref<10000x128xf32, #tpu.memory_space<hbm>> -> memref<10000x128xf32, #tpu.memory_space<hbm>>
      tpu.wait_indirect_dma semaphore(%arg14 : memref<!tpu.dma_semaphore, #tpu.memory_space<semaphore_mem>>) src(%dma_wait3A_167 : memref<10000x128xf32, #tpu.memory_space<hbm>>) dst(%arg10 : memref<32x128xf32, #tpu.memory_space<vmem>>)
      %run_scoped3A_168 = arith.constant 6 : i32
      "tpu.region"() ({
        %run_scoped3A_183 = tpu.sem_alloc : memref<!tpu.dma_semaphore, #tpu.memory_space<semaphore_mem>>
        %dma_start3A_184 = arith.constant 0 : i32
        %dma_start3A_185 = tpu.memref_slice %arg7[%rem3A_69, %run_scoped3A_168, %dma_start3A_184] : memref<2x8x32xi32, #tpu.memory_space<vmem>> -> memref<1x1x32xi32, #tpu.memory_space<vmem>>
        %dma_start3A_186 = tpu.memref_squeeze %dma_start3A_185 : memref<1x1x32xi32, #tpu.memory_space<vmem>> -> memref<32xi32, #tpu.memory_space<vmem>>
        %dma_start3A_187 = arith.constant 0 : i32
        %dma_start3A_188 = arith.constant 0 : i32
        %dma_start3A_189 = tpu.memref_slice %arg16[%dma_start3A_187, %dma_start3A_188] : memref<10000x128xf32, #tpu.memory_space<vmem_shared>> -> memref<10000x128xf32, #tpu.memory_space<vmem_shared>>
        tpu.enqueue_indirect_dma source(%arg10 : memref<32x128xf32, #tpu.memory_space<vmem>>) target(%dma_start3A_189 : memref<10000x128xf32, #tpu.memory_space<vmem_shared>>) offsets(%dma_start3A_186 : memref<32xi32, #tpu.memory_space<vmem>>) semaphore(%run_scoped3A_183 : memref<!tpu.dma_semaphore, #tpu.memory_space<semaphore_mem>>) {add = true}
        %dma_wait3A_190 = arith.constant 0 : i32
        %dma_wait3A_191 = tpu.memref_slice %arg7[%rem3A_69, %run_scoped3A_168, %dma_wait3A_190] : memref<2x8x32xi32, #tpu.memory_space<vmem>> -> memref<1x1x32xi32, #tpu.memory_space<vmem>>
        %dma_wait3A_192 = tpu.memref_squeeze %dma_wait3A_191 : memref<1x1x32xi32, #tpu.memory_space<vmem>> -> memref<32xi32, #tpu.memory_space<vmem>>
        %dma_wait3A_193 = arith.constant 0 : i32
        %dma_wait3A_194 = arith.constant 0 : i32
        %dma_wait3A_195 = tpu.memref_slice %arg16[%dma_wait3A_193, %dma_wait3A_194] : memref<10000x128xf32, #tpu.memory_space<vmem_shared>> -> memref<10000x128xf32, #tpu.memory_space<vmem_shared>>
        tpu.wait_indirect_dma semaphore(%run_scoped3A_183 : memref<!tpu.dma_semaphore, #tpu.memory_space<semaphore_mem>>) src(%arg10 : memref<32x128xf32, #tpu.memory_space<vmem>>) dst(%dma_wait3A_195 : memref<10000x128xf32, #tpu.memory_space<vmem_shared>>)
        tpu.yield
      }) : () -> ()
      %convert_element_type3A_169 = arith.extui %lt3A_76 : i1 to i32
      %cond3A_170 = arith.constant 0 : i32
      %cond3A_171 = arith.cmpi ne, %convert_element_type3A_169, %cond3A_170 : i32
      scf.if %cond3A_171 {
        %dma_start3A_183 = arith.constant 2 : i32
        %dma_start3A_184 = arith.constant 0 : i32
        %dma_start3A_185 = tpu.memref_slice %arg6[%sub3A_70, %dma_start3A_183, %dma_start3A_184] : memref<2x8x32xi32, #tpu.memory_space<vmem>> -> memref<1x1x32xi32, #tpu.memory_space<vmem>>
        %dma_start3A_186 = tpu.memref_squeeze %dma_start3A_185 : memref<1x1x32xi32, #tpu.memory_space<vmem>> -> memref<32xi32, #tpu.memory_space<vmem>>
        %dma_start3A_187 = arith.constant 0 : i32
        %dma_start3A_188 = arith.constant 0 : i32
        %dma_start3A_189 = tpu.memref_slice %arg2[%dma_start3A_187, %dma_start3A_188] : memref<10000x128xf32, #tpu.memory_space<hbm>> -> memref<10000x128xf32, #tpu.memory_space<hbm>>
        tpu.enqueue_indirect_dma source(%dma_start3A_189 : memref<10000x128xf32, #tpu.memory_space<hbm>>) target(%arg10 : memref<32x128xf32, #tpu.memory_space<vmem>>) offsets(%dma_start3A_186 : memref<32xi32, #tpu.memory_space<vmem>>) semaphore(%arg14 : memref<!tpu.dma_semaphore, #tpu.memory_space<semaphore_mem>>)
      } else {
      }
      %dma_wait3A_172 = arith.constant 7 : i32
      %dma_wait3A_173 = arith.constant 0 : i32
      %dma_wait3A_174 = tpu.memref_slice %arg6[%rem3A_69, %dma_wait3A_172, %dma_wait3A_173] : memref<2x8x32xi32, #tpu.memory_space<vmem>> -> memref<1x1x32xi32, #tpu.memory_space<vmem>>
      %dma_wait3A_175 = tpu.memref_squeeze %dma_wait3A_174 : memref<1x1x32xi32, #tpu.memory_space<vmem>> -> memref<32xi32, #tpu.memory_space<vmem>>
      %dma_wait3A_176 = arith.constant 0 : i32
      %dma_wait3A_177 = arith.constant 0 : i32
      %dma_wait3A_178 = tpu.memref_slice %arg2[%dma_wait3A_176, %dma_wait3A_177] : memref<10000x128xf32, #tpu.memory_space<hbm>> -> memref<10000x128xf32, #tpu.memory_space<hbm>>
      tpu.wait_indirect_dma semaphore(%arg15 : memref<!tpu.dma_semaphore, #tpu.memory_space<semaphore_mem>>) src(%dma_wait3A_178 : memref<10000x128xf32, #tpu.memory_space<hbm>>) dst(%arg11 : memref<32x128xf32, #tpu.memory_space<vmem>>)
      %run_scoped3A_179 = arith.constant 7 : i32
      "tpu.region"() ({
        %run_scoped3A_183 = tpu.sem_alloc : memref<!tpu.dma_semaphore, #tpu.memory_space<semaphore_mem>>
        %dma_start3A_184 = arith.constant 0 : i32
        %dma_start3A_185 = tpu.memref_slice %arg7[%rem3A_69, %run_scoped3A_179, %dma_start3A_184] : memref<2x8x32xi32, #tpu.memory_space<vmem>> -> memref<1x1x32xi32, #tpu.memory_space<vmem>>
        %dma_start3A_186 = tpu.memref_squeeze %dma_start3A_185 : memref<1x1x32xi32, #tpu.memory_space<vmem>> -> memref<32xi32, #tpu.memory_space<vmem>>
        %dma_start3A_187 = arith.constant 0 : i32
        %dma_start3A_188 = arith.constant 0 : i32
        %dma_start3A_189 = tpu.memref_slice %arg16[%dma_start3A_187, %dma_start3A_188] : memref<10000x128xf32, #tpu.memory_space<vmem_shared>> -> memref<10000x128xf32, #tpu.memory_space<vmem_shared>>
        tpu.enqueue_indirect_dma source(%arg11 : memref<32x128xf32, #tpu.memory_space<vmem>>) target(%dma_start3A_189 : memref<10000x128xf32, #tpu.memory_space<vmem_shared>>) offsets(%dma_start3A_186 : memref<32xi32, #tpu.memory_space<vmem>>) semaphore(%run_scoped3A_183 : memref<!tpu.dma_semaphore, #tpu.memory_space<semaphore_mem>>) {add = true}
        %dma_wait3A_190 = arith.constant 0 : i32
        %dma_wait3A_191 = tpu.memref_slice %arg7[%rem3A_69, %run_scoped3A_179, %dma_wait3A_190] : memref<2x8x32xi32, #tpu.memory_space<vmem>> -> memref<1x1x32xi32, #tpu.memory_space<vmem>>
        %dma_wait3A_192 = tpu.memref_squeeze %dma_wait3A_191 : memref<1x1x32xi32, #tpu.memory_space<vmem>> -> memref<32xi32, #tpu.memory_space<vmem>>
        %dma_wait3A_193 = arith.constant 0 : i32
        %dma_wait3A_194 = arith.constant 0 : i32
        %dma_wait3A_195 = tpu.memref_slice %arg16[%dma_wait3A_193, %dma_wait3A_194] : memref<10000x128xf32, #tpu.memory_space<vmem_shared>> -> memref<10000x128xf32, #tpu.memory_space<vmem_shared>>
        tpu.wait_indirect_dma semaphore(%run_scoped3A_183 : memref<!tpu.dma_semaphore, #tpu.memory_space<semaphore_mem>>) src(%arg11 : memref<32x128xf32, #tpu.memory_space<vmem>>) dst(%dma_wait3A_195 : memref<10000x128xf32, #tpu.memory_space<vmem_shared>>)
        tpu.yield
      }) : () -> ()
      %convert_element_type3A_180 = arith.extui %lt3A_76 : i1 to i32
      %cond3A_181 = arith.constant 0 : i32
      %cond3A_182 = arith.cmpi ne, %convert_element_type3A_180, %cond3A_181 : i32
      scf.if %cond3A_182 {
        %dma_start3A_183 = arith.constant 3 : i32
        %dma_start3A_184 = arith.constant 0 : i32
        %dma_start3A_185 = tpu.memref_slice %arg6[%sub3A_70, %dma_start3A_183, %dma_start3A_184] : memref<2x8x32xi32, #tpu.memory_space<vmem>> -> memref<1x1x32xi32, #tpu.memory_space<vmem>>
        %dma_start3A_186 = tpu.memref_squeeze %dma_start3A_185 : memref<1x1x32xi32, #tpu.memory_space<vmem>> -> memref<32xi32, #tpu.memory_space<vmem>>
        %dma_start3A_187 = arith.constant 0 : i32
        %dma_start3A_188 = arith.constant 0 : i32
        %dma_start3A_189 = tpu.memref_slice %arg2[%dma_start3A_187, %dma_start3A_188] : memref<10000x128xf32, #tpu.memory_space<hbm>> -> memref<10000x128xf32, #tpu.memory_space<hbm>>
        tpu.enqueue_indirect_dma source(%dma_start3A_189 : memref<10000x128xf32, #tpu.memory_space<hbm>>) target(%arg11 : memref<32x128xf32, #tpu.memory_space<vmem>>) offsets(%dma_start3A_186 : memref<32xi32, #tpu.memory_space<vmem>>) semaphore(%arg15 : memref<!tpu.dma_semaphore, #tpu.memory_space<semaphore_mem>>)
      } else {
      }
    }
    %barrier3A_56 = arith.constant 0 : index
    tpu.barrier barrier_id(%barrier3A_56)
    %mul3A_57 = arith.constant 624 : i32
    %mul3A_58 = arith.muli %arg1, %mul3A_57 : i32
    %multiple_of3A_59 = tpu.assume_multiple %mul3A_58, 8 : i32
    %mul3A_60 = arith.constant 624 : i32
    %mul3A_61 = arith.muli %arg1, %mul3A_60 : i32
    %multiple_of3A_62 = tpu.assume_multiple %mul3A_61, 8 : i32
    "tpu.region"() ({
      %run_scoped3A_68 = tpu.sem_alloc : memref<!tpu.dma_semaphore, #tpu.memory_space<semaphore_mem>>
      %dma_start3A_69 = arith.constant 0 : i32
      %dma_start3A_70 = tpu.memref_slice %arg5[%arg0, %multiple_of3A_62, %dma_start3A_69] : memref<2x10000x128xf32, #tpu.memory_space<hbm>> -> memref<1x624x128xf32, #tpu.memory_space<hbm>>
      %dma_start3A_71 = tpu.memref_squeeze %dma_start3A_70 : memref<1x624x128xf32, #tpu.memory_space<hbm>> -> memref<624x128xf32, #tpu.memory_space<hbm>>
      %dma_start3A_72 = arith.constant 0 : i32
      %dma_start3A_73 = tpu.memref_slice %arg16[%multiple_of3A_59, %dma_start3A_72] : memref<10000x128xf32, #tpu.memory_space<vmem_shared>> -> memref<624x128xf32, #tpu.memory_space<vmem_shared>>
      tpu.enqueue_dma source(%dma_start3A_73 : memref<624x128xf32, #tpu.memory_space<vmem_shared>>) target(%dma_start3A_71 : memref<624x128xf32, #tpu.memory_space<hbm>>) target_semaphore(%run_scoped3A_68 : memref<!tpu.dma_semaphore, #tpu.memory_space<semaphore_mem>>)
      %dma_wait3A = arith.constant 0 : i32
      %dma_wait3A_74 = tpu.memref_slice %arg5[%arg0, %multiple_of3A_62, %dma_wait3A] : memref<2x10000x128xf32, #tpu.memory_space<hbm>> -> memref<1x624x128xf32, #tpu.memory_space<hbm>>
      %dma_wait3A_75 = tpu.memref_squeeze %dma_wait3A_74 : memref<1x624x128xf32, #tpu.memory_space<hbm>> -> memref<624x128xf32, #tpu.memory_space<hbm>>
      %dma_wait3A_76 = arith.constant 0 : i32
      %dma_wait3A_77 = tpu.memref_slice %arg16[%multiple_of3A_59, %dma_wait3A_76] : memref<10000x128xf32, #tpu.memory_space<vmem_shared>> -> memref<624x128xf32, #tpu.memory_space<vmem_shared>>
      tpu.wait_dma2 semaphore(%run_scoped3A_68 : memref<!tpu.dma_semaphore, #tpu.memory_space<semaphore_mem>>) src(%dma_wait3A_77 : memref<624x128xf32, #tpu.memory_space<vmem_shared>>) dst(%dma_wait3A_75 : memref<624x128xf32, #tpu.memory_space<hbm>>)
      tpu.yield
    }) : () -> ()
    %eq3A_63 = arith.constant 15 : i32
    %eq3A_64 = arith.cmpi eq, %arg1, %eq3A_63 : i32
    %convert_element_type3A_65 = arith.extui %eq3A_64 : i1 to i32
    %cond3A_66 = arith.constant 0 : i32
    %cond3A_67 = arith.cmpi ne, %convert_element_type3A_65, %cond3A_66 : i32
    scf.if %cond3A_67 {
      "tpu.region"() ({
        %run_scoped3A_68 = tpu.sem_alloc : memref<!tpu.dma_semaphore, #tpu.memory_space<semaphore_mem>>
        %dma_start3A_69 = arith.constant 9984 : i32
        %dma_start3A_70 = arith.constant 0 : i32
        %dma_start3A_71 = tpu.memref_slice %arg5[%arg0, %dma_start3A_69, %dma_start3A_70] : memref<2x10000x128xf32, #tpu.memory_space<hbm>> -> memref<1x16x128xf32, #tpu.memory_space<hbm>>
        %dma_start3A_72 = tpu.memref_squeeze %dma_start3A_71 : memref<1x16x128xf32, #tpu.memory_space<hbm>> -> memref<16x128xf32, #tpu.memory_space<hbm>>
        %dma_start3A_73 = arith.constant 9984 : i32
        %dma_start3A_74 = arith.constant 0 : i32
        %dma_start3A_75 = tpu.memref_slice %arg16[%dma_start3A_73, %dma_start3A_74] : memref<10000x128xf32, #tpu.memory_space<vmem_shared>> -> memref<16x128xf32, #tpu.memory_space<vmem_shared>>
        tpu.enqueue_dma source(%dma_start3A_75 : memref<16x128xf32, #tpu.memory_space<vmem_shared>>) target(%dma_start3A_72 : memref<16x128xf32, #tpu.memory_space<hbm>>) target_semaphore(%run_scoped3A_68 : memref<!tpu.dma_semaphore, #tpu.memory_space<semaphore_mem>>)
        %dma_wait3A = arith.constant 9984 : i32
        %dma_wait3A_76 = arith.constant 0 : i32
        %dma_wait3A_77 = tpu.memref_slice %arg5[%arg0, %dma_wait3A, %dma_wait3A_76] : memref<2x10000x128xf32, #tpu.memory_space<hbm>> -> memref<1x16x128xf32, #tpu.memory_space<hbm>>
        %dma_wait3A_78 = tpu.memref_squeeze %dma_wait3A_77 : memref<1x16x128xf32, #tpu.memory_space<hbm>> -> memref<16x128xf32, #tpu.memory_space<hbm>>
        %dma_wait3A_79 = arith.constant 9984 : i32
        %dma_wait3A_80 = arith.constant 0 : i32
        %dma_wait3A_81 = tpu.memref_slice %arg16[%dma_wait3A_79, %dma_wait3A_80] : memref<10000x128xf32, #tpu.memory_space<vmem_shared>> -> memref<16x128xf32, #tpu.memory_space<vmem_shared>>
        tpu.wait_dma2 semaphore(%run_scoped3A_68 : memref<!tpu.dma_semaphore, #tpu.memory_space<semaphore_mem>>) src(%dma_wait3A_81 : memref<16x128xf32, #tpu.memory_space<vmem_shared>>) dst(%dma_wait3A_78 : memref<16x128xf32, #tpu.memory_space<hbm>>)
        tpu.yield
      }) : () -> ()
    } else {
    }
    return
  }
}

module attributes {stable_mosaic.version = 14 : i64} {
  func.func @body(%arg0: i32, %arg1: memref<2x2000x128xf32, #tpu.memory_space<vmem>>, %arg2: memref<2000x128xf32, #tpu.memory_space<vmem>>, %arg3: memref<2000x128xf32, #tpu.memory_space<vmem>>, %arg4: memref<2000x128xf32, #tpu.memory_space<vmem>>) attributes {dimension_semantics = [#tpu.dimension_semantics<arbitrary>], iteration_bounds = array<i64: 5>, scalar_prefetch = 0 : i64, scratch_operands = 0 : i64, tpu.core_type = #tpu.core_type<tc>, window_params = [{transform_indices = @transform_0, window_bounds = array<i64: 2, 2000, 128>}, {transform_indices = @transform_1, window_bounds = array<i64: 2000, 128>}, {transform_indices = @transform_2, window_bounds = array<i64: 2000, 128>}, {transform_indices = @transform_3, window_bounds = array<i64: 2000, 128>}]} {
    %get3A = arith.constant 0 : index
    %get3A_0 = arith.constant 0 : index
    %get3A_1 = arith.constant 0 : index
    %get3A_2 = vector.load %arg1[%get3A, %get3A_0, %get3A_1] : memref<2x2000x128xf32, #tpu.memory_space<vmem>>, vector<1x2000x1xf32>
    %get3A_3 = vector.shape_cast %get3A_2 : vector<1x2000x1xf32> to vector<2000x1xf32>
    %get3A_4 = arith.constant 1 : index
    %get3A_5 = arith.constant 0 : index
    %get3A_6 = arith.constant 0 : index
    %get3A_7 = vector.load %arg1[%get3A_4, %get3A_5, %get3A_6] : memref<2x2000x128xf32, #tpu.memory_space<vmem>>, vector<1x2000x1xf32>
    %get3A_8 = vector.shape_cast %get3A_7 : vector<1x2000x1xf32> to vector<2000x1xf32>
    %add3A = arith.addf %get3A_3, %get3A_8 : vector<2000x1xf32>
    %jit3A = arith.constant 1.000000e+00 : f32
    %max3A = vector.broadcast %jit3A : f32 to vector<2000x1xf32>
    %max3A_9 = arith.maximumf %max3A, %add3A : vector<2000x1xf32>
    %rsqrt3A = math.rsqrt %max3A_9 : vector<2000x1xf32>
    %broadcast_in_dim3A = vector.shape_cast %rsqrt3A : vector<2000x1xf32> to vector<2000x1xf32>
    %broadcast_in_dim3A_10 = vector.broadcast %broadcast_in_dim3A : vector<2000x1xf32> to vector<2000x128xf32>
    %swap3A = arith.constant 0 : index
    %swap3A_11 = arith.constant 0 : index
    %swap3A_12 = vector.load %arg3[%swap3A, %swap3A_11] : memref<2000x128xf32, #tpu.memory_space<vmem>>, vector<2000x128xf32>
    tpu.vector_store %arg3[%swap3A, %swap3A_11], %broadcast_in_dim3A_10 {strides = array<i32>} : memref<2000x128xf32, #tpu.memory_space<vmem>>, vector<2000x128xf32>,
    %get3A_13 = arith.constant 0 : index
    %get3A_14 = arith.constant 0 : index
    %get3A_15 = vector.load %arg2[%get3A_13, %get3A_14] : memref<2000x128xf32, #tpu.memory_space<vmem>>, vector<2000x128xf32>
    %mul3A = arith.mulf %get3A_15, %broadcast_in_dim3A_10 : vector<2000x128xf32>
    %swap3A_16 = arith.constant 0 : index
    %swap3A_17 = arith.constant 0 : index
    %swap3A_18 = vector.load %arg4[%swap3A_16, %swap3A_17] : memref<2000x128xf32, #tpu.memory_space<vmem>>, vector<2000x128xf32>
    tpu.vector_store %arg4[%swap3A_16, %swap3A_17], %mul3A {strides = array<i32>} : memref<2000x128xf32, #tpu.memory_space<vmem>>, vector<2000x128xf32>,
    return
  }
  func.func @transform_0(%arg0: i32) -> (i32, i32, i32) {
    %c0_i32 = arith.constant 0 : i32
    %c0_i32_0 = arith.constant 0 : i32
    %c0_i32_1 = arith.constant 0 : i32
    return %c0_i32, %arg0, %c0_i32_0 : i32, i32, i32
  }
  func.func @transform_1(%arg0: i32) -> (i32, i32) {
    %c0_i32 = arith.constant 0 : i32
    %c0_i32_0 = arith.constant 0 : i32
    return %arg0, %c0_i32 : i32, i32
  }
  func.func @transform_2(%arg0: i32) -> (i32, i32) {
    %c0_i32 = arith.constant 0 : i32
    %c0_i32_0 = arith.constant 0 : i32
    return %arg0, %c0_i32 : i32, i32
  }
  func.func @transform_3(%arg0: i32) -> (i32, i32) {
    %c0_i32 = arith.constant 0 : i32
    %c0_i32_0 = arith.constant 0 : i32
    return %arg0, %c0_i32 : i32, i32
  }
}

module attributes {stable_mosaic.version = 14 : i64} {
  func.func @body(%arg0: i32, %arg1: memref<2x2000x128xf32, #tpu.memory_space<vmem>>, %arg2: memref<2000x128xf32, #tpu.memory_space<vmem>>, %arg3: memref<128x128xf32, #tpu.memory_space<vmem>>, %arg4: memref<1x128xf32, #tpu.memory_space<vmem>>, %arg5: memref<2000x128xf32, #tpu.memory_space<vmem>>) attributes {dimension_semantics = [#tpu.dimension_semantics<arbitrary>], iteration_bounds = array<i64: 5>, scalar_prefetch = 0 : i64, scratch_operands = 0 : i64, tpu.core_type = #tpu.core_type<tc>, window_params = [{transform_indices = @transform_0, window_bounds = array<i64: 2, 2000, 128>}, {transform_indices = @transform_1, window_bounds = array<i64: 2000, 128>}, {pipeline_mode = #tpu.pipeline_mode<synchronous>, transform_indices = @transform_2, window_bounds = array<i64: 128, 128>}, {pipeline_mode = #tpu.pipeline_mode<synchronous>, transform_indices = @transform_3, window_bounds = array<i64: 1, 128>}, {transform_indices = @transform_4, window_bounds = array<i64: 2000, 128>}]} {
    %get3A = arith.constant 0 : index
    %get3A_0 = arith.constant 0 : index
    %get3A_1 = vector.load %arg2[%get3A, %get3A_0] : memref<2000x128xf32, #tpu.memory_space<vmem>>, vector<2000x128xf32>
    %get3A_2 = arith.constant 0 : index
    %get3A_3 = arith.constant 0 : index
    %get3A_4 = arith.constant 0 : index
    %get3A_5 = vector.load %arg1[%get3A_2, %get3A_3, %get3A_4] : memref<2x2000x128xf32, #tpu.memory_space<vmem>>, vector<1x2000x128xf32>
    %get3A_6 = vector.shape_cast %get3A_5 : vector<1x2000x128xf32> to vector<2000x128xf32>
    %get3A_7 = arith.constant 1 : index
    %get3A_8 = arith.constant 0 : index
    %get3A_9 = arith.constant 0 : index
    %get3A_10 = vector.load %arg1[%get3A_7, %get3A_8, %get3A_9] : memref<2x2000x128xf32, #tpu.memory_space<vmem>>, vector<1x2000x128xf32>
    %get3A_11 = vector.shape_cast %get3A_10 : vector<1x2000x128xf32> to vector<2000x128xf32>
    %add3A = arith.addf %get3A_6, %get3A_11 : vector<2000x128xf32>
    %mul3A = arith.mulf %add3A, %get3A_1 : vector<2000x128xf32>
    %get3A_12 = arith.constant 0 : index
    %get3A_13 = arith.constant 0 : index
    %get3A_14 = vector.load %arg3[%get3A_12, %get3A_13] : memref<128x128xf32, #tpu.memory_space<vmem>>, vector<128x128xf32>
    %dot_general3A = arith.constant dense<0.000000e+00> : vector<2000x128xf32>
    %dot_general3A_15 = tpu.matmul %mul3A, %get3A_14, %dot_general3A {dimension_numbers = #tpu.dot_dimension_numbers<[1], [0], [0], [1], [0, 0, 1, 1], [], []>, transpose_lhs_hint = false} : vector<2000x128xf32>, vector<128x128xf32>, vector<2000x128xf32> -> vector<2000x128xf32>
    %get3A_16 = arith.constant 0 : index
    %get3A_17 = arith.constant 0 : index
    %get3A_18 = vector.load %arg4[%get3A_16, %get3A_17] : memref<1x128xf32, #tpu.memory_space<vmem>>, vector<1x128xf32>
    %add3A_19 = vector.broadcast %get3A_18 : vector<1x128xf32> to vector<2000x128xf32>
    %add3A_20 = arith.addf %dot_general3A_15, %add3A_19 : vector<2000x128xf32>
    %max3A = arith.constant 0.000000e+00 : f32
    %max3A_21 = vector.broadcast %max3A : f32 to vector<2000x128xf32>
    %max3A_22 = arith.maximumf %add3A_20, %max3A_21 : vector<2000x128xf32>
    %mul3A_23 = arith.mulf %max3A_22, %get3A_1 : vector<2000x128xf32>
    %swap3A = arith.constant 0 : index
    %swap3A_24 = arith.constant 0 : index
    %swap3A_25 = vector.load %arg5[%swap3A, %swap3A_24] : memref<2000x128xf32, #tpu.memory_space<vmem>>, vector<2000x128xf32>
    tpu.vector_store %arg5[%swap3A, %swap3A_24], %mul3A_23 {strides = array<i32>} : memref<2000x128xf32, #tpu.memory_space<vmem>>, vector<2000x128xf32>,
    return
  }
  func.func @transform_0(%arg0: i32) -> (i32, i32, i32) {
    %c0_i32 = arith.constant 0 : i32
    %c0_i32_0 = arith.constant 0 : i32
    %c0_i32_1 = arith.constant 0 : i32
    return %c0_i32, %arg0, %c0_i32_0 : i32, i32, i32
  }
  func.func @transform_1(%arg0: i32) -> (i32, i32) {
    %c0_i32 = arith.constant 0 : i32
    %c0_i32_0 = arith.constant 0 : i32
    return %arg0, %c0_i32 : i32, i32
  }
  func.func @transform_2(%arg0: i32) -> (i32, i32) {
    %c0_i32 = arith.constant 0 : i32
    %c0_i32_0 = arith.constant 0 : i32
    %c0_i32_1 = arith.constant 0 : i32
    return %c0_i32, %c0_i32_0 : i32, i32
  }
  func.func @transform_3(%arg0: i32) -> (i32, i32) {
    %c0_i32 = arith.constant 0 : i32
    %c0_i32_0 = arith.constant 0 : i32
    %c0_i32_1 = arith.constant 0 : i32
    return %c0_i32, %c0_i32_0 : i32, i32
  }
  func.func @transform_4(%arg0: i32) -> (i32, i32) {
    %c0_i32 = arith.constant 0 : i32
    %c0_i32_0 = arith.constant 0 : i32
    return %arg0, %c0_i32 : i32, i32
  }
}

module attributes {stable_mosaic.version = 14 : i64} {
  func.func @body(%arg0: i32, %arg1: memref<2x2000x128xf32, #tpu.memory_space<vmem>>, %arg2: memref<2000x128xf32, #tpu.memory_space<vmem>>, %arg3: memref<2000x1xi32, #tpu.memory_space<vmem>>, %arg4: memref<128x128xf32, #tpu.memory_space<vmem>>, %arg5: memref<1x128xf32, #tpu.memory_space<vmem>>, %arg6: memref<32x100xf32, #tpu.memory_space<vmem>>, %arg7: memref<100x512xf32, #tpu.memory_space<vmem>>, %arg8: memref<1x512xf32, #tpu.memory_space<vmem>>, %arg9: memref<512x128xf32, #tpu.memory_space<vmem>>, %arg10: memref<128x128xf32, #tpu.memory_space<vmem>>, %arg11: memref<1x128xf32, #tpu.memory_space<vmem>>, %arg12: memref<128x2xf32, #tpu.memory_space<vmem>>, %arg13: memref<1x2xf32, #tpu.memory_space<vmem>>, %arg14: memref<32x2xf32, #tpu.memory_space<vmem>>, %arg15: memref<32x128xf32, #tpu.memory_space<vmem>>, %arg16: memref<32x128xf32, #tpu.memory_space<vmem>>) attributes {dimension_semantics = [#tpu.dimension_semantics<arbitrary>], iteration_bounds = array<i64: 5>, scalar_prefetch = 0 : i64, scratch_operands = 2 : i64, tpu.core_type = #tpu.core_type<tc>, window_params = [{transform_indices = @transform_0, window_bounds = array<i64: 2, 2000, 128>}, {transform_indices = @transform_1, window_bounds = array<i64: 2000, 128>}, {transform_indices = @transform_2, window_bounds = array<i64: 2000, 1>}, {pipeline_mode = #tpu.pipeline_mode<synchronous>, transform_indices = @transform_3, window_bounds = array<i64: 128, 128>}, {pipeline_mode = #tpu.pipeline_mode<synchronous>, transform_indices = @transform_4, window_bounds = array<i64: 1, 128>}, {pipeline_mode = #tpu.pipeline_mode<synchronous>, transform_indices = @transform_5, window_bounds = array<i64: 32, 100>}, {pipeline_mode = #tpu.pipeline_mode<synchronous>, transform_indices = @transform_6, window_bounds = array<i64: 100, 512>}, {pipeline_mode = #tpu.pipeline_mode<synchronous>, transform_indices = @transform_7, window_bounds = array<i64: 1, 512>}, {pipeline_mode = #tpu.pipeline_mode<synchronous>, transform_indices = @transform_8, window_bounds = array<i64: 512, 128>}, {pipeline_mode = #tpu.pipeline_mode<synchronous>, transform_indices = @transform_9, window_bounds = array<i64: 128, 128>}, {pipeline_mode = #tpu.pipeline_mode<synchronous>, transform_indices = @transform_10, window_bounds = array<i64: 1, 128>}, {pipeline_mode = #tpu.pipeline_mode<synchronous>, transform_indices = @transform_11, window_bounds = array<i64: 128, 2>}, {pipeline_mode = #tpu.pipeline_mode<synchronous>, transform_indices = @transform_12, window_bounds = array<i64: 1, 2>}, {pipeline_mode = #tpu.pipeline_mode<synchronous>, transform_indices = @transform_13, window_bounds = array<i64: 32, 2>}]} {
    %eq3A = arith.constant 0 : i32
    %eq3A_0 = arith.cmpi eq, %arg0, %eq3A : i32
    %convert_element_type3A = arith.extui %eq3A_0 : i1 to i32
    %cond3A = arith.constant 0 : i32
    %cond3A_1 = arith.cmpi ne, %convert_element_type3A, %cond3A : i32
    scf.if %cond3A_1 {
      %broadcast_in_dim3A_53 = arith.constant 0.000000e+00 : f32
      %broadcast_in_dim3A_54 = vector.broadcast %broadcast_in_dim3A_53 : f32 to vector<32x128xf32>
      %swap3A_55 = arith.constant 0 : index
      %swap3A_56 = arith.constant 0 : index
      %swap3A_57 = vector.load %arg15[%swap3A_55, %swap3A_56] : memref<32x128xf32, #tpu.memory_space<vmem>>, vector<32x128xf32>
      tpu.vector_store %arg15[%swap3A_55, %swap3A_56], %broadcast_in_dim3A_54 {strides = array<i32>} : memref<32x128xf32, #tpu.memory_space<vmem>>, vector<32x128xf32>,
      %broadcast_in_dim3A_58 = arith.constant 0.000000e+00 : f32
      %broadcast_in_dim3A_59 = vector.broadcast %broadcast_in_dim3A_58 : f32 to vector<32x128xf32>
      %swap3A_60 = arith.constant 0 : index
      %swap3A_61 = arith.constant 0 : index
      %swap3A_62 = vector.load %arg16[%swap3A_60, %swap3A_61] : memref<32x128xf32, #tpu.memory_space<vmem>>, vector<32x128xf32>
      tpu.vector_store %arg16[%swap3A_60, %swap3A_61], %broadcast_in_dim3A_59 {strides = array<i32>} : memref<32x128xf32, #tpu.memory_space<vmem>>, vector<32x128xf32>,
    } else {
    }
    %get3A = arith.constant 0 : index
    %get3A_2 = arith.constant 0 : index
    %get3A_3 = arith.constant 0 : index
    %get3A_4 = vector.load %arg1[%get3A, %get3A_2, %get3A_3] : memref<2x2000x128xf32, #tpu.memory_space<vmem>>, vector<1x2000x128xf32>
    %get3A_5 = vector.shape_cast %get3A_4 : vector<1x2000x128xf32> to vector<2000x128xf32>
    %get3A_6 = arith.constant 1 : index
    %get3A_7 = arith.constant 0 : index
    %get3A_8 = arith.constant 0 : index
    %get3A_9 = vector.load %arg1[%get3A_6, %get3A_7, %get3A_8] : memref<2x2000x128xf32, #tpu.memory_space<vmem>>, vector<1x2000x128xf32>
    %get3A_10 = vector.shape_cast %get3A_9 : vector<1x2000x128xf32> to vector<2000x128xf32>
    %add3A = arith.addf %get3A_5, %get3A_10 : vector<2000x128xf32>
    %get3A_11 = arith.constant 0 : index
    %get3A_12 = arith.constant 0 : index
    %get3A_13 = vector.load %arg2[%get3A_11, %get3A_12] : memref<2000x128xf32, #tpu.memory_space<vmem>>, vector<2000x128xf32>
    %mul3A = arith.mulf %add3A, %get3A_13 : vector<2000x128xf32>
    %get3A_14 = arith.constant 0 : index
    %get3A_15 = arith.constant 0 : index
    %get3A_16 = vector.load %arg4[%get3A_14, %get3A_15] : memref<128x128xf32, #tpu.memory_space<vmem>>, vector<128x128xf32>
    %dot_general3A = arith.constant dense<0.000000e+00> : vector<2000x128xf32>
    %dot_general3A_17 = tpu.matmul %mul3A, %get3A_16, %dot_general3A {dimension_numbers = #tpu.dot_dimension_numbers<[1], [0], [0], [1], [0, 0, 1, 1], [], []>, transpose_lhs_hint = false} : vector<2000x128xf32>, vector<128x128xf32>, vector<2000x128xf32> -> vector<2000x128xf32>
    %get3A_18 = arith.constant 0 : index
    %get3A_19 = arith.constant 0 : index
    %get3A_20 = vector.load %arg5[%get3A_18, %get3A_19] : memref<1x128xf32, #tpu.memory_space<vmem>>, vector<1x128xf32>
    %add3A_21 = vector.broadcast %get3A_20 : vector<1x128xf32> to vector<2000x128xf32>
    %add3A_22 = arith.addf %dot_general3A_17, %add3A_21 : vector<2000x128xf32>
    %iota3A = tpu.iota {dimensions = array<i32: 1>} : vector<2000x32xi32>
    %get3A_23 = arith.constant 0 : index
    %get3A_24 = arith.constant 0 : index
    %get3A_25 = vector.load %arg3[%get3A_23, %get3A_24] : memref<2000x1xi32, #tpu.memory_space<vmem>>, vector<2000x1xi32>
    %eq3A_26 = vector.broadcast %get3A_25 : vector<2000x1xi32> to vector<2000x32xi32>
    %eq3A_27 = arith.cmpi eq, %eq3A_26, %iota3A : vector<2000x32xi32>
    %convert_element_type3A_28 = arith.extui %eq3A_27 : vector<2000x32xi1> to vector<2000x32xi32>
    %convert_element_type3A_29 = arith.sitofp %convert_element_type3A_28 : vector<2000x32xi32> to vector<2000x32xf32>
    %get3A_30 = arith.constant 0 : index
    %get3A_31 = arith.constant 0 : index
    %get3A_32 = vector.load %arg15[%get3A_30, %get3A_31] : memref<32x128xf32, #tpu.memory_space<vmem>>, vector<32x128xf32>
    %dot_general3A_33 = arith.constant dense<0.000000e+00> : vector<32x128xf32>
    %dot_general3A_34 = tpu.matmul %convert_element_type3A_29, %add3A_22, %dot_general3A_33 {dimension_numbers = #tpu.dot_dimension_numbers<[0], [0], [1], [1], [0, 1, 1, 1], [], []>, transpose_lhs_hint = false} : vector<2000x32xf32>, vector<2000x128xf32>, vector<32x128xf32> -> vector<32x128xf32>
    %add3A_35 = arith.addf %get3A_32, %dot_general3A_34 : vector<32x128xf32>
    %swap3A = arith.constant 0 : index
    %swap3A_36 = arith.constant 0 : index
    %swap3A_37 = vector.load %arg15[%swap3A, %swap3A_36] : memref<32x128xf32, #tpu.memory_space<vmem>>, vector<32x128xf32>
    tpu.vector_store %arg15[%swap3A, %swap3A_36], %add3A_35 {strides = array<i32>} : memref<32x128xf32, #tpu.memory_space<vmem>>, vector<32x128xf32>,
    %get3A_38 = arith.constant 0 : index
    %get3A_39 = arith.constant 0 : index
    %get3A_40 = vector.load %arg16[%get3A_38, %get3A_39] : memref<32x128xf32, #tpu.memory_space<vmem>>, vector<32x128xf32>
    %broadcast_in_dim3A = arith.constant 1.000000e+00 : f32
    %broadcast_in_dim3A_41 = vector.broadcast %broadcast_in_dim3A : f32 to vector<2000x128xf32>
    %dot_general3A_42 = arith.constant dense<0.000000e+00> : vector<32x128xf32>
    %dot_general3A_43 = tpu.matmul %convert_element_type3A_29, %broadcast_in_dim3A_41, %dot_general3A_42 {dimension_numbers = #tpu.dot_dimension_numbers<[0], [0], [1], [1], [0, 1, 1, 1], [], []>, transpose_lhs_hint = false} : vector<2000x32xf32>, vector<2000x128xf32>, vector<32x128xf32> -> vector<32x128xf32>
    %add3A_44 = arith.addf %get3A_40, %dot_general3A_43 : vector<32x128xf32>
    %swap3A_45 = arith.constant 0 : index
    %swap3A_46 = arith.constant 0 : index
    %swap3A_47 = vector.load %arg16[%swap3A_45, %swap3A_46] : memref<32x128xf32, #tpu.memory_space<vmem>>, vector<32x128xf32>
    tpu.vector_store %arg16[%swap3A_45, %swap3A_46], %add3A_44 {strides = array<i32>} : memref<32x128xf32, #tpu.memory_space<vmem>>, vector<32x128xf32>,
    %eq3A_48 = arith.constant 4 : i32
    %eq3A_49 = arith.cmpi eq, %arg0, %eq3A_48 : i32
    %convert_element_type3A_50 = arith.extui %eq3A_49 : i1 to i32
    %cond3A_51 = arith.constant 0 : i32
    %cond3A_52 = arith.cmpi ne, %convert_element_type3A_50, %cond3A_51 : i32
    scf.if %cond3A_52 {
      %get3A_53 = arith.constant 0 : index
      %get3A_54 = arith.constant 0 : index
      %get3A_55 = vector.load %arg15[%get3A_53, %get3A_54] : memref<32x128xf32, #tpu.memory_space<vmem>>, vector<32x128xf32>
      %get3A_56 = arith.constant 0 : index
      %get3A_57 = arith.constant 0 : index
      %get3A_58 = vector.load %arg16[%get3A_56, %get3A_57] : memref<32x128xf32, #tpu.memory_space<vmem>>, vector<32x128xf32>
      %jit3A = arith.constant 1.000000e+00 : f32
      %max3A = vector.broadcast %jit3A : f32 to vector<32x128xf32>
      %max3A_59 = arith.maximumf %max3A, %get3A_58 : vector<32x128xf32>
      %div3A = arith.divf %get3A_55, %max3A_59 : vector<32x128xf32>
      %get3A_60 = arith.constant 0 : index
      %get3A_61 = arith.constant 0 : index
      %get3A_62 = vector.load %arg6[%get3A_60, %get3A_61] : memref<32x100xf32, #tpu.memory_space<vmem>>, vector<32x100xf32>
      %get3A_63 = arith.constant 0 : index
      %get3A_64 = arith.constant 0 : index
      %get3A_65 = vector.load %arg7[%get3A_63, %get3A_64] : memref<100x512xf32, #tpu.memory_space<vmem>>, vector<100x512xf32>
      %dot_general3A_66 = arith.constant dense<0.000000e+00> : vector<32x512xf32>
      %dot_general3A_67 = tpu.matmul %get3A_62, %get3A_65, %dot_general3A_66 {dimension_numbers = #tpu.dot_dimension_numbers<[1], [0], [0], [1], [0, 0, 1, 1], [], []>, transpose_lhs_hint = false} : vector<32x100xf32>, vector<100x512xf32>, vector<32x512xf32> -> vector<32x512xf32>
      %get3A_68 = arith.constant 0 : index
      %get3A_69 = arith.constant 0 : index
      %get3A_70 = vector.load %arg8[%get3A_68, %get3A_69] : memref<1x512xf32, #tpu.memory_space<vmem>>, vector<1x512xf32>
      %add3A_71 = vector.broadcast %get3A_70 : vector<1x512xf32> to vector<32x512xf32>
      %add3A_72 = arith.addf %dot_general3A_67, %add3A_71 : vector<32x512xf32>
      %max3A_73 = arith.constant 0.000000e+00 : f32
      %max3A_74 = vector.broadcast %max3A_73 : f32 to vector<32x512xf32>
      %max3A_75 = arith.maximumf %add3A_72, %max3A_74 : vector<32x512xf32>
      %get3A_76 = arith.constant 0 : index
      %get3A_77 = arith.constant 0 : index
      %get3A_78 = vector.load %arg9[%get3A_76, %get3A_77] : memref<512x128xf32, #tpu.memory_space<vmem>>, vector<512x128xf32>
      %dot_general3A_79 = arith.constant dense<0.000000e+00> : vector<32x128xf32>
      %dot_general3A_80 = tpu.matmul %max3A_75, %get3A_78, %dot_general3A_79 {dimension_numbers = #tpu.dot_dimension_numbers<[1], [0], [0], [1], [0, 0, 1, 1], [], []>, transpose_lhs_hint = false} : vector<32x512xf32>, vector<512x128xf32>, vector<32x128xf32> -> vector<32x128xf32>
      %get3A_81 = arith.constant 0 : index
      %get3A_82 = arith.constant 0 : index
      %get3A_83 = vector.load %arg10[%get3A_81, %get3A_82] : memref<128x128xf32, #tpu.memory_space<vmem>>, vector<128x128xf32>
      %dot_general3A_84 = arith.constant dense<0.000000e+00> : vector<32x128xf32>
      %dot_general3A_85 = tpu.matmul %div3A, %get3A_83, %dot_general3A_84 {dimension_numbers = #tpu.dot_dimension_numbers<[1], [0], [0], [1], [0, 0, 1, 1], [], []>, transpose_lhs_hint = false} : vector<32x128xf32>, vector<128x128xf32>, vector<32x128xf32> -> vector<32x128xf32>
      %add3A_86 = arith.addf %dot_general3A_80, %dot_general3A_85 : vector<32x128xf32>
      %get3A_87 = arith.constant 0 : index
      %get3A_88 = arith.constant 0 : index
      %get3A_89 = vector.load %arg11[%get3A_87, %get3A_88] : memref<1x128xf32, #tpu.memory_space<vmem>>, vector<1x128xf32>
      %add3A_90 = vector.broadcast %get3A_89 : vector<1x128xf32> to vector<32x128xf32>
      %add3A_91 = arith.addf %add3A_86, %add3A_90 : vector<32x128xf32>
      %max3A_92 = arith.constant 0.000000e+00 : f32
      %max3A_93 = vector.broadcast %max3A_92 : f32 to vector<32x128xf32>
      %max3A_94 = arith.maximumf %add3A_91, %max3A_93 : vector<32x128xf32>
      %get3A_95 = arith.constant 0 : index
      %get3A_96 = arith.constant 0 : index
      %get3A_97 = vector.load %arg12[%get3A_95, %get3A_96] : memref<128x2xf32, #tpu.memory_space<vmem>>, vector<128x2xf32>
      %dot_general3A_98 = arith.constant dense<0.000000e+00> : vector<32x2xf32>
      %dot_general3A_99 = tpu.matmul %max3A_94, %get3A_97, %dot_general3A_98 {dimension_numbers = #tpu.dot_dimension_numbers<[1], [0], [0], [1], [0, 0, 1, 1], [], []>, transpose_lhs_hint = false} : vector<32x128xf32>, vector<128x2xf32>, vector<32x2xf32> -> vector<32x2xf32>
      %get3A_100 = arith.constant 0 : index
      %get3A_101 = arith.constant 0 : index
      %get3A_102 = vector.load %arg13[%get3A_100, %get3A_101] : memref<1x2xf32, #tpu.memory_space<vmem>>, vector<1x2xf32>
      %add3A_103 = vector.broadcast %get3A_102 : vector<1x2xf32> to vector<32x2xf32>
      %add3A_104 = arith.addf %dot_general3A_99, %add3A_103 : vector<32x2xf32>
      %swap3A_105 = arith.constant 0 : index
      %swap3A_106 = arith.constant 0 : index
      %swap3A_107 = vector.load %arg14[%swap3A_105, %swap3A_106] : memref<32x2xf32, #tpu.memory_space<vmem>>, vector<32x2xf32>
      tpu.vector_store %arg14[%swap3A_105, %swap3A_106], %add3A_104 {strides = array<i32>} : memref<32x2xf32, #tpu.memory_space<vmem>>, vector<32x2xf32>,
    } else {
    }
    return
  }
  func.func @transform_0(%arg0: i32) -> (i32, i32, i32) {
    %c0_i32 = arith.constant 0 : i32
    %c0_i32_0 = arith.constant 0 : i32
    %c0_i32_1 = arith.constant 0 : i32
    return %c0_i32, %arg0, %c0_i32_0 : i32, i32, i32
  }
  func.func @transform_1(%arg0: i32) -> (i32, i32) {
    %c0_i32 = arith.constant 0 : i32
    %c0_i32_0 = arith.constant 0 : i32
    return %arg0, %c0_i32 : i32, i32
  }
  func.func @transform_2(%arg0: i32) -> (i32, i32) {
    %c0_i32 = arith.constant 0 : i32
    %c0_i32_0 = arith.constant 0 : i32
    return %arg0, %c0_i32 : i32, i32
  }
  func.func @transform_3(%arg0: i32) -> (i32, i32) {
    %c0_i32 = arith.constant 0 : i32
    %c0_i32_0 = arith.constant 0 : i32
    %c0_i32_1 = arith.constant 0 : i32
    return %c0_i32, %c0_i32_0 : i32, i32
  }
  func.func @transform_4(%arg0: i32) -> (i32, i32) {
    %c0_i32 = arith.constant 0 : i32
    %c0_i32_0 = arith.constant 0 : i32
    %c0_i32_1 = arith.constant 0 : i32
    return %c0_i32, %c0_i32_0 : i32, i32
  }
  func.func @transform_5(%arg0: i32) -> (i32, i32) {
    %c0_i32 = arith.constant 0 : i32
    %c0_i32_0 = arith.constant 0 : i32
    %c0_i32_1 = arith.constant 0 : i32
    return %c0_i32, %c0_i32_0 : i32, i32
  }
  func.func @transform_6(%arg0: i32) -> (i32, i32) {
    %c0_i32 = arith.constant 0 : i32
    %c0_i32_0 = arith.constant 0 : i32
    %c0_i32_1 = arith.constant 0 : i32
    return %c0_i32, %c0_i32_0 : i32, i32
  }
  func.func @transform_7(%arg0: i32) -> (i32, i32) {
    %c0_i32 = arith.constant 0 : i32
    %c0_i32_0 = arith.constant 0 : i32
    %c0_i32_1 = arith.constant 0 : i32
    return %c0_i32, %c0_i32_0 : i32, i32
  }
  func.func @transform_8(%arg0: i32) -> (i32, i32) {
    %c0_i32 = arith.constant 0 : i32
    %c0_i32_0 = arith.constant 0 : i32
    %c0_i32_1 = arith.constant 0 : i32
    return %c0_i32, %c0_i32_0 : i32, i32
  }
  func.func @transform_9(%arg0: i32) -> (i32, i32) {
    %c0_i32 = arith.constant 0 : i32
    %c0_i32_0 = arith.constant 0 : i32
    %c0_i32_1 = arith.constant 0 : i32
    return %c0_i32, %c0_i32_0 : i32, i32
  }
  func.func @transform_10(%arg0: i32) -> (i32, i32) {
    %c0_i32 = arith.constant 0 : i32
    %c0_i32_0 = arith.constant 0 : i32
    %c0_i32_1 = arith.constant 0 : i32
    return %c0_i32, %c0_i32_0 : i32, i32
  }
  func.func @transform_11(%arg0: i32) -> (i32, i32) {
    %c0_i32 = arith.constant 0 : i32
    %c0_i32_0 = arith.constant 0 : i32
    %c0_i32_1 = arith.constant 0 : i32
    return %c0_i32, %c0_i32_0 : i32, i32
  }
  func.func @transform_12(%arg0: i32) -> (i32, i32) {
    %c0_i32 = arith.constant 0 : i32
    %c0_i32_0 = arith.constant 0 : i32
    %c0_i32_1 = arith.constant 0 : i32
    return %c0_i32, %c0_i32_0 : i32, i32
  }
  func.func @transform_13(%arg0: i32) -> (i32, i32) {
    %c0_i32 = arith.constant 0 : i32
    %c0_i32_0 = arith.constant 0 : i32
    %c0_i32_1 = arith.constant 0 : i32
    return %c0_i32, %c0_i32_0 : i32, i32
  }
}

</mosaic_0001>

<sc_bundles>
// kernel: kernel.10.cloned.1.call-start
scs
__scs_entry_jumppad:
0x0: {  	(pc) =	sbr.rel $0x88, $3  }
0x1: {  	(tag) =	ssettag $0x0;
	lr =	simm.s32 $0x1  }
0x2: {  	[smem:$0x3F91] =	sst lr;
	_ =	strace $0xD0000000  }
0x3: {  	_ = 	snop  }
0x4: {  	_ = 	snop  }
0x5: {  	_ = 	snop  }
0x6: {  	_ = 	snop  }
0x7: {  	_ = 	snop  }
__scs_overlays_trampoline_lowered:
0x8: {  	[smem:$0x3FA0] =	sst s0  }
0x9: {  	[smem:$0x3FA1] =	sst s1  }
0xa: {  	[smem:$0x3FA2] =	sst s2  }
0xb: {  	[smem:$0x3FA3] =	sst s3  }
0xc: {  	[smem:$0x3FA4] =	sst s4  }
0xd: {  	[smem:$0x3FA5] =	sst s5  }
0xe: {  	[smem:$0x3FA6] =	sst s6  }
0xf: {  	[smem:$0x3FA7] =	sst s7  }
0x10: {  	[smem:$0x3FA8] =	sst s8  }
0x11: {  	[smem:$0x3FA9] =	sst s9;
	s0 =	simm.s32 @!p0 $0x0  }
0x12: {  	s1 =	sld [smem:$0x3F8F];
	s0 =	simm.s32 @p0 $0x1  }
0x13: {  	[smem:$0x3FAA] =	sst s0;
	s0 =	simm.s32 @!p1 $0x0  }
0x14: {  	s2 =	sld [smem:$0x3F8E];
	s0 =	simm.s32 @p1 $0x1  }
0x15: {  	[smem:$0x3FAB] =	sst s0;
	s0 =	simm.s32 @!p2 $0x0  }
0x16: {  	s3 =	sld [smem:$0x3FDB];
	s0 =	simm.s32 @p2 $0x1  }
0x17: {  	s4 =	simm.s32 $0x1BF5;
	[smem:$0x3FAD] =	sst s0  }
0x18: {  	s0 =	sld [smem:$0x3F90];
	_ =	swait.ge [sflag:s4], $0x0  }
0x19: {  	s7 =	sld [smem:$0x3F91]  }
0x1a: {  	s8 =	sadd.s32 $0xFFFFE003, lr  }
0x1b: {  	s9 =	sadd.s32 $0xFFFFFEF7, lr;
	s5 =	simm.s32 $0xFFFFFFFF;
	p2 =	slt.u32 s8, $0xFFFFF086  }
0x1c: {  	p1 =	slt.u32 s9, $0xF7A;
	s5 =	simm.s32 @!p2 $0x0  }
0x1d: {  	s5 =	simm.s32 @p1 $0x1;
	p0 =	seq.s32 s7, s2  }
0x1e: {  	s7 =	smul.u32 @!p0 $0xF7A, s2;
	p2 =	seq.s32 @!p0 s5, $0x0  }
0x1f: {  	s9 =	smul.u32 $0xF7A, s1;
	s8 =	simm.s32 @!p0 $0x1BF5;
	p2 =	por !p2, p0  }
0x20: {  	[sflag:s8] =	ssyncset.s32 @!p0 $0xFFFFF086;
	s6 =	sadd.s32 @!p0 s3, s7;
	s7 =	simm.s32 @!p0 $0x108  }
0x21: {  	s3 =	sadd.s32 s3, s9;
	s6 =	sadd.s32 @!p0 $0x88, s6;
	s7 =	simm.s32 @p2 $0x1082  }
0x22: {  	[simem:s7], [sflag:s8] =	dma.local @!p0 [hbm:s6], $0xF7A  }
0x23: {  	s9 =	sor.u32 $0xD0000000, s2;
	s6 =	simm.s32 $0x108;
	_ =	swait.ge @!p0 [sflag:s8], $0x0  }
0x24: {  	s3 =	sadd.s32 $0x88, s3;
	s6 =	simm.s32 @!p1 $0x1082;
	[sflag:s4] =	ssyncset.s32 $0xFFFFF086  }
0x25: {  	[simem:s6], [sflag:s4] =	dma.local [hbm:s3], $0xF7A  }
0x26: {  	[smem:$0x3F91] =	sst s1;
	(tag) =	ssettag s2;
	_ =	strace s9  }
0x27: {  	s1 =	sld [smem:$0x3FA1]  }
0x28: {  	s2 =	sld [smem:$0x3FA2]  }
0x29: {  	s4 =	sld [smem:$0x3FA4]  }
0x2a: {  	p0 =	seq.s32 s5, $0x0;
	s5 =	sld [smem:$0x3FA5]  }
0x2b: {  	s6 =	sld [smem:$0x3FA6]  }
0x2c: {  	s7 =	sld [smem:$0x3FA7]  }
0x2d: {  	s3 =	simm.s32 $0x108;
	s8 =	sld [smem:$0x3FA8]  }
0x2e: {  	s3 =	simm.s32 @!p0 $0x1082;
	s9 =	sld [smem:$0x3FA9]  }
0x2f: {  	lr =	sadd.s32 s0, s3;
	s0 =	sld [smem:$0x3FA0]  }
0x30: {  	s3 =	sld [smem:$0x3FA3]  }
0x31: {  	[smem:$0x3FAC] =	sst s10  }
0x32: {  	s10 =	sld [smem:$0x3FAA];
	_ =	sdelay $0x3  }
0x33: {  	p0 =	seq.s32 s10, $0x1;
	s10 =	sld [smem:$0x3FAC];
	_ =	sdelay $0x3  }
0x34: {  	[smem:$0x3FAC] =	sst s10  }
0x35: {  	s10 =	sld [smem:$0x3FAB];
	_ =	sdelay $0x3  }
0x36: {  	p1 =	seq.s32 s10, $0x1;
	s10 =	sld [smem:$0x3FAC];
	_ =	sdelay $0x3  }
0x37: {  	[smem:$0x3FAC] =	sst s10  }
0x38: {  	s10 =	sld [smem:$0x3FAD]  }
0x39: {  	_ = 	snop;
	(pc) =	sbr.ind lr, $3  }
0x3a: {  	_ = 	snop  }
0x3b: {  	_ = 	snop  }
0x3c: {  	p2 =	seq.s32 s10, $0x1;
	s10 =	sld [smem:$0x3FAC]  }
0x3d: {  	_ =	shalt  }
0x3e: {  	_ =	shalt  }
0x3f: {  	_ =	shalt  }
0x40: {  	_ =	shalt  }
0x41: {  	_ =	shalt  }
0x42: {  	_ =	shalt  }
0x43: {  	_ =	shalt  }
0x44: {  	_ =	shalt  }
0x45: {  	_ =	shalt  }
0x46: {  	_ =	shalt  }
0x47: {  	_ =	shalt  }
0x48: {  	_ =	shalt  }
0x49: {  	_ =	shalt  }
0x4a: {  	_ =	shalt  }
0x4b: {  	_ =	shalt  }
0x4c: {  	_ =	shalt  }
0x4d: {  	_ =	shalt  }
0x4e: {  	_ =	shalt  }
0x4f: {  	_ =	shalt  }
0x50: {  	_ =	shalt  }
0x51: {  	_ =	shalt  }
0x52: {  	_ =	shalt  }
0x53: {  	_ =	shalt  }
0x54: {  	_ =	shalt  }
0x55: {  	_ =	shalt  }
0x56: {  	_ =	shalt  }
0x57: {  	_ =	shalt  }
0x58: {  	_ =	shalt  }
0x59: {  	_ =	shalt  }
0x5a: {  	_ =	shalt  }
0x5b: {  	_ =	shalt  }
0x5c: {  	_ =	shalt  }
0x5d: {  	_ =	shalt  }
0x5e: {  	_ =	shalt  }
0x5f: {  	_ =	shalt  }
0x60: {  	_ =	shalt  }
0x61: {  	_ =	shalt  }
0x62: {  	_ =	shalt  }
0x63: {  	_ =	shalt  }
0x64: {  	_ =	shalt  }
0x65: {  	_ =	shalt  }
0x66: {  	_ =	shalt  }
0x67: {  	_ =	shalt  }
0x68: {  	_ =	shalt  }
0x69: {  	_ =	shalt  }
0x6a: {  	_ =	shalt  }
0x6b: {  	_ =	shalt  }
0x6c: {  	_ =	shalt  }
0x6d: {  	_ =	shalt  }
0x6e: {  	_ =	shalt  }
0x6f: {  	_ =	shalt  }
0x70: {  	_ =	shalt  }
0x71: {  	_ =	shalt  }
0x72: {  	_ =	shalt  }
0x73: {  	_ =	shalt  }
0x74: {  	_ =	shalt  }
0x75: {  	_ =	shalt  }
0x76: {  	_ =	shalt  }
0x77: {  	_ =	shalt  }
0x78: {  	_ =	shalt  }
0x79: {  	_ =	shalt  }
0x7a: {  	_ =	shalt  }
0x7b: {  	_ =	shalt  }
0x7c: {  	_ =	shalt  }
0x7d: {  	_ =	shalt  }
0x7e: {  	_ =	shalt  }
0x7f: {  	_ =	shalt  }
0x80: {  	_ =	shalt  }
0x81: {  	_ =	shalt  }
0x82: {  	_ =	shalt  }
0x83: {  	_ =	shalt  }
0x84: {  	_ =	shalt  }
0x85: {  	_ =	shalt  }
0x86: {  	_ =	shalt  }
0x87: {  	_ =	shalt  }
.Lfunc_end0:
.L_simem_size_0:
called_computation_lowered:
.L_overlay_start_0:
0x88: {  	s2 =	sld [smem:$0x3FD9]  }
0x89: {  	s3 =	sld [smem:$0x3FFE];
	_ =	sdelay $0x1  }
0x8a: {  	s1 =	srdreg.scid  }
0x8b: {  	s0 =	sand.u32 $0x1, s1  }
0x8c: {  	s16 =	sshll.u32 s0, $0xA;
	s2 =	sadd.s32 s3, s2  }
0x8d: {  	s2 =	sadd.s32 s2, s16  }
0x8e: {  	[smem:$0x3FB8] =	sst s2  }
0x8f: {  	_ = 	snop  }
0x90: {  	(tm) =	ssettm $0x1  }
0x91: {  	s17 =	sld [smem:$0x3FFB];
	_ =	sdelay $0x3  }
0x92: {  	_ =	strace s17  }
0x93: {  	s2 =	sld [smem:$0x3FFC];
	_ =	sdelay $0x3  }
0x94: {  	_ =	strace s2  }
0x95: {  	s2 =	sld [smem:$0x3FFD];
	_ =	sdelay $0x3  }
0x96: {  	_ =	strace s2  }
0x97: {  	_ =	strace $0x8FFFFFFF  }
0x98: {  	s18 =	sld [smem:$0x3FDB];
	_ =	sdelay $0x1  }
0x99: {  	s19 =	simm.s32 $_scs_section_size  }
0x9a: {  	s4 =	simm.s32 $_size__tile_overlayer_lowered;
	s5 =	simm.s32 $_tile_overlayer_lowered  }
0x9b: {  	s22 =	simm.s32 $0x1BFF;
	s21 =	sshll.u32 s5, $0x1;
	s2 =	sadd.s32 s19, s18  }
0x9c: {  	s6 =	simm.s32 $0x0;
	s20 =	sshll.u32 s4, $0x1;
	s4 =	sadd.s32 s21, s2  }
0x9d: {  	[timem:s6], [sflag:s22] =	dma.local [hbm:s4], s20  }
0x9e: {  	_ =	swait.ge [sflag:s22], s20  }
0x9f: {  	s3 =	ssub.s32 $0x0, s20;
	[sflag:s22] =	ssyncset.done $0x0  }
0xa0: {  	[sflag:s22] =	ssyncadd.s32 s3;
	_ =	sdelay $0x1  }
0xa1: {  	s23 =	simm.s32 $0x1B8B  }
0xa2: {  	_ =	swait.ge [sflag:s23], $0x1  }
0xa3: {  	[sflag:s23] =	ssyncset.done $0x0  }
0xa4: {  	s25 =	simm.s32 $0x1B8E;
	s24 =	sld [smem:$0x3FFE];
	[sflag:s23] =	ssyncadd.s32 $0xFFFFFFFF  }
0xa5: {  	s26 =	simm.s32 $execute0_lowered;
	[smem:$0x3FD2] =	sst s25  }
0xa6: {  	s4 =	sshll.u32 s26, $0x1;
	_ =	strace $0x80000046;
	[dreg:$0x1] =	wrdreg $0xFFFFFFFF  }
0xa7: {  	s28 =	simm.s32 $_size_execute0_lowered;
	s2 =	sadd.s32 s2, s4;
	[dreg:$0x0] =	wrdreg $0x0  }
0xa8: {  	s4 =	sshll.u32 s28, $0x1;
	[dreg:$0x2] =	wrdreg s2  }
0xa9: {  	[dreg:$0x3] =	wrdreg s4  }
0xaa: {  	[dreg:$0x4] =	wrdreg $0xC0  }
0xab: {  	_ =	task [dreg:s6], $0x5FFFF  }
0xac: {  	[dreg:$0x1] =	wrdreg $0xFFFFFFFF  }
0xad: {  	[dreg:$0x0] =	wrdreg $0x60  }
0xae: {  	[dreg:$0x2] =	wrdreg s24  }
0xaf: {  	[dreg:$0x3] =	wrdreg $0x14000  }
0xb0: {  	[dreg:$0x4] =	wrdreg $0x9  }
0xb1: {  	_ =	task.clear_ibuf [dreg:s6], $0x5FFFF;
	_ =	strace $0x90000046  }
0xb2: {  	s29 =	simm.s32 $0x9;
	_ =	strace $0x80000048  }
0xb3: {  	_ =	swait.ge [sflag:s29], $0x1  }
0xb4: {  	[sflag:s29] =	ssyncadd.s32 $0xFFFFFFFF  }
0xb5: {  	_ =	strace $0x90000048  }
0xb6: {  	_ =	sfence  }
0xb7: {  	s30 =	sld [smem:$0x0];
	_ =	sdelay $0x2  }
0xb8: {  	s31 =	sshll.u32 s1, $0xD;
	s1 =	sshrl.u32 s1, $0x2  }
0xb9: {  	s3 =	sand.u32 $0x4000, s31;
	s1 =	sadd.s32 s1, s30  }
0xba: {  	s0 =	sor.u32 s3, s0;
	s1 =	sshll.u32 s1, $0x11  }
0xbb: {  	s0 =	sor.u32 s1, s0  }
0xbc: {  	s0 =	sadd.s32 $0x8F2B, s0  }
0xbd: {  	[sflag:s0] =	ssyncadd.remote.s32 $0x1  }
0xbe: {  	_ =	sfence.sel $0xFFFF  }
0xbf: {  	[dreg:$0x0] =	wrdreg $0xFFFFFFFF;
	(pc) =	sbr.abs _section_cstart, $3  }
0xc0: {  	[dreg:$0x1] =	wrdreg $0xFFFFFFFF  }
0xc1: {  	_ =	task.clear_ibuf [dreg:s6], $0x2FFFF;
	_ =	strace $0x9FFFFFFF  }
0xc2: {  	(tm) =	ssettm $0x7FFFFFFF  }
0xc3: {  	_ =	shalt  }
tec
execute0_lowered:
.L_overlay_start_1:
0x0: {  	(tag) =	ssettag $0x1  }
0x1: {  	s0 =	srdreg.scid;
	s8 =	rddreg [dreg:$0x0]  }
0x2: {  	s16 =	simm.s32 $0x20;
	s17 =	simm.s32 $0x80;
	s18 =	simm.s32 $0x100  }
0x3: {  	s19 =	simm.s32 $0x180;
	s20 =	simm.s32 $0x200;
	s6 =	sand.u32 $0x1, s0  }
0x4: {  	s21 =	simm.s32 $0x280;
	s0 =	stileid.u32;
	s2 =	smul.u32 $0x9C000, s6  }
0x5: {  	s22 =	simm.s32 $0x300;
	s23 =	simm.s32 $0x380;
	s26 =	smul.u32 $0x9C00, s0  }
0x6: {  	s24 =	simm.s32 $0x0;
	s5 =	sadd.s32 $0x52400, s8;
	s11 =	smul.u32 $0x4E000, s0  }
0x7: {  	s1 =	sshll.u32 s6, $0x4;
	s9 =	ssub.s32 $0x2, s6;
	s13 =	smul.u32 $0x138800, s6  }
0x8: {  	s6 =	simm.s32 $0x27;
	s28 =	smul.u32 $0x13800, s0;
	s7 =	sor.u32 s0, s1  }
0x9: {  	s31 =	sshll.u32 s0, $0x6;
	s12 =	sshrl.u32 s9, $0x1;
	s3 =	smax.u32 s7, $0x1E  }
0xa: {  	s1 =	sadd.s32 s26, s2;
	s2 =	rddreg [dreg:$0x1];
	p0 =	slt.u32 s7, $0x1E  }
0xb: {  	s9 =	ssub.s32 s9, s12;
	s11 =	sshrl.u32 s11, $0x2;
	s7 =	sadd.s32 s28, s13  }
0xc: {  	s29 =	sshrl.u32 s13, $0x3;
	s12 =	simm.s32 $0x1;
	s13 =	sor.u32 $0x1C01, s31  }
0xd: {  	s3 =	sshll.u32 s3, $0xA;
	s6 =	simm.s32 @!p0 $0x28;
	s14 =	sadd.s32 s11, s2  }
0xe: {  	s7 =	sshrl.u32 s7, $0x3;
	s15 =	sadd.s32 $0x138000, s2;
	s9 =	smax.u32 s9, $0x1  }
0xf: {  	p0 =	sne.s32 s0, $0xF;
	s11 =	simm.s32 $0x400;
	s4 =	sadd.s32 s3, s1  }
0x10: {  	s1 =	rddreg [dreg:$0x2];
	s3 =	simm.s32 $0x0;
	s4 =	sadd.s32 $0x131000, s4  }
0x11: {  	s14 =	sshrl.u32 s14, $0x3;
	[smem:$0x7FF] =	sst s3;
	s4 =	sshrl.u32 s4, $0x3  }
0x12: {  	s10 =	sadd.s32 s4, s8;
	s4 =	sadd.s32 $0x54C00, s8;
	s8 =	sadd.s32 $0x54E00, s8  }
0x13: {  	s15 =	sshrl.u32 @!p0 s15, $0x3;
	_ =	strace $0x80000047;
	s30 =	sadd.s32 s8, s29  }
0x14: {  	s7 =	sadd.s32 s8, s7;
	s10 =	sadd.s32 $0x4200, s10;
	s8 =	sadd.s32 $0x27000, s30  }
.LBB2_1:
0x15: {  	[tilespmem:s11], [sflag:$0x1] =	stream.linear.gather [hbm4b:s4+s3], $0x1000, $0x38;
	[tilespmem:$0x14C80] =	vst v63  }
0x16: {  	_ =	swait.ge [sflag:s12], $0x1000  }
0x17: {  	[sflag:s12] =	ssyncset.done $0x0  }
0x18: {  	[sflag:s12] =	ssyncadd.s32 $0xFFFFF000  }
0x19: {  	[spmem:s14], [sflag:s13] =	dma.local [hbm:s5], $0x2700  }
0x1a: {  	_ =	swait.ge [sflag:s12], $0x2700  }
0x1b: {  	[sflag:s12] =	ssyncset.done $0x0  }
0x1c: {  	s25 =	simm.s32 @!p0 $0x1;
	[sflag:s12] =	ssyncadd.s32 $0xFFFFD900  }
0x1d: {  	[spmem:s15], [sflag:s13] =	dma.local @!p0 [hbm:s5], $0x100  }
0x1e: {  	_ =	swait.ge @!p0 [sflag:s25], $0x100  }
0x1f: {  	[sflag:s25] =	ssyncset.done @!p0 $0x0  }
0x20: {  	[sflag:s25] =	ssyncadd.s32 @!p0 $0xFFFFFF00  }
0x21: {  	[bflag:$0x0] =	sbarrier.arrive $0xFFFF  }
0x22: {  	[tilespmem:s3], [sflag:$0x1] =	stream.linear.gather [hbm4b:s10+s3], $0x400, $0x38;
	[tilespmem:$0x14C80] =	vst v63  }
0x23: {  	_ =	swait.ge [sflag:s12], $0x400  }
0x24: {  	[sflag:s12] =	ssyncset.done $0x0  }
0x25: {  	[sflag:s12] =	ssyncadd.s32 $0xFFFFFC00  }
0x26: {  	[spmem:s2] =	stream.indirect.scatter.add.f32 [tilespmem:s11], [sflag:$0x1], $0x80, s3, s16, $0xb8;
	[tilespmem:$0x14C80] =	vst v63  }
0x27: {  	_ =	swait.ge [sflag:s12], $0x1000  }
0x28: {  	[sflag:s12] =	ssyncset.done $0x0  }
0x29: {  	[sflag:s12] =	ssyncadd.s32 $0xFFFFF000  }
0x2a: {  	[spmem:s2] =	stream.indirect.scatter.add.f32 [tilespmem:s11], [sflag:$0x1], $0x80, s17, s16, $0xb8;
	[tilespmem:$0x14C80] =	vst v63  }
0x2b: {  	_ =	swait.ge [sflag:s12], $0x1000  }
0x2c: {  	[sflag:s12] =	ssyncset.done $0x0  }
0x2d: {  	[sflag:s12] =	ssyncadd.s32 $0xFFFFF000  }
0x2e: {  	[spmem:s2] =	stream.indirect.scatter.add.f32 [tilespmem:s11], [sflag:$0x1], $0x80, s18, s16, $0xb8;
	[tilespmem:$0x14C80] =	vst v63  }
0x2f: {  	_ =	swait.ge [sflag:s12], $0x1000  }
0x30: {  	[sflag:s12] =	ssyncset.done $0x0  }
0x31: {  	[sflag:s12] =	ssyncadd.s32 $0xFFFFF000  }
0x32: {  	[spmem:s2] =	stream.indirect.scatter.add.f32 [tilespmem:s11], [sflag:$0x1], $0x80, s19, s16, $0xb8;
	[tilespmem:$0x14C80] =	vst v63  }
0x33: {  	_ =	swait.ge [sflag:s12], $0x1000  }
0x34: {  	[sflag:s12] =	ssyncset.done $0x0  }
0x35: {  	[sflag:s12] =	ssyncadd.s32 $0xFFFFF000  }
0x36: {  	[spmem:s2] =	stream.indirect.scatter.add.f32 [tilespmem:s11], [sflag:$0x1], $0x80, s20, s16, $0xb8;
	[tilespmem:$0x14C80] =	vst v63  }
0x37: {  	_ =	swait.ge [sflag:s12], $0x1000  }
0x38: {  	[sflag:s12] =	ssyncset.done $0x0  }
0x39: {  	[sflag:s12] =	ssyncadd.s32 $0xFFFFF000  }
0x3a: {  	[spmem:s2] =	stream.indirect.scatter.add.f32 [tilespmem:s11], [sflag:$0x1], $0x80, s21, s16, $0xb8;
	[tilespmem:$0x14C80] =	vst v63  }
0x3b: {  	_ =	swait.ge [sflag:s12], $0x1000  }
0x3c: {  	[sflag:s12] =	ssyncset.done $0x0  }
0x3d: {  	[sflag:s12] =	ssyncadd.s32 $0xFFFFF000  }
0x3e: {  	[spmem:s2] =	stream.indirect.scatter.add.f32 [tilespmem:s11], [sflag:$0x1], $0x80, s22, s16, $0xb8;
	[tilespmem:$0x14C80] =	vst v63  }
0x3f: {  	p1 =	sne.s32 s6, $0x1;
	_ =	swait.ge [sflag:s12], $0x1000  }
.Ltmp0:
0x40: {  	[sflag:s12] =	ssyncset.done $0x0;
	(pc) =	sbr.rel @!p1 .LBB2_3-.Ltmp0, $4  }
0x41: {  	[sflag:s12] =	ssyncadd.s32 $0xFFFFF000  }
0x42: {  	[spmem:s2] =	stream.indirect.scatter.add.f32 [tilespmem:s11], [sflag:$0x1], $0x80, s23, s16, $0xb8;
	[tilespmem:$0x14C80] =	vst v63  }
0x43: {  	_ =	swait.ge [sflag:s12], $0x1000  }
0x44: {  	s26 =	sadd.s32 $0xFFFFFFFF, s6;
	s28 =	smov.u32 s10;
	[sflag:s12] =	ssyncset.done $0x0  }
.LBB2_2:
0x45: {  	p1 =	sne.s32 s26, $0x1;
	[sflag:s12] =	ssyncadd.s32 $0xFFFFF000;
	s28 =	sadd.s32 $0x80, s28  }
0x46: {  	[tilespmem:s3], [sflag:$0x1] =	stream.linear.gather [hbm4b:s28+s3], $0x400, $0x38;
	[tilespmem:$0x14C80] =	vst v63  }
0x47: {  	s26 =	sadd.s32 $0xFFFFFFFF, s26;
	_ =	swait.ge [sflag:s12], $0x400  }
0x48: {  	[sflag:s12] =	ssyncset.done $0x0  }
0x49: {  	[sflag:s12] =	ssyncadd.s32 $0xFFFFFC00  }
0x4a: {  	[spmem:s2] =	stream.indirect.scatter.add.f32 [tilespmem:s11], [sflag:$0x1], $0x80, s3, s16, $0xb8;
	[tilespmem:$0x14C80] =	vst v63  }
0x4b: {  	_ =	swait.ge [sflag:s12], $0x1000  }
0x4c: {  	[sflag:s12] =	ssyncset.done $0x0  }
0x4d: {  	[sflag:s12] =	ssyncadd.s32 $0xFFFFF000  }
0x4e: {  	[spmem:s2] =	stream.indirect.scatter.add.f32 [tilespmem:s11], [sflag:$0x1], $0x80, s17, s16, $0xb8;
	[tilespmem:$0x14C80] =	vst v63  }
0x4f: {  	_ =	swait.ge [sflag:s12], $0x1000  }
0x50: {  	[sflag:s12] =	ssyncset.done $0x0  }
0x51: {  	[sflag:s12] =	ssyncadd.s32 $0xFFFFF000  }
0x52: {  	[spmem:s2] =	stream.indirect.scatter.add.f32 [tilespmem:s11], [sflag:$0x1], $0x80, s18, s16, $0xb8;
	[tilespmem:$0x14C80] =	vst v63  }
0x53: {  	_ =	swait.ge [sflag:s12], $0x1000  }
0x54: {  	[sflag:s12] =	ssyncset.done $0x0  }
0x55: {  	[sflag:s12] =	ssyncadd.s32 $0xFFFFF000  }
0x56: {  	[spmem:s2] =	stream.indirect.scatter.add.f32 [tilespmem:s11], [sflag:$0x1], $0x80, s19, s16, $0xb8;
	[tilespmem:$0x14C80] =	vst v63  }
0x57: {  	_ =	swait.ge [sflag:s12], $0x1000  }
0x58: {  	[sflag:s12] =	ssyncset.done $0x0  }
0x59: {  	[sflag:s12] =	ssyncadd.s32 $0xFFFFF000  }
0x5a: {  	[spmem:s2] =	stream.indirect.scatter.add.f32 [tilespmem:s11], [sflag:$0x1], $0x80, s20, s16, $0xb8;
	[tilespmem:$0x14C80] =	vst v63  }
0x5b: {  	_ =	swait.ge [sflag:s12], $0x1000  }
0x5c: {  	[sflag:s12] =	ssyncset.done $0x0  }
0x5d: {  	[sflag:s12] =	ssyncadd.s32 $0xFFFFF000  }
0x5e: {  	[spmem:s2] =	stream.indirect.scatter.add.f32 [tilespmem:s11], [sflag:$0x1], $0x80, s21, s16, $0xb8;
	[tilespmem:$0x14C80] =	vst v63  }
0x5f: {  	_ =	swait.ge [sflag:s12], $0x1000  }
0x60: {  	[sflag:s12] =	ssyncset.done $0x0  }
0x61: {  	[sflag:s12] =	ssyncadd.s32 $0xFFFFF000  }
0x62: {  	[spmem:s2] =	stream.indirect.scatter.add.f32 [tilespmem:s11], [sflag:$0x1], $0x80, s22, s16, $0xb8;
	[tilespmem:$0x14C80] =	vst v63  }
0x63: {  	_ =	swait.ge [sflag:s12], $0x1000  }
.Ltmp1:
0x64: {  	[sflag:s12] =	ssyncset.done $0x0;
	(pc) =	sbr.rel @p1 .LBB2_2-.Ltmp1, $4  }
0x65: {  	[sflag:s12] =	ssyncadd.s32 $0xFFFFF000  }
0x66: {  	[spmem:s2] =	stream.indirect.scatter.add.f32 [tilespmem:s11], [sflag:$0x1], $0x80, s23, s16, $0xb8;
	[tilespmem:$0x14C80] =	vst v63  }
0x67: {  	_ =	swait.ge [sflag:s12], $0x1000  }
0x68: {  	[sflag:s12] =	ssyncset.done $0x0  }
.LBB2_3:
0x69: {  	[sflag:s12] =	ssyncadd.s32 $0xFFFFF000  }
0x6a: {  	[bflag:$0x0] =	sbarrier.arrive $0xFFFF  }
0x6b: {  	[hbm:s7], [sflag:s13] =	dma.local [spmem:s14], $0x2700  }
0x6c: {  	s24 =	sadd.s32 $0x1, s24;
	_ =	swait.ge [sflag:s12], $0x2700  }
0x6d: {  	p1 =	sne.s32 s24, s9;
	[sflag:s12] =	ssyncset.done $0x0  }
.Ltmp2:
0x6e: {  	[sflag:s12] =	ssyncadd.s32 $0xFFFFD900;
	(pc) =	sbr.rel @p1 .LBB2_1-.Ltmp2, $4  }
0x6f: {  	[hbm:s8], [sflag:s13] =	dma.local @!p0 [spmem:s15], $0x100  }
0x70: {  	_ =	swait.ge @!p0 [sflag:s25], $0x100  }
0x71: {  	[sflag:s25] =	ssyncset.done @!p0 $0x0  }
0x72: {  	[sflag:s25] =	ssyncadd.s32 @!p0 $0xFFFFFF00  }
0x73: {  	_ =	sfence.sel $0x180000  }
0x74: {  	[bflag:$0x0] =	sbarrier.arrive $0xFFFF  }
0x75: {  	p0 =	sne.s32 s0, $0x0;
	_ =	strace $0x90000047  }
0x76: {  	s0 =	sadd.s32 @!p0 $0x100000, s1;
	[bflag:$0x2] =	sbarrier.arrive $0xFFFF  }
0x77: {  	[sflag:s0] =	ssyncadd.tile.s32 @!p0 $0x1;
	_ =	shalt  }
.Lfunc_end2:
_tile_overlayer_lowered:
.L_overlay_start_2:
0x78: {  	(tag) =	ssettag $0x2  }
0x79: {  	s0 =	rddreg [dreg:$0x0];
	s2 =	stileid.u32  }
0x7a: {  	s1 =	rddreg [dreg:$0x1];
	p0 =	sne.s32 s2, $0x0  }
0x7b: {  	s3 =	rddreg [dreg:$0x2];
	[bflag:$0x3] =	sbarrier.arrive $0xFFFF;
	s2 =	simm.s32 @!p0 $0x1C01  }
0x7c: {  	[timem:s3], [sflag:s2] =	dma.local @!p0 [hbm:s0], s1  }
0x7d: {  	s0 =	simm.s32 @!p0 $0x1  }
0x7e: {  	_ =	swait.ge @!p0 [sflag:s0], s1  }
0x7f: {  	s1 =	ssub.s32 @!p0 $0x0, s1;
	[sflag:s0] =	ssyncset.done @!p0 $0x0  }
0x80: {  	[sflag:s0] =	ssyncadd.s32 @!p0 s1  }
0x81: {  	[bflag:$0x3] =	sbarrier.arrive $0xFFFF  }
0x82: {  	_ =	shalt  }

// kernel: kernel.13.cloned.1.call-start
scs
__scs_entry_jumppad:
0x0: {  	(pc) =	sbr.rel $0x88, $3  }
0x1: {  	(tag) =	ssettag $0x0;
	lr =	simm.s32 $0x1  }
0x2: {  	[smem:$0x3F91] =	sst lr;
	_ =	strace $0xD0000000  }
0x3: {  	_ = 	snop  }
0x4: {  	_ = 	snop  }
0x5: {  	_ = 	snop  }
0x6: {  	_ = 	snop  }
0x7: {  	_ = 	snop  }
__scs_overlays_trampoline_lowered:
0x8: {  	[smem:$0x3FA0] =	sst s0  }
0x9: {  	[smem:$0x3FA1] =	sst s1  }
0xa: {  	[smem:$0x3FA2] =	sst s2  }
0xb: {  	[smem:$0x3FA3] =	sst s3  }
0xc: {  	[smem:$0x3FA4] =	sst s4  }
0xd: {  	[smem:$0x3FA5] =	sst s5  }
0xe: {  	[smem:$0x3FA6] =	sst s6  }
0xf: {  	[smem:$0x3FA7] =	sst s7  }
0x10: {  	[smem:$0x3FA8] =	sst s8  }
0x11: {  	[smem:$0x3FA9] =	sst s9;
	s0 =	simm.s32 @!p0 $0x0  }
0x12: {  	s1 =	sld [smem:$0x3F8F];
	s0 =	simm.s32 @p0 $0x1  }
0x13: {  	[smem:$0x3FAA] =	sst s0;
	s0 =	simm.s32 @!p1 $0x0  }
0x14: {  	s2 =	sld [smem:$0x3F8E];
	s0 =	simm.s32 @p1 $0x1  }
0x15: {  	[smem:$0x3FAB] =	sst s0;
	s0 =	simm.s32 @!p2 $0x0  }
0x16: {  	s3 =	sld [smem:$0x3FDB];
	s0 =	simm.s32 @p2 $0x1  }
0x17: {  	s4 =	simm.s32 $0x1BF5;
	[smem:$0x3FAD] =	sst s0  }
0x18: {  	s0 =	sld [smem:$0x3F90];
	_ =	swait.ge [sflag:s4], $0x0  }
0x19: {  	s7 =	sld [smem:$0x3F91]  }
0x1a: {  	s8 =	sadd.s32 $0xFFFFE003, lr  }
0x1b: {  	s9 =	sadd.s32 $0xFFFFFEF7, lr;
	s5 =	simm.s32 $0xFFFFFFFF;
	p2 =	slt.u32 s8, $0xFFFFF086  }
0x1c: {  	p1 =	slt.u32 s9, $0xF7A;
	s5 =	simm.s32 @!p2 $0x0  }
0x1d: {  	s5 =	simm.s32 @p1 $0x1;
	p0 =	seq.s32 s7, s2  }
0x1e: {  	s7 =	smul.u32 @!p0 $0xF7A, s2;
	p2 =	seq.s32 @!p0 s5, $0x0  }
0x1f: {  	s9 =	smul.u32 $0xF7A, s1;
	s8 =	simm.s32 @!p0 $0x1BF5;
	p2 =	por !p2, p0  }
0x20: {  	[sflag:s8] =	ssyncset.s32 @!p0 $0xFFFFF086;
	s6 =	sadd.s32 @!p0 s3, s7;
	s7 =	simm.s32 @!p0 $0x108  }
0x21: {  	s3 =	sadd.s32 s3, s9;
	s6 =	sadd.s32 @!p0 $0x88, s6;
	s7 =	simm.s32 @p2 $0x1082  }
0x22: {  	[simem:s7], [sflag:s8] =	dma.local @!p0 [hbm:s6], $0xF7A  }
0x23: {  	s9 =	sor.u32 $0xD0000000, s2;
	s6 =	simm.s32 $0x108;
	_ =	swait.ge @!p0 [sflag:s8], $0x0  }
0x24: {  	s3 =	sadd.s32 $0x88, s3;
	s6 =	simm.s32 @!p1 $0x1082;
	[sflag:s4] =	ssyncset.s32 $0xFFFFF086  }
0x25: {  	[simem:s6], [sflag:s4] =	dma.local [hbm:s3], $0xF7A  }
0x26: {  	[smem:$0x3F91] =	sst s1;
	(tag) =	ssettag s2;
	_ =	strace s9  }
0x27: {  	s1 =	sld [smem:$0x3FA1]  }
0x28: {  	s2 =	sld [smem:$0x3FA2]  }
0x29: {  	s4 =	sld [smem:$0x3FA4]  }
0x2a: {  	p0 =	seq.s32 s5, $0x0;
	s5 =	sld [smem:$0x3FA5]  }
0x2b: {  	s6 =	sld [smem:$0x3FA6]  }
0x2c: {  	s7 =	sld [smem:$0x3FA7]  }
0x2d: {  	s3 =	simm.s32 $0x108;
	s8 =	sld [smem:$0x3FA8]  }
0x2e: {  	s3 =	simm.s32 @!p0 $0x1082;
	s9 =	sld [smem:$0x3FA9]  }
0x2f: {  	lr =	sadd.s32 s0, s3;
	s0 =	sld [smem:$0x3FA0]  }
0x30: {  	s3 =	sld [smem:$0x3FA3]  }
0x31: {  	[smem:$0x3FAC] =	sst s10  }
0x32: {  	s10 =	sld [smem:$0x3FAA];
	_ =	sdelay $0x3  }
0x33: {  	p0 =	seq.s32 s10, $0x1;
	s10 =	sld [smem:$0x3FAC];
	_ =	sdelay $0x3  }
0x34: {  	[smem:$0x3FAC] =	sst s10  }
0x35: {  	s10 =	sld [smem:$0x3FAB];
	_ =	sdelay $0x3  }
0x36: {  	p1 =	seq.s32 s10, $0x1;
	s10 =	sld [smem:$0x3FAC];
	_ =	sdelay $0x3  }
0x37: {  	[smem:$0x3FAC] =	sst s10  }
0x38: {  	s10 =	sld [smem:$0x3FAD]  }
0x39: {  	_ = 	snop;
	(pc) =	sbr.ind lr, $3  }
0x3a: {  	_ = 	snop  }
0x3b: {  	_ = 	snop  }
0x3c: {  	p2 =	seq.s32 s10, $0x1;
	s10 =	sld [smem:$0x3FAC]  }
0x3d: {  	_ =	shalt  }
0x3e: {  	_ =	shalt  }
0x3f: {  	_ =	shalt  }
0x40: {  	_ =	shalt  }
0x41: {  	_ =	shalt  }
0x42: {  	_ =	shalt  }
0x43: {  	_ =	shalt  }
0x44: {  	_ =	shalt  }
0x45: {  	_ =	shalt  }
0x46: {  	_ =	shalt  }
0x47: {  	_ =	shalt  }
0x48: {  	_ =	shalt  }
0x49: {  	_ =	shalt  }
0x4a: {  	_ =	shalt  }
0x4b: {  	_ =	shalt  }
0x4c: {  	_ =	shalt  }
0x4d: {  	_ =	shalt  }
0x4e: {  	_ =	shalt  }
0x4f: {  	_ =	shalt  }
0x50: {  	_ =	shalt  }
0x51: {  	_ =	shalt  }
0x52: {  	_ =	shalt  }
0x53: {  	_ =	shalt  }
0x54: {  	_ =	shalt  }
0x55: {  	_ =	shalt  }
0x56: {  	_ =	shalt  }
0x57: {  	_ =	shalt  }
0x58: {  	_ =	shalt  }
0x59: {  	_ =	shalt  }
0x5a: {  	_ =	shalt  }
0x5b: {  	_ =	shalt  }
0x5c: {  	_ =	shalt  }
0x5d: {  	_ =	shalt  }
0x5e: {  	_ =	shalt  }
0x5f: {  	_ =	shalt  }
0x60: {  	_ =	shalt  }
0x61: {  	_ =	shalt  }
0x62: {  	_ =	shalt  }
0x63: {  	_ =	shalt  }
0x64: {  	_ =	shalt  }
0x65: {  	_ =	shalt  }
0x66: {  	_ =	shalt  }
0x67: {  	_ =	shalt  }
0x68: {  	_ =	shalt  }
0x69: {  	_ =	shalt  }
0x6a: {  	_ =	shalt  }
0x6b: {  	_ =	shalt  }
0x6c: {  	_ =	shalt  }
0x6d: {  	_ =	shalt  }
0x6e: {  	_ =	shalt  }
0x6f: {  	_ =	shalt  }
0x70: {  	_ =	shalt  }
0x71: {  	_ =	shalt  }
0x72: {  	_ =	shalt  }
0x73: {  	_ =	shalt  }
0x74: {  	_ =	shalt  }
0x75: {  	_ =	shalt  }
0x76: {  	_ =	shalt  }
0x77: {  	_ =	shalt  }
0x78: {  	_ =	shalt  }
0x79: {  	_ =	shalt  }
0x7a: {  	_ =	shalt  }
0x7b: {  	_ =	shalt  }
0x7c: {  	_ =	shalt  }
0x7d: {  	_ =	shalt  }
0x7e: {  	_ =	shalt  }
0x7f: {  	_ =	shalt  }
0x80: {  	_ =	shalt  }
0x81: {  	_ =	shalt  }
0x82: {  	_ =	shalt  }
0x83: {  	_ =	shalt  }
0x84: {  	_ =	shalt  }
0x85: {  	_ =	shalt  }
0x86: {  	_ =	shalt  }
0x87: {  	_ =	shalt  }
.Lfunc_end0:
.L_simem_size_0:
called_computation.1_lowered:
.L_overlay_start_0:
0x88: {  	s2 =	sld [smem:$0x3FD9]  }
0x89: {  	s3 =	sld [smem:$0x3FFE];
	_ =	sdelay $0x1  }
0x8a: {  	s1 =	srdreg.scid  }
0x8b: {  	s0 =	sand.u32 $0x1, s1  }
0x8c: {  	s16 =	sshll.u32 s0, $0xA;
	s2 =	sadd.s32 s3, s2  }
0x8d: {  	s2 =	sadd.s32 s2, s16  }
0x8e: {  	[smem:$0x3FB8] =	sst s2  }
0x8f: {  	_ = 	snop  }
0x90: {  	(tm) =	ssettm $0x1  }
0x91: {  	s17 =	sld [smem:$0x3FFB];
	_ =	sdelay $0x3  }
0x92: {  	_ =	strace s17  }
0x93: {  	s2 =	sld [smem:$0x3FFC];
	_ =	sdelay $0x3  }
0x94: {  	_ =	strace s2  }
0x95: {  	s2 =	sld [smem:$0x3FFD];
	_ =	sdelay $0x3  }
0x96: {  	_ =	strace s2  }
0x97: {  	_ =	strace $0x8FFFFFFF  }
0x98: {  	s18 =	sld [smem:$0x3FDB];
	_ =	sdelay $0x1  }
0x99: {  	s19 =	simm.s32 $_scs_section_size  }
0x9a: {  	s4 =	simm.s32 $_size__tile_overlayer_lowered;
	s5 =	simm.s32 $_tile_overlayer_lowered  }
0x9b: {  	s22 =	simm.s32 $0x1BFF;
	s21 =	sshll.u32 s5, $0x1;
	s2 =	sadd.s32 s19, s18  }
0x9c: {  	s6 =	simm.s32 $0x0;
	s20 =	sshll.u32 s4, $0x1;
	s4 =	sadd.s32 s21, s2  }
0x9d: {  	[timem:s6], [sflag:s22] =	dma.local [hbm:s4], s20  }
0x9e: {  	_ =	swait.ge [sflag:s22], s20  }
0x9f: {  	s3 =	ssub.s32 $0x0, s20;
	[sflag:s22] =	ssyncset.done $0x0  }
0xa0: {  	[sflag:s22] =	ssyncadd.s32 s3;
	_ =	sdelay $0x1  }
0xa1: {  	s23 =	simm.s32 $0x1B8B  }
0xa2: {  	_ =	swait.ge [sflag:s23], $0x1  }
0xa3: {  	[sflag:s23] =	ssyncset.done $0x0  }
0xa4: {  	s25 =	simm.s32 $0x1B8E;
	s24 =	sld [smem:$0x3FFE];
	[sflag:s23] =	ssyncadd.s32 $0xFFFFFFFF  }
0xa5: {  	s26 =	simm.s32 $execute0_lowered;
	[smem:$0x3FD2] =	sst s25  }
0xa6: {  	s4 =	sshll.u32 s26, $0x1;
	_ =	strace $0x80000049;
	[dreg:$0x1] =	wrdreg $0xFFFFFFFF  }
0xa7: {  	s28 =	simm.s32 $_size_execute0_lowered;
	s2 =	sadd.s32 s2, s4;
	[dreg:$0x0] =	wrdreg $0x0  }
0xa8: {  	s4 =	sshll.u32 s28, $0x1;
	[dreg:$0x2] =	wrdreg s2  }
0xa9: {  	[dreg:$0x3] =	wrdreg s4  }
0xaa: {  	[dreg:$0x4] =	wrdreg $0xC0  }
0xab: {  	_ =	task [dreg:s6], $0x5FFFF  }
0xac: {  	[dreg:$0x1] =	wrdreg $0xFFFFFFFF  }
0xad: {  	[dreg:$0x0] =	wrdreg $0x60  }
0xae: {  	[dreg:$0x2] =	wrdreg s24  }
0xaf: {  	[dreg:$0x3] =	wrdreg $0x50000  }
0xb0: {  	[dreg:$0x4] =	wrdreg $0x9  }
0xb1: {  	_ =	task.clear_ibuf [dreg:s6], $0x5FFFF;
	_ =	strace $0x90000049  }
0xb2: {  	s29 =	simm.s32 $0x9;
	_ =	strace $0x8000004B  }
0xb3: {  	_ =	swait.ge [sflag:s29], $0x1  }
0xb4: {  	[sflag:s29] =	ssyncadd.s32 $0xFFFFFFFF  }
0xb5: {  	_ =	strace $0x9000004B  }
0xb6: {  	_ =	sfence  }
0xb7: {  	s30 =	sld [smem:$0x0];
	_ =	sdelay $0x2  }
0xb8: {  	s31 =	sshll.u32 s1, $0xD;
	s1 =	sshrl.u32 s1, $0x2  }
0xb9: {  	s3 =	sand.u32 $0x4000, s31;
	s1 =	sadd.s32 s1, s30  }
0xba: {  	s0 =	sor.u32 s3, s0;
	s1 =	sshll.u32 s1, $0x11  }
0xbb: {  	s0 =	sor.u32 s1, s0  }
0xbc: {  	s0 =	sadd.s32 $0x8F2B, s0  }
0xbd: {  	[sflag:s0] =	ssyncadd.remote.s32 $0x1  }
0xbe: {  	_ =	sfence.sel $0xFFFF  }
0xbf: {  	[dreg:$0x0] =	wrdreg $0xFFFFFFFF;
	(pc) =	sbr.abs _section_cstart, $3  }
0xc0: {  	[dreg:$0x1] =	wrdreg $0xFFFFFFFF  }
0xc1: {  	_ =	task.clear_ibuf [dreg:s6], $0x2FFFF;
	_ =	strace $0x9FFFFFFF  }
0xc2: {  	(tm) =	ssettm $0x7FFFFFFF  }
0xc3: {  	_ =	shalt  }
tec
execute0_lowered:
.L_overlay_start_1:
0x0: {  	(tag) =	ssettag $0x1  }
0x1: {  	s0 =	rddreg [dreg:$0x0]  }
0x2: {  	s1 =	rddreg [dreg:$0x1]  }
0x3: {  	s2 =	simm.s32 $0x0;
	s14 =	srdreg.scid;
	s5 =	stileid.u32  }
0x4: {  	s7 =	simm.s32 $0x28;
	s28 =	simm.s32 $0x4000;
	s29 =	simm.s32 $0x1  }
0x5: {  	s30 =	simm.s32 $0x2;
	s31 =	simm.s32 $0x3;
	[smem:$0x7FF] =	sst s2  }
0x6: {  	s3 =	sadd.s32 $0x54C00, s0;
	s21 =	sadd.s32 $0x4200, s0;
	s9 =	smul.u32 $0x27, s5  }
0x7: {  	s4 =	sadd.s32 $0x52400, s0;
	s2 =	sand.u32 $0x1, s14;
	s10 =	smul.u32 $0x4E000, s5  }
0x8: {  	s0 =	sadd.s32 $0x7BE00, s0;
	p0 =	seq.s32 s5, $0xF;
	s18 =	smul.u32 $0x13800, s5  }
0x9: {  	s19 =	sshll.u32 s5, $0x6;
	s20 =	smul.u32 $0x9C00, s5;
	s12 =	sadd.s32 $0x138000, s1  }
0xa: {  	_ =	strace $0x8000004A;
	[dreg:$0x3] =	wrdreg s4;
	s6 =	smul.u32 $0x271, s2  }
0xb: {  	s15 =	ssub.s32 $0x2, s2;
	s7 =	simm.s32 @!p0 $0x27;
	s16 =	smul.u32 $0x138800, s2  }
0xc: {  	s2 =	smul.u32 $0x9C400, s2;
	p0 =	sne.s32 s5, $0xF;
	s8 =	sshrl.u32 s15, $0x1  }
0xd: {  	s17 =	sshrl.u32 s10, $0x2;
	s5 =	sshrl.u32 @!p0 s12, $0x3;
	s4 =	ssub.s32 s15, s8  }
0xe: {  	s6 =	sadd.s32 s9, s6;
	s11 =	sadd.s32 s17, s1;
	s9 =	sor.u32 $0x1C05, s19  }
0xf: {  	s10 =	sadd.s32 s18, s16;
	s8 =	sshrl.u32 s16, $0x3;
	s2 =	sadd.s32 s20, s2  }
0x10: {  	s17 =	simm.s32 $0x5;
	s20 =	simm.s32 $0x20;
	[dreg:$0xd] =	wrdreg s5  }
0x11: {  	s19 =	simm.s32 $0x1000;
	s4 =	smax.u32 s4, $0x1;
	[dreg:$0x5] =	wrdreg s9  }
0x12: {  	s6 =	sshll.u32 s6, $0x7;
	s26 =	sadd.s32 $0x400, s2;
	[dreg:$0x9] =	wrdreg s4  }
0x13: {  	s22 =	sshrl.u32 s10, $0x3;
	s13 =	sadd.s32 s21, s6;
	[dreg:$0xb] =	wrdreg s26  }
0x14: {  	s8 =	sadd.s32 s0, s8;
	s0 =	sadd.s32 s0, s22;
	[dreg:$0x4] =	wrdreg s13  }
0x15: {  	s23 =	sadd.s32 $0x138C00, s2;
	s24 =	sadd.s32 $0x27000, s8;
	[dreg:$0x7] =	wrdreg s0  }
0x16: {  	s25 =	sshrl.u32 s23, $0x3;
	s4 =	sshrl.u32 s11, $0x3;
	[dreg:$0x8] =	wrdreg s24  }
0x17: {  	s23 =	simm.s32 $0x2000;
	s13 =	sadd.s32 $0x27100, s13;
	[dreg:$0xc] =	wrdreg s4  }
0x18: {  	s6 =	simm.s32 $0x0;
	s0 =	sadd.s32 s25, s21;
	[dreg:$0x6] =	wrdreg s13  }
0x19: {  	s25 =	simm.s32 $0x3000;
	[dreg:$0xa] =	wrdreg s0;
	s0 =	simm.s32 $0x4  }
.LBB2_1:
0x1a: {  	[dreg:$0xe] =	wrdreg s6  }
0x1b: {  	s2 =	rddreg [dreg:$0x3]  }
0x1c: {  	[spmem:s4], [sflag:s9] =	dma.local [hbm:s2], $0x2700  }
0x1d: {  	_ =	swait.ge [sflag:s17], $0x2700  }
0x1e: {  	[sflag:s17] =	ssyncset.done $0x0  }
0x1f: {  	[sflag:s17] =	ssyncadd.s32 $0xFFFFD900  }
0x20: {  	[spmem:s5], [sflag:s9] =	dma.local @!p0 [hbm:s2], $0x100  }
0x21: {  	s2 =	simm.s32 @!p0 $0x5  }
0x22: {  	_ =	swait.ge @!p0 [sflag:s2], $0x100  }
0x23: {  	[sflag:s2] =	ssyncset.done @!p0 $0x0  }
0x24: {  	[sflag:s2] =	ssyncadd.s32 @!p0 $0xFFFFFF00  }
0x25: {  	[bflag:$0x0] =	sbarrier.arrive $0xFFFF  }
0x26: {  	s11 =	simm.s32 $0x0;
	s12 =	rddreg [dreg:$0x4]  }
0x27: {  	[tilespmem:s11], [sflag:$0x5] =	stream.linear.gather [hbm4b:s12+s11], $0x400, $0x38;
	[tilespmem:$0x18880] =	vst v63  }
0x28: {  	_ =	swait.ge [sflag:s17], $0x400  }
0x29: {  	[sflag:s17] =	ssyncset.done $0x0  }
0x2a: {  	s14 =	simm.s32 $0x800;
	s13 =	rddreg [dreg:$0x6];
	[sflag:s17] =	ssyncadd.s32 $0xFFFFFC00  }
0x2b: {  	[tilespmem:s14], [sflag:$0x5] =	stream.linear.gather [hbm4b:s13+s11], $0x400, $0x38;
	[tilespmem:$0x18880] =	vst v63  }
0x2c: {  	_ =	swait.ge [sflag:s17], $0x400  }
0x2d: {  	[sflag:s17] =	ssyncset.done $0x0  }
0x2e: {  	[sflag:s17] =	ssyncadd.s32 $0xFFFFFC00  }
0x2f: {  	[tilespmem:s19], [sflag:$0x1] =	stream.indirect.gather [hbm4b:s3+s20], $0x80, s11, s20, $0xb8;
	[tilespmem:$0x18880] =	vst v63  }
0x30: {  	s15 =	simm.s32 $0x80  }
0x31: {  	[tilespmem:s23], [sflag:$0x2] =	stream.indirect.gather [hbm4b:s3+s20], $0x80, s15, s20, $0xb8;
	[tilespmem:$0x18880] =	vst v63  }
0x32: {  	s16 =	simm.s32 $0x100  }
0x33: {  	[tilespmem:s25], [sflag:$0x3] =	stream.indirect.gather [hbm4b:s3+s20], $0x80, s16, s20, $0xb8;
	[tilespmem:$0x18880] =	vst v63  }
0x34: {  	s18 =	simm.s32 $0x180  }
0x35: {  	[tilespmem:s28], [sflag:$0x4] =	stream.indirect.gather [hbm4b:s3+s20], $0x80, s18, s20, $0xb8;
	[tilespmem:$0x18880] =	vst v63  }
0x36: {  	s11 =	sand.u32 $0x1, s11;
	_ =	swait.ge [sflag:s29], $0x1000  }
0x37: {  	s2 =	sshll.u32 s11, $0xA;
	[sflag:s29] =	ssyncset.done $0x0  }
0x38: {  	s22 =	sor.u32 $0x800, s2;
	[sflag:s29] =	ssyncadd.s32 $0xFFFFF000  }
0x39: {  	[spmem:s1] =	stream.indirect.scatter.add.f32 [tilespmem:s19], [sflag:$0x5], $0x80, s22, s20, $0xb8;
	[tilespmem:$0x18880] =	vst v63  }
0x3a: {  	_ =	swait.ge [sflag:s17], $0x1000  }
0x3b: {  	[sflag:s17] =	ssyncset.done $0x0  }
0x3c: {  	s10 =	sor.u32 $0x200, s2;
	[sflag:s17] =	ssyncadd.s32 $0xFFFFF000  }
0x3d: {  	[tilespmem:s19], [sflag:$0x1] =	stream.indirect.gather [hbm4b:s3+s20], $0x80, s10, s20, $0xb8;
	[tilespmem:$0x18880] =	vst v63  }
0x3e: {  	_ =	swait.ge [sflag:s30], $0x1000  }
0x3f: {  	[sflag:s30] =	ssyncset.done $0x0  }
0x40: {  	s24 =	sor.u32 $0x880, s2;
	[sflag:s30] =	ssyncadd.s32 $0xFFFFF000  }
0x41: {  	[spmem:s1] =	stream.indirect.scatter.add.f32 [tilespmem:s23], [sflag:$0x5], $0x80, s24, s20, $0xb8;
	[tilespmem:$0x18880] =	vst v63  }
0x42: {  	_ =	swait.ge [sflag:s17], $0x1000  }
0x43: {  	[sflag:s17] =	ssyncset.done $0x0  }
0x44: {  	s8 =	sor.u32 $0x280, s2;
	[sflag:s17] =	ssyncadd.s32 $0xFFFFF000  }
0x45: {  	[tilespmem:s23], [sflag:$0x2] =	stream.indirect.gather [hbm4b:s3+s20], $0x80, s8, s20, $0xb8;
	[tilespmem:$0x18880] =	vst v63  }
0x46: {  	_ =	swait.ge [sflag:s31], $0x1000  }
0x47: {  	[sflag:s31] =	ssyncset.done $0x0  }
0x48: {  	s26 =	sor.u32 $0x900, s2;
	[sflag:s31] =	ssyncadd.s32 $0xFFFFF000  }
0x49: {  	[spmem:s1] =	stream.indirect.scatter.add.f32 [tilespmem:s25], [sflag:$0x5], $0x80, s26, s20, $0xb8;
	[tilespmem:$0x18880] =	vst v63  }
0x4a: {  	_ =	swait.ge [sflag:s17], $0x1000  }
0x4b: {  	[sflag:s17] =	ssyncset.done $0x0  }
0x4c: {  	s6 =	sor.u32 $0x300, s2;
	[sflag:s17] =	ssyncadd.s32 $0xFFFFF000  }
0x4d: {  	[tilespmem:s25], [sflag:$0x3] =	stream.indirect.gather [hbm4b:s3+s20], $0x80, s6, s20, $0xb8;
	[tilespmem:$0x18880] =	vst v63  }
0x4e: {  	_ =	swait.ge [sflag:s0], $0x1000  }
0x4f: {  	[sflag:s0] =	ssyncset.done $0x0  }
0x50: {  	s12 =	sor.u32 $0x980, s2;
	[sflag:s0] =	ssyncadd.s32 $0xFFFFF000  }
0x51: {  	[spmem:s1] =	stream.indirect.scatter.add.f32 [tilespmem:s28], [sflag:$0x5], $0x80, s12, s20, $0xb8;
	[tilespmem:$0x18880] =	vst v63  }
0x52: {  	_ =	swait.ge [sflag:s17], $0x1000  }
0x53: {  	p1 =	sle.u32 s7, $0x1;
	[sflag:s17] =	ssyncset.done $0x0  }
0x54: {  	s2 =	sor.u32 $0x380, s2;
	s12 =	simm.s32 @p1 $0x1;
	[sflag:s17] =	ssyncadd.s32 $0xFFFFF000  }
0x55: {  	[tilespmem:s28], [sflag:$0x4] =	stream.indirect.gather [hbm4b:s3+s20], $0x80, s2, s20, $0xb8;
	[tilespmem:$0x18880] =	vst v63  }
0x56: {  	s13 =	simm.s32 @p1 $0x1000;
	_ =	swait.ge @p1 [sflag:s12], $0x1000  }
0x57: {  	s11 =	sxor.u32 $0x1, s11;
	s15 =	simm.s32 @p1 $0x20;
	[sflag:s12] =	ssyncset.done @p1 $0x0  }
0x58: {  	s14 =	sor.u32 @p1 $0x800, s10;
	[sflag:s12] =	ssyncadd.s32 @p1 $0xFFFFF000;
	s12 =	simm.s32 @p1 $0x5  }
0x59: {  	[spmem:s1] =	stream.indirect.scatter.add.f32 @p1 [tilespmem:s13], [sflag:$0x5], $0x80, s14, s15, $0xb8;
	[tilespmem:$0x18880] =	vst v63  }
0x5a: {  	s11 =	sshll.u32 @!p1 s11, $0xA;
	s5 =	rddreg [dreg:$0xb];
	_ =	swait.ge @p1 [sflag:s12], $0x1000  }
0x5b: {  	s16 =	simm.s32 @!p1 $0x5;
	s13 =	sshrl.u32 @!p1 s5, $0x3;
	[sflag:s12] =	ssyncset.done @p1 $0x0  }
0x5c: {  	s14 =	simm.s32 @!p1 $0x0;
	s13 =	sadd.s32 @!p1 s21, s13;
	[sflag:s12] =	ssyncadd.s32 @p1 $0xFFFFF000  }
0x5d: {  	[tilespmem:s11], [sflag:$0x5] =	stream.linear.gather @!p1 [hbm4b:s13+s14], $0x400, $0x38;
	[tilespmem:$0x18880] =	vst v63  }
0x5e: {  	_ =	swait.ge @!p1 [sflag:s16], $0x400  }
0x5f: {  	[sflag:s16] =	ssyncset.done @!p1 $0x0  }
0x60: {  	s13 =	sor.u32 @!p1 $0x800, s11;
	s4 =	rddreg [dreg:$0xa];
	[sflag:s16] =	ssyncadd.s32 @!p1 $0xFFFFFC00  }
0x61: {  	[tilespmem:s13], [sflag:$0x5] =	stream.linear.gather @!p1 [hbm4b:s4+s14], $0x400, $0x38;
	[tilespmem:$0x18880] =	vst v63  }
0x62: {  	_ =	swait.ge @!p1 [sflag:s16], $0x400  }
0x63: {  	[sflag:s16] =	ssyncset.done @!p1 $0x0  }
0x64: {  	s13 =	simm.s32 @!p1 $0x1;
	[sflag:s16] =	ssyncadd.s32 @!p1 $0xFFFFFC00  }
0x65: {  	_ =	swait.ge @!p1 [sflag:s13], $0x1000  }
0x66: {  	s14 =	sor.u32 @!p1 $0x800, s10;
	[sflag:s13] =	ssyncset.done @!p1 $0x0  }
0x67: {  	s10 =	simm.s32 @!p1 $0x20;
	[sflag:s13] =	ssyncadd.s32 @!p1 $0xFFFFF000;
	s13 =	simm.s32 @!p1 $0x1000  }
0x68: {  	[spmem:s1] =	stream.indirect.scatter.add.f32 @!p1 [tilespmem:s13], [sflag:$0x5], $0x80, s14, s10, $0xb8;
	[tilespmem:$0x18880] =	vst v63  }
0x69: {  	_ =	swait.ge @!p1 [sflag:s16], $0x1000  }
0x6a: {  	[sflag:s16] =	ssyncset.done @!p1 $0x0  }
0x6b: {  	[sflag:s16] =	ssyncadd.s32 @!p1 $0xFFFFF000  }
0x6c: {  	[tilespmem:s13], [sflag:$0x1] =	stream.indirect.gather @!p1 [hbm4b:s3+s10], $0x80, s11, s10, $0xb8;
	[tilespmem:$0x18880] =	vst v63  }
0x6d: {  	_ =	swait.ge [sflag:s30], $0x1000  }
0x6e: {  	[sflag:s30] =	ssyncset.done $0x0  }
0x6f: {  	s8 =	sor.u32 $0x800, s8;
	[sflag:s30] =	ssyncadd.s32 $0xFFFFF000  }
0x70: {  	[spmem:s1] =	stream.indirect.scatter.add.f32 [tilespmem:s23], [sflag:$0x5], $0x80, s8, s20, $0xb8;
	[tilespmem:$0x18880] =	vst v63  }
0x71: {  	_ =	swait.ge [sflag:s17], $0x1000  }
0x72: {  	[sflag:s17] =	ssyncset.done $0x0  }
0x73: {  	s8 =	simm.s32 @p1 $0x3;
	[sflag:s17] =	ssyncadd.s32 $0xFFFFF000  }
0x74: {  	_ =	swait.ge @p1 [sflag:s8], $0x1000  }
0x75: {  	[sflag:s8] =	ssyncset.done @p1 $0x0  }
0x76: {  	s13 =	sor.u32 @p1 $0x800, s6;
	[sflag:s8] =	ssyncadd.s32 @p1 $0xFFFFF000;
	s8 =	simm.s32 @p1 $0x3000  }
0x77: {  	[spmem:s1] =	stream.indirect.scatter.add.f32 @p1 [tilespmem:s8], [sflag:$0x5], $0x80, s13, s15, $0xb8;
	[tilespmem:$0x18880] =	vst v63  }
0x78: {  	_ =	swait.ge @p1 [sflag:s12], $0x1000  }
0x79: {  	[sflag:s12] =	ssyncset.done @p1 $0x0  }
0x7a: {  	s8 =	sor.u32 @!p1 $0x80, s11;
	[sflag:s12] =	ssyncadd.s32 @p1 $0xFFFFF000;
	s12 =	simm.s32 @!p1 $0x2000  }
0x7b: {  	[tilespmem:s12], [sflag:$0x2] =	stream.indirect.gather @!p1 [hbm4b:s3+s10], $0x80, s8, s10, $0xb8;
	[tilespmem:$0x18880] =	vst v63  }
0x7c: {  	s8 =	simm.s32 @!p1 $0x3  }
0x7d: {  	_ =	swait.ge @!p1 [sflag:s8], $0x1000  }
0x7e: {  	[sflag:s8] =	ssyncset.done @!p1 $0x0  }
0x7f: {  	s6 =	sor.u32 @!p1 $0x800, s6;
	[sflag:s8] =	ssyncadd.s32 @!p1 $0xFFFFF000;
	s8 =	simm.s32 @!p1 $0x3000  }
0x80: {  	[spmem:s1] =	stream.indirect.scatter.add.f32 @!p1 [tilespmem:s8], [sflag:$0x5], $0x80, s6, s10, $0xb8;
	[tilespmem:$0x18880] =	vst v63  }
0x81: {  	_ =	swait.ge @!p1 [sflag:s16], $0x1000  }
0x82: {  	[sflag:s16] =	ssyncset.done @!p1 $0x0  }
0x83: {  	s6 =	sor.u32 @!p1 $0x100, s11;
	[sflag:s16] =	ssyncadd.s32 @!p1 $0xFFFFF000  }
0x84: {  	[tilespmem:s8], [sflag:$0x3] =	stream.indirect.gather @!p1 [hbm4b:s3+s10], $0x80, s6, s10, $0xb8;
	[tilespmem:$0x18880] =	vst v63  }
0x85: {  	p2 =	sne.s32 s7, $0x1;
	_ =	swait.ge [sflag:s0], $0x1000  }
.Ltmp0:
0x86: {  	[sflag:s0] =	ssyncset.done $0x0;
	(pc) =	sbr.rel @!p2 .LBB2_3-.Ltmp0, $4  }
0x87: {  	s22 =	simm.s32 $0x1;
	s2 =	sor.u32 $0x800, s2;
	[sflag:s0] =	ssyncadd.s32 $0xFFFFF000  }
0x88: {  	[spmem:s1] =	stream.indirect.scatter.add.f32 [tilespmem:s28], [sflag:$0x5], $0x80, s2, s20, $0xb8;
	[tilespmem:$0x18880] =	vst v63  }
0x89: {  	s24 =	sadd.s32 $0x400, s5;
	s26 =	sadd.s32 $0x80, s4;
	_ =	swait.ge [sflag:s17], $0x1000  }
0x8a: {  	s12 =	sor.u32 @!p1 $0x180, s11;
	s2 =	simm.s32 @!p1 $0x4000;
	[sflag:s17] =	ssyncset.done $0x0  }
.LBB2_2:
0x8b: {  	s13 =	sand.u32 $0x1, s22;
	s22 =	sadd.s32 $0x1, s22;
	[sflag:s17] =	ssyncadd.s32 $0xFFFFF000  }
0x8c: {  	[tilespmem:s2], [sflag:$0x4] =	stream.indirect.gather @!p1 [hbm4b:s3+s10], $0x80, s12, s10, $0xb8;
	[tilespmem:$0x18880] =	vst v63  }
0x8d: {  	s2 =	sshll.u32 s13, $0xA;
	p2 =	sne.s32 s7, s22;
	_ =	swait.ge [sflag:s29], $0x1000  }
0x8e: {  	s6 =	sor.u32 $0x800, s2;
	[sflag:s29] =	ssyncset.done $0x0  }
0x8f: {  	[sflag:s29] =	ssyncadd.s32 $0xFFFFF000  }
0x90: {  	[spmem:s1] =	stream.indirect.scatter.add.f32 [tilespmem:s19], [sflag:$0x5], $0x80, s6, s20, $0xb8;
	[tilespmem:$0x18880] =	vst v63  }
0x91: {  	_ =	swait.ge [sflag:s17], $0x1000  }
0x92: {  	s6 =	sor.u32 $0x200, s2;
	[sflag:s17] =	ssyncset.done $0x0  }
0x93: {  	[sflag:s17] =	ssyncadd.s32 $0xFFFFF000  }
0x94: {  	[tilespmem:s19], [sflag:$0x1] =	stream.indirect.gather [hbm4b:s3+s20], $0x80, s6, s20, $0xb8;
	[tilespmem:$0x18880] =	vst v63  }
0x95: {  	_ =	swait.ge [sflag:s30], $0x1000  }
0x96: {  	s8 =	sor.u32 $0x880, s2;
	[sflag:s30] =	ssyncset.done $0x0  }
0x97: {  	[sflag:s30] =	ssyncadd.s32 $0xFFFFF000  }
0x98: {  	[spmem:s1] =	stream.indirect.scatter.add.f32 [tilespmem:s23], [sflag:$0x5], $0x80, s8, s20, $0xb8;
	[tilespmem:$0x18880] =	vst v63  }
0x99: {  	_ =	swait.ge [sflag:s17], $0x1000  }
0x9a: {  	s8 =	sor.u32 $0x280, s2;
	[sflag:s17] =	ssyncset.done $0x0  }
0x9b: {  	[sflag:s17] =	ssyncadd.s32 $0xFFFFF000  }
0x9c: {  	[tilespmem:s23], [sflag:$0x2] =	stream.indirect.gather [hbm4b:s3+s20], $0x80, s8, s20, $0xb8;
	[tilespmem:$0x18880] =	vst v63  }
0x9d: {  	_ =	swait.ge [sflag:s31], $0x1000  }
0x9e: {  	s10 =	sor.u32 $0x900, s2;
	[sflag:s31] =	ssyncset.done $0x0  }
0x9f: {  	[sflag:s31] =	ssyncadd.s32 $0xFFFFF000  }
0xa0: {  	[spmem:s1] =	stream.indirect.scatter.add.f32 [tilespmem:s25], [sflag:$0x5], $0x80, s10, s20, $0xb8;
	[tilespmem:$0x18880] =	vst v63  }
0xa1: {  	_ =	swait.ge [sflag:s17], $0x1000  }
0xa2: {  	s10 =	sor.u32 $0x300, s2;
	[sflag:s17] =	ssyncset.done $0x0  }
0xa3: {  	[sflag:s17] =	ssyncadd.s32 $0xFFFFF000  }
0xa4: {  	[tilespmem:s25], [sflag:$0x3] =	stream.indirect.gather [hbm4b:s3+s20], $0x80, s10, s20, $0xb8;
	[tilespmem:$0x18880] =	vst v63  }
0xa5: {  	_ =	swait.ge [sflag:s0], $0x1000  }
0xa6: {  	s11 =	sor.u32 $0x980, s2;
	[sflag:s0] =	ssyncset.done $0x0  }
0xa7: {  	[sflag:s0] =	ssyncadd.s32 $0xFFFFF000  }
0xa8: {  	[spmem:s1] =	stream.indirect.scatter.add.f32 [tilespmem:s28], [sflag:$0x5], $0x80, s11, s20, $0xb8;
	[tilespmem:$0x18880] =	vst v63  }
0xa9: {  	_ =	swait.ge [sflag:s17], $0x1000  }
0xaa: {  	p1 =	sge.u32 s22, s7;
	s11 =	sor.u32 $0x380, s2;
	[sflag:s17] =	ssyncset.done $0x0  }
0xab: {  	s12 =	sshrl.u32 @!p1 s24, $0x3;
	s2 =	simm.s32 @p1 $0x1;
	[sflag:s17] =	ssyncadd.s32 $0xFFFFF000  }
0xac: {  	[tilespmem:s28], [sflag:$0x4] =	stream.indirect.gather [hbm4b:s3+s20], $0x80, s11, s20, $0xb8;
	[tilespmem:$0x18880] =	vst v63  }
0xad: {  	s15 =	simm.s32 @p1 $0x1000;
	s12 =	sadd.s32 @!p1 s21, s12;
	_ =	swait.ge @p1 [sflag:s2], $0x1000  }
0xae: {  	s14 =	simm.s32 @p1 $0x20;
	s16 =	sor.u32 @p1 $0x800, s6;
	[sflag:s2] =	ssyncset.done @p1 $0x0  }
0xaf: {  	s19 =	sor.u32 @!p1 $0x800, s6;
	[sflag:s2] =	ssyncadd.s32 @p1 $0xFFFFF000;
	s2 =	simm.s32 @p1 $0x5  }
0xb0: {  	[spmem:s1] =	stream.indirect.scatter.add.f32 @p1 [tilespmem:s15], [sflag:$0x5], $0x80, s16, s14, $0xb8;
	[tilespmem:$0x18880] =	vst v63  }
0xb1: {  	s6 =	sxor.u32 $0x1, s13;
	s16 =	sor.u32 @p1 $0x800, s10;
	_ =	swait.ge @p1 [sflag:s2], $0x1000  }
0xb2: {  	s4 =	simm.s32 @!p1 $0x0;
	s9 =	sshll.u32 @!p1 s6, $0xA;
	[sflag:s2] =	ssyncset.done @p1 $0x0  }
0xb3: {  	s13 =	simm.s32 @!p1 $0x5;
	s5 =	sor.u32 @!p1 $0x800, s9;
	[sflag:s2] =	ssyncadd.s32 @p1 $0xFFFFF000  }
0xb4: {  	[tilespmem:s9], [sflag:$0x5] =	stream.linear.gather @!p1 [hbm4b:s12+s4], $0x400, $0x38;
	[tilespmem:$0x18880] =	vst v63  }
0xb5: {  	s18 =	sor.u32 @!p1 $0x80, s9;
	s6 =	sor.u32 @!p1 $0x100, s9;
	_ =	swait.ge @!p1 [sflag:s13], $0x400  }
0xb6: {  	s15 =	sor.u32 @!p1 $0x800, s10;
	s12 =	sor.u32 @!p1 $0x180, s9;
	[sflag:s13] =	ssyncset.done @!p1 $0x0  }
0xb7: {  	[sflag:s13] =	ssyncadd.s32 @!p1 $0xFFFFFC00  }
0xb8: {  	[tilespmem:s5], [sflag:$0x5] =	stream.linear.gather @!p1 [hbm4b:s26+s4], $0x400, $0x38;
	[tilespmem:$0x18880] =	vst v63  }
0xb9: {  	_ =	swait.ge @!p1 [sflag:s13], $0x400  }
0xba: {  	s4 =	simm.s32 @!p1 $0x1;
	[sflag:s13] =	ssyncset.done @!p1 $0x0  }
0xbb: {  	[sflag:s13] =	ssyncadd.s32 @!p1 $0xFFFFFC00  }
0xbc: {  	_ =	swait.ge @!p1 [sflag:s4], $0x1000  }
0xbd: {  	s10 =	simm.s32 @!p1 $0x20;
	s5 =	simm.s32 @!p1 $0x1000;
	[sflag:s4] =	ssyncset.done @!p1 $0x0  }
0xbe: {  	[sflag:s4] =	ssyncadd.s32 @!p1 $0xFFFFF000  }
0xbf: {  	[spmem:s1] =	stream.indirect.scatter.add.f32 @!p1 [tilespmem:s5], [sflag:$0x5], $0x80, s19, s10, $0xb8;
	[tilespmem:$0x18880] =	vst v63  }
0xc0: {  	s19 =	simm.s32 $0x1000  }
0xc1: {  	_ =	swait.ge @!p1 [sflag:s13], $0x1000  }
0xc2: {  	[sflag:s13] =	ssyncset.done @!p1 $0x0  }
0xc3: {  	[sflag:s13] =	ssyncadd.s32 @!p1 $0xFFFFF000  }
0xc4: {  	[tilespmem:s5], [sflag:$0x1] =	stream.indirect.gather @!p1 [hbm4b:s3+s10], $0x80, s9, s10, $0xb8;
	[tilespmem:$0x18880] =	vst v63  }
0xc5: {  	_ =	swait.ge [sflag:s30], $0x1000  }
0xc6: {  	s4 =	sor.u32 $0x800, s8;
	[sflag:s30] =	ssyncset.done $0x0  }
0xc7: {  	[sflag:s30] =	ssyncadd.s32 $0xFFFFF000  }
0xc8: {  	[spmem:s1] =	stream.indirect.scatter.add.f32 [tilespmem:s23], [sflag:$0x5], $0x80, s4, s20, $0xb8;
	[tilespmem:$0x18880] =	vst v63  }
0xc9: {  	_ =	swait.ge [sflag:s17], $0x1000  }
0xca: {  	s4 =	simm.s32 @p1 $0x3;
	[sflag:s17] =	ssyncset.done $0x0  }
0xcb: {  	[sflag:s17] =	ssyncadd.s32 $0xFFFFF000  }
0xcc: {  	_ =	swait.ge @p1 [sflag:s4], $0x1000  }
0xcd: {  	s5 =	simm.s32 @p1 $0x3000;
	[sflag:s4] =	ssyncset.done @p1 $0x0  }
0xce: {  	[sflag:s4] =	ssyncadd.s32 @p1 $0xFFFFF000  }
0xcf: {  	[spmem:s1] =	stream.indirect.scatter.add.f32 @p1 [tilespmem:s5], [sflag:$0x5], $0x80, s16, s14, $0xb8;
	[tilespmem:$0x18880] =	vst v63  }
0xd0: {  	_ =	swait.ge @p1 [sflag:s2], $0x1000  }
0xd1: {  	s4 =	simm.s32 @!p1 $0x2000;
	[sflag:s2] =	ssyncset.done @p1 $0x0  }
0xd2: {  	[sflag:s2] =	ssyncadd.s32 @p1 $0xFFFFF000;
	s2 =	simm.s32 @!p1 $0x3  }
0xd3: {  	[tilespmem:s4], [sflag:$0x2] =	stream.indirect.gather @!p1 [hbm4b:s3+s10], $0x80, s18, s10, $0xb8;
	[tilespmem:$0x18880] =	vst v63  }
0xd4: {  	_ =	swait.ge @!p1 [sflag:s2], $0x1000  }
0xd5: {  	s4 =	simm.s32 @!p1 $0x3000;
	[sflag:s2] =	ssyncset.done @!p1 $0x0  }
0xd6: {  	[sflag:s2] =	ssyncadd.s32 @!p1 $0xFFFFF000  }
0xd7: {  	[spmem:s1] =	stream.indirect.scatter.add.f32 @!p1 [tilespmem:s4], [sflag:$0x5], $0x80, s15, s10, $0xb8;
	[tilespmem:$0x18880] =	vst v63  }
0xd8: {  	_ =	swait.ge @!p1 [sflag:s13], $0x1000  }
0xd9: {  	[sflag:s13] =	ssyncset.done @!p1 $0x0  }
0xda: {  	[sflag:s13] =	ssyncadd.s32 @!p1 $0xFFFFF000  }
0xdb: {  	[tilespmem:s4], [sflag:$0x3] =	stream.indirect.gather @!p1 [hbm4b:s3+s10], $0x80, s6, s10, $0xb8;
	[tilespmem:$0x18880] =	vst v63  }
0xdc: {  	_ =	swait.ge [sflag:s0], $0x1000  }
.Ltmp1:
0xdd: {  	s2 =	sor.u32 $0x800, s11;
	[sflag:s0] =	ssyncset.done $0x0;
	(pc) =	sbr.rel @p2 .LBB2_2-.Ltmp1, $4  }
0xde: {  	[sflag:s0] =	ssyncadd.s32 $0xFFFFF000  }
0xdf: {  	[spmem:s1] =	stream.indirect.scatter.add.f32 [tilespmem:s28], [sflag:$0x5], $0x80, s2, s20, $0xb8;
	[tilespmem:$0x18880] =	vst v63  }
0xe0: {  	s24 =	sadd.s32 $0x400, s24;
	_ =	swait.ge [sflag:s17], $0x1000  }
0xe1: {  	s26 =	sadd.s32 $0x80, s26;
	s2 =	simm.s32 @!p1 $0x4000;
	[sflag:s17] =	ssyncset.done $0x0  }
.LBB2_3:
0xe2: {  	[sflag:s17] =	ssyncadd.s32 $0xFFFFF000  }
0xe3: {  	[tilespmem:s2], [sflag:$0x4] =	stream.indirect.gather @!p1 [hbm4b:s3+s10], $0x80, s12, s10, $0xb8;
	[tilespmem:$0x18880] =	vst v63  }
0xe4: {  	[bflag:$0x0] =	sbarrier.arrive $0xFFFF  }
0xe5: {  	s9 =	rddreg [dreg:$0x5]  }
0xe6: {  	s24 =	rddreg [dreg:$0x7]  }
0xe7: {  	s4 =	rddreg [dreg:$0xc]  }
0xe8: {  	[hbm:s24], [sflag:s9] =	dma.local [spmem:s4], $0x2700  }
0xe9: {  	_ =	swait.ge [sflag:s17], $0x2700  }
0xea: {  	[sflag:s17] =	ssyncset.done $0x0;
	s2 =	rddreg [dreg:$0x8]  }
0xeb: {  	s8 =	simm.s32 @!p0 $0x5;
	s5 =	rddreg [dreg:$0xd];
	[sflag:s17] =	ssyncadd.s32 $0xFFFFD900  }
0xec: {  	[hbm:s2], [sflag:s9] =	dma.local @!p0 [spmem:s5], $0x100  }
0xed: {  	_ =	swait.ge @!p0 [sflag:s8], $0x100  }
0xee: {  	s6 =	rddreg [dreg:$0xe]  }
0xef: {  	s26 =	rddreg [dreg:$0x9];
	s6 =	sadd.s32 $0x1, s6  }
0xf0: {  	p1 =	sne.s32 s6, s26  }
.Ltmp2:
0xf1: {  	_ = 	snop;
	(pc) =	sbr.rel @p1 .LBB2_1-.Ltmp2, $3  }
0xf2: {  	_ =	sdelay $0x1  }
0xf3: {  	[sflag:s8] =	ssyncset.done @!p0 $0x0  }
0xf4: {  	[sflag:s8] =	ssyncadd.s32 @!p0 $0xFFFFFF00  }
0xf5: {  	_ =	sfence.sel $0x180000  }
0xf6: {  	[bflag:$0x0] =	sbarrier.arrive $0xFFFF  }
0xf7: {  	_ =	strace $0x9000004A  }
0xf8: {  	s0 =	stileid.u32;
	[bflag:$0x2] =	sbarrier.arrive $0xFFFF  }
0xf9: {  	p0 =	sne.s32 s0, $0x0;
	s0 =	rddreg [dreg:$0x2]  }
0xfa: {  	s0 =	sadd.s32 @!p0 $0x100000, s0  }
0xfb: {  	[sflag:s0] =	ssyncadd.tile.s32 @!p0 $0x1;
	_ =	shalt  }
.Lfunc_end2:
_tile_overlayer_lowered:
.L_overlay_start_2:
0xfc: {  	(tag) =	ssettag $0x2  }
0xfd: {  	s0 =	rddreg [dreg:$0x0];
	s2 =	stileid.u32  }
0xfe: {  	s1 =	rddreg [dreg:$0x1];
	p0 =	sne.s32 s2, $0x0  }
0xff: {  	s3 =	rddreg [dreg:$0x2];
	[bflag:$0x3] =	sbarrier.arrive $0xFFFF;
	s2 =	simm.s32 @!p0 $0x1C05  }
0x100: {  	[timem:s3], [sflag:s2] =	dma.local @!p0 [hbm:s0], s1  }
0x101: {  	s0 =	simm.s32 @!p0 $0x5  }
0x102: {  	_ =	swait.ge @!p0 [sflag:s0], s1  }
0x103: {  	s1 =	ssub.s32 @!p0 $0x0, s1;
	[sflag:s0] =	ssyncset.done @!p0 $0x0  }
0x104: {  	[sflag:s0] =	ssyncadd.s32 @!p0 s1  }
0x105: {  	[bflag:$0x3] =	sbarrier.arrive $0xFFFF  }
0x106: {  	_ =	shalt  }

// kernel: kernel.16.cloned.1.call-start
scs
__scs_entry_jumppad:
0x0: {  	(pc) =	sbr.rel $0x88, $3  }
0x1: {  	(tag) =	ssettag $0x0;
	lr =	simm.s32 $0x1  }
0x2: {  	[smem:$0x3F91] =	sst lr;
	_ =	strace $0xD0000000  }
0x3: {  	_ = 	snop  }
0x4: {  	_ = 	snop  }
0x5: {  	_ = 	snop  }
0x6: {  	_ = 	snop  }
0x7: {  	_ = 	snop  }
__scs_overlays_trampoline_lowered:
0x8: {  	[smem:$0x3FA0] =	sst s0  }
0x9: {  	[smem:$0x3FA1] =	sst s1  }
0xa: {  	[smem:$0x3FA2] =	sst s2  }
0xb: {  	[smem:$0x3FA3] =	sst s3  }
0xc: {  	[smem:$0x3FA4] =	sst s4  }
0xd: {  	[smem:$0x3FA5] =	sst s5  }
0xe: {  	[smem:$0x3FA6] =	sst s6  }
0xf: {  	[smem:$0x3FA7] =	sst s7  }
0x10: {  	[smem:$0x3FA8] =	sst s8  }
0x11: {  	[smem:$0x3FA9] =	sst s9;
	s0 =	simm.s32 @!p0 $0x0  }
0x12: {  	s1 =	sld [smem:$0x3F8F];
	s0 =	simm.s32 @p0 $0x1  }
0x13: {  	[smem:$0x3FAA] =	sst s0;
	s0 =	simm.s32 @!p1 $0x0  }
0x14: {  	s2 =	sld [smem:$0x3F8E];
	s0 =	simm.s32 @p1 $0x1  }
0x15: {  	[smem:$0x3FAB] =	sst s0;
	s0 =	simm.s32 @!p2 $0x0  }
0x16: {  	s3 =	sld [smem:$0x3FDB];
	s0 =	simm.s32 @p2 $0x1  }
0x17: {  	s4 =	simm.s32 $0x1BF5;
	[smem:$0x3FAD] =	sst s0  }
0x18: {  	s0 =	sld [smem:$0x3F90];
	_ =	swait.ge [sflag:s4], $0x0  }
0x19: {  	s7 =	sld [smem:$0x3F91]  }
0x1a: {  	s8 =	sadd.s32 $0xFFFFE003, lr  }
0x1b: {  	s9 =	sadd.s32 $0xFFFFFEF7, lr;
	s5 =	simm.s32 $0xFFFFFFFF;
	p2 =	slt.u32 s8, $0xFFFFF086  }
0x1c: {  	p1 =	slt.u32 s9, $0xF7A;
	s5 =	simm.s32 @!p2 $0x0  }
0x1d: {  	s5 =	simm.s32 @p1 $0x1;
	p0 =	seq.s32 s7, s2  }
0x1e: {  	s7 =	smul.u32 @!p0 $0xF7A, s2;
	p2 =	seq.s32 @!p0 s5, $0x0  }
0x1f: {  	s9 =	smul.u32 $0xF7A, s1;
	s8 =	simm.s32 @!p0 $0x1BF5;
	p2 =	por !p2, p0  }
0x20: {  	[sflag:s8] =	ssyncset.s32 @!p0 $0xFFFFF086;
	s6 =	sadd.s32 @!p0 s3, s7;
	s7 =	simm.s32 @!p0 $0x108  }
0x21: {  	s3 =	sadd.s32 s3, s9;
	s6 =	sadd.s32 @!p0 $0x88, s6;
	s7 =	simm.s32 @p2 $0x1082  }
0x22: {  	[simem:s7], [sflag:s8] =	dma.local @!p0 [hbm:s6], $0xF7A  }
0x23: {  	s9 =	sor.u32 $0xD0000000, s2;
	s6 =	simm.s32 $0x108;
	_ =	swait.ge @!p0 [sflag:s8], $0x0  }
0x24: {  	s3 =	sadd.s32 $0x88, s3;
	s6 =	simm.s32 @!p1 $0x1082;
	[sflag:s4] =	ssyncset.s32 $0xFFFFF086  }
0x25: {  	[simem:s6], [sflag:s4] =	dma.local [hbm:s3], $0xF7A  }
0x26: {  	[smem:$0x3F91] =	sst s1;
	(tag) =	ssettag s2;
	_ =	strace s9  }
0x27: {  	s1 =	sld [smem:$0x3FA1]  }
0x28: {  	s2 =	sld [smem:$0x3FA2]  }
0x29: {  	s4 =	sld [smem:$0x3FA4]  }
0x2a: {  	p0 =	seq.s32 s5, $0x0;
	s5 =	sld [smem:$0x3FA5]  }
0x2b: {  	s6 =	sld [smem:$0x3FA6]  }
0x2c: {  	s7 =	sld [smem:$0x3FA7]  }
0x2d: {  	s3 =	simm.s32 $0x108;
	s8 =	sld [smem:$0x3FA8]  }
0x2e: {  	s3 =	simm.s32 @!p0 $0x1082;
	s9 =	sld [smem:$0x3FA9]  }
0x2f: {  	lr =	sadd.s32 s0, s3;
	s0 =	sld [smem:$0x3FA0]  }
0x30: {  	s3 =	sld [smem:$0x3FA3]  }
0x31: {  	[smem:$0x3FAC] =	sst s10  }
0x32: {  	s10 =	sld [smem:$0x3FAA];
	_ =	sdelay $0x3  }
0x33: {  	p0 =	seq.s32 s10, $0x1;
	s10 =	sld [smem:$0x3FAC];
	_ =	sdelay $0x3  }
0x34: {  	[smem:$0x3FAC] =	sst s10  }
0x35: {  	s10 =	sld [smem:$0x3FAB];
	_ =	sdelay $0x3  }
0x36: {  	p1 =	seq.s32 s10, $0x1;
	s10 =	sld [smem:$0x3FAC];
	_ =	sdelay $0x3  }
0x37: {  	[smem:$0x3FAC] =	sst s10  }
0x38: {  	s10 =	sld [smem:$0x3FAD]  }
0x39: {  	_ = 	snop;
	(pc) =	sbr.ind lr, $3  }
0x3a: {  	_ = 	snop  }
0x3b: {  	_ = 	snop  }
0x3c: {  	p2 =	seq.s32 s10, $0x1;
	s10 =	sld [smem:$0x3FAC]  }
0x3d: {  	_ =	shalt  }
0x3e: {  	_ =	shalt  }
0x3f: {  	_ =	shalt  }
0x40: {  	_ =	shalt  }
0x41: {  	_ =	shalt  }
0x42: {  	_ =	shalt  }
0x43: {  	_ =	shalt  }
0x44: {  	_ =	shalt  }
0x45: {  	_ =	shalt  }
0x46: {  	_ =	shalt  }
0x47: {  	_ =	shalt  }
0x48: {  	_ =	shalt  }
0x49: {  	_ =	shalt  }
0x4a: {  	_ =	shalt  }
0x4b: {  	_ =	shalt  }
0x4c: {  	_ =	shalt  }
0x4d: {  	_ =	shalt  }
0x4e: {  	_ =	shalt  }
0x4f: {  	_ =	shalt  }
0x50: {  	_ =	shalt  }
0x51: {  	_ =	shalt  }
0x52: {  	_ =	shalt  }
0x53: {  	_ =	shalt  }
0x54: {  	_ =	shalt  }
0x55: {  	_ =	shalt  }
0x56: {  	_ =	shalt  }
0x57: {  	_ =	shalt  }
0x58: {  	_ =	shalt  }
0x59: {  	_ =	shalt  }
0x5a: {  	_ =	shalt  }
0x5b: {  	_ =	shalt  }
0x5c: {  	_ =	shalt  }
0x5d: {  	_ =	shalt  }
0x5e: {  	_ =	shalt  }
0x5f: {  	_ =	shalt  }
0x60: {  	_ =	shalt  }
0x61: {  	_ =	shalt  }
0x62: {  	_ =	shalt  }
0x63: {  	_ =	shalt  }
0x64: {  	_ =	shalt  }
0x65: {  	_ =	shalt  }
0x66: {  	_ =	shalt  }
0x67: {  	_ =	shalt  }
0x68: {  	_ =	shalt  }
0x69: {  	_ =	shalt  }
0x6a: {  	_ =	shalt  }
0x6b: {  	_ =	shalt  }
0x6c: {  	_ =	shalt  }
0x6d: {  	_ =	shalt  }
0x6e: {  	_ =	shalt  }
0x6f: {  	_ =	shalt  }
0x70: {  	_ =	shalt  }
0x71: {  	_ =	shalt  }
0x72: {  	_ =	shalt  }
0x73: {  	_ =	shalt  }
0x74: {  	_ =	shalt  }
0x75: {  	_ =	shalt  }
0x76: {  	_ =	shalt  }
0x77: {  	_ =	shalt  }
0x78: {  	_ =	shalt  }
0x79: {  	_ =	shalt  }
0x7a: {  	_ =	shalt  }
0x7b: {  	_ =	shalt  }
0x7c: {  	_ =	shalt  }
0x7d: {  	_ =	shalt  }
0x7e: {  	_ =	shalt  }
0x7f: {  	_ =	shalt  }
0x80: {  	_ =	shalt  }
0x81: {  	_ =	shalt  }
0x82: {  	_ =	shalt  }
0x83: {  	_ =	shalt  }
0x84: {  	_ =	shalt  }
0x85: {  	_ =	shalt  }
0x86: {  	_ =	shalt  }
0x87: {  	_ =	shalt  }
.Lfunc_end0:
.L_simem_size_0:
called_computation.2_lowered:
.L_overlay_start_0:
0x88: {  	s2 =	sld [smem:$0x3FD9]  }
0x89: {  	s3 =	sld [smem:$0x3FFE];
	_ =	sdelay $0x1  }
0x8a: {  	s1 =	srdreg.scid  }
0x8b: {  	s0 =	sand.u32 $0x1, s1  }
0x8c: {  	s16 =	sshll.u32 s0, $0xA;
	s2 =	sadd.s32 s3, s2  }
0x8d: {  	s2 =	sadd.s32 s2, s16  }
0x8e: {  	[smem:$0x3FB8] =	sst s2  }
0x8f: {  	_ = 	snop  }
0x90: {  	(tm) =	ssettm $0x1  }
0x91: {  	s17 =	sld [smem:$0x3FFB];
	_ =	sdelay $0x3  }
0x92: {  	_ =	strace s17  }
0x93: {  	s2 =	sld [smem:$0x3FFC];
	_ =	sdelay $0x3  }
0x94: {  	_ =	strace s2  }
0x95: {  	s2 =	sld [smem:$0x3FFD];
	_ =	sdelay $0x3  }
0x96: {  	_ =	strace s2  }
0x97: {  	_ =	strace $0x8FFFFFFF  }
0x98: {  	s18 =	sld [smem:$0x3FDB];
	_ =	sdelay $0x1  }
0x99: {  	s19 =	simm.s32 $_scs_section_size  }
0x9a: {  	s4 =	simm.s32 $_size__tile_overlayer_lowered;
	s5 =	simm.s32 $_tile_overlayer_lowered  }
0x9b: {  	s22 =	simm.s32 $0x1BFF;
	s21 =	sshll.u32 s5, $0x1;
	s2 =	sadd.s32 s19, s18  }
0x9c: {  	s6 =	simm.s32 $0x0;
	s20 =	sshll.u32 s4, $0x1;
	s4 =	sadd.s32 s21, s2  }
0x9d: {  	[timem:s6], [sflag:s22] =	dma.local [hbm:s4], s20  }
0x9e: {  	_ =	swait.ge [sflag:s22], s20  }
0x9f: {  	s3 =	ssub.s32 $0x0, s20;
	[sflag:s22] =	ssyncset.done $0x0  }
0xa0: {  	[sflag:s22] =	ssyncadd.s32 s3;
	_ =	sdelay $0x1  }
0xa1: {  	s23 =	simm.s32 $0x1B8B  }
0xa2: {  	_ =	swait.ge [sflag:s23], $0x1  }
0xa3: {  	[sflag:s23] =	ssyncset.done $0x0  }
0xa4: {  	s25 =	simm.s32 $0x1B8E;
	s24 =	sld [smem:$0x3FFE];
	[sflag:s23] =	ssyncadd.s32 $0xFFFFFFFF  }
0xa5: {  	s26 =	simm.s32 $execute0_lowered;
	[smem:$0x3FD2] =	sst s25  }
0xa6: {  	s4 =	sshll.u32 s26, $0x1;
	_ =	strace $0x8000004C;
	[dreg:$0x1] =	wrdreg $0xFFFFFFFF  }
0xa7: {  	s28 =	simm.s32 $_size_execute0_lowered;
	s2 =	sadd.s32 s2, s4;
	[dreg:$0x0] =	wrdreg $0x0  }
0xa8: {  	s4 =	sshll.u32 s28, $0x1;
	[dreg:$0x2] =	wrdreg s2  }
0xa9: {  	[dreg:$0x3] =	wrdreg s4  }
0xaa: {  	[dreg:$0x4] =	wrdreg $0xC0  }
0xab: {  	_ =	task [dreg:s6], $0x5FFFF  }
0xac: {  	[dreg:$0x1] =	wrdreg $0xFFFFFFFF  }
0xad: {  	[dreg:$0x0] =	wrdreg $0x60  }
0xae: {  	[dreg:$0x2] =	wrdreg s24  }
0xaf: {  	[dreg:$0x3] =	wrdreg $0x50000  }
0xb0: {  	[dreg:$0x4] =	wrdreg $0x9  }
0xb1: {  	_ =	task.clear_ibuf [dreg:s6], $0x5FFFF;
	_ =	strace $0x9000004C  }
0xb2: {  	s29 =	simm.s32 $0x9;
	_ =	strace $0x8000004E  }
0xb3: {  	_ =	swait.ge [sflag:s29], $0x1  }
0xb4: {  	[sflag:s29] =	ssyncadd.s32 $0xFFFFFFFF  }
0xb5: {  	_ =	strace $0x9000004E  }
0xb6: {  	_ =	sfence  }
0xb7: {  	s30 =	sld [smem:$0x0];
	_ =	sdelay $0x2  }
0xb8: {  	s31 =	sshll.u32 s1, $0xD;
	s1 =	sshrl.u32 s1, $0x2  }
0xb9: {  	s3 =	sand.u32 $0x4000, s31;
	s1 =	sadd.s32 s1, s30  }
0xba: {  	s0 =	sor.u32 s3, s0;
	s1 =	sshll.u32 s1, $0x11  }
0xbb: {  	s0 =	sor.u32 s1, s0  }
0xbc: {  	s0 =	sadd.s32 $0x8F2B, s0  }
0xbd: {  	[sflag:s0] =	ssyncadd.remote.s32 $0x1  }
0xbe: {  	_ =	sfence.sel $0xFFFF  }
0xbf: {  	[dreg:$0x0] =	wrdreg $0xFFFFFFFF;
	(pc) =	sbr.abs _section_cstart, $3  }
0xc0: {  	[dreg:$0x1] =	wrdreg $0xFFFFFFFF  }
0xc1: {  	_ =	task.clear_ibuf [dreg:s6], $0x2FFFF;
	_ =	strace $0x9FFFFFFF  }
0xc2: {  	(tm) =	ssettm $0x7FFFFFFF  }
0xc3: {  	_ =	shalt  }
tec
execute0_lowered:
.L_overlay_start_1:
0x0: {  	(tag) =	ssettag $0x1  }
0x1: {  	s0 =	rddreg [dreg:$0x0]  }
0x2: {  	s1 =	rddreg [dreg:$0x1]  }
0x3: {  	s2 =	simm.s32 $0x0;
	s14 =	srdreg.scid;
	s5 =	stileid.u32  }
0x4: {  	s7 =	simm.s32 $0x28;
	s28 =	simm.s32 $0x4000;
	s29 =	simm.s32 $0x1  }
0x5: {  	s30 =	simm.s32 $0x2;
	s31 =	simm.s32 $0x3;
	[smem:$0x7FF] =	sst s2  }
0x6: {  	s3 =	sadd.s32 $0x54C00, s0;
	s21 =	sadd.s32 $0x4200, s0;
	s9 =	smul.u32 $0x27, s5  }
0x7: {  	s4 =	sadd.s32 $0x52400, s0;
	s2 =	sand.u32 $0x1, s14;
	s10 =	smul.u32 $0x4E000, s5  }
0x8: {  	s0 =	sadd.s32 $0x7BE00, s0;
	p0 =	seq.s32 s5, $0xF;
	s18 =	smul.u32 $0x13800, s5  }
0x9: {  	s19 =	sshll.u32 s5, $0x6;
	s20 =	smul.u32 $0x9C00, s5;
	s12 =	sadd.s32 $0x138000, s1  }
0xa: {  	_ =	strace $0x8000004D;
	[dreg:$0x3] =	wrdreg s4;
	s6 =	smul.u32 $0x271, s2  }
0xb: {  	s15 =	ssub.s32 $0x2, s2;
	s7 =	simm.s32 @!p0 $0x27;
	s16 =	smul.u32 $0x138800, s2  }
0xc: {  	s2 =	smul.u32 $0x9C400, s2;
	p0 =	sne.s32 s5, $0xF;
	s8 =	sshrl.u32 s15, $0x1  }
0xd: {  	s17 =	sshrl.u32 s10, $0x2;
	s5 =	sshrl.u32 @!p0 s12, $0x3;
	s4 =	ssub.s32 s15, s8  }
0xe: {  	s6 =	sadd.s32 s9, s6;
	s11 =	sadd.s32 s17, s1;
	s9 =	sor.u32 $0x1C05, s19  }
0xf: {  	s10 =	sadd.s32 s18, s16;
	s8 =	sshrl.u32 s16, $0x3;
	s2 =	sadd.s32 s20, s2  }
0x10: {  	s17 =	simm.s32 $0x5;
	s20 =	simm.s32 $0x20;
	[dreg:$0xd] =	wrdreg s5  }
0x11: {  	s19 =	simm.s32 $0x1000;
	s4 =	smax.u32 s4, $0x1;
	[dreg:$0x5] =	wrdreg s9  }
0x12: {  	s6 =	sshll.u32 s6, $0x7;
	s26 =	sadd.s32 $0x400, s2;
	[dreg:$0x9] =	wrdreg s4  }
0x13: {  	s22 =	sshrl.u32 s10, $0x3;
	s13 =	sadd.s32 s21, s6;
	[dreg:$0xb] =	wrdreg s26  }
0x14: {  	s8 =	sadd.s32 s0, s8;
	s0 =	sadd.s32 s0, s22;
	[dreg:$0x4] =	wrdreg s13  }
0x15: {  	s23 =	sadd.s32 $0x138C00, s2;
	s24 =	sadd.s32 $0x27000, s8;
	[dreg:$0x7] =	wrdreg s0  }
0x16: {  	s25 =	sshrl.u32 s23, $0x3;
	s4 =	sshrl.u32 s11, $0x3;
	[dreg:$0x8] =	wrdreg s24  }
0x17: {  	s23 =	simm.s32 $0x2000;
	s13 =	sadd.s32 $0x27100, s13;
	[dreg:$0xc] =	wrdreg s4  }
0x18: {  	s6 =	simm.s32 $0x0;
	s0 =	sadd.s32 s25, s21;
	[dreg:$0x6] =	wrdreg s13  }
0x19: {  	s25 =	simm.s32 $0x3000;
	[dreg:$0xa] =	wrdreg s0;
	s0 =	simm.s32 $0x4  }
.LBB2_1:
0x1a: {  	[dreg:$0xe] =	wrdreg s6  }
0x1b: {  	s2 =	rddreg [dreg:$0x3]  }
0x1c: {  	[spmem:s4], [sflag:s9] =	dma.local [hbm:s2], $0x2700  }
0x1d: {  	_ =	swait.ge [sflag:s17], $0x2700  }
0x1e: {  	[sflag:s17] =	ssyncset.done $0x0  }
0x1f: {  	[sflag:s17] =	ssyncadd.s32 $0xFFFFD900  }
0x20: {  	[spmem:s5], [sflag:s9] =	dma.local @!p0 [hbm:s2], $0x100  }
0x21: {  	s2 =	simm.s32 @!p0 $0x5  }
0x22: {  	_ =	swait.ge @!p0 [sflag:s2], $0x100  }
0x23: {  	[sflag:s2] =	ssyncset.done @!p0 $0x0  }
0x24: {  	[sflag:s2] =	ssyncadd.s32 @!p0 $0xFFFFFF00  }
0x25: {  	[bflag:$0x0] =	sbarrier.arrive $0xFFFF  }
0x26: {  	s11 =	simm.s32 $0x0;
	s12 =	rddreg [dreg:$0x4]  }
0x27: {  	[tilespmem:s11], [sflag:$0x5] =	stream.linear.gather [hbm4b:s12+s11], $0x400, $0x38;
	[tilespmem:$0x18880] =	vst v63  }
0x28: {  	_ =	swait.ge [sflag:s17], $0x400  }
0x29: {  	[sflag:s17] =	ssyncset.done $0x0  }
0x2a: {  	s14 =	simm.s32 $0x800;
	s13 =	rddreg [dreg:$0x6];
	[sflag:s17] =	ssyncadd.s32 $0xFFFFFC00  }
0x2b: {  	[tilespmem:s14], [sflag:$0x5] =	stream.linear.gather [hbm4b:s13+s11], $0x400, $0x38;
	[tilespmem:$0x18880] =	vst v63  }
0x2c: {  	_ =	swait.ge [sflag:s17], $0x400  }
0x2d: {  	[sflag:s17] =	ssyncset.done $0x0  }
0x2e: {  	[sflag:s17] =	ssyncadd.s32 $0xFFFFFC00  }
0x2f: {  	[tilespmem:s19], [sflag:$0x1] =	stream.indirect.gather [hbm4b:s3+s20], $0x80, s11, s20, $0xb8;
	[tilespmem:$0x18880] =	vst v63  }
0x30: {  	s15 =	simm.s32 $0x80  }
0x31: {  	[tilespmem:s23], [sflag:$0x2] =	stream.indirect.gather [hbm4b:s3+s20], $0x80, s15, s20, $0xb8;
	[tilespmem:$0x18880] =	vst v63  }
0x32: {  	s16 =	simm.s32 $0x100  }
0x33: {  	[tilespmem:s25], [sflag:$0x3] =	stream.indirect.gather [hbm4b:s3+s20], $0x80, s16, s20, $0xb8;
	[tilespmem:$0x18880] =	vst v63  }
0x34: {  	s18 =	simm.s32 $0x180  }
0x35: {  	[tilespmem:s28], [sflag:$0x4] =	stream.indirect.gather [hbm4b:s3+s20], $0x80, s18, s20, $0xb8;
	[tilespmem:$0x18880] =	vst v63  }
0x36: {  	s11 =	sand.u32 $0x1, s11;
	_ =	swait.ge [sflag:s29], $0x1000  }
0x37: {  	s2 =	sshll.u32 s11, $0xA;
	[sflag:s29] =	ssyncset.done $0x0  }
0x38: {  	s22 =	sor.u32 $0x800, s2;
	[sflag:s29] =	ssyncadd.s32 $0xFFFFF000  }
0x39: {  	[spmem:s1] =	stream.indirect.scatter.add.f32 [tilespmem:s19], [sflag:$0x5], $0x80, s22, s20, $0xb8;
	[tilespmem:$0x18880] =	vst v63  }
0x3a: {  	_ =	swait.ge [sflag:s17], $0x1000  }
0x3b: {  	[sflag:s17] =	ssyncset.done $0x0  }
0x3c: {  	s10 =	sor.u32 $0x200, s2;
	[sflag:s17] =	ssyncadd.s32 $0xFFFFF000  }
0x3d: {  	[tilespmem:s19], [sflag:$0x1] =	stream.indirect.gather [hbm4b:s3+s20], $0x80, s10, s20, $0xb8;
	[tilespmem:$0x18880] =	vst v63  }
0x3e: {  	_ =	swait.ge [sflag:s30], $0x1000  }
0x3f: {  	[sflag:s30] =	ssyncset.done $0x0  }
0x40: {  	s24 =	sor.u32 $0x880, s2;
	[sflag:s30] =	ssyncadd.s32 $0xFFFFF000  }
0x41: {  	[spmem:s1] =	stream.indirect.scatter.add.f32 [tilespmem:s23], [sflag:$0x5], $0x80, s24, s20, $0xb8;
	[tilespmem:$0x18880] =	vst v63  }
0x42: {  	_ =	swait.ge [sflag:s17], $0x1000  }
0x43: {  	[sflag:s17] =	ssyncset.done $0x0  }
0x44: {  	s8 =	sor.u32 $0x280, s2;
	[sflag:s17] =	ssyncadd.s32 $0xFFFFF000  }
0x45: {  	[tilespmem:s23], [sflag:$0x2] =	stream.indirect.gather [hbm4b:s3+s20], $0x80, s8, s20, $0xb8;
	[tilespmem:$0x18880] =	vst v63  }
0x46: {  	_ =	swait.ge [sflag:s31], $0x1000  }
0x47: {  	[sflag:s31] =	ssyncset.done $0x0  }
0x48: {  	s26 =	sor.u32 $0x900, s2;
	[sflag:s31] =	ssyncadd.s32 $0xFFFFF000  }
0x49: {  	[spmem:s1] =	stream.indirect.scatter.add.f32 [tilespmem:s25], [sflag:$0x5], $0x80, s26, s20, $0xb8;
	[tilespmem:$0x18880] =	vst v63  }
0x4a: {  	_ =	swait.ge [sflag:s17], $0x1000  }
0x4b: {  	[sflag:s17] =	ssyncset.done $0x0  }
0x4c: {  	s6 =	sor.u32 $0x300, s2;
	[sflag:s17] =	ssyncadd.s32 $0xFFFFF000  }
0x4d: {  	[tilespmem:s25], [sflag:$0x3] =	stream.indirect.gather [hbm4b:s3+s20], $0x80, s6, s20, $0xb8;
	[tilespmem:$0x18880] =	vst v63  }
0x4e: {  	_ =	swait.ge [sflag:s0], $0x1000  }
0x4f: {  	[sflag:s0] =	ssyncset.done $0x0  }
0x50: {  	s12 =	sor.u32 $0x980, s2;
	[sflag:s0] =	ssyncadd.s32 $0xFFFFF000  }
0x51: {  	[spmem:s1] =	stream.indirect.scatter.add.f32 [tilespmem:s28], [sflag:$0x5], $0x80, s12, s20, $0xb8;
	[tilespmem:$0x18880] =	vst v63  }
0x52: {  	_ =	swait.ge [sflag:s17], $0x1000  }
0x53: {  	p1 =	sle.u32 s7, $0x1;
	[sflag:s17] =	ssyncset.done $0x0  }
0x54: {  	s2 =	sor.u32 $0x380, s2;
	s12 =	simm.s32 @p1 $0x1;
	[sflag:s17] =	ssyncadd.s32 $0xFFFFF000  }
0x55: {  	[tilespmem:s28], [sflag:$0x4] =	stream.indirect.gather [hbm4b:s3+s20], $0x80, s2, s20, $0xb8;
	[tilespmem:$0x18880] =	vst v63  }
0x56: {  	s13 =	simm.s32 @p1 $0x1000;
	_ =	swait.ge @p1 [sflag:s12], $0x1000  }
0x57: {  	s11 =	sxor.u32 $0x1, s11;
	s15 =	simm.s32 @p1 $0x20;
	[sflag:s12] =	ssyncset.done @p1 $0x0  }
0x58: {  	s14 =	sor.u32 @p1 $0x800, s10;
	[sflag:s12] =	ssyncadd.s32 @p1 $0xFFFFF000;
	s12 =	simm.s32 @p1 $0x5  }
0x59: {  	[spmem:s1] =	stream.indirect.scatter.add.f32 @p1 [tilespmem:s13], [sflag:$0x5], $0x80, s14, s15, $0xb8;
	[tilespmem:$0x18880] =	vst v63  }
0x5a: {  	s11 =	sshll.u32 @!p1 s11, $0xA;
	s5 =	rddreg [dreg:$0xb];
	_ =	swait.ge @p1 [sflag:s12], $0x1000  }
0x5b: {  	s16 =	simm.s32 @!p1 $0x5;
	s13 =	sshrl.u32 @!p1 s5, $0x3;
	[sflag:s12] =	ssyncset.done @p1 $0x0  }
0x5c: {  	s14 =	simm.s32 @!p1 $0x0;
	s13 =	sadd.s32 @!p1 s21, s13;
	[sflag:s12] =	ssyncadd.s32 @p1 $0xFFFFF000  }
0x5d: {  	[tilespmem:s11], [sflag:$0x5] =	stream.linear.gather @!p1 [hbm4b:s13+s14], $0x400, $0x38;
	[tilespmem:$0x18880] =	vst v63  }
0x5e: {  	_ =	swait.ge @!p1 [sflag:s16], $0x400  }
0x5f: {  	[sflag:s16] =	ssyncset.done @!p1 $0x0  }
0x60: {  	s13 =	sor.u32 @!p1 $0x800, s11;
	s4 =	rddreg [dreg:$0xa];
	[sflag:s16] =	ssyncadd.s32 @!p1 $0xFFFFFC00  }
0x61: {  	[tilespmem:s13], [sflag:$0x5] =	stream.linear.gather @!p1 [hbm4b:s4+s14], $0x400, $0x38;
	[tilespmem:$0x18880] =	vst v63  }
0x62: {  	_ =	swait.ge @!p1 [sflag:s16], $0x400  }
0x63: {  	[sflag:s16] =	ssyncset.done @!p1 $0x0  }
0x64: {  	s13 =	simm.s32 @!p1 $0x1;
	[sflag:s16] =	ssyncadd.s32 @!p1 $0xFFFFFC00  }
0x65: {  	_ =	swait.ge @!p1 [sflag:s13], $0x1000  }
0x66: {  	s14 =	sor.u32 @!p1 $0x800, s10;
	[sflag:s13] =	ssyncset.done @!p1 $0x0  }
0x67: {  	s10 =	simm.s32 @!p1 $0x20;
	[sflag:s13] =	ssyncadd.s32 @!p1 $0xFFFFF000;
	s13 =	simm.s32 @!p1 $0x1000  }
0x68: {  	[spmem:s1] =	stream.indirect.scatter.add.f32 @!p1 [tilespmem:s13], [sflag:$0x5], $0x80, s14, s10, $0xb8;
	[tilespmem:$0x18880] =	vst v63  }
0x69: {  	_ =	swait.ge @!p1 [sflag:s16], $0x1000  }
0x6a: {  	[sflag:s16] =	ssyncset.done @!p1 $0x0  }
0x6b: {  	[sflag:s16] =	ssyncadd.s32 @!p1 $0xFFFFF000  }
0x6c: {  	[tilespmem:s13], [sflag:$0x1] =	stream.indirect.gather @!p1 [hbm4b:s3+s10], $0x80, s11, s10, $0xb8;
	[tilespmem:$0x18880] =	vst v63  }
0x6d: {  	_ =	swait.ge [sflag:s30], $0x1000  }
0x6e: {  	[sflag:s30] =	ssyncset.done $0x0  }
0x6f: {  	s8 =	sor.u32 $0x800, s8;
	[sflag:s30] =	ssyncadd.s32 $0xFFFFF000  }
0x70: {  	[spmem:s1] =	stream.indirect.scatter.add.f32 [tilespmem:s23], [sflag:$0x5], $0x80, s8, s20, $0xb8;
	[tilespmem:$0x18880] =	vst v63  }
0x71: {  	_ =	swait.ge [sflag:s17], $0x1000  }
0x72: {  	[sflag:s17] =	ssyncset.done $0x0  }
0x73: {  	s8 =	simm.s32 @p1 $0x3;
	[sflag:s17] =	ssyncadd.s32 $0xFFFFF000  }
0x74: {  	_ =	swait.ge @p1 [sflag:s8], $0x1000  }
0x75: {  	[sflag:s8] =	ssyncset.done @p1 $0x0  }
0x76: {  	s13 =	sor.u32 @p1 $0x800, s6;
	[sflag:s8] =	ssyncadd.s32 @p1 $0xFFFFF000;
	s8 =	simm.s32 @p1 $0x3000  }
0x77: {  	[spmem:s1] =	stream.indirect.scatter.add.f32 @p1 [tilespmem:s8], [sflag:$0x5], $0x80, s13, s15, $0xb8;
	[tilespmem:$0x18880] =	vst v63  }
0x78: {  	_ =	swait.ge @p1 [sflag:s12], $0x1000  }
0x79: {  	[sflag:s12] =	ssyncset.done @p1 $0x0  }
0x7a: {  	s8 =	sor.u32 @!p1 $0x80, s11;
	[sflag:s12] =	ssyncadd.s32 @p1 $0xFFFFF000;
	s12 =	simm.s32 @!p1 $0x2000  }
0x7b: {  	[tilespmem:s12], [sflag:$0x2] =	stream.indirect.gather @!p1 [hbm4b:s3+s10], $0x80, s8, s10, $0xb8;
	[tilespmem:$0x18880] =	vst v63  }
0x7c: {  	s8 =	simm.s32 @!p1 $0x3  }
0x7d: {  	_ =	swait.ge @!p1 [sflag:s8], $0x1000  }
0x7e: {  	[sflag:s8] =	ssyncset.done @!p1 $0x0  }
0x7f: {  	s6 =	sor.u32 @!p1 $0x800, s6;
	[sflag:s8] =	ssyncadd.s32 @!p1 $0xFFFFF000;
	s8 =	simm.s32 @!p1 $0x3000  }
0x80: {  	[spmem:s1] =	stream.indirect.scatter.add.f32 @!p1 [tilespmem:s8], [sflag:$0x5], $0x80, s6, s10, $0xb8;
	[tilespmem:$0x18880] =	vst v63  }
0x81: {  	_ =	swait.ge @!p1 [sflag:s16], $0x1000  }
0x82: {  	[sflag:s16] =	ssyncset.done @!p1 $0x0  }
0x83: {  	s6 =	sor.u32 @!p1 $0x100, s11;
	[sflag:s16] =	ssyncadd.s32 @!p1 $0xFFFFF000  }
0x84: {  	[tilespmem:s8], [sflag:$0x3] =	stream.indirect.gather @!p1 [hbm4b:s3+s10], $0x80, s6, s10, $0xb8;
	[tilespmem:$0x18880] =	vst v63  }
0x85: {  	p2 =	sne.s32 s7, $0x1;
	_ =	swait.ge [sflag:s0], $0x1000  }
.Ltmp0:
0x86: {  	[sflag:s0] =	ssyncset.done $0x0;
	(pc) =	sbr.rel @!p2 .LBB2_3-.Ltmp0, $4  }
0x87: {  	s22 =	simm.s32 $0x1;
	s2 =	sor.u32 $0x800, s2;
	[sflag:s0] =	ssyncadd.s32 $0xFFFFF000  }
0x88: {  	[spmem:s1] =	stream.indirect.scatter.add.f32 [tilespmem:s28], [sflag:$0x5], $0x80, s2, s20, $0xb8;
	[tilespmem:$0x18880] =	vst v63  }
0x89: {  	s24 =	sadd.s32 $0x400, s5;
	s26 =	sadd.s32 $0x80, s4;
	_ =	swait.ge [sflag:s17], $0x1000  }
0x8a: {  	s12 =	sor.u32 @!p1 $0x180, s11;
	s2 =	simm.s32 @!p1 $0x4000;
	[sflag:s17] =	ssyncset.done $0x0  }
.LBB2_2:
0x8b: {  	s13 =	sand.u32 $0x1, s22;
	s22 =	sadd.s32 $0x1, s22;
	[sflag:s17] =	ssyncadd.s32 $0xFFFFF000  }
0x8c: {  	[tilespmem:s2], [sflag:$0x4] =	stream.indirect.gather @!p1 [hbm4b:s3+s10], $0x80, s12, s10, $0xb8;
	[tilespmem:$0x18880] =	vst v63  }
0x8d: {  	s2 =	sshll.u32 s13, $0xA;
	p2 =	sne.s32 s7, s22;
	_ =	swait.ge [sflag:s29], $0x1000  }
0x8e: {  	s6 =	sor.u32 $0x800, s2;
	[sflag:s29] =	ssyncset.done $0x0  }
0x8f: {  	[sflag:s29] =	ssyncadd.s32 $0xFFFFF000  }
0x90: {  	[spmem:s1] =	stream.indirect.scatter.add.f32 [tilespmem:s19], [sflag:$0x5], $0x80, s6, s20, $0xb8;
	[tilespmem:$0x18880] =	vst v63  }
0x91: {  	_ =	swait.ge [sflag:s17], $0x1000  }
0x92: {  	s6 =	sor.u32 $0x200, s2;
	[sflag:s17] =	ssyncset.done $0x0  }
0x93: {  	[sflag:s17] =	ssyncadd.s32 $0xFFFFF000  }
0x94: {  	[tilespmem:s19], [sflag:$0x1] =	stream.indirect.gather [hbm4b:s3+s20], $0x80, s6, s20, $0xb8;
	[tilespmem:$0x18880] =	vst v63  }
0x95: {  	_ =	swait.ge [sflag:s30], $0x1000  }
0x96: {  	s8 =	sor.u32 $0x880, s2;
	[sflag:s30] =	ssyncset.done $0x0  }
0x97: {  	[sflag:s30] =	ssyncadd.s32 $0xFFFFF000  }
0x98: {  	[spmem:s1] =	stream.indirect.scatter.add.f32 [tilespmem:s23], [sflag:$0x5], $0x80, s8, s20, $0xb8;
	[tilespmem:$0x18880] =	vst v63  }
0x99: {  	_ =	swait.ge [sflag:s17], $0x1000  }
0x9a: {  	s8 =	sor.u32 $0x280, s2;
	[sflag:s17] =	ssyncset.done $0x0  }
0x9b: {  	[sflag:s17] =	ssyncadd.s32 $0xFFFFF000  }
0x9c: {  	[tilespmem:s23], [sflag:$0x2] =	stream.indirect.gather [hbm4b:s3+s20], $0x80, s8, s20, $0xb8;
	[tilespmem:$0x18880] =	vst v63  }
0x9d: {  	_ =	swait.ge [sflag:s31], $0x1000  }
0x9e: {  	s10 =	sor.u32 $0x900, s2;
	[sflag:s31] =	ssyncset.done $0x0  }
0x9f: {  	[sflag:s31] =	ssyncadd.s32 $0xFFFFF000  }
0xa0: {  	[spmem:s1] =	stream.indirect.scatter.add.f32 [tilespmem:s25], [sflag:$0x5], $0x80, s10, s20, $0xb8;
	[tilespmem:$0x18880] =	vst v63  }
0xa1: {  	_ =	swait.ge [sflag:s17], $0x1000  }
0xa2: {  	s10 =	sor.u32 $0x300, s2;
	[sflag:s17] =	ssyncset.done $0x0  }
0xa3: {  	[sflag:s17] =	ssyncadd.s32 $0xFFFFF000  }
0xa4: {  	[tilespmem:s25], [sflag:$0x3] =	stream.indirect.gather [hbm4b:s3+s20], $0x80, s10, s20, $0xb8;
	[tilespmem:$0x18880] =	vst v63  }
0xa5: {  	_ =	swait.ge [sflag:s0], $0x1000  }
0xa6: {  	s11 =	sor.u32 $0x980, s2;
	[sflag:s0] =	ssyncset.done $0x0  }
0xa7: {  	[sflag:s0] =	ssyncadd.s32 $0xFFFFF000  }
0xa8: {  	[spmem:s1] =	stream.indirect.scatter.add.f32 [tilespmem:s28], [sflag:$0x5], $0x80, s11, s20, $0xb8;
	[tilespmem:$0x18880] =	vst v63  }
0xa9: {  	_ =	swait.ge [sflag:s17], $0x1000  }
0xaa: {  	p1 =	sge.u32 s22, s7;
	s11 =	sor.u32 $0x380, s2;
	[sflag:s17] =	ssyncset.done $0x0  }
0xab: {  	s12 =	sshrl.u32 @!p1 s24, $0x3;
	s2 =	simm.s32 @p1 $0x1;
	[sflag:s17] =	ssyncadd.s32 $0xFFFFF000  }
0xac: {  	[tilespmem:s28], [sflag:$0x4] =	stream.indirect.gather [hbm4b:s3+s20], $0x80, s11, s20, $0xb8;
	[tilespmem:$0x18880] =	vst v63  }
0xad: {  	s15 =	simm.s32 @p1 $0x1000;
	s12 =	sadd.s32 @!p1 s21, s12;
	_ =	swait.ge @p1 [sflag:s2], $0x1000  }
0xae: {  	s14 =	simm.s32 @p1 $0x20;
	s16 =	sor.u32 @p1 $0x800, s6;
	[sflag:s2] =	ssyncset.done @p1 $0x0  }
0xaf: {  	s19 =	sor.u32 @!p1 $0x800, s6;
	[sflag:s2] =	ssyncadd.s32 @p1 $0xFFFFF000;
	s2 =	simm.s32 @p1 $0x5  }
0xb0: {  	[spmem:s1] =	stream.indirect.scatter.add.f32 @p1 [tilespmem:s15], [sflag:$0x5], $0x80, s16, s14, $0xb8;
	[tilespmem:$0x18880] =	vst v63  }
0xb1: {  	s6 =	sxor.u32 $0x1, s13;
	s16 =	sor.u32 @p1 $0x800, s10;
	_ =	swait.ge @p1 [sflag:s2], $0x1000  }
0xb2: {  	s4 =	simm.s32 @!p1 $0x0;
	s9 =	sshll.u32 @!p1 s6, $0xA;
	[sflag:s2] =	ssyncset.done @p1 $0x0  }
0xb3: {  	s13 =	simm.s32 @!p1 $0x5;
	s5 =	sor.u32 @!p1 $0x800, s9;
	[sflag:s2] =	ssyncadd.s32 @p1 $0xFFFFF000  }
0xb4: {  	[tilespmem:s9], [sflag:$0x5] =	stream.linear.gather @!p1 [hbm4b:s12+s4], $0x400, $0x38;
	[tilespmem:$0x18880] =	vst v63  }
0xb5: {  	s18 =	sor.u32 @!p1 $0x80, s9;
	s6 =	sor.u32 @!p1 $0x100, s9;
	_ =	swait.ge @!p1 [sflag:s13], $0x400  }
0xb6: {  	s15 =	sor.u32 @!p1 $0x800, s10;
	s12 =	sor.u32 @!p1 $0x180, s9;
	[sflag:s13] =	ssyncset.done @!p1 $0x0  }
0xb7: {  	[sflag:s13] =	ssyncadd.s32 @!p1 $0xFFFFFC00  }
0xb8: {  	[tilespmem:s5], [sflag:$0x5] =	stream.linear.gather @!p1 [hbm4b:s26+s4], $0x400, $0x38;
	[tilespmem:$0x18880] =	vst v63  }
0xb9: {  	_ =	swait.ge @!p1 [sflag:s13], $0x400  }
0xba: {  	s4 =	simm.s32 @!p1 $0x1;
	[sflag:s13] =	ssyncset.done @!p1 $0x0  }
0xbb: {  	[sflag:s13] =	ssyncadd.s32 @!p1 $0xFFFFFC00  }
0xbc: {  	_ =	swait.ge @!p1 [sflag:s4], $0x1000  }
0xbd: {  	s10 =	simm.s32 @!p1 $0x20;
	s5 =	simm.s32 @!p1 $0x1000;
	[sflag:s4] =	ssyncset.done @!p1 $0x0  }
0xbe: {  	[sflag:s4] =	ssyncadd.s32 @!p1 $0xFFFFF000  }
0xbf: {  	[spmem:s1] =	stream.indirect.scatter.add.f32 @!p1 [tilespmem:s5], [sflag:$0x5], $0x80, s19, s10, $0xb8;
	[tilespmem:$0x18880] =	vst v63  }
0xc0: {  	s19 =	simm.s32 $0x1000  }
0xc1: {  	_ =	swait.ge @!p1 [sflag:s13], $0x1000  }
0xc2: {  	[sflag:s13] =	ssyncset.done @!p1 $0x0  }
0xc3: {  	[sflag:s13] =	ssyncadd.s32 @!p1 $0xFFFFF000  }
0xc4: {  	[tilespmem:s5], [sflag:$0x1] =	stream.indirect.gather @!p1 [hbm4b:s3+s10], $0x80, s9, s10, $0xb8;
	[tilespmem:$0x18880] =	vst v63  }
0xc5: {  	_ =	swait.ge [sflag:s30], $0x1000  }
0xc6: {  	s4 =	sor.u32 $0x800, s8;
	[sflag:s30] =	ssyncset.done $0x0  }
0xc7: {  	[sflag:s30] =	ssyncadd.s32 $0xFFFFF000  }
0xc8: {  	[spmem:s1] =	stream.indirect.scatter.add.f32 [tilespmem:s23], [sflag:$0x5], $0x80, s4, s20, $0xb8;
	[tilespmem:$0x18880] =	vst v63  }
0xc9: {  	_ =	swait.ge [sflag:s17], $0x1000  }
0xca: {  	s4 =	simm.s32 @p1 $0x3;
	[sflag:s17] =	ssyncset.done $0x0  }
0xcb: {  	[sflag:s17] =	ssyncadd.s32 $0xFFFFF000  }
0xcc: {  	_ =	swait.ge @p1 [sflag:s4], $0x1000  }
0xcd: {  	s5 =	simm.s32 @p1 $0x3000;
	[sflag:s4] =	ssyncset.done @p1 $0x0  }
0xce: {  	[sflag:s4] =	ssyncadd.s32 @p1 $0xFFFFF000  }
0xcf: {  	[spmem:s1] =	stream.indirect.scatter.add.f32 @p1 [tilespmem:s5], [sflag:$0x5], $0x80, s16, s14, $0xb8;
	[tilespmem:$0x18880] =	vst v63  }
0xd0: {  	_ =	swait.ge @p1 [sflag:s2], $0x1000  }
0xd1: {  	s4 =	simm.s32 @!p1 $0x2000;
	[sflag:s2] =	ssyncset.done @p1 $0x0  }
0xd2: {  	[sflag:s2] =	ssyncadd.s32 @p1 $0xFFFFF000;
	s2 =	simm.s32 @!p1 $0x3  }
0xd3: {  	[tilespmem:s4], [sflag:$0x2] =	stream.indirect.gather @!p1 [hbm4b:s3+s10], $0x80, s18, s10, $0xb8;
	[tilespmem:$0x18880] =	vst v63  }
0xd4: {  	_ =	swait.ge @!p1 [sflag:s2], $0x1000  }
0xd5: {  	s4 =	simm.s32 @!p1 $0x3000;
	[sflag:s2] =	ssyncset.done @!p1 $0x0  }
0xd6: {  	[sflag:s2] =	ssyncadd.s32 @!p1 $0xFFFFF000  }
0xd7: {  	[spmem:s1] =	stream.indirect.scatter.add.f32 @!p1 [tilespmem:s4], [sflag:$0x5], $0x80, s15, s10, $0xb8;
	[tilespmem:$0x18880] =	vst v63  }
0xd8: {  	_ =	swait.ge @!p1 [sflag:s13], $0x1000  }
0xd9: {  	[sflag:s13] =	ssyncset.done @!p1 $0x0  }
0xda: {  	[sflag:s13] =	ssyncadd.s32 @!p1 $0xFFFFF000  }
0xdb: {  	[tilespmem:s4], [sflag:$0x3] =	stream.indirect.gather @!p1 [hbm4b:s3+s10], $0x80, s6, s10, $0xb8;
	[tilespmem:$0x18880] =	vst v63  }
0xdc: {  	_ =	swait.ge [sflag:s0], $0x1000  }
.Ltmp1:
0xdd: {  	s2 =	sor.u32 $0x800, s11;
	[sflag:s0] =	ssyncset.done $0x0;
	(pc) =	sbr.rel @p2 .LBB2_2-.Ltmp1, $4  }
0xde: {  	[sflag:s0] =	ssyncadd.s32 $0xFFFFF000  }
0xdf: {  	[spmem:s1] =	stream.indirect.scatter.add.f32 [tilespmem:s28], [sflag:$0x5], $0x80, s2, s20, $0xb8;
	[tilespmem:$0x18880] =	vst v63  }
0xe0: {  	s24 =	sadd.s32 $0x400, s24;
	_ =	swait.ge [sflag:s17], $0x1000  }
0xe1: {  	s26 =	sadd.s32 $0x80, s26;
	s2 =	simm.s32 @!p1 $0x4000;
	[sflag:s17] =	ssyncset.done $0x0  }
.LBB2_3:
0xe2: {  	[sflag:s17] =	ssyncadd.s32 $0xFFFFF000  }
0xe3: {  	[tilespmem:s2], [sflag:$0x4] =	stream.indirect.gather @!p1 [hbm4b:s3+s10], $0x80, s12, s10, $0xb8;
	[tilespmem:$0x18880] =	vst v63  }
0xe4: {  	[bflag:$0x0] =	sbarrier.arrive $0xFFFF  }
0xe5: {  	s9 =	rddreg [dreg:$0x5]  }
0xe6: {  	s24 =	rddreg [dreg:$0x7]  }
0xe7: {  	s4 =	rddreg [dreg:$0xc]  }
0xe8: {  	[hbm:s24], [sflag:s9] =	dma.local [spmem:s4], $0x2700  }
0xe9: {  	_ =	swait.ge [sflag:s17], $0x2700  }
0xea: {  	[sflag:s17] =	ssyncset.done $0x0;
	s2 =	rddreg [dreg:$0x8]  }
0xeb: {  	s8 =	simm.s32 @!p0 $0x5;
	s5 =	rddreg [dreg:$0xd];
	[sflag:s17] =	ssyncadd.s32 $0xFFFFD900  }
0xec: {  	[hbm:s2], [sflag:s9] =	dma.local @!p0 [spmem:s5], $0x100  }
0xed: {  	_ =	swait.ge @!p0 [sflag:s8], $0x100  }
0xee: {  	s6 =	rddreg [dreg:$0xe]  }
0xef: {  	s26 =	rddreg [dreg:$0x9];
	s6 =	sadd.s32 $0x1, s6  }
0xf0: {  	p1 =	sne.s32 s6, s26  }
.Ltmp2:
0xf1: {  	_ = 	snop;
	(pc) =	sbr.rel @p1 .LBB2_1-.Ltmp2, $3  }
0xf2: {  	_ =	sdelay $0x1  }
0xf3: {  	[sflag:s8] =	ssyncset.done @!p0 $0x0  }
0xf4: {  	[sflag:s8] =	ssyncadd.s32 @!p0 $0xFFFFFF00  }
0xf5: {  	_ =	sfence.sel $0x180000  }
0xf6: {  	[bflag:$0x0] =	sbarrier.arrive $0xFFFF  }
0xf7: {  	_ =	strace $0x9000004D  }
0xf8: {  	s0 =	stileid.u32;
	[bflag:$0x2] =	sbarrier.arrive $0xFFFF  }
0xf9: {  	p0 =	sne.s32 s0, $0x0;
	s0 =	rddreg [dreg:$0x2]  }
0xfa: {  	s0 =	sadd.s32 @!p0 $0x100000, s0  }
0xfb: {  	[sflag:s0] =	ssyncadd.tile.s32 @!p0 $0x1;
	_ =	shalt  }
.Lfunc_end2:
_tile_overlayer_lowered:
.L_overlay_start_2:
0xfc: {  	(tag) =	ssettag $0x2  }
0xfd: {  	s0 =	rddreg [dreg:$0x0];
	s2 =	stileid.u32  }
0xfe: {  	s1 =	rddreg [dreg:$0x1];
	p0 =	sne.s32 s2, $0x0  }
0xff: {  	s3 =	rddreg [dreg:$0x2];
	[bflag:$0x3] =	sbarrier.arrive $0xFFFF;
	s2 =	simm.s32 @!p0 $0x1C05  }
0x100: {  	[timem:s3], [sflag:s2] =	dma.local @!p0 [hbm:s0], s1  }
0x101: {  	s0 =	simm.s32 @!p0 $0x5  }
0x102: {  	_ =	swait.ge @!p0 [sflag:s0], s1  }
0x103: {  	s1 =	ssub.s32 @!p0 $0x0, s1;
	[sflag:s0] =	ssyncset.done @!p0 $0x0  }
0x104: {  	[sflag:s0] =	ssyncadd.s32 @!p0 s1  }
0x105: {  	[bflag:$0x3] =	sbarrier.arrive $0xFFFF  }
0x106: {  	_ =	shalt  }

// kernel: kernel.19.cloned.1.call-start
scs
__scs_entry_jumppad:
0x0: {  	(pc) =	sbr.rel $0x88, $3  }
0x1: {  	(tag) =	ssettag $0x0;
	lr =	simm.s32 $0x1  }
0x2: {  	[smem:$0x3F91] =	sst lr;
	_ =	strace $0xD0000000  }
0x3: {  	_ = 	snop  }
0x4: {  	_ = 	snop  }
0x5: {  	_ = 	snop  }
0x6: {  	_ = 	snop  }
0x7: {  	_ = 	snop  }
__scs_overlays_trampoline_lowered:
0x8: {  	[smem:$0x3FA0] =	sst s0  }
0x9: {  	[smem:$0x3FA1] =	sst s1  }
0xa: {  	[smem:$0x3FA2] =	sst s2  }
0xb: {  	[smem:$0x3FA3] =	sst s3  }
0xc: {  	[smem:$0x3FA4] =	sst s4  }
0xd: {  	[smem:$0x3FA5] =	sst s5  }
0xe: {  	[smem:$0x3FA6] =	sst s6  }
0xf: {  	[smem:$0x3FA7] =	sst s7  }
0x10: {  	[smem:$0x3FA8] =	sst s8  }
0x11: {  	[smem:$0x3FA9] =	sst s9;
	s0 =	simm.s32 @!p0 $0x0  }
0x12: {  	s1 =	sld [smem:$0x3F8F];
	s0 =	simm.s32 @p0 $0x1  }
0x13: {  	[smem:$0x3FAA] =	sst s0;
	s0 =	simm.s32 @!p1 $0x0  }
0x14: {  	s2 =	sld [smem:$0x3F8E];
	s0 =	simm.s32 @p1 $0x1  }
0x15: {  	[smem:$0x3FAB] =	sst s0;
	s0 =	simm.s32 @!p2 $0x0  }
0x16: {  	s3 =	sld [smem:$0x3FDB];
	s0 =	simm.s32 @p2 $0x1  }
0x17: {  	s4 =	simm.s32 $0x1BF5;
	[smem:$0x3FAD] =	sst s0  }
0x18: {  	s0 =	sld [smem:$0x3F90];
	_ =	swait.ge [sflag:s4], $0x0  }
0x19: {  	s7 =	sld [smem:$0x3F91]  }
0x1a: {  	s8 =	sadd.s32 $0xFFFFE003, lr  }
0x1b: {  	s9 =	sadd.s32 $0xFFFFFEF7, lr;
	s5 =	simm.s32 $0xFFFFFFFF;
	p2 =	slt.u32 s8, $0xFFFFF086  }
0x1c: {  	p1 =	slt.u32 s9, $0xF7A;
	s5 =	simm.s32 @!p2 $0x0  }
0x1d: {  	s5 =	simm.s32 @p1 $0x1;
	p0 =	seq.s32 s7, s2  }
0x1e: {  	s7 =	smul.u32 @!p0 $0xF7A, s2;
	p2 =	seq.s32 @!p0 s5, $0x0  }
0x1f: {  	s9 =	smul.u32 $0xF7A, s1;
	s8 =	simm.s32 @!p0 $0x1BF5;
	p2 =	por !p2, p0  }
0x20: {  	[sflag:s8] =	ssyncset.s32 @!p0 $0xFFFFF086;
	s6 =	sadd.s32 @!p0 s3, s7;
	s7 =	simm.s32 @!p0 $0x108  }
0x21: {  	s3 =	sadd.s32 s3, s9;
	s6 =	sadd.s32 @!p0 $0x88, s6;
	s7 =	simm.s32 @p2 $0x1082  }
0x22: {  	[simem:s7], [sflag:s8] =	dma.local @!p0 [hbm:s6], $0xF7A  }
0x23: {  	s9 =	sor.u32 $0xD0000000, s2;
	s6 =	simm.s32 $0x108;
	_ =	swait.ge @!p0 [sflag:s8], $0x0  }
0x24: {  	s3 =	sadd.s32 $0x88, s3;
	s6 =	simm.s32 @!p1 $0x1082;
	[sflag:s4] =	ssyncset.s32 $0xFFFFF086  }
0x25: {  	[simem:s6], [sflag:s4] =	dma.local [hbm:s3], $0xF7A  }
0x26: {  	[smem:$0x3F91] =	sst s1;
	(tag) =	ssettag s2;
	_ =	strace s9  }
0x27: {  	s1 =	sld [smem:$0x3FA1]  }
0x28: {  	s2 =	sld [smem:$0x3FA2]  }
0x29: {  	s4 =	sld [smem:$0x3FA4]  }
0x2a: {  	p0 =	seq.s32 s5, $0x0;
	s5 =	sld [smem:$0x3FA5]  }
0x2b: {  	s6 =	sld [smem:$0x3FA6]  }
0x2c: {  	s7 =	sld [smem:$0x3FA7]  }
0x2d: {  	s3 =	simm.s32 $0x108;
	s8 =	sld [smem:$0x3FA8]  }
0x2e: {  	s3 =	simm.s32 @!p0 $0x1082;
	s9 =	sld [smem:$0x3FA9]  }
0x2f: {  	lr =	sadd.s32 s0, s3;
	s0 =	sld [smem:$0x3FA0]  }
0x30: {  	s3 =	sld [smem:$0x3FA3]  }
0x31: {  	[smem:$0x3FAC] =	sst s10  }
0x32: {  	s10 =	sld [smem:$0x3FAA];
	_ =	sdelay $0x3  }
0x33: {  	p0 =	seq.s32 s10, $0x1;
	s10 =	sld [smem:$0x3FAC];
	_ =	sdelay $0x3  }
0x34: {  	[smem:$0x3FAC] =	sst s10  }
0x35: {  	s10 =	sld [smem:$0x3FAB];
	_ =	sdelay $0x3  }
0x36: {  	p1 =	seq.s32 s10, $0x1;
	s10 =	sld [smem:$0x3FAC];
	_ =	sdelay $0x3  }
0x37: {  	[smem:$0x3FAC] =	sst s10  }
0x38: {  	s10 =	sld [smem:$0x3FAD]  }
0x39: {  	_ = 	snop;
	(pc) =	sbr.ind lr, $3  }
0x3a: {  	_ = 	snop  }
0x3b: {  	_ = 	snop  }
0x3c: {  	p2 =	seq.s32 s10, $0x1;
	s10 =	sld [smem:$0x3FAC]  }
0x3d: {  	_ =	shalt  }
0x3e: {  	_ =	shalt  }
0x3f: {  	_ =	shalt  }
0x40: {  	_ =	shalt  }
0x41: {  	_ =	shalt  }
0x42: {  	_ =	shalt  }
0x43: {  	_ =	shalt  }
0x44: {  	_ =	shalt  }
0x45: {  	_ =	shalt  }
0x46: {  	_ =	shalt  }
0x47: {  	_ =	shalt  }
0x48: {  	_ =	shalt  }
0x49: {  	_ =	shalt  }
0x4a: {  	_ =	shalt  }
0x4b: {  	_ =	shalt  }
0x4c: {  	_ =	shalt  }
0x4d: {  	_ =	shalt  }
0x4e: {  	_ =	shalt  }
0x4f: {  	_ =	shalt  }
0x50: {  	_ =	shalt  }
0x51: {  	_ =	shalt  }
0x52: {  	_ =	shalt  }
0x53: {  	_ =	shalt  }
0x54: {  	_ =	shalt  }
0x55: {  	_ =	shalt  }
0x56: {  	_ =	shalt  }
0x57: {  	_ =	shalt  }
0x58: {  	_ =	shalt  }
0x59: {  	_ =	shalt  }
0x5a: {  	_ =	shalt  }
0x5b: {  	_ =	shalt  }
0x5c: {  	_ =	shalt  }
0x5d: {  	_ =	shalt  }
0x5e: {  	_ =	shalt  }
0x5f: {  	_ =	shalt  }
0x60: {  	_ =	shalt  }
0x61: {  	_ =	shalt  }
0x62: {  	_ =	shalt  }
0x63: {  	_ =	shalt  }
0x64: {  	_ =	shalt  }
0x65: {  	_ =	shalt  }
0x66: {  	_ =	shalt  }
0x67: {  	_ =	shalt  }
0x68: {  	_ =	shalt  }
0x69: {  	_ =	shalt  }
0x6a: {  	_ =	shalt  }
0x6b: {  	_ =	shalt  }
0x6c: {  	_ =	shalt  }
0x6d: {  	_ =	shalt  }
0x6e: {  	_ =	shalt  }
0x6f: {  	_ =	shalt  }
0x70: {  	_ =	shalt  }
0x71: {  	_ =	shalt  }
0x72: {  	_ =	shalt  }
0x73: {  	_ =	shalt  }
0x74: {  	_ =	shalt  }
0x75: {  	_ =	shalt  }
0x76: {  	_ =	shalt  }
0x77: {  	_ =	shalt  }
0x78: {  	_ =	shalt  }
0x79: {  	_ =	shalt  }
0x7a: {  	_ =	shalt  }
0x7b: {  	_ =	shalt  }
0x7c: {  	_ =	shalt  }
0x7d: {  	_ =	shalt  }
0x7e: {  	_ =	shalt  }
0x7f: {  	_ =	shalt  }
0x80: {  	_ =	shalt  }
0x81: {  	_ =	shalt  }
0x82: {  	_ =	shalt  }
0x83: {  	_ =	shalt  }
0x84: {  	_ =	shalt  }
0x85: {  	_ =	shalt  }
0x86: {  	_ =	shalt  }
0x87: {  	_ =	shalt  }
.Lfunc_end0:
.L_simem_size_0:
called_computation.3_lowered:
.L_overlay_start_0:
0x88: {  	s2 =	sld [smem:$0x3FD9]  }
0x89: {  	s3 =	sld [smem:$0x3FFE];
	_ =	sdelay $0x1  }
0x8a: {  	s1 =	srdreg.scid  }
0x8b: {  	s0 =	sand.u32 $0x1, s1  }
0x8c: {  	s16 =	sshll.u32 s0, $0xA;
	s2 =	sadd.s32 s3, s2  }
0x8d: {  	s2 =	sadd.s32 s2, s16  }
0x8e: {  	[smem:$0x3FB8] =	sst s2  }
0x8f: {  	_ = 	snop  }
0x90: {  	(tm) =	ssettm $0x1  }
0x91: {  	s17 =	sld [smem:$0x3FFB];
	_ =	sdelay $0x3  }
0x92: {  	_ =	strace s17  }
0x93: {  	s2 =	sld [smem:$0x3FFC];
	_ =	sdelay $0x3  }
0x94: {  	_ =	strace s2  }
0x95: {  	s2 =	sld [smem:$0x3FFD];
	_ =	sdelay $0x3  }
0x96: {  	_ =	strace s2  }
0x97: {  	_ =	strace $0x8FFFFFFF  }
0x98: {  	s18 =	sld [smem:$0x3FDB];
	_ =	sdelay $0x1  }
0x99: {  	s19 =	simm.s32 $_scs_section_size  }
0x9a: {  	s4 =	simm.s32 $_size__tile_overlayer_lowered;
	s5 =	simm.s32 $_tile_overlayer_lowered  }
0x9b: {  	s22 =	simm.s32 $0x1BFF;
	s21 =	sshll.u32 s5, $0x1;
	s2 =	sadd.s32 s19, s18  }
0x9c: {  	s6 =	simm.s32 $0x0;
	s20 =	sshll.u32 s4, $0x1;
	s4 =	sadd.s32 s21, s2  }
0x9d: {  	[timem:s6], [sflag:s22] =	dma.local [hbm:s4], s20  }
0x9e: {  	_ =	swait.ge [sflag:s22], s20  }
0x9f: {  	s3 =	ssub.s32 $0x0, s20;
	[sflag:s22] =	ssyncset.done $0x0  }
0xa0: {  	[sflag:s22] =	ssyncadd.s32 s3;
	_ =	sdelay $0x1  }
0xa1: {  	s23 =	simm.s32 $0x1B8B  }
0xa2: {  	_ =	swait.ge [sflag:s23], $0x1  }
0xa3: {  	[sflag:s23] =	ssyncset.done $0x0  }
0xa4: {  	s25 =	simm.s32 $0x1B8E;
	s24 =	sld [smem:$0x3FFE];
	[sflag:s23] =	ssyncadd.s32 $0xFFFFFFFF  }
0xa5: {  	s26 =	simm.s32 $execute0_lowered;
	[smem:$0x3FD2] =	sst s25  }
0xa6: {  	s4 =	sshll.u32 s26, $0x1;
	_ =	strace $0x8000004F;
	[dreg:$0x1] =	wrdreg $0xFFFFFFFF  }
0xa7: {  	s28 =	simm.s32 $_size_execute0_lowered;
	s2 =	sadd.s32 s2, s4;
	[dreg:$0x0] =	wrdreg $0x0  }
0xa8: {  	s4 =	sshll.u32 s28, $0x1;
	[dreg:$0x2] =	wrdreg s2  }
0xa9: {  	[dreg:$0x3] =	wrdreg s4  }
0xaa: {  	[dreg:$0x4] =	wrdreg $0xC0  }
0xab: {  	_ =	task [dreg:s6], $0x5FFFF  }
0xac: {  	[dreg:$0x1] =	wrdreg $0xFFFFFFFF  }
0xad: {  	[dreg:$0x0] =	wrdreg $0x60  }
0xae: {  	[dreg:$0x2] =	wrdreg s24  }
0xaf: {  	[dreg:$0x3] =	wrdreg $0x50000  }
0xb0: {  	[dreg:$0x4] =	wrdreg $0x9  }
0xb1: {  	_ =	task.clear_ibuf [dreg:s6], $0x5FFFF;
	_ =	strace $0x9000004F  }
0xb2: {  	s29 =	simm.s32 $0x9;
	_ =	strace $0x80000051  }
0xb3: {  	_ =	swait.ge [sflag:s29], $0x1  }
0xb4: {  	[sflag:s29] =	ssyncadd.s32 $0xFFFFFFFF  }
0xb5: {  	_ =	strace $0x90000051  }
0xb6: {  	_ =	sfence  }
0xb7: {  	s30 =	sld [smem:$0x0];
	_ =	sdelay $0x2  }
0xb8: {  	s31 =	sshll.u32 s1, $0xD;
	s1 =	sshrl.u32 s1, $0x2  }
0xb9: {  	s3 =	sand.u32 $0x4000, s31;
	s1 =	sadd.s32 s1, s30  }
0xba: {  	s0 =	sor.u32 s3, s0;
	s1 =	sshll.u32 s1, $0x11  }
0xbb: {  	s0 =	sor.u32 s1, s0  }
0xbc: {  	s0 =	sadd.s32 $0x8F2B, s0  }
0xbd: {  	[sflag:s0] =	ssyncadd.remote.s32 $0x1  }
0xbe: {  	_ =	sfence.sel $0xFFFF  }
0xbf: {  	[dreg:$0x0] =	wrdreg $0xFFFFFFFF;
	(pc) =	sbr.abs _section_cstart, $3  }
0xc0: {  	[dreg:$0x1] =	wrdreg $0xFFFFFFFF  }
0xc1: {  	_ =	task.clear_ibuf [dreg:s6], $0x2FFFF;
	_ =	strace $0x9FFFFFFF  }
0xc2: {  	(tm) =	ssettm $0x7FFFFFFF  }
0xc3: {  	_ =	shalt  }
tec
execute0_lowered:
.L_overlay_start_1:
0x0: {  	(tag) =	ssettag $0x1  }
0x1: {  	s0 =	rddreg [dreg:$0x0]  }
0x2: {  	s1 =	rddreg [dreg:$0x1]  }
0x3: {  	s2 =	simm.s32 $0x0;
	s14 =	srdreg.scid;
	s5 =	stileid.u32  }
0x4: {  	s7 =	simm.s32 $0x28;
	s28 =	simm.s32 $0x4000;
	s29 =	simm.s32 $0x1  }
0x5: {  	s30 =	simm.s32 $0x2;
	s31 =	simm.s32 $0x3;
	[smem:$0x7FF] =	sst s2  }
0x6: {  	s3 =	sadd.s32 $0x54C00, s0;
	s21 =	sadd.s32 $0x4200, s0;
	s9 =	smul.u32 $0x27, s5  }
0x7: {  	s4 =	sadd.s32 $0x52400, s0;
	s2 =	sand.u32 $0x1, s14;
	s10 =	smul.u32 $0x4E000, s5  }
0x8: {  	s0 =	sadd.s32 $0x7BE00, s0;
	p0 =	seq.s32 s5, $0xF;
	s18 =	smul.u32 $0x13800, s5  }
0x9: {  	s19 =	sshll.u32 s5, $0x6;
	s20 =	smul.u32 $0x9C00, s5;
	s12 =	sadd.s32 $0x138000, s1  }
0xa: {  	_ =	strace $0x80000050;
	[dreg:$0x3] =	wrdreg s4;
	s6 =	smul.u32 $0x271, s2  }
0xb: {  	s15 =	ssub.s32 $0x2, s2;
	s7 =	simm.s32 @!p0 $0x27;
	s16 =	smul.u32 $0x138800, s2  }
0xc: {  	s2 =	smul.u32 $0x9C400, s2;
	p0 =	sne.s32 s5, $0xF;
	s8 =	sshrl.u32 s15, $0x1  }
0xd: {  	s17 =	sshrl.u32 s10, $0x2;
	s5 =	sshrl.u32 @!p0 s12, $0x3;
	s4 =	ssub.s32 s15, s8  }
0xe: {  	s6 =	sadd.s32 s9, s6;
	s11 =	sadd.s32 s17, s1;
	s9 =	sor.u32 $0x1C05, s19  }
0xf: {  	s10 =	sadd.s32 s18, s16;
	s8 =	sshrl.u32 s16, $0x3;
	s2 =	sadd.s32 s20, s2  }
0x10: {  	s17 =	simm.s32 $0x5;
	s20 =	simm.s32 $0x20;
	[dreg:$0xd] =	wrdreg s5  }
0x11: {  	s19 =	simm.s32 $0x1000;
	s4 =	smax.u32 s4, $0x1;
	[dreg:$0x5] =	wrdreg s9  }
0x12: {  	s6 =	sshll.u32 s6, $0x7;
	s26 =	sadd.s32 $0x400, s2;
	[dreg:$0x9] =	wrdreg s4  }
0x13: {  	s22 =	sshrl.u32 s10, $0x3;
	s13 =	sadd.s32 s21, s6;
	[dreg:$0xb] =	wrdreg s26  }
0x14: {  	s8 =	sadd.s32 s0, s8;
	s0 =	sadd.s32 s0, s22;
	[dreg:$0x4] =	wrdreg s13  }
0x15: {  	s23 =	sadd.s32 $0x138C00, s2;
	s24 =	sadd.s32 $0x27000, s8;
	[dreg:$0x7] =	wrdreg s0  }
0x16: {  	s25 =	sshrl.u32 s23, $0x3;
	s4 =	sshrl.u32 s11, $0x3;
	[dreg:$0x8] =	wrdreg s24  }
0x17: {  	s23 =	simm.s32 $0x2000;
	s13 =	sadd.s32 $0x27100, s13;
	[dreg:$0xc] =	wrdreg s4  }
0x18: {  	s6 =	simm.s32 $0x0;
	s0 =	sadd.s32 s25, s21;
	[dreg:$0x6] =	wrdreg s13  }
0x19: {  	s25 =	simm.s32 $0x3000;
	[dreg:$0xa] =	wrdreg s0;
	s0 =	simm.s32 $0x4  }
.LBB2_1:
0x1a: {  	[dreg:$0xe] =	wrdreg s6  }
0x1b: {  	s2 =	rddreg [dreg:$0x3]  }
0x1c: {  	[spmem:s4], [sflag:s9] =	dma.local [hbm:s2], $0x2700  }
0x1d: {  	_ =	swait.ge [sflag:s17], $0x2700  }
0x1e: {  	[sflag:s17] =	ssyncset.done $0x0  }
0x1f: {  	[sflag:s17] =	ssyncadd.s32 $0xFFFFD900  }
0x20: {  	[spmem:s5], [sflag:s9] =	dma.local @!p0 [hbm:s2], $0x100  }
0x21: {  	s2 =	simm.s32 @!p0 $0x5  }
0x22: {  	_ =	swait.ge @!p0 [sflag:s2], $0x100  }
0x23: {  	[sflag:s2] =	ssyncset.done @!p0 $0x0  }
0x24: {  	[sflag:s2] =	ssyncadd.s32 @!p0 $0xFFFFFF00  }
0x25: {  	[bflag:$0x0] =	sbarrier.arrive $0xFFFF  }
0x26: {  	s11 =	simm.s32 $0x0;
	s12 =	rddreg [dreg:$0x4]  }
0x27: {  	[tilespmem:s11], [sflag:$0x5] =	stream.linear.gather [hbm4b:s12+s11], $0x400, $0x38;
	[tilespmem:$0x18880] =	vst v63  }
0x28: {  	_ =	swait.ge [sflag:s17], $0x400  }
0x29: {  	[sflag:s17] =	ssyncset.done $0x0  }
0x2a: {  	s14 =	simm.s32 $0x800;
	s13 =	rddreg [dreg:$0x6];
	[sflag:s17] =	ssyncadd.s32 $0xFFFFFC00  }
0x2b: {  	[tilespmem:s14], [sflag:$0x5] =	stream.linear.gather [hbm4b:s13+s11], $0x400, $0x38;
	[tilespmem:$0x18880] =	vst v63  }
0x2c: {  	_ =	swait.ge [sflag:s17], $0x400  }
0x2d: {  	[sflag:s17] =	ssyncset.done $0x0  }
0x2e: {  	[sflag:s17] =	ssyncadd.s32 $0xFFFFFC00  }
0x2f: {  	[tilespmem:s19], [sflag:$0x1] =	stream.indirect.gather [hbm4b:s3+s20], $0x80, s11, s20, $0xb8;
	[tilespmem:$0x18880] =	vst v63  }
0x30: {  	s15 =	simm.s32 $0x80  }
0x31: {  	[tilespmem:s23], [sflag:$0x2] =	stream.indirect.gather [hbm4b:s3+s20], $0x80, s15, s20, $0xb8;
	[tilespmem:$0x18880] =	vst v63  }
0x32: {  	s16 =	simm.s32 $0x100  }
0x33: {  	[tilespmem:s25], [sflag:$0x3] =	stream.indirect.gather [hbm4b:s3+s20], $0x80, s16, s20, $0xb8;
	[tilespmem:$0x18880] =	vst v63  }
0x34: {  	s18 =	simm.s32 $0x180  }
0x35: {  	[tilespmem:s28], [sflag:$0x4] =	stream.indirect.gather [hbm4b:s3+s20], $0x80, s18, s20, $0xb8;
	[tilespmem:$0x18880] =	vst v63  }
0x36: {  	s11 =	sand.u32 $0x1, s11;
	_ =	swait.ge [sflag:s29], $0x1000  }
0x37: {  	s2 =	sshll.u32 s11, $0xA;
	[sflag:s29] =	ssyncset.done $0x0  }
0x38: {  	s22 =	sor.u32 $0x800, s2;
	[sflag:s29] =	ssyncadd.s32 $0xFFFFF000  }
0x39: {  	[spmem:s1] =	stream.indirect.scatter.add.f32 [tilespmem:s19], [sflag:$0x5], $0x80, s22, s20, $0xb8;
	[tilespmem:$0x18880] =	vst v63  }
0x3a: {  	_ =	swait.ge [sflag:s17], $0x1000  }
0x3b: {  	[sflag:s17] =	ssyncset.done $0x0  }
0x3c: {  	s10 =	sor.u32 $0x200, s2;
	[sflag:s17] =	ssyncadd.s32 $0xFFFFF000  }
0x3d: {  	[tilespmem:s19], [sflag:$0x1] =	stream.indirect.gather [hbm4b:s3+s20], $0x80, s10, s20, $0xb8;
	[tilespmem:$0x18880] =	vst v63  }
0x3e: {  	_ =	swait.ge [sflag:s30], $0x1000  }
0x3f: {  	[sflag:s30] =	ssyncset.done $0x0  }
0x40: {  	s24 =	sor.u32 $0x880, s2;
	[sflag:s30] =	ssyncadd.s32 $0xFFFFF000  }
0x41: {  	[spmem:s1] =	stream.indirect.scatter.add.f32 [tilespmem:s23], [sflag:$0x5], $0x80, s24, s20, $0xb8;
	[tilespmem:$0x18880] =	vst v63  }
0x42: {  	_ =	swait.ge [sflag:s17], $0x1000  }
0x43: {  	[sflag:s17] =	ssyncset.done $0x0  }
0x44: {  	s8 =	sor.u32 $0x280, s2;
	[sflag:s17] =	ssyncadd.s32 $0xFFFFF000  }
0x45: {  	[tilespmem:s23], [sflag:$0x2] =	stream.indirect.gather [hbm4b:s3+s20], $0x80, s8, s20, $0xb8;
	[tilespmem:$0x18880] =	vst v63  }
0x46: {  	_ =	swait.ge [sflag:s31], $0x1000  }
0x47: {  	[sflag:s31] =	ssyncset.done $0x0  }
0x48: {  	s26 =	sor.u32 $0x900, s2;
	[sflag:s31] =	ssyncadd.s32 $0xFFFFF000  }
0x49: {  	[spmem:s1] =	stream.indirect.scatter.add.f32 [tilespmem:s25], [sflag:$0x5], $0x80, s26, s20, $0xb8;
	[tilespmem:$0x18880] =	vst v63  }
0x4a: {  	_ =	swait.ge [sflag:s17], $0x1000  }
0x4b: {  	[sflag:s17] =	ssyncset.done $0x0  }
0x4c: {  	s6 =	sor.u32 $0x300, s2;
	[sflag:s17] =	ssyncadd.s32 $0xFFFFF000  }
0x4d: {  	[tilespmem:s25], [sflag:$0x3] =	stream.indirect.gather [hbm4b:s3+s20], $0x80, s6, s20, $0xb8;
	[tilespmem:$0x18880] =	vst v63  }
0x4e: {  	_ =	swait.ge [sflag:s0], $0x1000  }
0x4f: {  	[sflag:s0] =	ssyncset.done $0x0  }
0x50: {  	s12 =	sor.u32 $0x980, s2;
	[sflag:s0] =	ssyncadd.s32 $0xFFFFF000  }
0x51: {  	[spmem:s1] =	stream.indirect.scatter.add.f32 [tilespmem:s28], [sflag:$0x5], $0x80, s12, s20, $0xb8;
	[tilespmem:$0x18880] =	vst v63  }
0x52: {  	_ =	swait.ge [sflag:s17], $0x1000  }
0x53: {  	p1 =	sle.u32 s7, $0x1;
	[sflag:s17] =	ssyncset.done $0x0  }
0x54: {  	s2 =	sor.u32 $0x380, s2;
	s12 =	simm.s32 @p1 $0x1;
	[sflag:s17] =	ssyncadd.s32 $0xFFFFF000  }
0x55: {  	[tilespmem:s28], [sflag:$0x4] =	stream.indirect.gather [hbm4b:s3+s20], $0x80, s2, s20, $0xb8;
	[tilespmem:$0x18880] =	vst v63  }
0x56: {  	s13 =	simm.s32 @p1 $0x1000;
	_ =	swait.ge @p1 [sflag:s12], $0x1000  }
0x57: {  	s11 =	sxor.u32 $0x1, s11;
	s15 =	simm.s32 @p1 $0x20;
	[sflag:s12] =	ssyncset.done @p1 $0x0  }
0x58: {  	s14 =	sor.u32 @p1 $0x800, s10;
	[sflag:s12] =	ssyncadd.s32 @p1 $0xFFFFF000;
	s12 =	simm.s32 @p1 $0x5  }
0x59: {  	[spmem:s1] =	stream.indirect.scatter.add.f32 @p1 [tilespmem:s13], [sflag:$0x5], $0x80, s14, s15, $0xb8;
	[tilespmem:$0x18880] =	vst v63  }
0x5a: {  	s11 =	sshll.u32 @!p1 s11, $0xA;
	s5 =	rddreg [dreg:$0xb];
	_ =	swait.ge @p1 [sflag:s12], $0x1000  }
0x5b: {  	s16 =	simm.s32 @!p1 $0x5;
	s13 =	sshrl.u32 @!p1 s5, $0x3;
	[sflag:s12] =	ssyncset.done @p1 $0x0  }
0x5c: {  	s14 =	simm.s32 @!p1 $0x0;
	s13 =	sadd.s32 @!p1 s21, s13;
	[sflag:s12] =	ssyncadd.s32 @p1 $0xFFFFF000  }
0x5d: {  	[tilespmem:s11], [sflag:$0x5] =	stream.linear.gather @!p1 [hbm4b:s13+s14], $0x400, $0x38;
	[tilespmem:$0x18880] =	vst v63  }
0x5e: {  	_ =	swait.ge @!p1 [sflag:s16], $0x400  }
0x5f: {  	[sflag:s16] =	ssyncset.done @!p1 $0x0  }
0x60: {  	s13 =	sor.u32 @!p1 $0x800, s11;
	s4 =	rddreg [dreg:$0xa];
	[sflag:s16] =	ssyncadd.s32 @!p1 $0xFFFFFC00  }
0x61: {  	[tilespmem:s13], [sflag:$0x5] =	stream.linear.gather @!p1 [hbm4b:s4+s14], $0x400, $0x38;
	[tilespmem:$0x18880] =	vst v63  }
0x62: {  	_ =	swait.ge @!p1 [sflag:s16], $0x400  }
0x63: {  	[sflag:s16] =	ssyncset.done @!p1 $0x0  }
0x64: {  	s13 =	simm.s32 @!p1 $0x1;
	[sflag:s16] =	ssyncadd.s32 @!p1 $0xFFFFFC00  }
0x65: {  	_ =	swait.ge @!p1 [sflag:s13], $0x1000  }
0x66: {  	s14 =	sor.u32 @!p1 $0x800, s10;
	[sflag:s13] =	ssyncset.done @!p1 $0x0  }
0x67: {  	s10 =	simm.s32 @!p1 $0x20;
	[sflag:s13] =	ssyncadd.s32 @!p1 $0xFFFFF000;
	s13 =	simm.s32 @!p1 $0x1000  }
0x68: {  	[spmem:s1] =	stream.indirect.scatter.add.f32 @!p1 [tilespmem:s13], [sflag:$0x5], $0x80, s14, s10, $0xb8;
	[tilespmem:$0x18880] =	vst v63  }
0x69: {  	_ =	swait.ge @!p1 [sflag:s16], $0x1000  }
0x6a: {  	[sflag:s16] =	ssyncset.done @!p1 $0x0  }
0x6b: {  	[sflag:s16] =	ssyncadd.s32 @!p1 $0xFFFFF000  }
0x6c: {  	[tilespmem:s13], [sflag:$0x1] =	stream.indirect.gather @!p1 [hbm4b:s3+s10], $0x80, s11, s10, $0xb8;
	[tilespmem:$0x18880] =	vst v63  }
0x6d: {  	_ =	swait.ge [sflag:s30], $0x1000  }
0x6e: {  	[sflag:s30] =	ssyncset.done $0x0  }
0x6f: {  	s8 =	sor.u32 $0x800, s8;
	[sflag:s30] =	ssyncadd.s32 $0xFFFFF000  }
0x70: {  	[spmem:s1] =	stream.indirect.scatter.add.f32 [tilespmem:s23], [sflag:$0x5], $0x80, s8, s20, $0xb8;
	[tilespmem:$0x18880] =	vst v63  }
0x71: {  	_ =	swait.ge [sflag:s17], $0x1000  }
0x72: {  	[sflag:s17] =	ssyncset.done $0x0  }
0x73: {  	s8 =	simm.s32 @p1 $0x3;
	[sflag:s17] =	ssyncadd.s32 $0xFFFFF000  }
0x74: {  	_ =	swait.ge @p1 [sflag:s8], $0x1000  }
0x75: {  	[sflag:s8] =	ssyncset.done @p1 $0x0  }
0x76: {  	s13 =	sor.u32 @p1 $0x800, s6;
	[sflag:s8] =	ssyncadd.s32 @p1 $0xFFFFF000;
	s8 =	simm.s32 @p1 $0x3000  }
0x77: {  	[spmem:s1] =	stream.indirect.scatter.add.f32 @p1 [tilespmem:s8], [sflag:$0x5], $0x80, s13, s15, $0xb8;
	[tilespmem:$0x18880] =	vst v63  }
0x78: {  	_ =	swait.ge @p1 [sflag:s12], $0x1000  }
0x79: {  	[sflag:s12] =	ssyncset.done @p1 $0x0  }
0x7a: {  	s8 =	sor.u32 @!p1 $0x80, s11;
	[sflag:s12] =	ssyncadd.s32 @p1 $0xFFFFF000;
	s12 =	simm.s32 @!p1 $0x2000  }
0x7b: {  	[tilespmem:s12], [sflag:$0x2] =	stream.indirect.gather @!p1 [hbm4b:s3+s10], $0x80, s8, s10, $0xb8;
	[tilespmem:$0x18880] =	vst v63  }
0x7c: {  	s8 =	simm.s32 @!p1 $0x3  }
0x7d: {  	_ =	swait.ge @!p1 [sflag:s8], $0x1000  }
0x7e: {  	[sflag:s8] =	ssyncset.done @!p1 $0x0  }
0x7f: {  	s6 =	sor.u32 @!p1 $0x800, s6;
	[sflag:s8] =	ssyncadd.s32 @!p1 $0xFFFFF000;
	s8 =	simm.s32 @!p1 $0x3000  }
0x80: {  	[spmem:s1] =	stream.indirect.scatter.add.f32 @!p1 [tilespmem:s8], [sflag:$0x5], $0x80, s6, s10, $0xb8;
	[tilespmem:$0x18880] =	vst v63  }
0x81: {  	_ =	swait.ge @!p1 [sflag:s16], $0x1000  }
0x82: {  	[sflag:s16] =	ssyncset.done @!p1 $0x0  }
0x83: {  	s6 =	sor.u32 @!p1 $0x100, s11;
	[sflag:s16] =	ssyncadd.s32 @!p1 $0xFFFFF000  }
0x84: {  	[tilespmem:s8], [sflag:$0x3] =	stream.indirect.gather @!p1 [hbm4b:s3+s10], $0x80, s6, s10, $0xb8;
	[tilespmem:$0x18880] =	vst v63  }
0x85: {  	p2 =	sne.s32 s7, $0x1;
	_ =	swait.ge [sflag:s0], $0x1000  }
.Ltmp0:
0x86: {  	[sflag:s0] =	ssyncset.done $0x0;
	(pc) =	sbr.rel @!p2 .LBB2_3-.Ltmp0, $4  }
0x87: {  	s22 =	simm.s32 $0x1;
	s2 =	sor.u32 $0x800, s2;
	[sflag:s0] =	ssyncadd.s32 $0xFFFFF000  }
0x88: {  	[spmem:s1] =	stream.indirect.scatter.add.f32 [tilespmem:s28], [sflag:$0x5], $0x80, s2, s20, $0xb8;
	[tilespmem:$0x18880] =	vst v63  }
0x89: {  	s24 =	sadd.s32 $0x400, s5;
	s26 =	sadd.s32 $0x80, s4;
	_ =	swait.ge [sflag:s17], $0x1000  }
0x8a: {  	s12 =	sor.u32 @!p1 $0x180, s11;
	s2 =	simm.s32 @!p1 $0x4000;
	[sflag:s17] =	ssyncset.done $0x0  }
.LBB2_2:
0x8b: {  	s13 =	sand.u32 $0x1, s22;
	s22 =	sadd.s32 $0x1, s22;
	[sflag:s17] =	ssyncadd.s32 $0xFFFFF000  }
0x8c: {  	[tilespmem:s2], [sflag:$0x4] =	stream.indirect.gather @!p1 [hbm4b:s3+s10], $0x80, s12, s10, $0xb8;
	[tilespmem:$0x18880] =	vst v63  }
0x8d: {  	s2 =	sshll.u32 s13, $0xA;
	p2 =	sne.s32 s7, s22;
	_ =	swait.ge [sflag:s29], $0x1000  }
0x8e: {  	s6 =	sor.u32 $0x800, s2;
	[sflag:s29] =	ssyncset.done $0x0  }
0x8f: {  	[sflag:s29] =	ssyncadd.s32 $0xFFFFF000  }
0x90: {  	[spmem:s1] =	stream.indirect.scatter.add.f32 [tilespmem:s19], [sflag:$0x5], $0x80, s6, s20, $0xb8;
	[tilespmem:$0x18880] =	vst v63  }
0x91: {  	_ =	swait.ge [sflag:s17], $0x1000  }
0x92: {  	s6 =	sor.u32 $0x200, s2;
	[sflag:s17] =	ssyncset.done $0x0  }
0x93: {  	[sflag:s17] =	ssyncadd.s32 $0xFFFFF000  }
0x94: {  	[tilespmem:s19], [sflag:$0x1] =	stream.indirect.gather [hbm4b:s3+s20], $0x80, s6, s20, $0xb8;
	[tilespmem:$0x18880] =	vst v63  }
0x95: {  	_ =	swait.ge [sflag:s30], $0x1000  }
0x96: {  	s8 =	sor.u32 $0x880, s2;
	[sflag:s30] =	ssyncset.done $0x0  }
0x97: {  	[sflag:s30] =	ssyncadd.s32 $0xFFFFF000  }
0x98: {  	[spmem:s1] =	stream.indirect.scatter.add.f32 [tilespmem:s23], [sflag:$0x5], $0x80, s8, s20, $0xb8;
	[tilespmem:$0x18880] =	vst v63  }
0x99: {  	_ =	swait.ge [sflag:s17], $0x1000  }
0x9a: {  	s8 =	sor.u32 $0x280, s2;
	[sflag:s17] =	ssyncset.done $0x0  }
0x9b: {  	[sflag:s17] =	ssyncadd.s32 $0xFFFFF000  }
0x9c: {  	[tilespmem:s23], [sflag:$0x2] =	stream.indirect.gather [hbm4b:s3+s20], $0x80, s8, s20, $0xb8;
	[tilespmem:$0x18880] =	vst v63  }
0x9d: {  	_ =	swait.ge [sflag:s31], $0x1000  }
0x9e: {  	s10 =	sor.u32 $0x900, s2;
	[sflag:s31] =	ssyncset.done $0x0  }
0x9f: {  	[sflag:s31] =	ssyncadd.s32 $0xFFFFF000  }
0xa0: {  	[spmem:s1] =	stream.indirect.scatter.add.f32 [tilespmem:s25], [sflag:$0x5], $0x80, s10, s20, $0xb8;
	[tilespmem:$0x18880] =	vst v63  }
0xa1: {  	_ =	swait.ge [sflag:s17], $0x1000  }
0xa2: {  	s10 =	sor.u32 $0x300, s2;
	[sflag:s17] =	ssyncset.done $0x0  }
0xa3: {  	[sflag:s17] =	ssyncadd.s32 $0xFFFFF000  }
0xa4: {  	[tilespmem:s25], [sflag:$0x3] =	stream.indirect.gather [hbm4b:s3+s20], $0x80, s10, s20, $0xb8;
	[tilespmem:$0x18880] =	vst v63  }
0xa5: {  	_ =	swait.ge [sflag:s0], $0x1000  }
0xa6: {  	s11 =	sor.u32 $0x980, s2;
	[sflag:s0] =	ssyncset.done $0x0  }
0xa7: {  	[sflag:s0] =	ssyncadd.s32 $0xFFFFF000  }
0xa8: {  	[spmem:s1] =	stream.indirect.scatter.add.f32 [tilespmem:s28], [sflag:$0x5], $0x80, s11, s20, $0xb8;
	[tilespmem:$0x18880] =	vst v63  }
0xa9: {  	_ =	swait.ge [sflag:s17], $0x1000  }
0xaa: {  	p1 =	sge.u32 s22, s7;
	s11 =	sor.u32 $0x380, s2;
	[sflag:s17] =	ssyncset.done $0x0  }
0xab: {  	s12 =	sshrl.u32 @!p1 s24, $0x3;
	s2 =	simm.s32 @p1 $0x1;
	[sflag:s17] =	ssyncadd.s32 $0xFFFFF000  }
0xac: {  	[tilespmem:s28], [sflag:$0x4] =	stream.indirect.gather [hbm4b:s3+s20], $0x80, s11, s20, $0xb8;
	[tilespmem:$0x18880] =	vst v63  }
0xad: {  	s15 =	simm.s32 @p1 $0x1000;
	s12 =	sadd.s32 @!p1 s21, s12;
	_ =	swait.ge @p1 [sflag:s2], $0x1000  }
0xae: {  	s14 =	simm.s32 @p1 $0x20;
	s16 =	sor.u32 @p1 $0x800, s6;
	[sflag:s2] =	ssyncset.done @p1 $0x0  }
0xaf: {  	s19 =	sor.u32 @!p1 $0x800, s6;
	[sflag:s2] =	ssyncadd.s32 @p1 $0xFFFFF000;
	s2 =	simm.s32 @p1 $0x5  }
0xb0: {  	[spmem:s1] =	stream.indirect.scatter.add.f32 @p1 [tilespmem:s15], [sflag:$0x5], $0x80, s16, s14, $0xb8;
	[tilespmem:$0x18880] =	vst v63  }
0xb1: {  	s6 =	sxor.u32 $0x1, s13;
	s16 =	sor.u32 @p1 $0x800, s10;
	_ =	swait.ge @p1 [sflag:s2], $0x1000  }
0xb2: {  	s4 =	simm.s32 @!p1 $0x0;
	s9 =	sshll.u32 @!p1 s6, $0xA;
	[sflag:s2] =	ssyncset.done @p1 $0x0  }
0xb3: {  	s13 =	simm.s32 @!p1 $0x5;
	s5 =	sor.u32 @!p1 $0x800, s9;
	[sflag:s2] =	ssyncadd.s32 @p1 $0xFFFFF000  }
0xb4: {  	[tilespmem:s9], [sflag:$0x5] =	stream.linear.gather @!p1 [hbm4b:s12+s4], $0x400, $0x38;
	[tilespmem:$0x18880] =	vst v63  }
0xb5: {  	s18 =	sor.u32 @!p1 $0x80, s9;
	s6 =	sor.u32 @!p1 $0x100, s9;
	_ =	swait.ge @!p1 [sflag:s13], $0x400  }
0xb6: {  	s15 =	sor.u32 @!p1 $0x800, s10;
	s12 =	sor.u32 @!p1 $0x180, s9;
	[sflag:s13] =	ssyncset.done @!p1 $0x0  }
0xb7: {  	[sflag:s13] =	ssyncadd.s32 @!p1 $0xFFFFFC00  }
0xb8: {  	[tilespmem:s5], [sflag:$0x5] =	stream.linear.gather @!p1 [hbm4b:s26+s4], $0x400, $0x38;
	[tilespmem:$0x18880] =	vst v63  }
0xb9: {  	_ =	swait.ge @!p1 [sflag:s13], $0x400  }
0xba: {  	s4 =	simm.s32 @!p1 $0x1;
	[sflag:s13] =	ssyncset.done @!p1 $0x0  }
0xbb: {  	[sflag:s13] =	ssyncadd.s32 @!p1 $0xFFFFFC00  }
0xbc: {  	_ =	swait.ge @!p1 [sflag:s4], $0x1000  }
0xbd: {  	s10 =	simm.s32 @!p1 $0x20;
	s5 =	simm.s32 @!p1 $0x1000;
	[sflag:s4] =	ssyncset.done @!p1 $0x0  }
0xbe: {  	[sflag:s4] =	ssyncadd.s32 @!p1 $0xFFFFF000  }
0xbf: {  	[spmem:s1] =	stream.indirect.scatter.add.f32 @!p1 [tilespmem:s5], [sflag:$0x5], $0x80, s19, s10, $0xb8;
	[tilespmem:$0x18880] =	vst v63  }
0xc0: {  	s19 =	simm.s32 $0x1000  }
0xc1: {  	_ =	swait.ge @!p1 [sflag:s13], $0x1000  }
0xc2: {  	[sflag:s13] =	ssyncset.done @!p1 $0x0  }
0xc3: {  	[sflag:s13] =	ssyncadd.s32 @!p1 $0xFFFFF000  }
0xc4: {  	[tilespmem:s5], [sflag:$0x1] =	stream.indirect.gather @!p1 [hbm4b:s3+s10], $0x80, s9, s10, $0xb8;
	[tilespmem:$0x18880] =	vst v63  }
0xc5: {  	_ =	swait.ge [sflag:s30], $0x1000  }
0xc6: {  	s4 =	sor.u32 $0x800, s8;
	[sflag:s30] =	ssyncset.done $0x0  }
0xc7: {  	[sflag:s30] =	ssyncadd.s32 $0xFFFFF000  }
0xc8: {  	[spmem:s1] =	stream.indirect.scatter.add.f32 [tilespmem:s23], [sflag:$0x5], $0x80, s4, s20, $0xb8;
	[tilespmem:$0x18880] =	vst v63  }
0xc9: {  	_ =	swait.ge [sflag:s17], $0x1000  }
0xca: {  	s4 =	simm.s32 @p1 $0x3;
	[sflag:s17] =	ssyncset.done $0x0  }
0xcb: {  	[sflag:s17] =	ssyncadd.s32 $0xFFFFF000  }
0xcc: {  	_ =	swait.ge @p1 [sflag:s4], $0x1000  }
0xcd: {  	s5 =	simm.s32 @p1 $0x3000;
	[sflag:s4] =	ssyncset.done @p1 $0x0  }
0xce: {  	[sflag:s4] =	ssyncadd.s32 @p1 $0xFFFFF000  }
0xcf: {  	[spmem:s1] =	stream.indirect.scatter.add.f32 @p1 [tilespmem:s5], [sflag:$0x5], $0x80, s16, s14, $0xb8;
	[tilespmem:$0x18880] =	vst v63  }
0xd0: {  	_ =	swait.ge @p1 [sflag:s2], $0x1000  }
0xd1: {  	s4 =	simm.s32 @!p1 $0x2000;
	[sflag:s2] =	ssyncset.done @p1 $0x0  }
0xd2: {  	[sflag:s2] =	ssyncadd.s32 @p1 $0xFFFFF000;
	s2 =	simm.s32 @!p1 $0x3  }
0xd3: {  	[tilespmem:s4], [sflag:$0x2] =	stream.indirect.gather @!p1 [hbm4b:s3+s10], $0x80, s18, s10, $0xb8;
	[tilespmem:$0x18880] =	vst v63  }
0xd4: {  	_ =	swait.ge @!p1 [sflag:s2], $0x1000  }
0xd5: {  	s4 =	simm.s32 @!p1 $0x3000;
	[sflag:s2] =	ssyncset.done @!p1 $0x0  }
0xd6: {  	[sflag:s2] =	ssyncadd.s32 @!p1 $0xFFFFF000  }
0xd7: {  	[spmem:s1] =	stream.indirect.scatter.add.f32 @!p1 [tilespmem:s4], [sflag:$0x5], $0x80, s15, s10, $0xb8;
	[tilespmem:$0x18880] =	vst v63  }
0xd8: {  	_ =	swait.ge @!p1 [sflag:s13], $0x1000  }
0xd9: {  	[sflag:s13] =	ssyncset.done @!p1 $0x0  }
0xda: {  	[sflag:s13] =	ssyncadd.s32 @!p1 $0xFFFFF000  }
0xdb: {  	[tilespmem:s4], [sflag:$0x3] =	stream.indirect.gather @!p1 [hbm4b:s3+s10], $0x80, s6, s10, $0xb8;
	[tilespmem:$0x18880] =	vst v63  }
0xdc: {  	_ =	swait.ge [sflag:s0], $0x1000  }
.Ltmp1:
0xdd: {  	s2 =	sor.u32 $0x800, s11;
	[sflag:s0] =	ssyncset.done $0x0;
	(pc) =	sbr.rel @p2 .LBB2_2-.Ltmp1, $4  }
0xde: {  	[sflag:s0] =	ssyncadd.s32 $0xFFFFF000  }
0xdf: {  	[spmem:s1] =	stream.indirect.scatter.add.f32 [tilespmem:s28], [sflag:$0x5], $0x80, s2, s20, $0xb8;
	[tilespmem:$0x18880] =	vst v63  }
0xe0: {  	s24 =	sadd.s32 $0x400, s24;
	_ =	swait.ge [sflag:s17], $0x1000  }
0xe1: {  	s26 =	sadd.s32 $0x80, s26;
	s2 =	simm.s32 @!p1 $0x4000;
	[sflag:s17] =	ssyncset.done $0x0  }
.LBB2_3:
0xe2: {  	[sflag:s17] =	ssyncadd.s32 $0xFFFFF000  }
0xe3: {  	[tilespmem:s2], [sflag:$0x4] =	stream.indirect.gather @!p1 [hbm4b:s3+s10], $0x80, s12, s10, $0xb8;
	[tilespmem:$0x18880] =	vst v63  }
0xe4: {  	[bflag:$0x0] =	sbarrier.arrive $0xFFFF  }
0xe5: {  	s9 =	rddreg [dreg:$0x5]  }
0xe6: {  	s24 =	rddreg [dreg:$0x7]  }
0xe7: {  	s4 =	rddreg [dreg:$0xc]  }
0xe8: {  	[hbm:s24], [sflag:s9] =	dma.local [spmem:s4], $0x2700  }
0xe9: {  	_ =	swait.ge [sflag:s17], $0x2700  }
0xea: {  	[sflag:s17] =	ssyncset.done $0x0;
	s2 =	rddreg [dreg:$0x8]  }
0xeb: {  	s8 =	simm.s32 @!p0 $0x5;
	s5 =	rddreg [dreg:$0xd];
	[sflag:s17] =	ssyncadd.s32 $0xFFFFD900  }
0xec: {  	[hbm:s2], [sflag:s9] =	dma.local @!p0 [spmem:s5], $0x100  }
0xed: {  	_ =	swait.ge @!p0 [sflag:s8], $0x100  }
0xee: {  	s6 =	rddreg [dreg:$0xe]  }
0xef: {  	s26 =	rddreg [dreg:$0x9];
	s6 =	sadd.s32 $0x1, s6  }
0xf0: {  	p1 =	sne.s32 s6, s26  }
.Ltmp2:
0xf1: {  	_ = 	snop;
	(pc) =	sbr.rel @p1 .LBB2_1-.Ltmp2, $3  }
0xf2: {  	_ =	sdelay $0x1  }
0xf3: {  	[sflag:s8] =	ssyncset.done @!p0 $0x0  }
0xf4: {  	[sflag:s8] =	ssyncadd.s32 @!p0 $0xFFFFFF00  }
0xf5: {  	_ =	sfence.sel $0x180000  }
0xf6: {  	[bflag:$0x0] =	sbarrier.arrive $0xFFFF  }
0xf7: {  	_ =	strace $0x90000050  }
0xf8: {  	s0 =	stileid.u32;
	[bflag:$0x2] =	sbarrier.arrive $0xFFFF  }
0xf9: {  	p0 =	sne.s32 s0, $0x0;
	s0 =	rddreg [dreg:$0x2]  }
0xfa: {  	s0 =	sadd.s32 @!p0 $0x100000, s0  }
0xfb: {  	[sflag:s0] =	ssyncadd.tile.s32 @!p0 $0x1;
	_ =	shalt  }
.Lfunc_end2:
_tile_overlayer_lowered:
.L_overlay_start_2:
0xfc: {  	(tag) =	ssettag $0x2  }
0xfd: {  	s0 =	rddreg [dreg:$0x0];
	s2 =	stileid.u32  }
0xfe: {  	s1 =	rddreg [dreg:$0x1];
	p0 =	sne.s32 s2, $0x0  }
0xff: {  	s3 =	rddreg [dreg:$0x2];
	[bflag:$0x3] =	sbarrier.arrive $0xFFFF;
	s2 =	simm.s32 @!p0 $0x1C05  }
0x100: {  	[timem:s3], [sflag:s2] =	dma.local @!p0 [hbm:s0], s1  }
0x101: {  	s0 =	simm.s32 @!p0 $0x5  }
0x102: {  	_ =	swait.ge @!p0 [sflag:s0], s1  }
0x103: {  	s1 =	ssub.s32 @!p0 $0x0, s1;
	[sflag:s0] =	ssyncset.done @!p0 $0x0  }
0x104: {  	[sflag:s0] =	ssyncadd.s32 @!p0 s1  }
0x105: {  	[bflag:$0x3] =	sbarrier.arrive $0xFFFF  }
0x106: {  	_ =	shalt  }

</sc_bundles>
